<compile_context>
chip_gen: v7x
topology: tpu7x:2x2x1
jax: 0.10.2.dev20260603
libtpu: 0.0.44.dev20260713+nightly
codegen_flags: <defaults>
</compile_context>

<pallas_src>
import functools
import jax
import jax.numpy as jnp
from jax import lax
from jax.experimental import pallas as pl
from jax.experimental.pallas import tpu as pltpu
from jax.experimental.pallas import tpu_sc as plsc

N = 10000
E_RAW = 160000
E_TOT = E_RAW + N
H = 8
C = 32
D_HID = 256
B = 16
NUM_CLASSES = 104

L = 16
N_SUBCORES = 16
BLK_E = 128
BLOCKS_PER_TILE = -(-E_TOT // (N_SUBCORES * BLK_E))
EPT = BLOCKS_PER_TILE * BLK_E
E_PAD = EPT * N_SUBCORES
AUG = 144
ROWS_PER_TILE = 624



CPC = 64
MSGW = CPC + L

_GDN = jax.lax.GatherDimensionNumbers(
    offset_dims=(), collapsed_slice_dims=(0,), start_index_map=(0,))


def _vgather(v, idx):
    return jax.lax.gather(
        v, idx[:, None], _GDN, (1,),
        mode=jax.lax.GatherScatterMode.PROMISE_IN_BOUNDS)


def _sc_edge_kernel(htab, altab, src2, dst2, dstr, out,
                    idx_s0, idx_s1, idx_ad0, idx_ad1, idx_d0, idx_d1,
                    hrows0, hrows1, als0, als1, ald0, ald1, msg0, msg1,
                    zbuf, acc, sg0, sg1, sa0, sa1, sb0, sb1, ss0, ss1):
    cid = lax.axis_index("c")
    sid = lax.axis_index("s")
    base_rows = sid * ROWS_PER_TILE
    iota = jax.lax.broadcasted_iota(jnp.int32, (L,), 0)
    zero16 = (iota * 0).astype(jnp.float32)

    idx_s = (idx_s0, idx_s1)
    idx_ad = (idx_ad0, idx_ad1)
    idx_d = (idx_d0, idx_d1)
    hrows = (hrows0, hrows1)
    alsrows = (als0, als1)
    aldrows = (ald0, ald1)
    sem_g = (sg0, sg1)
    sem_a = (sa0, sa1)
    sem_b = (sb0, sb1)
    sem_s = (ss0, ss1)
    msg = (msg0, msg1)

    for i in range(24):
        for j in range(MSGW // L):
            zbuf[i, pl.ds(j * L, L)] = zero16
    for r in range(ROWS_PER_TILE // 24):
        pltpu.sync_copy(zbuf, acc.at[pl.ds(base_rows + r * 24, 24)])

    @pl.when(sid == 0)
    def _():
        pltpu.sync_copy(zbuf.at[pl.ds(0, 16)],
                        acc.at[pl.ds(N_SUBCORES * ROWS_PER_TILE, 16)])
    plsc.subcore_barrier()

    perm_d = jnp.where(iota < 2, iota + 4, 8)
    splats = [iota * 0 + h for h in range(2)]

    def issue(jb, bi):
        off = sid * EPT + jb * BLK_E
        pltpu.sync_copy(src2.at[cid, pl.ds(off, BLK_E)], idx_s[bi])
        pltpu.sync_copy(dst2.at[cid, pl.ds(off, BLK_E)], idx_ad[bi])
        pltpu.async_copy(htab.at[idx_s[bi]], hrows[bi], sem_g[bi])
        pltpu.async_copy(altab.at[idx_s[bi]], alsrows[bi], sem_a[bi])
        pltpu.async_copy(altab.at[idx_ad[bi]], aldrows[bi], sem_b[bi])

    def wait_bufs(bi):
        pltpu.make_async_copy(htab.at[idx_s[bi]], hrows[bi],
                              sem_g[bi]).wait()
        pltpu.make_async_copy(altab.at[idx_s[bi]], alsrows[bi],
                              sem_a[bi]).wait()
        pltpu.make_async_copy(altab.at[idx_ad[bi]], aldrows[bi],
                              sem_b[bi]).wait()

    def compute(jb, bi):
        off = sid * EPT + jb * BLK_E
        hr, asr, adr = hrows[bi], alsrows[bi], aldrows[bi]
        mg = msg[bi]
        pltpu.sync_copy(dstr.at[pl.ds(off, BLK_E)], idx_d[bi])

        def edge_body(k, _):
            als_v = asr[k, :]
            ald_v = _vgather(adr[k, :], perm_d)
            s = als_v + ald_v
            e = jnp.maximum(s, 0.0) + 0.2 * jnp.minimum(s, 0.0)
            gid_f = zero16 + (off + k).astype(jnp.float32)
            valid = jnp.minimum(jnp.maximum(float(E_TOT) - gid_f, 0.0), 1.0)
            w = jnp.exp(e) * valid
            mg[k, pl.ds(CPC, L)] = w
            whs = [_vgather(w, splats[hh]) for hh in range(2)]
            for jv in range(CPC // L):
                hv = hr[k, pl.ds(jv * L, L)]
                mg[k, pl.ds(jv * L, L)] = hv * whs[jv // 2]
            return 0

        lax.fori_loop(0, BLK_E, edge_body, 0, unroll=8)
        pltpu.async_copy(mg, acc.at[idx_d[bi]], sem_s[bi], add=True)

    issue(0, 0)

    def wait_scat(bi):
        pltpu.make_async_copy(msg[bi], acc.at[idx_d[bi]], sem_s[bi]).wait()

    def dbl_body(jj, _):
        b0 = 2 * jj
        issue(b0 + 1, 1)
        wait_bufs(0)

        @pl.when(jj > 0)
        def _():
            wait_scat(0)
        compute(b0, 0)
        issue(lax.rem(b0 + 2, BLOCKS_PER_TILE), 0)
        wait_bufs(1)

        @pl.when(jj > 0)
        def _():
            wait_scat(1)
        compute(b0 + 1, 1)
        return 0

    lax.fori_loop(0, BLOCKS_PER_TILE // 2, dbl_body, 0)
    wait_bufs(0)
    wait_scat(0)
    wait_scat(1)
    plsc.subcore_barrier()

    pltpu.sync_copy(
        acc.at[pl.ds(base_rows, ROWS_PER_TILE)],
        out.at[pl.ds(cid * N + base_rows, ROWS_PER_TILE)],
    )

    @pl.when(sid == 0)
    def _():
        tail0 = N_SUBCORES * ROWS_PER_TILE
        pltpu.sync_copy(acc.at[pl.ds(tail0, 16)],
                        out.at[pl.ds(cid * N + tail0, 16)])


@jax.jit
def _sc_edge(htab, altab, src2, dst2, dstr):
    mesh = plsc.VectorSubcoreMesh(core_axis_name="c", subcore_axis_name="s")
    fn = functools.partial(
        pl.kernel,
        mesh=mesh,
        compiler_params=pltpu.CompilerParams(use_tc_tiling_on_sc=False),
        out_type=jax.ShapeDtypeStruct((2 * N, MSGW), jnp.float32),
        scratch_types=(
            [pltpu.VMEM((BLK_E,), jnp.int32)] * 6
            + [pltpu.VMEM((BLK_E, CPC), jnp.float32)] * 2
            + [pltpu.VMEM((BLK_E, L), jnp.float32)] * 4
            + [pltpu.VMEM((BLK_E, MSGW), jnp.float32)] * 2
            + [pltpu.VMEM((24, MSGW), jnp.float32),
               pltpu.VMEM_SHARED((N, MSGW), jnp.float32)]
            + [pltpu.SemaphoreType.DMA] * 8
        ),
    )(_sc_edge_kernel)
    return fn(htab, altab, src2, dst2, dstr)



_RB = 400
_NRB = N // _RB


def _tc_layer0_kernel(x_ref, W_ref, A_ref, h_ref, al_ref):
    h = jnp.dot(x_ref[...], W_ref[...], preferred_element_type=jnp.float32)
    h_ref[...] = h
    al_ref[...] = jnp.dot(h, A_ref[...], preferred_element_type=jnp.float32)


def _tc_layer0(x, W, A):
    return pl.pallas_call(
        _tc_layer0_kernel,
        grid=(_NRB,),
        in_specs=[
            pl.BlockSpec((_RB, 128), lambda i: (i, 0)),
            pl.BlockSpec((128, D_HID), lambda i: (0, 0)),
            pl.BlockSpec((D_HID, 16), lambda i: (0, 0)),
        ],
        out_specs=[
            pl.BlockSpec((_RB, D_HID), lambda i: (i, 0)),
            pl.BlockSpec((_RB, 16), lambda i: (i, 0)),
        ],
        out_shape=[
            jax.ShapeDtypeStruct((N, D_HID), jnp.float32),
            jax.ShapeDtypeStruct((N, 16), jnp.float32),
        ],
    )(x, W, A)


def _tc_layer_kernel(m_ref, d_ref, b_ref, P_ref, W_ref, A_ref, h_ref, al_ref):
    dr = jnp.dot(d_ref[...], P_ref[...], preferred_element_type=jnp.float32)
    hin = jnp.maximum(m_ref[...] / dr + b_ref[...], 0.0)
    h = jnp.dot(hin, W_ref[...], preferred_element_type=jnp.float32)
    h_ref[...] = h
    al_ref[...] = jnp.dot(h, A_ref[...], preferred_element_type=jnp.float32)


def _tc_layer(m, d, b, P, W, A):
    return pl.pallas_call(
        _tc_layer_kernel,
        grid=(_NRB,),
        in_specs=[
            pl.BlockSpec((_RB, D_HID), lambda i: (i, 0)),
            pl.BlockSpec((_RB, H), lambda i: (i, 0)),
            pl.BlockSpec((1, D_HID), lambda i: (0, 0)),
            pl.BlockSpec((H, D_HID), lambda i: (0, 0)),
            pl.BlockSpec((D_HID, D_HID), lambda i: (0, 0)),
            pl.BlockSpec((D_HID, 16), lambda i: (0, 0)),
        ],
        out_specs=[
            pl.BlockSpec((_RB, D_HID), lambda i: (i, 0)),
            pl.BlockSpec((_RB, 16), lambda i: (i, 0)),
        ],
        out_shape=[
            jax.ShapeDtypeStruct((N, D_HID), jnp.float32),
            jax.ShapeDtypeStruct((N, 16), jnp.float32),
        ],
    )(m, d, b.reshape(1, D_HID), P, W, A)


def _tc_tail_kernel(m_ref, d_ref, b_ref, P_ref, g_ref, lb_ref, batch_ref,
                    fc1_W_ref, fc1_b_ref, fc2_W_ref, fc2_b_ref,
                    out_ref, sums_ref, cnt_ref):
    i = pl.program_id(0)
    nb = pl.num_programs(0)

    @pl.when(i == 0)
    def _():
        sums_ref[...] = jnp.zeros_like(sums_ref)
        cnt_ref[...] = jnp.zeros_like(cnt_ref)

    dr = jnp.dot(d_ref[...], P_ref[...], preferred_element_type=jnp.float32)
    hh = m_ref[...] / dr + b_ref[...]
    mu = jnp.mean(hh, axis=-1, keepdims=True)
    xc = hh - mu
    var = jnp.mean(xc * xc, axis=-1, keepdims=True)
    hn = xc * jax.lax.rsqrt(var + 1e-5) * g_ref[...] + lb_ref[...]

    bids = batch_ref[...].reshape(-1)
    onehot = (bids[:, None] == jax.lax.broadcasted_iota(jnp.int32, (1, B), 1)
              ).astype(jnp.float32)
    sums_ref[...] += jax.lax.dot_general(onehot, hn, (((0,), (0,)), ((), ())),
                                         preferred_element_type=jnp.float32)
    cnt_ref[...] += jnp.sum(onehot, axis=0, keepdims=True)

    @pl.when(i == nb - 1)
    def _():
        gp = sums_ref[...] / jnp.maximum(cnt_ref[...], 1.0).T
        z = jnp.maximum(
            jnp.dot(gp, fc1_W_ref[...], preferred_element_type=jnp.float32)
            + fc1_b_ref[...], 0.0)
        out_ref[...] = (
            jnp.dot(z, fc2_W_ref[...], preferred_element_type=jnp.float32)
            + fc2_b_ref[...])


def _tc_tail(m, d, b, P, ln_g, ln_b, batch, fc1_W, fc1_b, fc2_W, fc2_b):
    return pl.pallas_call(
        _tc_tail_kernel,
        grid=(_NRB,),
        in_specs=[
            pl.BlockSpec((_RB, D_HID), lambda i: (i, 0)),
            pl.BlockSpec((_RB, H), lambda i: (i, 0)),
            pl.BlockSpec((1, D_HID), lambda i: (0, 0)),
            pl.BlockSpec((H, D_HID), lambda i: (0, 0)),
            pl.BlockSpec((1, D_HID), lambda i: (0, 0)),
            pl.BlockSpec((1, D_HID), lambda i: (0, 0)),
            pl.BlockSpec((_RB, 1), lambda i: (i, 0)),
            pl.BlockSpec((D_HID, 512), lambda i: (0, 0)),
            pl.BlockSpec((1, 512), lambda i: (0, 0)),
            pl.BlockSpec((512, NUM_CLASSES), lambda i: (0, 0)),
            pl.BlockSpec((1, NUM_CLASSES), lambda i: (0, 0)),
        ],
        out_specs=pl.BlockSpec((B, NUM_CLASSES), lambda i: (0, 0)),
        out_shape=jax.ShapeDtypeStruct((B, NUM_CLASSES), jnp.float32),
        scratch_shapes=[
            pltpu.VMEM((B, D_HID), jnp.float32),
            pltpu.VMEM((1, B), jnp.float32),
        ],
    )(m, d, b.reshape(1, D_HID), P, ln_g.reshape(1, D_HID),
      ln_b.reshape(1, D_HID), batch.reshape(N, 1), fc1_W,
      fc1_b.reshape(1, 512), fc2_W, fc2_b.reshape(1, NUM_CLASSES))



def _build_tables(h, al, g):
    p0, p1 = g, 2 + g
    htab = jnp.concatenate(
        [h[:, p0 * CPC:(p0 + 1) * CPC], h[:, p1 * CPC:(p1 + 1) * CPC]],
        axis=0)
    z4 = jnp.zeros((N, 2), jnp.float32)
    z10 = jnp.zeros((N, 10), jnp.float32)
    rows = []
    for p in (p0, p1):
        als = al[:, 2 * p:2 * p + 2]
        ald = al[:, H + 2 * p:H + 2 * p + 2]
        rows.append(jnp.concatenate([als, z4, ald, z10], axis=1))
    altab = jnp.concatenate(rows, axis=0)
    return htab, altab


def kernel(x, edge_index, batch, W0, a_src0, a_dst0, b0, W1, a_src1, a_dst1,
           b1, W2, a_src2, a_dst2, b2, W3, a_src3, a_dst3, b3, ln_g, ln_b,
           fc1_W, fc1_b, fc2_W, fc2_b):
    loop = jnp.arange(N, dtype=edge_index.dtype)
    src = jnp.concatenate([edge_index[0], loop])
    dst = jnp.concatenate([edge_index[1], loop])
    srcp = jnp.pad(src, (0, E_PAD - E_TOT))
    dstp = jnp.pad(dst, (0, E_PAD - E_TOT))
    src2 = jnp.stack([srcp, srcp + N])
    dst2 = jnp.stack([dstp, dstp + N])
    dstp = jnp.pad(dstp, (0, L))

    P = jnp.repeat(jnp.eye(H, dtype=jnp.float32), C, axis=1)

    def expand(a):
        out = jnp.zeros((D_HID, H), jnp.float32)
        for h in range(H):
            out = out.at[h * C:(h + 1) * C, h].set(a[h])
        return out

    As = [jnp.concatenate([expand(a_s), expand(a_d)], axis=1)
          for a_s, a_d in ((a_src0, a_dst0), (a_src1, a_dst1),
                           (a_src2, a_dst2), (a_src3, a_dst3))]
    Ws = (W0, W1, W2, W3)
    bs = (b0, b1, b2, b3)

    h, al = _tc_layer0(x, Ws[0], As[0])
    for l in range(4):
        ms, ds_ = [], []
        for g in range(2):
            htab, altab = _build_tables(h, al, g)
            out = _sc_edge(htab, altab, src2, dst2, dstp)
            ms.append((out[:N, :CPC], out[N:, :CPC]))
            ds_.append((out[:N, CPC:CPC + 2], out[N:, CPC:CPC + 2]))
        m = jnp.concatenate([ms[0][0], ms[1][0], ms[0][1], ms[1][1]], axis=1)
        d = jnp.concatenate([ds_[0][0], ds_[1][0], ds_[0][1], ds_[1][1]],
                            axis=1)
        if l < 3:
            h, al = _tc_layer(m, d, bs[l], P, Ws[l + 1], As[l + 1])

    return _tc_tail(m, d, bs[3], P, ln_g, ln_b, batch,
                    fc1_W, fc1_b, fc2_W, fc2_b)

# --- scband reference (transcript-rebuilt; emitter-appended) ---
"""Pipeline reference for scband-advanced-gat-lstm-67405216743974 (READ-ONLY COPY).

The authoritative reference and input builder live on the scoring server;
editing this copy changes nothing except your own understanding.
"""

import jax, jax.numpy as jnp
import numpy as np

N = 10000
E = 160000
H = 8
C = 32
D_IN = 128
D_HID = 256
B = 16
NUM_CLASSES = 104


def _init(key, shape, scale=0.1):
    return scale * jax.random.normal(key, shape, dtype=jnp.float32)


def setup_inputs(seed: int = 0):
    key = jax.random.key(seed)
    ks = jax.random.split(key, 24)
    inp = {}
    inp["x"] = jax.random.normal(ks[0], (N, D_IN), dtype=jnp.float32)
    inp["edge_index"] = jax.random.randint(ks[1], (2, E), 0, N, dtype=jnp.int32)
    inp["batch"] = jnp.sort(jax.random.randint(ks[2], (N,), 0, B, dtype=jnp.int32))
    dims = [D_IN, D_HID, D_HID, D_HID]
    for l in range(4):
        inp[f"W{l}"] = _init(ks[3 + l], (dims[l], H * C))
        inp[f"a_src{l}"] = _init(ks[7 + l], (H, C))
        inp[f"a_dst{l}"] = _init(ks[11 + l], (H, C))
        inp[f"b{l}"] = jnp.zeros((H * C,), dtype=jnp.float32)
    inp["ln_g"] = jnp.ones((D_HID,), dtype=jnp.float32)
    inp["ln_b"] = jnp.zeros((D_HID,), dtype=jnp.float32)
    inp["fc1_W"] = _init(ks[15], (D_HID, 512))
    inp["fc1_b"] = jnp.zeros((512,), dtype=jnp.float32)
    inp["fc2_W"] = _init(ks[16], (512, NUM_CLASSES))
    inp["fc2_b"] = jnp.zeros((NUM_CLASSES,), dtype=jnp.float32)
    return inp


def _gat_layer(h_in, src, dst, W, a_s, a_d, b):
    n = h_in.shape[0]
    h = (h_in @ W).reshape(n, H, C)
    al_s = jnp.sum(h * a_s[None], axis=-1)
    al_d = jnp.sum(h * a_d[None], axis=-1)
    e = jax.nn.leaky_relu(al_s[src] + al_d[dst], negative_slope=0.2)
    m = jax.ops.segment_max(e, dst, num_segments=n)
    m = jnp.where(jnp.isfinite(m), m, 0.0)
    ex = jnp.exp(e - m[dst])
    den = jax.ops.segment_sum(ex, dst, num_segments=n)
    alpha = ex / (den[dst] + 1e-16)
    msg = h[src] * alpha[:, :, None]
    out = jax.ops.segment_sum(msg, dst, num_segments=n)
    return out.reshape(n, H * C) + b


def _forward(x, Ws, a_ss, a_ds, bs, ln_g, ln_b, fc1_W, fc1_b, fc2_W, fc2_b, src, dst, batch):
    h = x
    for l in range(4):
        h = _gat_layer(h, src, dst, Ws[l], a_ss[l], a_ds[l], bs[l])
        if l < 3:
            h = jax.nn.relu(h)
    mu = jnp.mean(h, axis=-1, keepdims=True)
    var = jnp.var(h, axis=-1, keepdims=True)
    h = (h - mu) / jnp.sqrt(var + 1e-5) * ln_g + ln_b
    sums = jax.ops.segment_sum(h, batch, num_segments=B)
    cnt = jax.ops.segment_sum(jnp.ones((h.shape[0], 1), dtype=h.dtype), batch, num_segments=B)
    gp = sums / jnp.maximum(cnt, 1.0)
    z = jax.nn.relu(gp @ fc1_W + fc1_b)
    return z @ fc2_W + fc2_b


def reference(x, edge_index, batch, W0, a_src0, a_dst0, b0, W1, a_src1, a_dst1, b1, W2, a_src2, a_dst2, b2, W3, a_src3, a_dst3, b3, ln_g, ln_b, fc1_W, fc1_b, fc2_W, fc2_b):
    loop = jnp.arange(x.shape[0], dtype=edge_index.dtype)
    src = jnp.concatenate([edge_index[0], loop])
    dst = jnp.concatenate([edge_index[1], loop])
    return _forward(x, (W0, W1, W2, W3), (a_src0, a_src1, a_src2, a_src3), (a_dst0, a_dst1, a_dst2, a_dst3), (b0, b1, b2, b3), ln_g, ln_b, fc1_W, fc1_b, fc2_W, fc2_b, src, dst, batch)

if __name__ == "__main__":
    import jax
    _d = setup_inputs()
    print(jax.jit(kernel)(*tuple(_d.values())))

</pallas_src>

<mosaic_0001>
#map = affine_map<(d0, d1) -> (0, 0)>
#map1 = affine_map<(d0, d1) -> (0)>
module attributes {stable_mosaic.version = 14 : i64} {
  func.func @_sc_edge_kernel(%arg0: i32, %arg1: i32, %arg2: memref<20000x64xf32, #tpu.memory_space<hbm>>, %arg3: memref<20000x16xf32, #tpu.memory_space<hbm>>, %arg4: memref<2x172032xi32, #tpu.memory_space<hbm>>, %arg5: memref<2x172032xi32, #tpu.memory_space<hbm>>, %arg6: memref<172048xi32, #tpu.memory_space<hbm>>, %arg7: memref<20000x80xf32, #tpu.memory_space<hbm>>, %arg8: memref<128xi32, #tpu.memory_space<vmem>>, %arg9: memref<128xi32, #tpu.memory_space<vmem>>, %arg10: memref<128xi32, #tpu.memory_space<vmem>>, %arg11: memref<128xi32, #tpu.memory_space<vmem>>, %arg12: memref<128xi32, #tpu.memory_space<vmem>>, %arg13: memref<128xi32, #tpu.memory_space<vmem>>, %arg14: memref<128x64xf32, #tpu.memory_space<vmem>>, %arg15: memref<128x64xf32, #tpu.memory_space<vmem>>, %arg16: memref<128x16xf32, #tpu.memory_space<vmem>>, %arg17: memref<128x16xf32, #tpu.memory_space<vmem>>, %arg18: memref<128x16xf32, #tpu.memory_space<vmem>>, %arg19: memref<128x16xf32, #tpu.memory_space<vmem>>, %arg20: memref<128x80xf32, #tpu.memory_space<vmem>>, %arg21: memref<128x80xf32, #tpu.memory_space<vmem>>, %arg22: memref<24x80xf32, #tpu.memory_space<vmem>>, %arg23: memref<10000x80xf32, #tpu.memory_space<vmem_shared>>, %arg24: memref<!tpu.dma_semaphore, #tpu.memory_space<semaphore_mem>>, %arg25: memref<!tpu.dma_semaphore, #tpu.memory_space<semaphore_mem>>, %arg26: memref<!tpu.dma_semaphore, #tpu.memory_space<semaphore_mem>>, %arg27: memref<!tpu.dma_semaphore, #tpu.memory_space<semaphore_mem>>, %arg28: memref<!tpu.dma_semaphore, #tpu.memory_space<semaphore_mem>>, %arg29: memref<!tpu.dma_semaphore, #tpu.memory_space<semaphore_mem>>, %arg30: memref<!tpu.dma_semaphore, #tpu.memory_space<semaphore_mem>>, %arg31: memref<!tpu.dma_semaphore, #tpu.memory_space<semaphore_mem>>) attributes {dimension_semantics = [#tpu.dimension_semantics<core_parallel>, #tpu.dimension_semantics<subcore_parallel>], iteration_bounds = array<i64: 2, 16>, scalar_prefetch = 0 : i64, scratch_operands = 24 : i64, tpu.core_type = #tpu.core_type<sc_vector_subcore>, window_params = [{transform_indices = #map}, {transform_indices = #map}, {transform_indices = #map}, {transform_indices = #map}, {transform_indices = #map1}, {transform_indices = #map}]} {
    %mul3A = arith.constant 624 : i32
    %mul3A_0 = arith.muli %arg1, %mul3A : i32
    %iota3A = tpu.iota {dimensions = array<i32: 0>} : vector<16xi32>
    %mul3A_1 = arith.constant 0 : i32
    %mul3A_2 = vector.broadcast %mul3A_1 : i32 to vector<16xi32>
    %mul3A_3 = arith.muli %iota3A, %mul3A_2 : vector<16xi32>
    %convert_element_type3A = arith.sitofp %mul3A_3 : vector<16xi32> to vector<16xf32>
    %swap3A = arith.constant 0 : i32
    %swap3A_4 = arith.index_cast %swap3A : i32 to index
    %swap3A_5 = arith.constant 0 : index
    %swap3A_6 = tpu.vector_load %arg22[%swap3A_4, %swap3A_5] {strides = array<i32>} : memref<24x80xf32, #tpu.memory_space<vmem>>, vector<1x16xf32>,
    %swap3A_7 = vector.shape_cast %swap3A_6 : vector<1x16xf32> to vector<16xf32>
    %swap3A_8 = vector.shape_cast %convert_element_type3A : vector<16xf32> to vector<1x16xf32>
    tpu.vector_store %arg22[%swap3A_4, %swap3A_5], %swap3A_8 {strides = array<i32>} : memref<24x80xf32, #tpu.memory_space<vmem>>, vector<1x16xf32>,
    %swap3A_9 = arith.constant 0 : i32
    %swap3A_10 = arith.index_cast %swap3A_9 : i32 to index
    %swap3A_11 = arith.constant 16 : index
    %swap3A_12 = tpu.vector_load %arg22[%swap3A_10, %swap3A_11] {strides = array<i32>} : memref<24x80xf32, #tpu.memory_space<vmem>>, vector<1x16xf32>,
    %swap3A_13 = vector.shape_cast %swap3A_12 : vector<1x16xf32> to vector<16xf32>
    %swap3A_14 = vector.shape_cast %convert_element_type3A : vector<16xf32> to vector<1x16xf32>
    tpu.vector_store %arg22[%swap3A_10, %swap3A_11], %swap3A_14 {strides = array<i32>} : memref<24x80xf32, #tpu.memory_space<vmem>>, vector<1x16xf32>,
    %swap3A_15 = arith.constant 0 : i32
    %swap3A_16 = arith.index_cast %swap3A_15 : i32 to index
    %swap3A_17 = arith.constant 32 : index
    %swap3A_18 = tpu.vector_load %arg22[%swap3A_16, %swap3A_17] {strides = array<i32>} : memref<24x80xf32, #tpu.memory_space<vmem>>, vector<1x16xf32>,
    %swap3A_19 = vector.shape_cast %swap3A_18 : vector<1x16xf32> to vector<16xf32>
    %swap3A_20 = vector.shape_cast %convert_element_type3A : vector<16xf32> to vector<1x16xf32>
    tpu.vector_store %arg22[%swap3A_16, %swap3A_17], %swap3A_20 {strides = array<i32>} : memref<24x80xf32, #tpu.memory_space<vmem>>, vector<1x16xf32>,
    %swap3A_21 = arith.constant 0 : i32
    %swap3A_22 = arith.index_cast %swap3A_21 : i32 to index
    %swap3A_23 = arith.constant 48 : index
    %swap3A_24 = tpu.vector_load %arg22[%swap3A_22, %swap3A_23] {strides = array<i32>} : memref<24x80xf32, #tpu.memory_space<vmem>>, vector<1x16xf32>,
    %swap3A_25 = vector.shape_cast %swap3A_24 : vector<1x16xf32> to vector<16xf32>
    %swap3A_26 = vector.shape_cast %convert_element_type3A : vector<16xf32> to vector<1x16xf32>
    tpu.vector_store %arg22[%swap3A_22, %swap3A_23], %swap3A_26 {strides = array<i32>} : memref<24x80xf32, #tpu.memory_space<vmem>>, vector<1x16xf32>,
    %swap3A_27 = arith.constant 0 : i32
    %swap3A_28 = arith.index_cast %swap3A_27 : i32 to index
    %swap3A_29 = arith.constant 64 : index
    %swap3A_30 = tpu.vector_load %arg22[%swap3A_28, %swap3A_29] {strides = array<i32>} : memref<24x80xf32, #tpu.memory_space<vmem>>, vector<1x16xf32>,
    %swap3A_31 = vector.shape_cast %swap3A_30 : vector<1x16xf32> to vector<16xf32>
    %swap3A_32 = vector.shape_cast %convert_element_type3A : vector<16xf32> to vector<1x16xf32>
    tpu.vector_store %arg22[%swap3A_28, %swap3A_29], %swap3A_32 {strides = array<i32>} : memref<24x80xf32, #tpu.memory_space<vmem>>, vector<1x16xf32>,
    %swap3A_33 = arith.constant 1 : i32
    %swap3A_34 = arith.index_cast %swap3A_33 : i32 to index
    %swap3A_35 = arith.constant 0 : index
    %swap3A_36 = tpu.vector_load %arg22[%swap3A_34, %swap3A_35] {strides = array<i32>} : memref<24x80xf32, #tpu.memory_space<vmem>>, vector<1x16xf32>,
    %swap3A_37 = vector.shape_cast %swap3A_36 : vector<1x16xf32> to vector<16xf32>
    %swap3A_38 = vector.shape_cast %convert_element_type3A : vector<16xf32> to vector<1x16xf32>
    tpu.vector_store %arg22[%swap3A_34, %swap3A_35], %swap3A_38 {strides = array<i32>} : memref<24x80xf32, #tpu.memory_space<vmem>>, vector<1x16xf32>,
    %swap3A_39 = arith.constant 1 : i32
    %swap3A_40 = arith.index_cast %swap3A_39 : i32 to index
    %swap3A_41 = arith.constant 16 : index
    %swap3A_42 = tpu.vector_load %arg22[%swap3A_40, %swap3A_41] {strides = array<i32>} : memref<24x80xf32, #tpu.memory_space<vmem>>, vector<1x16xf32>,
    %swap3A_43 = vector.shape_cast %swap3A_42 : vector<1x16xf32> to vector<16xf32>
    %swap3A_44 = vector.shape_cast %convert_element_type3A : vector<16xf32> to vector<1x16xf32>
    tpu.vector_store %arg22[%swap3A_40, %swap3A_41], %swap3A_44 {strides = array<i32>} : memref<24x80xf32, #tpu.memory_space<vmem>>, vector<1x16xf32>,
    %swap3A_45 = arith.constant 1 : i32
    %swap3A_46 = arith.index_cast %swap3A_45 : i32 to index
    %swap3A_47 = arith.constant 32 : index
    %swap3A_48 = tpu.vector_load %arg22[%swap3A_46, %swap3A_47] {strides = array<i32>} : memref<24x80xf32, #tpu.memory_space<vmem>>, vector<1x16xf32>,
    %swap3A_49 = vector.shape_cast %swap3A_48 : vector<1x16xf32> to vector<16xf32>
    %swap3A_50 = vector.shape_cast %convert_element_type3A : vector<16xf32> to vector<1x16xf32>
    tpu.vector_store %arg22[%swap3A_46, %swap3A_47], %swap3A_50 {strides = array<i32>} : memref<24x80xf32, #tpu.memory_space<vmem>>, vector<1x16xf32>,
    %swap3A_51 = arith.constant 1 : i32
    %swap3A_52 = arith.index_cast %swap3A_51 : i32 to index
    %swap3A_53 = arith.constant 48 : index
    %swap3A_54 = tpu.vector_load %arg22[%swap3A_52, %swap3A_53] {strides = array<i32>} : memref<24x80xf32, #tpu.memory_space<vmem>>, vector<1x16xf32>,
    %swap3A_55 = vector.shape_cast %swap3A_54 : vector<1x16xf32> to vector<16xf32>
    %swap3A_56 = vector.shape_cast %convert_element_type3A : vector<16xf32> to vector<1x16xf32>
    tpu.vector_store %arg22[%swap3A_52, %swap3A_53], %swap3A_56 {strides = array<i32>} : memref<24x80xf32, #tpu.memory_space<vmem>>, vector<1x16xf32>,
    %swap3A_57 = arith.constant 1 : i32
    %swap3A_58 = arith.index_cast %swap3A_57 : i32 to index
    %swap3A_59 = arith.constant 64 : index
    %swap3A_60 = tpu.vector_load %arg22[%swap3A_58, %swap3A_59] {strides = array<i32>} : memref<24x80xf32, #tpu.memory_space<vmem>>, vector<1x16xf32>,
    %swap3A_61 = vector.shape_cast %swap3A_60 : vector<1x16xf32> to vector<16xf32>
    %swap3A_62 = vector.shape_cast %convert_element_type3A : vector<16xf32> to vector<1x16xf32>
    tpu.vector_store %arg22[%swap3A_58, %swap3A_59], %swap3A_62 {strides = array<i32>} : memref<24x80xf32, #tpu.memory_space<vmem>>, vector<1x16xf32>,
    %swap3A_63 = arith.constant 2 : i32
    %swap3A_64 = arith.index_cast %swap3A_63 : i32 to index
    %swap3A_65 = arith.constant 0 : index
    %swap3A_66 = tpu.vector_load %arg22[%swap3A_64, %swap3A_65] {strides = array<i32>} : memref<24x80xf32, #tpu.memory_space<vmem>>, vector<1x16xf32>,
    %swap3A_67 = vector.shape_cast %swap3A_66 : vector<1x16xf32> to vector<16xf32>
    %swap3A_68 = vector.shape_cast %convert_element_type3A : vector<16xf32> to vector<1x16xf32>
    tpu.vector_store %arg22[%swap3A_64, %swap3A_65], %swap3A_68 {strides = array<i32>} : memref<24x80xf32, #tpu.memory_space<vmem>>, vector<1x16xf32>,
    %swap3A_69 = arith.constant 2 : i32
    %swap3A_70 = arith.index_cast %swap3A_69 : i32 to index
    %swap3A_71 = arith.constant 16 : index
    %swap3A_72 = tpu.vector_load %arg22[%swap3A_70, %swap3A_71] {strides = array<i32>} : memref<24x80xf32, #tpu.memory_space<vmem>>, vector<1x16xf32>,
    %swap3A_73 = vector.shape_cast %swap3A_72 : vector<1x16xf32> to vector<16xf32>
    %swap3A_74 = vector.shape_cast %convert_element_type3A : vector<16xf32> to vector<1x16xf32>
    tpu.vector_store %arg22[%swap3A_70, %swap3A_71], %swap3A_74 {strides = array<i32>} : memref<24x80xf32, #tpu.memory_space<vmem>>, vector<1x16xf32>,
    %swap3A_75 = arith.constant 2 : i32
    %swap3A_76 = arith.index_cast %swap3A_75 : i32 to index
    %swap3A_77 = arith.constant 32 : index
    %swap3A_78 = tpu.vector_load %arg22[%swap3A_76, %swap3A_77] {strides = array<i32>} : memref<24x80xf32, #tpu.memory_space<vmem>>, vector<1x16xf32>,
    %swap3A_79 = vector.shape_cast %swap3A_78 : vector<1x16xf32> to vector<16xf32>
    %swap3A_80 = vector.shape_cast %convert_element_type3A : vector<16xf32> to vector<1x16xf32>
    tpu.vector_store %arg22[%swap3A_76, %swap3A_77], %swap3A_80 {strides = array<i32>} : memref<24x80xf32, #tpu.memory_space<vmem>>, vector<1x16xf32>,
    %swap3A_81 = arith.constant 2 : i32
    %swap3A_82 = arith.index_cast %swap3A_81 : i32 to index
    %swap3A_83 = arith.constant 48 : index
    %swap3A_84 = tpu.vector_load %arg22[%swap3A_82, %swap3A_83] {strides = array<i32>} : memref<24x80xf32, #tpu.memory_space<vmem>>, vector<1x16xf32>,
    %swap3A_85 = vector.shape_cast %swap3A_84 : vector<1x16xf32> to vector<16xf32>
    %swap3A_86 = vector.shape_cast %convert_element_type3A : vector<16xf32> to vector<1x16xf32>
    tpu.vector_store %arg22[%swap3A_82, %swap3A_83], %swap3A_86 {strides = array<i32>} : memref<24x80xf32, #tpu.memory_space<vmem>>, vector<1x16xf32>,
    %swap3A_87 = arith.constant 2 : i32
    %swap3A_88 = arith.index_cast %swap3A_87 : i32 to index
    %swap3A_89 = arith.constant 64 : index
    %swap3A_90 = tpu.vector_load %arg22[%swap3A_88, %swap3A_89] {strides = array<i32>} : memref<24x80xf32, #tpu.memory_space<vmem>>, vector<1x16xf32>,
    %swap3A_91 = vector.shape_cast %swap3A_90 : vector<1x16xf32> to vector<16xf32>
    %swap3A_92 = vector.shape_cast %convert_element_type3A : vector<16xf32> to vector<1x16xf32>
    tpu.vector_store %arg22[%swap3A_88, %swap3A_89], %swap3A_92 {strides = array<i32>} : memref<24x80xf32, #tpu.memory_space<vmem>>, vector<1x16xf32>,
    %swap3A_93 = arith.constant 3 : i32
    %swap3A_94 = arith.index_cast %swap3A_93 : i32 to index
    %swap3A_95 = arith.constant 0 : index
    %swap3A_96 = tpu.vector_load %arg22[%swap3A_94, %swap3A_95] {strides = array<i32>} : memref<24x80xf32, #tpu.memory_space<vmem>>, vector<1x16xf32>,
    %swap3A_97 = vector.shape_cast %swap3A_96 : vector<1x16xf32> to vector<16xf32>
    %swap3A_98 = vector.shape_cast %convert_element_type3A : vector<16xf32> to vector<1x16xf32>
    tpu.vector_store %arg22[%swap3A_94, %swap3A_95], %swap3A_98 {strides = array<i32>} : memref<24x80xf32, #tpu.memory_space<vmem>>, vector<1x16xf32>,
    %swap3A_99 = arith.constant 3 : i32
    %swap3A_100 = arith.index_cast %swap3A_99 : i32 to index
    %swap3A_101 = arith.constant 16 : index
    %swap3A_102 = tpu.vector_load %arg22[%swap3A_100, %swap3A_101] {strides = array<i32>} : memref<24x80xf32, #tpu.memory_space<vmem>>, vector<1x16xf32>,
    %swap3A_103 = vector.shape_cast %swap3A_102 : vector<1x16xf32> to vector<16xf32>
    %swap3A_104 = vector.shape_cast %convert_element_type3A : vector<16xf32> to vector<1x16xf32>
    tpu.vector_store %arg22[%swap3A_100, %swap3A_101], %swap3A_104 {strides = array<i32>} : memref<24x80xf32, #tpu.memory_space<vmem>>, vector<1x16xf32>,
    %swap3A_105 = arith.constant 3 : i32
    %swap3A_106 = arith.index_cast %swap3A_105 : i32 to index
    %swap3A_107 = arith.constant 32 : index
    %swap3A_108 = tpu.vector_load %arg22[%swap3A_106, %swap3A_107] {strides = array<i32>} : memref<24x80xf32, #tpu.memory_space<vmem>>, vector<1x16xf32>,
    %swap3A_109 = vector.shape_cast %swap3A_108 : vector<1x16xf32> to vector<16xf32>
    %swap3A_110 = vector.shape_cast %convert_element_type3A : vector<16xf32> to vector<1x16xf32>
    tpu.vector_store %arg22[%swap3A_106, %swap3A_107], %swap3A_110 {strides = array<i32>} : memref<24x80xf32, #tpu.memory_space<vmem>>, vector<1x16xf32>,
    %swap3A_111 = arith.constant 3 : i32
    %swap3A_112 = arith.index_cast %swap3A_111 : i32 to index
    %swap3A_113 = arith.constant 48 : index
    %swap3A_114 = tpu.vector_load %arg22[%swap3A_112, %swap3A_113] {strides = array<i32>} : memref<24x80xf32, #tpu.memory_space<vmem>>, vector<1x16xf32>,
    %swap3A_115 = vector.shape_cast %swap3A_114 : vector<1x16xf32> to vector<16xf32>
    %swap3A_116 = vector.shape_cast %convert_element_type3A : vector<16xf32> to vector<1x16xf32>
    tpu.vector_store %arg22[%swap3A_112, %swap3A_113], %swap3A_116 {strides = array<i32>} : memref<24x80xf32, #tpu.memory_space<vmem>>, vector<1x16xf32>,
    %swap3A_117 = arith.constant 3 : i32
    %swap3A_118 = arith.index_cast %swap3A_117 : i32 to index
    %swap3A_119 = arith.constant 64 : index
    %swap3A_120 = tpu.vector_load %arg22[%swap3A_118, %swap3A_119] {strides = array<i32>} : memref<24x80xf32, #tpu.memory_space<vmem>>, vector<1x16xf32>,
    %swap3A_121 = vector.shape_cast %swap3A_120 : vector<1x16xf32> to vector<16xf32>
    %swap3A_122 = vector.shape_cast %convert_element_type3A : vector<16xf32> to vector<1x16xf32>
    tpu.vector_store %arg22[%swap3A_118, %swap3A_119], %swap3A_122 {strides = array<i32>} : memref<24x80xf32, #tpu.memory_space<vmem>>, vector<1x16xf32>,
    %swap3A_123 = arith.constant 4 : i32
    %swap3A_124 = arith.index_cast %swap3A_123 : i32 to index
    %swap3A_125 = arith.constant 0 : index
    %swap3A_126 = tpu.vector_load %arg22[%swap3A_124, %swap3A_125] {strides = array<i32>} : memref<24x80xf32, #tpu.memory_space<vmem>>, vector<1x16xf32>,
    %swap3A_127 = vector.shape_cast %swap3A_126 : vector<1x16xf32> to vector<16xf32>
    %swap3A_128 = vector.shape_cast %convert_element_type3A : vector<16xf32> to vector<1x16xf32>
    tpu.vector_store %arg22[%swap3A_124, %swap3A_125], %swap3A_128 {strides = array<i32>} : memref<24x80xf32, #tpu.memory_space<vmem>>, vector<1x16xf32>,
    %swap3A_129 = arith.constant 4 : i32
    %swap3A_130 = arith.index_cast %swap3A_129 : i32 to index
    %swap3A_131 = arith.constant 16 : index
    %swap3A_132 = tpu.vector_load %arg22[%swap3A_130, %swap3A_131] {strides = array<i32>} : memref<24x80xf32, #tpu.memory_space<vmem>>, vector<1x16xf32>,
    %swap3A_133 = vector.shape_cast %swap3A_132 : vector<1x16xf32> to vector<16xf32>
    %swap3A_134 = vector.shape_cast %convert_element_type3A : vector<16xf32> to vector<1x16xf32>
    tpu.vector_store %arg22[%swap3A_130, %swap3A_131], %swap3A_134 {strides = array<i32>} : memref<24x80xf32, #tpu.memory_space<vmem>>, vector<1x16xf32>,
    %swap3A_135 = arith.constant 4 : i32
    %swap3A_136 = arith.index_cast %swap3A_135 : i32 to index
    %swap3A_137 = arith.constant 32 : index
    %swap3A_138 = tpu.vector_load %arg22[%swap3A_136, %swap3A_137] {strides = array<i32>} : memref<24x80xf32, #tpu.memory_space<vmem>>, vector<1x16xf32>,
    %swap3A_139 = vector.shape_cast %swap3A_138 : vector<1x16xf32> to vector<16xf32>
    %swap3A_140 = vector.shape_cast %convert_element_type3A : vector<16xf32> to vector<1x16xf32>
    tpu.vector_store %arg22[%swap3A_136, %swap3A_137], %swap3A_140 {strides = array<i32>} : memref<24x80xf32, #tpu.memory_space<vmem>>, vector<1x16xf32>,
    %swap3A_141 = arith.constant 4 : i32
    %swap3A_142 = arith.index_cast %swap3A_141 : i32 to index
    %swap3A_143 = arith.constant 48 : index
    %swap3A_144 = tpu.vector_load %arg22[%swap3A_142, %swap3A_143] {strides = array<i32>} : memref<24x80xf32, #tpu.memory_space<vmem>>, vector<1x16xf32>,
    %swap3A_145 = vector.shape_cast %swap3A_144 : vector<1x16xf32> to vector<16xf32>
    %swap3A_146 = vector.shape_cast %convert_element_type3A : vector<16xf32> to vector<1x16xf32>
    tpu.vector_store %arg22[%swap3A_142, %swap3A_143], %swap3A_146 {strides = array<i32>} : memref<24x80xf32, #tpu.memory_space<vmem>>, vector<1x16xf32>,
    %swap3A_147 = arith.constant 4 : i32
    %swap3A_148 = arith.index_cast %swap3A_147 : i32 to index
    %swap3A_149 = arith.constant 64 : index
    %swap3A_150 = tpu.vector_load %arg22[%swap3A_148, %swap3A_149] {strides = array<i32>} : memref<24x80xf32, #tpu.memory_space<vmem>>, vector<1x16xf32>,
    %swap3A_151 = vector.shape_cast %swap3A_150 : vector<1x16xf32> to vector<16xf32>
    %swap3A_152 = vector.shape_cast %convert_element_type3A : vector<16xf32> to vector<1x16xf32>
    tpu.vector_store %arg22[%swap3A_148, %swap3A_149], %swap3A_152 {strides = array<i32>} : memref<24x80xf32, #tpu.memory_space<vmem>>, vector<1x16xf32>,
    %swap3A_153 = arith.constant 5 : i32
    %swap3A_154 = arith.index_cast %swap3A_153 : i32 to index
    %swap3A_155 = arith.constant 0 : index
    %swap3A_156 = tpu.vector_load %arg22[%swap3A_154, %swap3A_155] {strides = array<i32>} : memref<24x80xf32, #tpu.memory_space<vmem>>, vector<1x16xf32>,
    %swap3A_157 = vector.shape_cast %swap3A_156 : vector<1x16xf32> to vector<16xf32>
    %swap3A_158 = vector.shape_cast %convert_element_type3A : vector<16xf32> to vector<1x16xf32>
    tpu.vector_store %arg22[%swap3A_154, %swap3A_155], %swap3A_158 {strides = array<i32>} : memref<24x80xf32, #tpu.memory_space<vmem>>, vector<1x16xf32>,
    %swap3A_159 = arith.constant 5 : i32
    %swap3A_160 = arith.index_cast %swap3A_159 : i32 to index
    %swap3A_161 = arith.constant 16 : index
    %swap3A_162 = tpu.vector_load %arg22[%swap3A_160, %swap3A_161] {strides = array<i32>} : memref<24x80xf32, #tpu.memory_space<vmem>>, vector<1x16xf32>,
    %swap3A_163 = vector.shape_cast %swap3A_162 : vector<1x16xf32> to vector<16xf32>
    %swap3A_164 = vector.shape_cast %convert_element_type3A : vector<16xf32> to vector<1x16xf32>
    tpu.vector_store %arg22[%swap3A_160, %swap3A_161], %swap3A_164 {strides = array<i32>} : memref<24x80xf32, #tpu.memory_space<vmem>>, vector<1x16xf32>,
    %swap3A_165 = arith.constant 5 : i32
    %swap3A_166 = arith.index_cast %swap3A_165 : i32 to index
    %swap3A_167 = arith.constant 32 : index
    %swap3A_168 = tpu.vector_load %arg22[%swap3A_166, %swap3A_167] {strides = array<i32>} : memref<24x80xf32, #tpu.memory_space<vmem>>, vector<1x16xf32>,
    %swap3A_169 = vector.shape_cast %swap3A_168 : vector<1x16xf32> to vector<16xf32>
    %swap3A_170 = vector.shape_cast %convert_element_type3A : vector<16xf32> to vector<1x16xf32>
    tpu.vector_store %arg22[%swap3A_166, %swap3A_167], %swap3A_170 {strides = array<i32>} : memref<24x80xf32, #tpu.memory_space<vmem>>, vector<1x16xf32>,
    %swap3A_171 = arith.constant 5 : i32
    %swap3A_172 = arith.index_cast %swap3A_171 : i32 to index
    %swap3A_173 = arith.constant 48 : index
    %swap3A_174 = tpu.vector_load %arg22[%swap3A_172, %swap3A_173] {strides = array<i32>} : memref<24x80xf32, #tpu.memory_space<vmem>>, vector<1x16xf32>,
    %swap3A_175 = vector.shape_cast %swap3A_174 : vector<1x16xf32> to vector<16xf32>
    %swap3A_176 = vector.shape_cast %convert_element_type3A : vector<16xf32> to vector<1x16xf32>
    tpu.vector_store %arg22[%swap3A_172, %swap3A_173], %swap3A_176 {strides = array<i32>} : memref<24x80xf32, #tpu.memory_space<vmem>>, vector<1x16xf32>,
    %swap3A_177 = arith.constant 5 : i32
    %swap3A_178 = arith.index_cast %swap3A_177 : i32 to index
    %swap3A_179 = arith.constant 64 : index
    %swap3A_180 = tpu.vector_load %arg22[%swap3A_178, %swap3A_179] {strides = array<i32>} : memref<24x80xf32, #tpu.memory_space<vmem>>, vector<1x16xf32>,
    %swap3A_181 = vector.shape_cast %swap3A_180 : vector<1x16xf32> to vector<16xf32>
    %swap3A_182 = vector.shape_cast %convert_element_type3A : vector<16xf32> to vector<1x16xf32>
    tpu.vector_store %arg22[%swap3A_178, %swap3A_179], %swap3A_182 {strides = array<i32>} : memref<24x80xf32, #tpu.memory_space<vmem>>, vector<1x16xf32>,
    %swap3A_183 = arith.constant 6 : i32
    %swap3A_184 = arith.index_cast %swap3A_183 : i32 to index
    %swap3A_185 = arith.constant 0 : index
    %swap3A_186 = tpu.vector_load %arg22[%swap3A_184, %swap3A_185] {strides = array<i32>} : memref<24x80xf32, #tpu.memory_space<vmem>>, vector<1x16xf32>,
    %swap3A_187 = vector.shape_cast %swap3A_186 : vector<1x16xf32> to vector<16xf32>
    %swap3A_188 = vector.shape_cast %convert_element_type3A : vector<16xf32> to vector<1x16xf32>
    tpu.vector_store %arg22[%swap3A_184, %swap3A_185], %swap3A_188 {strides = array<i32>} : memref<24x80xf32, #tpu.memory_space<vmem>>, vector<1x16xf32>,
    %swap3A_189 = arith.constant 6 : i32
    %swap3A_190 = arith.index_cast %swap3A_189 : i32 to index
    %swap3A_191 = arith.constant 16 : index
    %swap3A_192 = tpu.vector_load %arg22[%swap3A_190, %swap3A_191] {strides = array<i32>} : memref<24x80xf32, #tpu.memory_space<vmem>>, vector<1x16xf32>,
    %swap3A_193 = vector.shape_cast %swap3A_192 : vector<1x16xf32> to vector<16xf32>
    %swap3A_194 = vector.shape_cast %convert_element_type3A : vector<16xf32> to vector<1x16xf32>
    tpu.vector_store %arg22[%swap3A_190, %swap3A_191], %swap3A_194 {strides = array<i32>} : memref<24x80xf32, #tpu.memory_space<vmem>>, vector<1x16xf32>,
    %swap3A_195 = arith.constant 6 : i32
    %swap3A_196 = arith.index_cast %swap3A_195 : i32 to index
    %swap3A_197 = arith.constant 32 : index
    %swap3A_198 = tpu.vector_load %arg22[%swap3A_196, %swap3A_197] {strides = array<i32>} : memref<24x80xf32, #tpu.memory_space<vmem>>, vector<1x16xf32>,
    %swap3A_199 = vector.shape_cast %swap3A_198 : vector<1x16xf32> to vector<16xf32>
    %swap3A_200 = vector.shape_cast %convert_element_type3A : vector<16xf32> to vector<1x16xf32>
    tpu.vector_store %arg22[%swap3A_196, %swap3A_197], %swap3A_200 {strides = array<i32>} : memref<24x80xf32, #tpu.memory_space<vmem>>, vector<1x16xf32>,
    %swap3A_201 = arith.constant 6 : i32
    %swap3A_202 = arith.index_cast %swap3A_201 : i32 to index
    %swap3A_203 = arith.constant 48 : index
    %swap3A_204 = tpu.vector_load %arg22[%swap3A_202, %swap3A_203] {strides = array<i32>} : memref<24x80xf32, #tpu.memory_space<vmem>>, vector<1x16xf32>,
    %swap3A_205 = vector.shape_cast %swap3A_204 : vector<1x16xf32> to vector<16xf32>
    %swap3A_206 = vector.shape_cast %convert_element_type3A : vector<16xf32> to vector<1x16xf32>
    tpu.vector_store %arg22[%swap3A_202, %swap3A_203], %swap3A_206 {strides = array<i32>} : memref<24x80xf32, #tpu.memory_space<vmem>>, vector<1x16xf32>,
    %swap3A_207 = arith.constant 6 : i32
    %swap3A_208 = arith.index_cast %swap3A_207 : i32 to index
    %swap3A_209 = arith.constant 64 : index
    %swap3A_210 = tpu.vector_load %arg22[%swap3A_208, %swap3A_209] {strides = array<i32>} : memref<24x80xf32, #tpu.memory_space<vmem>>, vector<1x16xf32>,
    %swap3A_211 = vector.shape_cast %swap3A_210 : vector<1x16xf32> to vector<16xf32>
    %swap3A_212 = vector.shape_cast %convert_element_type3A : vector<16xf32> to vector<1x16xf32>
    tpu.vector_store %arg22[%swap3A_208, %swap3A_209], %swap3A_212 {strides = array<i32>} : memref<24x80xf32, #tpu.memory_space<vmem>>, vector<1x16xf32>,
    %swap3A_213 = arith.constant 7 : i32
    %swap3A_214 = arith.index_cast %swap3A_213 : i32 to index
    %swap3A_215 = arith.constant 0 : index
    %swap3A_216 = tpu.vector_load %arg22[%swap3A_214, %swap3A_215] {strides = array<i32>} : memref<24x80xf32, #tpu.memory_space<vmem>>, vector<1x16xf32>,
    %swap3A_217 = vector.shape_cast %swap3A_216 : vector<1x16xf32> to vector<16xf32>
    %swap3A_218 = vector.shape_cast %convert_element_type3A : vector<16xf32> to vector<1x16xf32>
    tpu.vector_store %arg22[%swap3A_214, %swap3A_215], %swap3A_218 {strides = array<i32>} : memref<24x80xf32, #tpu.memory_space<vmem>>, vector<1x16xf32>,
    %swap3A_219 = arith.constant 7 : i32
    %swap3A_220 = arith.index_cast %swap3A_219 : i32 to index
    %swap3A_221 = arith.constant 16 : index
    %swap3A_222 = tpu.vector_load %arg22[%swap3A_220, %swap3A_221] {strides = array<i32>} : memref<24x80xf32, #tpu.memory_space<vmem>>, vector<1x16xf32>,
    %swap3A_223 = vector.shape_cast %swap3A_222 : vector<1x16xf32> to vector<16xf32>
    %swap3A_224 = vector.shape_cast %convert_element_type3A : vector<16xf32> to vector<1x16xf32>
    tpu.vector_store %arg22[%swap3A_220, %swap3A_221], %swap3A_224 {strides = array<i32>} : memref<24x80xf32, #tpu.memory_space<vmem>>, vector<1x16xf32>,
    %swap3A_225 = arith.constant 7 : i32
    %swap3A_226 = arith.index_cast %swap3A_225 : i32 to index
    %swap3A_227 = arith.constant 32 : index
    %swap3A_228 = tpu.vector_load %arg22[%swap3A_226, %swap3A_227] {strides = array<i32>} : memref<24x80xf32, #tpu.memory_space<vmem>>, vector<1x16xf32>,
    %swap3A_229 = vector.shape_cast %swap3A_228 : vector<1x16xf32> to vector<16xf32>
    %swap3A_230 = vector.shape_cast %convert_element_type3A : vector<16xf32> to vector<1x16xf32>
    tpu.vector_store %arg22[%swap3A_226, %swap3A_227], %swap3A_230 {strides = array<i32>} : memref<24x80xf32, #tpu.memory_space<vmem>>, vector<1x16xf32>,
    %swap3A_231 = arith.constant 7 : i32
    %swap3A_232 = arith.index_cast %swap3A_231 : i32 to index
    %swap3A_233 = arith.constant 48 : index
    %swap3A_234 = tpu.vector_load %arg22[%swap3A_232, %swap3A_233] {strides = array<i32>} : memref<24x80xf32, #tpu.memory_space<vmem>>, vector<1x16xf32>,
    %swap3A_235 = vector.shape_cast %swap3A_234 : vector<1x16xf32> to vector<16xf32>
    %swap3A_236 = vector.shape_cast %convert_element_type3A : vector<16xf32> to vector<1x16xf32>
    tpu.vector_store %arg22[%swap3A_232, %swap3A_233], %swap3A_236 {strides = array<i32>} : memref<24x80xf32, #tpu.memory_space<vmem>>, vector<1x16xf32>,
    %swap3A_237 = arith.constant 7 : i32
    %swap3A_238 = arith.index_cast %swap3A_237 : i32 to index
    %swap3A_239 = arith.constant 64 : index
    %swap3A_240 = tpu.vector_load %arg22[%swap3A_238, %swap3A_239] {strides = array<i32>} : memref<24x80xf32, #tpu.memory_space<vmem>>, vector<1x16xf32>,
    %swap3A_241 = vector.shape_cast %swap3A_240 : vector<1x16xf32> to vector<16xf32>
    %swap3A_242 = vector.shape_cast %convert_element_type3A : vector<16xf32> to vector<1x16xf32>
    tpu.vector_store %arg22[%swap3A_238, %swap3A_239], %swap3A_242 {strides = array<i32>} : memref<24x80xf32, #tpu.memory_space<vmem>>, vector<1x16xf32>,
    %swap3A_243 = arith.constant 8 : i32
    %swap3A_244 = arith.index_cast %swap3A_243 : i32 to index
    %swap3A_245 = arith.constant 0 : index
    %swap3A_246 = tpu.vector_load %arg22[%swap3A_244, %swap3A_245] {strides = array<i32>} : memref<24x80xf32, #tpu.memory_space<vmem>>, vector<1x16xf32>,
    %swap3A_247 = vector.shape_cast %swap3A_246 : vector<1x16xf32> to vector<16xf32>
    %swap3A_248 = vector.shape_cast %convert_element_type3A : vector<16xf32> to vector<1x16xf32>
    tpu.vector_store %arg22[%swap3A_244, %swap3A_245], %swap3A_248 {strides = array<i32>} : memref<24x80xf32, #tpu.memory_space<vmem>>, vector<1x16xf32>,
    %swap3A_249 = arith.constant 8 : i32
    %swap3A_250 = arith.index_cast %swap3A_249 : i32 to index
    %swap3A_251 = arith.constant 16 : index
    %swap3A_252 = tpu.vector_load %arg22[%swap3A_250, %swap3A_251] {strides = array<i32>} : memref<24x80xf32, #tpu.memory_space<vmem>>, vector<1x16xf32>,
    %swap3A_253 = vector.shape_cast %swap3A_252 : vector<1x16xf32> to vector<16xf32>
    %swap3A_254 = vector.shape_cast %convert_element_type3A : vector<16xf32> to vector<1x16xf32>
    tpu.vector_store %arg22[%swap3A_250, %swap3A_251], %swap3A_254 {strides = array<i32>} : memref<24x80xf32, #tpu.memory_space<vmem>>, vector<1x16xf32>,
    %swap3A_255 = arith.constant 8 : i32
    %swap3A_256 = arith.index_cast %swap3A_255 : i32 to index
    %swap3A_257 = arith.constant 32 : index
    %swap3A_258 = tpu.vector_load %arg22[%swap3A_256, %swap3A_257] {strides = array<i32>} : memref<24x80xf32, #tpu.memory_space<vmem>>, vector<1x16xf32>,
    %swap3A_259 = vector.shape_cast %swap3A_258 : vector<1x16xf32> to vector<16xf32>
    %swap3A_260 = vector.shape_cast %convert_element_type3A : vector<16xf32> to vector<1x16xf32>
    tpu.vector_store %arg22[%swap3A_256, %swap3A_257], %swap3A_260 {strides = array<i32>} : memref<24x80xf32, #tpu.memory_space<vmem>>, vector<1x16xf32>,
    %swap3A_261 = arith.constant 8 : i32
    %swap3A_262 = arith.index_cast %swap3A_261 : i32 to index
    %swap3A_263 = arith.constant 48 : index
    %swap3A_264 = tpu.vector_load %arg22[%swap3A_262, %swap3A_263] {strides = array<i32>} : memref<24x80xf32, #tpu.memory_space<vmem>>, vector<1x16xf32>,
    %swap3A_265 = vector.shape_cast %swap3A_264 : vector<1x16xf32> to vector<16xf32>
    %swap3A_266 = vector.shape_cast %convert_element_type3A : vector<16xf32> to vector<1x16xf32>
    tpu.vector_store %arg22[%swap3A_262, %swap3A_263], %swap3A_266 {strides = array<i32>} : memref<24x80xf32, #tpu.memory_space<vmem>>, vector<1x16xf32>,
    %swap3A_267 = arith.constant 8 : i32
    %swap3A_268 = arith.index_cast %swap3A_267 : i32 to index
    %swap3A_269 = arith.constant 64 : index
    %swap3A_270 = tpu.vector_load %arg22[%swap3A_268, %swap3A_269] {strides = array<i32>} : memref<24x80xf32, #tpu.memory_space<vmem>>, vector<1x16xf32>,
    %swap3A_271 = vector.shape_cast %swap3A_270 : vector<1x16xf32> to vector<16xf32>
    %swap3A_272 = vector.shape_cast %convert_element_type3A : vector<16xf32> to vector<1x16xf32>
    tpu.vector_store %arg22[%swap3A_268, %swap3A_269], %swap3A_272 {strides = array<i32>} : memref<24x80xf32, #tpu.memory_space<vmem>>, vector<1x16xf32>,
    %swap3A_273 = arith.constant 9 : i32
    %swap3A_274 = arith.index_cast %swap3A_273 : i32 to index
    %swap3A_275 = arith.constant 0 : index
    %swap3A_276 = tpu.vector_load %arg22[%swap3A_274, %swap3A_275] {strides = array<i32>} : memref<24x80xf32, #tpu.memory_space<vmem>>, vector<1x16xf32>,
    %swap3A_277 = vector.shape_cast %swap3A_276 : vector<1x16xf32> to vector<16xf32>
    %swap3A_278 = vector.shape_cast %convert_element_type3A : vector<16xf32> to vector<1x16xf32>
    tpu.vector_store %arg22[%swap3A_274, %swap3A_275], %swap3A_278 {strides = array<i32>} : memref<24x80xf32, #tpu.memory_space<vmem>>, vector<1x16xf32>,
    %swap3A_279 = arith.constant 9 : i32
    %swap3A_280 = arith.index_cast %swap3A_279 : i32 to index
    %swap3A_281 = arith.constant 16 : index
    %swap3A_282 = tpu.vector_load %arg22[%swap3A_280, %swap3A_281] {strides = array<i32>} : memref<24x80xf32, #tpu.memory_space<vmem>>, vector<1x16xf32>,
    %swap3A_283 = vector.shape_cast %swap3A_282 : vector<1x16xf32> to vector<16xf32>
    %swap3A_284 = vector.shape_cast %convert_element_type3A : vector<16xf32> to vector<1x16xf32>
    tpu.vector_store %arg22[%swap3A_280, %swap3A_281], %swap3A_284 {strides = array<i32>} : memref<24x80xf32, #tpu.memory_space<vmem>>, vector<1x16xf32>,
    %swap3A_285 = arith.constant 9 : i32
    %swap3A_286 = arith.index_cast %swap3A_285 : i32 to index
    %swap3A_287 = arith.constant 32 : index
    %swap3A_288 = tpu.vector_load %arg22[%swap3A_286, %swap3A_287] {strides = array<i32>} : memref<24x80xf32, #tpu.memory_space<vmem>>, vector<1x16xf32>,
    %swap3A_289 = vector.shape_cast %swap3A_288 : vector<1x16xf32> to vector<16xf32>
    %swap3A_290 = vector.shape_cast %convert_element_type3A : vector<16xf32> to vector<1x16xf32>
    tpu.vector_store %arg22[%swap3A_286, %swap3A_287], %swap3A_290 {strides = array<i32>} : memref<24x80xf32, #tpu.memory_space<vmem>>, vector<1x16xf32>,
    %swap3A_291 = arith.constant 9 : i32
    %swap3A_292 = arith.index_cast %swap3A_291 : i32 to index
    %swap3A_293 = arith.constant 48 : index
    %swap3A_294 = tpu.vector_load %arg22[%swap3A_292, %swap3A_293] {strides = array<i32>} : memref<24x80xf32, #tpu.memory_space<vmem>>, vector<1x16xf32>,
    %swap3A_295 = vector.shape_cast %swap3A_294 : vector<1x16xf32> to vector<16xf32>
    %swap3A_296 = vector.shape_cast %convert_element_type3A : vector<16xf32> to vector<1x16xf32>
    tpu.vector_store %arg22[%swap3A_292, %swap3A_293], %swap3A_296 {strides = array<i32>} : memref<24x80xf32, #tpu.memory_space<vmem>>, vector<1x16xf32>,
    %swap3A_297 = arith.constant 9 : i32
    %swap3A_298 = arith.index_cast %swap3A_297 : i32 to index
    %swap3A_299 = arith.constant 64 : index
    %swap3A_300 = tpu.vector_load %arg22[%swap3A_298, %swap3A_299] {strides = array<i32>} : memref<24x80xf32, #tpu.memory_space<vmem>>, vector<1x16xf32>,
    %swap3A_301 = vector.shape_cast %swap3A_300 : vector<1x16xf32> to vector<16xf32>
    %swap3A_302 = vector.shape_cast %convert_element_type3A : vector<16xf32> to vector<1x16xf32>
    tpu.vector_store %arg22[%swap3A_298, %swap3A_299], %swap3A_302 {strides = array<i32>} : memref<24x80xf32, #tpu.memory_space<vmem>>, vector<1x16xf32>,
    %swap3A_303 = arith.constant 10 : i32
    %swap3A_304 = arith.index_cast %swap3A_303 : i32 to index
    %swap3A_305 = arith.constant 0 : index
    %swap3A_306 = tpu.vector_load %arg22[%swap3A_304, %swap3A_305] {strides = array<i32>} : memref<24x80xf32, #tpu.memory_space<vmem>>, vector<1x16xf32>,
    %swap3A_307 = vector.shape_cast %swap3A_306 : vector<1x16xf32> to vector<16xf32>
    %swap3A_308 = vector.shape_cast %convert_element_type3A : vector<16xf32> to vector<1x16xf32>
    tpu.vector_store %arg22[%swap3A_304, %swap3A_305], %swap3A_308 {strides = array<i32>} : memref<24x80xf32, #tpu.memory_space<vmem>>, vector<1x16xf32>,
    %swap3A_309 = arith.constant 10 : i32
    %swap3A_310 = arith.index_cast %swap3A_309 : i32 to index
    %swap3A_311 = arith.constant 16 : index
    %swap3A_312 = tpu.vector_load %arg22[%swap3A_310, %swap3A_311] {strides = array<i32>} : memref<24x80xf32, #tpu.memory_space<vmem>>, vector<1x16xf32>,
    %swap3A_313 = vector.shape_cast %swap3A_312 : vector<1x16xf32> to vector<16xf32>
    %swap3A_314 = vector.shape_cast %convert_element_type3A : vector<16xf32> to vector<1x16xf32>
    tpu.vector_store %arg22[%swap3A_310, %swap3A_311], %swap3A_314 {strides = array<i32>} : memref<24x80xf32, #tpu.memory_space<vmem>>, vector<1x16xf32>,
    %swap3A_315 = arith.constant 10 : i32
    %swap3A_316 = arith.index_cast %swap3A_315 : i32 to index
    %swap3A_317 = arith.constant 32 : index
    %swap3A_318 = tpu.vector_load %arg22[%swap3A_316, %swap3A_317] {strides = array<i32>} : memref<24x80xf32, #tpu.memory_space<vmem>>, vector<1x16xf32>,
    %swap3A_319 = vector.shape_cast %swap3A_318 : vector<1x16xf32> to vector<16xf32>
    %swap3A_320 = vector.shape_cast %convert_element_type3A : vector<16xf32> to vector<1x16xf32>
    tpu.vector_store %arg22[%swap3A_316, %swap3A_317], %swap3A_320 {strides = array<i32>} : memref<24x80xf32, #tpu.memory_space<vmem>>, vector<1x16xf32>,
    %swap3A_321 = arith.constant 10 : i32
    %swap3A_322 = arith.index_cast %swap3A_321 : i32 to index
    %swap3A_323 = arith.constant 48 : index
    %swap3A_324 = tpu.vector_load %arg22[%swap3A_322, %swap3A_323] {strides = array<i32>} : memref<24x80xf32, #tpu.memory_space<vmem>>, vector<1x16xf32>,
    %swap3A_325 = vector.shape_cast %swap3A_324 : vector<1x16xf32> to vector<16xf32>
    %swap3A_326 = vector.shape_cast %convert_element_type3A : vector<16xf32> to vector<1x16xf32>
    tpu.vector_store %arg22[%swap3A_322, %swap3A_323], %swap3A_326 {strides = array<i32>} : memref<24x80xf32, #tpu.memory_space<vmem>>, vector<1x16xf32>,
    %swap3A_327 = arith.constant 10 : i32
    %swap3A_328 = arith.index_cast %swap3A_327 : i32 to index
    %swap3A_329 = arith.constant 64 : index
    %swap3A_330 = tpu.vector_load %arg22[%swap3A_328, %swap3A_329] {strides = array<i32>} : memref<24x80xf32, #tpu.memory_space<vmem>>, vector<1x16xf32>,
    %swap3A_331 = vector.shape_cast %swap3A_330 : vector<1x16xf32> to vector<16xf32>
    %swap3A_332 = vector.shape_cast %convert_element_type3A : vector<16xf32> to vector<1x16xf32>
    tpu.vector_store %arg22[%swap3A_328, %swap3A_329], %swap3A_332 {strides = array<i32>} : memref<24x80xf32, #tpu.memory_space<vmem>>, vector<1x16xf32>,
    %swap3A_333 = arith.constant 11 : i32
    %swap3A_334 = arith.index_cast %swap3A_333 : i32 to index
    %swap3A_335 = arith.constant 0 : index
    %swap3A_336 = tpu.vector_load %arg22[%swap3A_334, %swap3A_335] {strides = array<i32>} : memref<24x80xf32, #tpu.memory_space<vmem>>, vector<1x16xf32>,
    %swap3A_337 = vector.shape_cast %swap3A_336 : vector<1x16xf32> to vector<16xf32>
    %swap3A_338 = vector.shape_cast %convert_element_type3A : vector<16xf32> to vector<1x16xf32>
    tpu.vector_store %arg22[%swap3A_334, %swap3A_335], %swap3A_338 {strides = array<i32>} : memref<24x80xf32, #tpu.memory_space<vmem>>, vector<1x16xf32>,
    %swap3A_339 = arith.constant 11 : i32
    %swap3A_340 = arith.index_cast %swap3A_339 : i32 to index
    %swap3A_341 = arith.constant 16 : index
    %swap3A_342 = tpu.vector_load %arg22[%swap3A_340, %swap3A_341] {strides = array<i32>} : memref<24x80xf32, #tpu.memory_space<vmem>>, vector<1x16xf32>,
    %swap3A_343 = vector.shape_cast %swap3A_342 : vector<1x16xf32> to vector<16xf32>
    %swap3A_344 = vector.shape_cast %convert_element_type3A : vector<16xf32> to vector<1x16xf32>
    tpu.vector_store %arg22[%swap3A_340, %swap3A_341], %swap3A_344 {strides = array<i32>} : memref<24x80xf32, #tpu.memory_space<vmem>>, vector<1x16xf32>,
    %swap3A_345 = arith.constant 11 : i32
    %swap3A_346 = arith.index_cast %swap3A_345 : i32 to index
    %swap3A_347 = arith.constant 32 : index
    %swap3A_348 = tpu.vector_load %arg22[%swap3A_346, %swap3A_347] {strides = array<i32>} : memref<24x80xf32, #tpu.memory_space<vmem>>, vector<1x16xf32>,
    %swap3A_349 = vector.shape_cast %swap3A_348 : vector<1x16xf32> to vector<16xf32>
    %swap3A_350 = vector.shape_cast %convert_element_type3A : vector<16xf32> to vector<1x16xf32>
    tpu.vector_store %arg22[%swap3A_346, %swap3A_347], %swap3A_350 {strides = array<i32>} : memref<24x80xf32, #tpu.memory_space<vmem>>, vector<1x16xf32>,
    %swap3A_351 = arith.constant 11 : i32
    %swap3A_352 = arith.index_cast %swap3A_351 : i32 to index
    %swap3A_353 = arith.constant 48 : index
    %swap3A_354 = tpu.vector_load %arg22[%swap3A_352, %swap3A_353] {strides = array<i32>} : memref<24x80xf32, #tpu.memory_space<vmem>>, vector<1x16xf32>,
    %swap3A_355 = vector.shape_cast %swap3A_354 : vector<1x16xf32> to vector<16xf32>
    %swap3A_356 = vector.shape_cast %convert_element_type3A : vector<16xf32> to vector<1x16xf32>
    tpu.vector_store %arg22[%swap3A_352, %swap3A_353], %swap3A_356 {strides = array<i32>} : memref<24x80xf32, #tpu.memory_space<vmem>>, vector<1x16xf32>,
    %swap3A_357 = arith.constant 11 : i32
    %swap3A_358 = arith.index_cast %swap3A_357 : i32 to index
    %swap3A_359 = arith.constant 64 : index
    %swap3A_360 = tpu.vector_load %arg22[%swap3A_358, %swap3A_359] {strides = array<i32>} : memref<24x80xf32, #tpu.memory_space<vmem>>, vector<1x16xf32>,
    %swap3A_361 = vector.shape_cast %swap3A_360 : vector<1x16xf32> to vector<16xf32>
    %swap3A_362 = vector.shape_cast %convert_element_type3A : vector<16xf32> to vector<1x16xf32>
    tpu.vector_store %arg22[%swap3A_358, %swap3A_359], %swap3A_362 {strides = array<i32>} : memref<24x80xf32, #tpu.memory_space<vmem>>, vector<1x16xf32>,
    %swap3A_363 = arith.constant 12 : i32
    %swap3A_364 = arith.index_cast %swap3A_363 : i32 to index
    %swap3A_365 = arith.constant 0 : index
    %swap3A_366 = tpu.vector_load %arg22[%swap3A_364, %swap3A_365] {strides = array<i32>} : memref<24x80xf32, #tpu.memory_space<vmem>>, vector<1x16xf32>,
    %swap3A_367 = vector.shape_cast %swap3A_366 : vector<1x16xf32> to vector<16xf32>
    %swap3A_368 = vector.shape_cast %convert_element_type3A : vector<16xf32> to vector<1x16xf32>
    tpu.vector_store %arg22[%swap3A_364, %swap3A_365], %swap3A_368 {strides = array<i32>} : memref<24x80xf32, #tpu.memory_space<vmem>>, vector<1x16xf32>,
    %swap3A_369 = arith.constant 12 : i32
    %swap3A_370 = arith.index_cast %swap3A_369 : i32 to index
    %swap3A_371 = arith.constant 16 : index
    %swap3A_372 = tpu.vector_load %arg22[%swap3A_370, %swap3A_371] {strides = array<i32>} : memref<24x80xf32, #tpu.memory_space<vmem>>, vector<1x16xf32>,
    %swap3A_373 = vector.shape_cast %swap3A_372 : vector<1x16xf32> to vector<16xf32>
    %swap3A_374 = vector.shape_cast %convert_element_type3A : vector<16xf32> to vector<1x16xf32>
    tpu.vector_store %arg22[%swap3A_370, %swap3A_371], %swap3A_374 {strides = array<i32>} : memref<24x80xf32, #tpu.memory_space<vmem>>, vector<1x16xf32>,
    %swap3A_375 = arith.constant 12 : i32
    %swap3A_376 = arith.index_cast %swap3A_375 : i32 to index
    %swap3A_377 = arith.constant 32 : index
    %swap3A_378 = tpu.vector_load %arg22[%swap3A_376, %swap3A_377] {strides = array<i32>} : memref<24x80xf32, #tpu.memory_space<vmem>>, vector<1x16xf32>,
    %swap3A_379 = vector.shape_cast %swap3A_378 : vector<1x16xf32> to vector<16xf32>
    %swap3A_380 = vector.shape_cast %convert_element_type3A : vector<16xf32> to vector<1x16xf32>
    tpu.vector_store %arg22[%swap3A_376, %swap3A_377], %swap3A_380 {strides = array<i32>} : memref<24x80xf32, #tpu.memory_space<vmem>>, vector<1x16xf32>,
    %swap3A_381 = arith.constant 12 : i32
    %swap3A_382 = arith.index_cast %swap3A_381 : i32 to index
    %swap3A_383 = arith.constant 48 : index
    %swap3A_384 = tpu.vector_load %arg22[%swap3A_382, %swap3A_383] {strides = array<i32>} : memref<24x80xf32, #tpu.memory_space<vmem>>, vector<1x16xf32>,
    %swap3A_385 = vector.shape_cast %swap3A_384 : vector<1x16xf32> to vector<16xf32>
    %swap3A_386 = vector.shape_cast %convert_element_type3A : vector<16xf32> to vector<1x16xf32>
    tpu.vector_store %arg22[%swap3A_382, %swap3A_383], %swap3A_386 {strides = array<i32>} : memref<24x80xf32, #tpu.memory_space<vmem>>, vector<1x16xf32>,
    %swap3A_387 = arith.constant 12 : i32
    %swap3A_388 = arith.index_cast %swap3A_387 : i32 to index
    %swap3A_389 = arith.constant 64 : index
    %swap3A_390 = tpu.vector_load %arg22[%swap3A_388, %swap3A_389] {strides = array<i32>} : memref<24x80xf32, #tpu.memory_space<vmem>>, vector<1x16xf32>,
    %swap3A_391 = vector.shape_cast %swap3A_390 : vector<1x16xf32> to vector<16xf32>
    %swap3A_392 = vector.shape_cast %convert_element_type3A : vector<16xf32> to vector<1x16xf32>
    tpu.vector_store %arg22[%swap3A_388, %swap3A_389], %swap3A_392 {strides = array<i32>} : memref<24x80xf32, #tpu.memory_space<vmem>>, vector<1x16xf32>,
    %swap3A_393 = arith.constant 13 : i32
    %swap3A_394 = arith.index_cast %swap3A_393 : i32 to index
    %swap3A_395 = arith.constant 0 : index
    %swap3A_396 = tpu.vector_load %arg22[%swap3A_394, %swap3A_395] {strides = array<i32>} : memref<24x80xf32, #tpu.memory_space<vmem>>, vector<1x16xf32>,
    %swap3A_397 = vector.shape_cast %swap3A_396 : vector<1x16xf32> to vector<16xf32>
    %swap3A_398 = vector.shape_cast %convert_element_type3A : vector<16xf32> to vector<1x16xf32>
    tpu.vector_store %arg22[%swap3A_394, %swap3A_395], %swap3A_398 {strides = array<i32>} : memref<24x80xf32, #tpu.memory_space<vmem>>, vector<1x16xf32>,
    %swap3A_399 = arith.constant 13 : i32
    %swap3A_400 = arith.index_cast %swap3A_399 : i32 to index
    %swap3A_401 = arith.constant 16 : index
    %swap3A_402 = tpu.vector_load %arg22[%swap3A_400, %swap3A_401] {strides = array<i32>} : memref<24x80xf32, #tpu.memory_space<vmem>>, vector<1x16xf32>,
    %swap3A_403 = vector.shape_cast %swap3A_402 : vector<1x16xf32> to vector<16xf32>
    %swap3A_404 = vector.shape_cast %convert_element_type3A : vector<16xf32> to vector<1x16xf32>
    tpu.vector_store %arg22[%swap3A_400, %swap3A_401], %swap3A_404 {strides = array<i32>} : memref<24x80xf32, #tpu.memory_space<vmem>>, vector<1x16xf32>,
    %swap3A_405 = arith.constant 13 : i32
    %swap3A_406 = arith.index_cast %swap3A_405 : i32 to index
    %swap3A_407 = arith.constant 32 : index
    %swap3A_408 = tpu.vector_load %arg22[%swap3A_406, %swap3A_407] {strides = array<i32>} : memref<24x80xf32, #tpu.memory_space<vmem>>, vector<1x16xf32>,
    %swap3A_409 = vector.shape_cast %swap3A_408 : vector<1x16xf32> to vector<16xf32>
    %swap3A_410 = vector.shape_cast %convert_element_type3A : vector<16xf32> to vector<1x16xf32>
    tpu.vector_store %arg22[%swap3A_406, %swap3A_407], %swap3A_410 {strides = array<i32>} : memref<24x80xf32, #tpu.memory_space<vmem>>, vector<1x16xf32>,
    %swap3A_411 = arith.constant 13 : i32
    %swap3A_412 = arith.index_cast %swap3A_411 : i32 to index
    %swap3A_413 = arith.constant 48 : index
    %swap3A_414 = tpu.vector_load %arg22[%swap3A_412, %swap3A_413] {strides = array<i32>} : memref<24x80xf32, #tpu.memory_space<vmem>>, vector<1x16xf32>,
    %swap3A_415 = vector.shape_cast %swap3A_414 : vector<1x16xf32> to vector<16xf32>
    %swap3A_416 = vector.shape_cast %convert_element_type3A : vector<16xf32> to vector<1x16xf32>
    tpu.vector_store %arg22[%swap3A_412, %swap3A_413], %swap3A_416 {strides = array<i32>} : memref<24x80xf32, #tpu.memory_space<vmem>>, vector<1x16xf32>,
    %swap3A_417 = arith.constant 13 : i32
    %swap3A_418 = arith.index_cast %swap3A_417 : i32 to index
    %swap3A_419 = arith.constant 64 : index
    %swap3A_420 = tpu.vector_load %arg22[%swap3A_418, %swap3A_419] {strides = array<i32>} : memref<24x80xf32, #tpu.memory_space<vmem>>, vector<1x16xf32>,
    %swap3A_421 = vector.shape_cast %swap3A_420 : vector<1x16xf32> to vector<16xf32>
    %swap3A_422 = vector.shape_cast %convert_element_type3A : vector<16xf32> to vector<1x16xf32>
    tpu.vector_store %arg22[%swap3A_418, %swap3A_419], %swap3A_422 {strides = array<i32>} : memref<24x80xf32, #tpu.memory_space<vmem>>, vector<1x16xf32>,
    %swap3A_423 = arith.constant 14 : i32
    %swap3A_424 = arith.index_cast %swap3A_423 : i32 to index
    %swap3A_425 = arith.constant 0 : index
    %swap3A_426 = tpu.vector_load %arg22[%swap3A_424, %swap3A_425] {strides = array<i32>} : memref<24x80xf32, #tpu.memory_space<vmem>>, vector<1x16xf32>,
    %swap3A_427 = vector.shape_cast %swap3A_426 : vector<1x16xf32> to vector<16xf32>
    %swap3A_428 = vector.shape_cast %convert_element_type3A : vector<16xf32> to vector<1x16xf32>
    tpu.vector_store %arg22[%swap3A_424, %swap3A_425], %swap3A_428 {strides = array<i32>} : memref<24x80xf32, #tpu.memory_space<vmem>>, vector<1x16xf32>,
    %swap3A_429 = arith.constant 14 : i32
    %swap3A_430 = arith.index_cast %swap3A_429 : i32 to index
    %swap3A_431 = arith.constant 16 : index
    %swap3A_432 = tpu.vector_load %arg22[%swap3A_430, %swap3A_431] {strides = array<i32>} : memref<24x80xf32, #tpu.memory_space<vmem>>, vector<1x16xf32>,
    %swap3A_433 = vector.shape_cast %swap3A_432 : vector<1x16xf32> to vector<16xf32>
    %swap3A_434 = vector.shape_cast %convert_element_type3A : vector<16xf32> to vector<1x16xf32>
    tpu.vector_store %arg22[%swap3A_430, %swap3A_431], %swap3A_434 {strides = array<i32>} : memref<24x80xf32, #tpu.memory_space<vmem>>, vector<1x16xf32>,
    %swap3A_435 = arith.constant 14 : i32
    %swap3A_436 = arith.index_cast %swap3A_435 : i32 to index
    %swap3A_437 = arith.constant 32 : index
    %swap3A_438 = tpu.vector_load %arg22[%swap3A_436, %swap3A_437] {strides = array<i32>} : memref<24x80xf32, #tpu.memory_space<vmem>>, vector<1x16xf32>,
    %swap3A_439 = vector.shape_cast %swap3A_438 : vector<1x16xf32> to vector<16xf32>
    %swap3A_440 = vector.shape_cast %convert_element_type3A : vector<16xf32> to vector<1x16xf32>
    tpu.vector_store %arg22[%swap3A_436, %swap3A_437], %swap3A_440 {strides = array<i32>} : memref<24x80xf32, #tpu.memory_space<vmem>>, vector<1x16xf32>,
    %swap3A_441 = arith.constant 14 : i32
    %swap3A_442 = arith.index_cast %swap3A_441 : i32 to index
    %swap3A_443 = arith.constant 48 : index
    %swap3A_444 = tpu.vector_load %arg22[%swap3A_442, %swap3A_443] {strides = array<i32>} : memref<24x80xf32, #tpu.memory_space<vmem>>, vector<1x16xf32>,
    %swap3A_445 = vector.shape_cast %swap3A_444 : vector<1x16xf32> to vector<16xf32>
    %swap3A_446 = vector.shape_cast %convert_element_type3A : vector<16xf32> to vector<1x16xf32>
    tpu.vector_store %arg22[%swap3A_442, %swap3A_443], %swap3A_446 {strides = array<i32>} : memref<24x80xf32, #tpu.memory_space<vmem>>, vector<1x16xf32>,
    %swap3A_447 = arith.constant 14 : i32
    %swap3A_448 = arith.index_cast %swap3A_447 : i32 to index
    %swap3A_449 = arith.constant 64 : index
    %swap3A_450 = tpu.vector_load %arg22[%swap3A_448, %swap3A_449] {strides = array<i32>} : memref<24x80xf32, #tpu.memory_space<vmem>>, vector<1x16xf32>,
    %swap3A_451 = vector.shape_cast %swap3A_450 : vector<1x16xf32> to vector<16xf32>
    %swap3A_452 = vector.shape_cast %convert_element_type3A : vector<16xf32> to vector<1x16xf32>
    tpu.vector_store %arg22[%swap3A_448, %swap3A_449], %swap3A_452 {strides = array<i32>} : memref<24x80xf32, #tpu.memory_space<vmem>>, vector<1x16xf32>,
    %swap3A_453 = arith.constant 15 : i32
    %swap3A_454 = arith.index_cast %swap3A_453 : i32 to index
    %swap3A_455 = arith.constant 0 : index
    %swap3A_456 = tpu.vector_load %arg22[%swap3A_454, %swap3A_455] {strides = array<i32>} : memref<24x80xf32, #tpu.memory_space<vmem>>, vector<1x16xf32>,
    %swap3A_457 = vector.shape_cast %swap3A_456 : vector<1x16xf32> to vector<16xf32>
    %swap3A_458 = vector.shape_cast %convert_element_type3A : vector<16xf32> to vector<1x16xf32>
    tpu.vector_store %arg22[%swap3A_454, %swap3A_455], %swap3A_458 {strides = array<i32>} : memref<24x80xf32, #tpu.memory_space<vmem>>, vector<1x16xf32>,
    %swap3A_459 = arith.constant 15 : i32
    %swap3A_460 = arith.index_cast %swap3A_459 : i32 to index
    %swap3A_461 = arith.constant 16 : index
    %swap3A_462 = tpu.vector_load %arg22[%swap3A_460, %swap3A_461] {strides = array<i32>} : memref<24x80xf32, #tpu.memory_space<vmem>>, vector<1x16xf32>,
    %swap3A_463 = vector.shape_cast %swap3A_462 : vector<1x16xf32> to vector<16xf32>
    %swap3A_464 = vector.shape_cast %convert_element_type3A : vector<16xf32> to vector<1x16xf32>
    tpu.vector_store %arg22[%swap3A_460, %swap3A_461], %swap3A_464 {strides = array<i32>} : memref<24x80xf32, #tpu.memory_space<vmem>>, vector<1x16xf32>,
    %swap3A_465 = arith.constant 15 : i32
    %swap3A_466 = arith.index_cast %swap3A_465 : i32 to index
    %swap3A_467 = arith.constant 32 : index
    %swap3A_468 = tpu.vector_load %arg22[%swap3A_466, %swap3A_467] {strides = array<i32>} : memref<24x80xf32, #tpu.memory_space<vmem>>, vector<1x16xf32>,
    %swap3A_469 = vector.shape_cast %swap3A_468 : vector<1x16xf32> to vector<16xf32>
    %swap3A_470 = vector.shape_cast %convert_element_type3A : vector<16xf32> to vector<1x16xf32>
    tpu.vector_store %arg22[%swap3A_466, %swap3A_467], %swap3A_470 {strides = array<i32>} : memref<24x80xf32, #tpu.memory_space<vmem>>, vector<1x16xf32>,
    %swap3A_471 = arith.constant 15 : i32
    %swap3A_472 = arith.index_cast %swap3A_471 : i32 to index
    %swap3A_473 = arith.constant 48 : index
    %swap3A_474 = tpu.vector_load %arg22[%swap3A_472, %swap3A_473] {strides = array<i32>} : memref<24x80xf32, #tpu.memory_space<vmem>>, vector<1x16xf32>,
    %swap3A_475 = vector.shape_cast %swap3A_474 : vector<1x16xf32> to vector<16xf32>
    %swap3A_476 = vector.shape_cast %convert_element_type3A : vector<16xf32> to vector<1x16xf32>
    tpu.vector_store %arg22[%swap3A_472, %swap3A_473], %swap3A_476 {strides = array<i32>} : memref<24x80xf32, #tpu.memory_space<vmem>>, vector<1x16xf32>,
    %swap3A_477 = arith.constant 15 : i32
    %swap3A_478 = arith.index_cast %swap3A_477 : i32 to index
    %swap3A_479 = arith.constant 64 : index
    %swap3A_480 = tpu.vector_load %arg22[%swap3A_478, %swap3A_479] {strides = array<i32>} : memref<24x80xf32, #tpu.memory_space<vmem>>, vector<1x16xf32>,
    %swap3A_481 = vector.shape_cast %swap3A_480 : vector<1x16xf32> to vector<16xf32>
    %swap3A_482 = vector.shape_cast %convert_element_type3A : vector<16xf32> to vector<1x16xf32>
    tpu.vector_store %arg22[%swap3A_478, %swap3A_479], %swap3A_482 {strides = array<i32>} : memref<24x80xf32, #tpu.memory_space<vmem>>, vector<1x16xf32>,
    %swap3A_483 = arith.constant 16 : i32
    %swap3A_484 = arith.index_cast %swap3A_483 : i32 to index
    %swap3A_485 = arith.constant 0 : index
    %swap3A_486 = tpu.vector_load %arg22[%swap3A_484, %swap3A_485] {strides = array<i32>} : memref<24x80xf32, #tpu.memory_space<vmem>>, vector<1x16xf32>,
    %swap3A_487 = vector.shape_cast %swap3A_486 : vector<1x16xf32> to vector<16xf32>
    %swap3A_488 = vector.shape_cast %convert_element_type3A : vector<16xf32> to vector<1x16xf32>
    tpu.vector_store %arg22[%swap3A_484, %swap3A_485], %swap3A_488 {strides = array<i32>} : memref<24x80xf32, #tpu.memory_space<vmem>>, vector<1x16xf32>,
    %swap3A_489 = arith.constant 16 : i32
    %swap3A_490 = arith.index_cast %swap3A_489 : i32 to index
    %swap3A_491 = arith.constant 16 : index
    %swap3A_492 = tpu.vector_load %arg22[%swap3A_490, %swap3A_491] {strides = array<i32>} : memref<24x80xf32, #tpu.memory_space<vmem>>, vector<1x16xf32>,
    %swap3A_493 = vector.shape_cast %swap3A_492 : vector<1x16xf32> to vector<16xf32>
    %swap3A_494 = vector.shape_cast %convert_element_type3A : vector<16xf32> to vector<1x16xf32>
    tpu.vector_store %arg22[%swap3A_490, %swap3A_491], %swap3A_494 {strides = array<i32>} : memref<24x80xf32, #tpu.memory_space<vmem>>, vector<1x16xf32>,
    %swap3A_495 = arith.constant 16 : i32
    %swap3A_496 = arith.index_cast %swap3A_495 : i32 to index
    %swap3A_497 = arith.constant 32 : index
    %swap3A_498 = tpu.vector_load %arg22[%swap3A_496, %swap3A_497] {strides = array<i32>} : memref<24x80xf32, #tpu.memory_space<vmem>>, vector<1x16xf32>,
    %swap3A_499 = vector.shape_cast %swap3A_498 : vector<1x16xf32> to vector<16xf32>
    %swap3A_500 = vector.shape_cast %convert_element_type3A : vector<16xf32> to vector<1x16xf32>
    tpu.vector_store %arg22[%swap3A_496, %swap3A_497], %swap3A_500 {strides = array<i32>} : memref<24x80xf32, #tpu.memory_space<vmem>>, vector<1x16xf32>,
    %swap3A_501 = arith.constant 16 : i32
    %swap3A_502 = arith.index_cast %swap3A_501 : i32 to index
    %swap3A_503 = arith.constant 48 : index
    %swap3A_504 = tpu.vector_load %arg22[%swap3A_502, %swap3A_503] {strides = array<i32>} : memref<24x80xf32, #tpu.memory_space<vmem>>, vector<1x16xf32>,
    %swap3A_505 = vector.shape_cast %swap3A_504 : vector<1x16xf32> to vector<16xf32>
    %swap3A_506 = vector.shape_cast %convert_element_type3A : vector<16xf32> to vector<1x16xf32>
    tpu.vector_store %arg22[%swap3A_502, %swap3A_503], %swap3A_506 {strides = array<i32>} : memref<24x80xf32, #tpu.memory_space<vmem>>, vector<1x16xf32>,
    %swap3A_507 = arith.constant 16 : i32
    %swap3A_508 = arith.index_cast %swap3A_507 : i32 to index
    %swap3A_509 = arith.constant 64 : index
    %swap3A_510 = tpu.vector_load %arg22[%swap3A_508, %swap3A_509] {strides = array<i32>} : memref<24x80xf32, #tpu.memory_space<vmem>>, vector<1x16xf32>,
    %swap3A_511 = vector.shape_cast %swap3A_510 : vector<1x16xf32> to vector<16xf32>
    %swap3A_512 = vector.shape_cast %convert_element_type3A : vector<16xf32> to vector<1x16xf32>
    tpu.vector_store %arg22[%swap3A_508, %swap3A_509], %swap3A_512 {strides = array<i32>} : memref<24x80xf32, #tpu.memory_space<vmem>>, vector<1x16xf32>,
    %swap3A_513 = arith.constant 17 : i32
    %swap3A_514 = arith.index_cast %swap3A_513 : i32 to index
    %swap3A_515 = arith.constant 0 : index
    %swap3A_516 = tpu.vector_load %arg22[%swap3A_514, %swap3A_515] {strides = array<i32>} : memref<24x80xf32, #tpu.memory_space<vmem>>, vector<1x16xf32>,
    %swap3A_517 = vector.shape_cast %swap3A_516 : vector<1x16xf32> to vector<16xf32>
    %swap3A_518 = vector.shape_cast %convert_element_type3A : vector<16xf32> to vector<1x16xf32>
    tpu.vector_store %arg22[%swap3A_514, %swap3A_515], %swap3A_518 {strides = array<i32>} : memref<24x80xf32, #tpu.memory_space<vmem>>, vector<1x16xf32>,
    %swap3A_519 = arith.constant 17 : i32
    %swap3A_520 = arith.index_cast %swap3A_519 : i32 to index
    %swap3A_521 = arith.constant 16 : index
    %swap3A_522 = tpu.vector_load %arg22[%swap3A_520, %swap3A_521] {strides = array<i32>} : memref<24x80xf32, #tpu.memory_space<vmem>>, vector<1x16xf32>,
    %swap3A_523 = vector.shape_cast %swap3A_522 : vector<1x16xf32> to vector<16xf32>
    %swap3A_524 = vector.shape_cast %convert_element_type3A : vector<16xf32> to vector<1x16xf32>
    tpu.vector_store %arg22[%swap3A_520, %swap3A_521], %swap3A_524 {strides = array<i32>} : memref<24x80xf32, #tpu.memory_space<vmem>>, vector<1x16xf32>,
    %swap3A_525 = arith.constant 17 : i32
    %swap3A_526 = arith.index_cast %swap3A_525 : i32 to index
    %swap3A_527 = arith.constant 32 : index
    %swap3A_528 = tpu.vector_load %arg22[%swap3A_526, %swap3A_527] {strides = array<i32>} : memref<24x80xf32, #tpu.memory_space<vmem>>, vector<1x16xf32>,
    %swap3A_529 = vector.shape_cast %swap3A_528 : vector<1x16xf32> to vector<16xf32>
    %swap3A_530 = vector.shape_cast %convert_element_type3A : vector<16xf32> to vector<1x16xf32>
    tpu.vector_store %arg22[%swap3A_526, %swap3A_527], %swap3A_530 {strides = array<i32>} : memref<24x80xf32, #tpu.memory_space<vmem>>, vector<1x16xf32>,
    %swap3A_531 = arith.constant 17 : i32
    %swap3A_532 = arith.index_cast %swap3A_531 : i32 to index
    %swap3A_533 = arith.constant 48 : index
    %swap3A_534 = tpu.vector_load %arg22[%swap3A_532, %swap3A_533] {strides = array<i32>} : memref<24x80xf32, #tpu.memory_space<vmem>>, vector<1x16xf32>,
    %swap3A_535 = vector.shape_cast %swap3A_534 : vector<1x16xf32> to vector<16xf32>
    %swap3A_536 = vector.shape_cast %convert_element_type3A : vector<16xf32> to vector<1x16xf32>
    tpu.vector_store %arg22[%swap3A_532, %swap3A_533], %swap3A_536 {strides = array<i32>} : memref<24x80xf32, #tpu.memory_space<vmem>>, vector<1x16xf32>,
    %swap3A_537 = arith.constant 17 : i32
    %swap3A_538 = arith.index_cast %swap3A_537 : i32 to index
    %swap3A_539 = arith.constant 64 : index
    %swap3A_540 = tpu.vector_load %arg22[%swap3A_538, %swap3A_539] {strides = array<i32>} : memref<24x80xf32, #tpu.memory_space<vmem>>, vector<1x16xf32>,
    %swap3A_541 = vector.shape_cast %swap3A_540 : vector<1x16xf32> to vector<16xf32>
    %swap3A_542 = vector.shape_cast %convert_element_type3A : vector<16xf32> to vector<1x16xf32>
    tpu.vector_store %arg22[%swap3A_538, %swap3A_539], %swap3A_542 {strides = array<i32>} : memref<24x80xf32, #tpu.memory_space<vmem>>, vector<1x16xf32>,
    %swap3A_543 = arith.constant 18 : i32
    %swap3A_544 = arith.index_cast %swap3A_543 : i32 to index
    %swap3A_545 = arith.constant 0 : index
    %swap3A_546 = tpu.vector_load %arg22[%swap3A_544, %swap3A_545] {strides = array<i32>} : memref<24x80xf32, #tpu.memory_space<vmem>>, vector<1x16xf32>,
    %swap3A_547 = vector.shape_cast %swap3A_546 : vector<1x16xf32> to vector<16xf32>
    %swap3A_548 = vector.shape_cast %convert_element_type3A : vector<16xf32> to vector<1x16xf32>
    tpu.vector_store %arg22[%swap3A_544, %swap3A_545], %swap3A_548 {strides = array<i32>} : memref<24x80xf32, #tpu.memory_space<vmem>>, vector<1x16xf32>,
    %swap3A_549 = arith.constant 18 : i32
    %swap3A_550 = arith.index_cast %swap3A_549 : i32 to index
    %swap3A_551 = arith.constant 16 : index
    %swap3A_552 = tpu.vector_load %arg22[%swap3A_550, %swap3A_551] {strides = array<i32>} : memref<24x80xf32, #tpu.memory_space<vmem>>, vector<1x16xf32>,
    %swap3A_553 = vector.shape_cast %swap3A_552 : vector<1x16xf32> to vector<16xf32>
    %swap3A_554 = vector.shape_cast %convert_element_type3A : vector<16xf32> to vector<1x16xf32>
    tpu.vector_store %arg22[%swap3A_550, %swap3A_551], %swap3A_554 {strides = array<i32>} : memref<24x80xf32, #tpu.memory_space<vmem>>, vector<1x16xf32>,
    %swap3A_555 = arith.constant 18 : i32
    %swap3A_556 = arith.index_cast %swap3A_555 : i32 to index
    %swap3A_557 = arith.constant 32 : index
    %swap3A_558 = tpu.vector_load %arg22[%swap3A_556, %swap3A_557] {strides = array<i32>} : memref<24x80xf32, #tpu.memory_space<vmem>>, vector<1x16xf32>,
    %swap3A_559 = vector.shape_cast %swap3A_558 : vector<1x16xf32> to vector<16xf32>
    %swap3A_560 = vector.shape_cast %convert_element_type3A : vector<16xf32> to vector<1x16xf32>
    tpu.vector_store %arg22[%swap3A_556, %swap3A_557], %swap3A_560 {strides = array<i32>} : memref<24x80xf32, #tpu.memory_space<vmem>>, vector<1x16xf32>,
    %swap3A_561 = arith.constant 18 : i32
    %swap3A_562 = arith.index_cast %swap3A_561 : i32 to index
    %swap3A_563 = arith.constant 48 : index
    %swap3A_564 = tpu.vector_load %arg22[%swap3A_562, %swap3A_563] {strides = array<i32>} : memref<24x80xf32, #tpu.memory_space<vmem>>, vector<1x16xf32>,
    %swap3A_565 = vector.shape_cast %swap3A_564 : vector<1x16xf32> to vector<16xf32>
    %swap3A_566 = vector.shape_cast %convert_element_type3A : vector<16xf32> to vector<1x16xf32>
    tpu.vector_store %arg22[%swap3A_562, %swap3A_563], %swap3A_566 {strides = array<i32>} : memref<24x80xf32, #tpu.memory_space<vmem>>, vector<1x16xf32>,
    %swap3A_567 = arith.constant 18 : i32
    %swap3A_568 = arith.index_cast %swap3A_567 : i32 to index
    %swap3A_569 = arith.constant 64 : index
    %swap3A_570 = tpu.vector_load %arg22[%swap3A_568, %swap3A_569] {strides = array<i32>} : memref<24x80xf32, #tpu.memory_space<vmem>>, vector<1x16xf32>,
    %swap3A_571 = vector.shape_cast %swap3A_570 : vector<1x16xf32> to vector<16xf32>
    %swap3A_572 = vector.shape_cast %convert_element_type3A : vector<16xf32> to vector<1x16xf32>
    tpu.vector_store %arg22[%swap3A_568, %swap3A_569], %swap3A_572 {strides = array<i32>} : memref<24x80xf32, #tpu.memory_space<vmem>>, vector<1x16xf32>,
    %swap3A_573 = arith.constant 19 : i32
    %swap3A_574 = arith.index_cast %swap3A_573 : i32 to index
    %swap3A_575 = arith.constant 0 : index
    %swap3A_576 = tpu.vector_load %arg22[%swap3A_574, %swap3A_575] {strides = array<i32>} : memref<24x80xf32, #tpu.memory_space<vmem>>, vector<1x16xf32>,
    %swap3A_577 = vector.shape_cast %swap3A_576 : vector<1x16xf32> to vector<16xf32>
    %swap3A_578 = vector.shape_cast %convert_element_type3A : vector<16xf32> to vector<1x16xf32>
    tpu.vector_store %arg22[%swap3A_574, %swap3A_575], %swap3A_578 {strides = array<i32>} : memref<24x80xf32, #tpu.memory_space<vmem>>, vector<1x16xf32>,
    %swap3A_579 = arith.constant 19 : i32
    %swap3A_580 = arith.index_cast %swap3A_579 : i32 to index
    %swap3A_581 = arith.constant 16 : index
    %swap3A_582 = tpu.vector_load %arg22[%swap3A_580, %swap3A_581] {strides = array<i32>} : memref<24x80xf32, #tpu.memory_space<vmem>>, vector<1x16xf32>,
    %swap3A_583 = vector.shape_cast %swap3A_582 : vector<1x16xf32> to vector<16xf32>
    %swap3A_584 = vector.shape_cast %convert_element_type3A : vector<16xf32> to vector<1x16xf32>
    tpu.vector_store %arg22[%swap3A_580, %swap3A_581], %swap3A_584 {strides = array<i32>} : memref<24x80xf32, #tpu.memory_space<vmem>>, vector<1x16xf32>,
    %swap3A_585 = arith.constant 19 : i32
    %swap3A_586 = arith.index_cast %swap3A_585 : i32 to index
    %swap3A_587 = arith.constant 32 : index
    %swap3A_588 = tpu.vector_load %arg22[%swap3A_586, %swap3A_587] {strides = array<i32>} : memref<24x80xf32, #tpu.memory_space<vmem>>, vector<1x16xf32>,
    %swap3A_589 = vector.shape_cast %swap3A_588 : vector<1x16xf32> to vector<16xf32>
    %swap3A_590 = vector.shape_cast %convert_element_type3A : vector<16xf32> to vector<1x16xf32>
    tpu.vector_store %arg22[%swap3A_586, %swap3A_587], %swap3A_590 {strides = array<i32>} : memref<24x80xf32, #tpu.memory_space<vmem>>, vector<1x16xf32>,
    %swap3A_591 = arith.constant 19 : i32
    %swap3A_592 = arith.index_cast %swap3A_591 : i32 to index
    %swap3A_593 = arith.constant 48 : index
    %swap3A_594 = tpu.vector_load %arg22[%swap3A_592, %swap3A_593] {strides = array<i32>} : memref<24x80xf32, #tpu.memory_space<vmem>>, vector<1x16xf32>,
    %swap3A_595 = vector.shape_cast %swap3A_594 : vector<1x16xf32> to vector<16xf32>
    %swap3A_596 = vector.shape_cast %convert_element_type3A : vector<16xf32> to vector<1x16xf32>
    tpu.vector_store %arg22[%swap3A_592, %swap3A_593], %swap3A_596 {strides = array<i32>} : memref<24x80xf32, #tpu.memory_space<vmem>>, vector<1x16xf32>,
    %swap3A_597 = arith.constant 19 : i32
    %swap3A_598 = arith.index_cast %swap3A_597 : i32 to index
    %swap3A_599 = arith.constant 64 : index
    %swap3A_600 = tpu.vector_load %arg22[%swap3A_598, %swap3A_599] {strides = array<i32>} : memref<24x80xf32, #tpu.memory_space<vmem>>, vector<1x16xf32>,
    %swap3A_601 = vector.shape_cast %swap3A_600 : vector<1x16xf32> to vector<16xf32>
    %swap3A_602 = vector.shape_cast %convert_element_type3A : vector<16xf32> to vector<1x16xf32>
    tpu.vector_store %arg22[%swap3A_598, %swap3A_599], %swap3A_602 {strides = array<i32>} : memref<24x80xf32, #tpu.memory_space<vmem>>, vector<1x16xf32>,
    %swap3A_603 = arith.constant 20 : i32
    %swap3A_604 = arith.index_cast %swap3A_603 : i32 to index
    %swap3A_605 = arith.constant 0 : index
    %swap3A_606 = tpu.vector_load %arg22[%swap3A_604, %swap3A_605] {strides = array<i32>} : memref<24x80xf32, #tpu.memory_space<vmem>>, vector<1x16xf32>,
    %swap3A_607 = vector.shape_cast %swap3A_606 : vector<1x16xf32> to vector<16xf32>
    %swap3A_608 = vector.shape_cast %convert_element_type3A : vector<16xf32> to vector<1x16xf32>
    tpu.vector_store %arg22[%swap3A_604, %swap3A_605], %swap3A_608 {strides = array<i32>} : memref<24x80xf32, #tpu.memory_space<vmem>>, vector<1x16xf32>,
    %swap3A_609 = arith.constant 20 : i32
    %swap3A_610 = arith.index_cast %swap3A_609 : i32 to index
    %swap3A_611 = arith.constant 16 : index
    %swap3A_612 = tpu.vector_load %arg22[%swap3A_610, %swap3A_611] {strides = array<i32>} : memref<24x80xf32, #tpu.memory_space<vmem>>, vector<1x16xf32>,
    %swap3A_613 = vector.shape_cast %swap3A_612 : vector<1x16xf32> to vector<16xf32>
    %swap3A_614 = vector.shape_cast %convert_element_type3A : vector<16xf32> to vector<1x16xf32>
    tpu.vector_store %arg22[%swap3A_610, %swap3A_611], %swap3A_614 {strides = array<i32>} : memref<24x80xf32, #tpu.memory_space<vmem>>, vector<1x16xf32>,
    %swap3A_615 = arith.constant 20 : i32
    %swap3A_616 = arith.index_cast %swap3A_615 : i32 to index
    %swap3A_617 = arith.constant 32 : index
    %swap3A_618 = tpu.vector_load %arg22[%swap3A_616, %swap3A_617] {strides = array<i32>} : memref<24x80xf32, #tpu.memory_space<vmem>>, vector<1x16xf32>,
    %swap3A_619 = vector.shape_cast %swap3A_618 : vector<1x16xf32> to vector<16xf32>
    %swap3A_620 = vector.shape_cast %convert_element_type3A : vector<16xf32> to vector<1x16xf32>
    tpu.vector_store %arg22[%swap3A_616, %swap3A_617], %swap3A_620 {strides = array<i32>} : memref<24x80xf32, #tpu.memory_space<vmem>>, vector<1x16xf32>,
    %swap3A_621 = arith.constant 20 : i32
    %swap3A_622 = arith.index_cast %swap3A_621 : i32 to index
    %swap3A_623 = arith.constant 48 : index
    %swap3A_624 = tpu.vector_load %arg22[%swap3A_622, %swap3A_623] {strides = array<i32>} : memref<24x80xf32, #tpu.memory_space<vmem>>, vector<1x16xf32>,
    %swap3A_625 = vector.shape_cast %swap3A_624 : vector<1x16xf32> to vector<16xf32>
    %swap3A_626 = vector.shape_cast %convert_element_type3A : vector<16xf32> to vector<1x16xf32>
    tpu.vector_store %arg22[%swap3A_622, %swap3A_623], %swap3A_626 {strides = array<i32>} : memref<24x80xf32, #tpu.memory_space<vmem>>, vector<1x16xf32>,
    %swap3A_627 = arith.constant 20 : i32
    %swap3A_628 = arith.index_cast %swap3A_627 : i32 to index
    %swap3A_629 = arith.constant 64 : index
    %swap3A_630 = tpu.vector_load %arg22[%swap3A_628, %swap3A_629] {strides = array<i32>} : memref<24x80xf32, #tpu.memory_space<vmem>>, vector<1x16xf32>,
    %swap3A_631 = vector.shape_cast %swap3A_630 : vector<1x16xf32> to vector<16xf32>
    %swap3A_632 = vector.shape_cast %convert_element_type3A : vector<16xf32> to vector<1x16xf32>
    tpu.vector_store %arg22[%swap3A_628, %swap3A_629], %swap3A_632 {strides = array<i32>} : memref<24x80xf32, #tpu.memory_space<vmem>>, vector<1x16xf32>,
    %swap3A_633 = arith.constant 21 : i32
    %swap3A_634 = arith.index_cast %swap3A_633 : i32 to index
    %swap3A_635 = arith.constant 0 : index
    %swap3A_636 = tpu.vector_load %arg22[%swap3A_634, %swap3A_635] {strides = array<i32>} : memref<24x80xf32, #tpu.memory_space<vmem>>, vector<1x16xf32>,
    %swap3A_637 = vector.shape_cast %swap3A_636 : vector<1x16xf32> to vector<16xf32>
    %swap3A_638 = vector.shape_cast %convert_element_type3A : vector<16xf32> to vector<1x16xf32>
    tpu.vector_store %arg22[%swap3A_634, %swap3A_635], %swap3A_638 {strides = array<i32>} : memref<24x80xf32, #tpu.memory_space<vmem>>, vector<1x16xf32>,
    %swap3A_639 = arith.constant 21 : i32
    %swap3A_640 = arith.index_cast %swap3A_639 : i32 to index
    %swap3A_641 = arith.constant 16 : index
    %swap3A_642 = tpu.vector_load %arg22[%swap3A_640, %swap3A_641] {strides = array<i32>} : memref<24x80xf32, #tpu.memory_space<vmem>>, vector<1x16xf32>,
    %swap3A_643 = vector.shape_cast %swap3A_642 : vector<1x16xf32> to vector<16xf32>
    %swap3A_644 = vector.shape_cast %convert_element_type3A : vector<16xf32> to vector<1x16xf32>
    tpu.vector_store %arg22[%swap3A_640, %swap3A_641], %swap3A_644 {strides = array<i32>} : memref<24x80xf32, #tpu.memory_space<vmem>>, vector<1x16xf32>,
    %swap3A_645 = arith.constant 21 : i32
    %swap3A_646 = arith.index_cast %swap3A_645 : i32 to index
    %swap3A_647 = arith.constant 32 : index
    %swap3A_648 = tpu.vector_load %arg22[%swap3A_646, %swap3A_647] {strides = array<i32>} : memref<24x80xf32, #tpu.memory_space<vmem>>, vector<1x16xf32>,
    %swap3A_649 = vector.shape_cast %swap3A_648 : vector<1x16xf32> to vector<16xf32>
    %swap3A_650 = vector.shape_cast %convert_element_type3A : vector<16xf32> to vector<1x16xf32>
    tpu.vector_store %arg22[%swap3A_646, %swap3A_647], %swap3A_650 {strides = array<i32>} : memref<24x80xf32, #tpu.memory_space<vmem>>, vector<1x16xf32>,
    %swap3A_651 = arith.constant 21 : i32
    %swap3A_652 = arith.index_cast %swap3A_651 : i32 to index
    %swap3A_653 = arith.constant 48 : index
    %swap3A_654 = tpu.vector_load %arg22[%swap3A_652, %swap3A_653] {strides = array<i32>} : memref<24x80xf32, #tpu.memory_space<vmem>>, vector<1x16xf32>,
    %swap3A_655 = vector.shape_cast %swap3A_654 : vector<1x16xf32> to vector<16xf32>
    %swap3A_656 = vector.shape_cast %convert_element_type3A : vector<16xf32> to vector<1x16xf32>
    tpu.vector_store %arg22[%swap3A_652, %swap3A_653], %swap3A_656 {strides = array<i32>} : memref<24x80xf32, #tpu.memory_space<vmem>>, vector<1x16xf32>,
    %swap3A_657 = arith.constant 21 : i32
    %swap3A_658 = arith.index_cast %swap3A_657 : i32 to index
    %swap3A_659 = arith.constant 64 : index
    %swap3A_660 = tpu.vector_load %arg22[%swap3A_658, %swap3A_659] {strides = array<i32>} : memref<24x80xf32, #tpu.memory_space<vmem>>, vector<1x16xf32>,
    %swap3A_661 = vector.shape_cast %swap3A_660 : vector<1x16xf32> to vector<16xf32>
    %swap3A_662 = vector.shape_cast %convert_element_type3A : vector<16xf32> to vector<1x16xf32>
    tpu.vector_store %arg22[%swap3A_658, %swap3A_659], %swap3A_662 {strides = array<i32>} : memref<24x80xf32, #tpu.memory_space<vmem>>, vector<1x16xf32>,
    %swap3A_663 = arith.constant 22 : i32
    %swap3A_664 = arith.index_cast %swap3A_663 : i32 to index
    %swap3A_665 = arith.constant 0 : index
    %swap3A_666 = tpu.vector_load %arg22[%swap3A_664, %swap3A_665] {strides = array<i32>} : memref<24x80xf32, #tpu.memory_space<vmem>>, vector<1x16xf32>,
    %swap3A_667 = vector.shape_cast %swap3A_666 : vector<1x16xf32> to vector<16xf32>
    %swap3A_668 = vector.shape_cast %convert_element_type3A : vector<16xf32> to vector<1x16xf32>
    tpu.vector_store %arg22[%swap3A_664, %swap3A_665], %swap3A_668 {strides = array<i32>} : memref<24x80xf32, #tpu.memory_space<vmem>>, vector<1x16xf32>,
    %swap3A_669 = arith.constant 22 : i32
    %swap3A_670 = arith.index_cast %swap3A_669 : i32 to index
    %swap3A_671 = arith.constant 16 : index
    %swap3A_672 = tpu.vector_load %arg22[%swap3A_670, %swap3A_671] {strides = array<i32>} : memref<24x80xf32, #tpu.memory_space<vmem>>, vector<1x16xf32>,
    %swap3A_673 = vector.shape_cast %swap3A_672 : vector<1x16xf32> to vector<16xf32>
    %swap3A_674 = vector.shape_cast %convert_element_type3A : vector<16xf32> to vector<1x16xf32>
    tpu.vector_store %arg22[%swap3A_670, %swap3A_671], %swap3A_674 {strides = array<i32>} : memref<24x80xf32, #tpu.memory_space<vmem>>, vector<1x16xf32>,
    %swap3A_675 = arith.constant 22 : i32
    %swap3A_676 = arith.index_cast %swap3A_675 : i32 to index
    %swap3A_677 = arith.constant 32 : index
    %swap3A_678 = tpu.vector_load %arg22[%swap3A_676, %swap3A_677] {strides = array<i32>} : memref<24x80xf32, #tpu.memory_space<vmem>>, vector<1x16xf32>,
    %swap3A_679 = vector.shape_cast %swap3A_678 : vector<1x16xf32> to vector<16xf32>
    %swap3A_680 = vector.shape_cast %convert_element_type3A : vector<16xf32> to vector<1x16xf32>
    tpu.vector_store %arg22[%swap3A_676, %swap3A_677], %swap3A_680 {strides = array<i32>} : memref<24x80xf32, #tpu.memory_space<vmem>>, vector<1x16xf32>,
    %swap3A_681 = arith.constant 22 : i32
    %swap3A_682 = arith.index_cast %swap3A_681 : i32 to index
    %swap3A_683 = arith.constant 48 : index
    %swap3A_684 = tpu.vector_load %arg22[%swap3A_682, %swap3A_683] {strides = array<i32>} : memref<24x80xf32, #tpu.memory_space<vmem>>, vector<1x16xf32>,
    %swap3A_685 = vector.shape_cast %swap3A_684 : vector<1x16xf32> to vector<16xf32>
    %swap3A_686 = vector.shape_cast %convert_element_type3A : vector<16xf32> to vector<1x16xf32>
    tpu.vector_store %arg22[%swap3A_682, %swap3A_683], %swap3A_686 {strides = array<i32>} : memref<24x80xf32, #tpu.memory_space<vmem>>, vector<1x16xf32>,
    %swap3A_687 = arith.constant 22 : i32
    %swap3A_688 = arith.index_cast %swap3A_687 : i32 to index
    %swap3A_689 = arith.constant 64 : index
    %swap3A_690 = tpu.vector_load %arg22[%swap3A_688, %swap3A_689] {strides = array<i32>} : memref<24x80xf32, #tpu.memory_space<vmem>>, vector<1x16xf32>,
    %swap3A_691 = vector.shape_cast %swap3A_690 : vector<1x16xf32> to vector<16xf32>
    %swap3A_692 = vector.shape_cast %convert_element_type3A : vector<16xf32> to vector<1x16xf32>
    tpu.vector_store %arg22[%swap3A_688, %swap3A_689], %swap3A_692 {strides = array<i32>} : memref<24x80xf32, #tpu.memory_space<vmem>>, vector<1x16xf32>,
    %swap3A_693 = arith.constant 23 : i32
    %swap3A_694 = arith.index_cast %swap3A_693 : i32 to index
    %swap3A_695 = arith.constant 0 : index
    %swap3A_696 = tpu.vector_load %arg22[%swap3A_694, %swap3A_695] {strides = array<i32>} : memref<24x80xf32, #tpu.memory_space<vmem>>, vector<1x16xf32>,
    %swap3A_697 = vector.shape_cast %swap3A_696 : vector<1x16xf32> to vector<16xf32>
    %swap3A_698 = vector.shape_cast %convert_element_type3A : vector<16xf32> to vector<1x16xf32>
    tpu.vector_store %arg22[%swap3A_694, %swap3A_695], %swap3A_698 {strides = array<i32>} : memref<24x80xf32, #tpu.memory_space<vmem>>, vector<1x16xf32>,
    %swap3A_699 = arith.constant 23 : i32
    %swap3A_700 = arith.index_cast %swap3A_699 : i32 to index
    %swap3A_701 = arith.constant 16 : index
    %swap3A_702 = tpu.vector_load %arg22[%swap3A_700, %swap3A_701] {strides = array<i32>} : memref<24x80xf32, #tpu.memory_space<vmem>>, vector<1x16xf32>,
    %swap3A_703 = vector.shape_cast %swap3A_702 : vector<1x16xf32> to vector<16xf32>
    %swap3A_704 = vector.shape_cast %convert_element_type3A : vector<16xf32> to vector<1x16xf32>
    tpu.vector_store %arg22[%swap3A_700, %swap3A_701], %swap3A_704 {strides = array<i32>} : memref<24x80xf32, #tpu.memory_space<vmem>>, vector<1x16xf32>,
    %swap3A_705 = arith.constant 23 : i32
    %swap3A_706 = arith.index_cast %swap3A_705 : i32 to index
    %swap3A_707 = arith.constant 32 : index
    %swap3A_708 = tpu.vector_load %arg22[%swap3A_706, %swap3A_707] {strides = array<i32>} : memref<24x80xf32, #tpu.memory_space<vmem>>, vector<1x16xf32>,
    %swap3A_709 = vector.shape_cast %swap3A_708 : vector<1x16xf32> to vector<16xf32>
    %swap3A_710 = vector.shape_cast %convert_element_type3A : vector<16xf32> to vector<1x16xf32>
    tpu.vector_store %arg22[%swap3A_706, %swap3A_707], %swap3A_710 {strides = array<i32>} : memref<24x80xf32, #tpu.memory_space<vmem>>, vector<1x16xf32>,
    %swap3A_711 = arith.constant 23 : i32
    %swap3A_712 = arith.index_cast %swap3A_711 : i32 to index
    %swap3A_713 = arith.constant 48 : index
    %swap3A_714 = tpu.vector_load %arg22[%swap3A_712, %swap3A_713] {strides = array<i32>} : memref<24x80xf32, #tpu.memory_space<vmem>>, vector<1x16xf32>,
    %swap3A_715 = vector.shape_cast %swap3A_714 : vector<1x16xf32> to vector<16xf32>
    %swap3A_716 = vector.shape_cast %convert_element_type3A : vector<16xf32> to vector<1x16xf32>
    tpu.vector_store %arg22[%swap3A_712, %swap3A_713], %swap3A_716 {strides = array<i32>} : memref<24x80xf32, #tpu.memory_space<vmem>>, vector<1x16xf32>,
    %swap3A_717 = arith.constant 23 : i32
    %swap3A_718 = arith.index_cast %swap3A_717 : i32 to index
    %swap3A_719 = arith.constant 64 : index
    %swap3A_720 = tpu.vector_load %arg22[%swap3A_718, %swap3A_719] {strides = array<i32>} : memref<24x80xf32, #tpu.memory_space<vmem>>, vector<1x16xf32>,
    %swap3A_721 = vector.shape_cast %swap3A_720 : vector<1x16xf32> to vector<16xf32>
    %swap3A_722 = vector.shape_cast %convert_element_type3A : vector<16xf32> to vector<1x16xf32>
    tpu.vector_store %arg22[%swap3A_718, %swap3A_719], %swap3A_722 {strides = array<i32>} : memref<24x80xf32, #tpu.memory_space<vmem>>, vector<1x16xf32>,
    %add3A = arith.constant 0 : i32
    %add3A_723 = arith.addi %mul3A_0, %add3A : i32
    "tpu.region"() ({
      %run_scoped3A = tpu.sem_alloc : memref<!tpu.dma_semaphore, #tpu.memory_space<semaphore_mem>>
      %dma_start3A_835 = arith.constant 0 : i32
      %dma_start3A_836 = tpu.memref_slice %arg23[%add3A_723, %dma_start3A_835] : memref<10000x80xf32, #tpu.memory_space<vmem_shared>> -> memref<24x80xf32, #tpu.memory_space<vmem_shared>>
      %dma_start3A_837 = arith.constant 0 : i32
      %dma_start3A_838 = tpu.memref_slice %arg23[%add3A_723, %dma_start3A_837] : memref<10000x80xf32, #tpu.memory_space<vmem_shared>> -> memref<24x80xf32, #tpu.memory_space<vmem_shared>>
      tpu.enqueue_dma source(%arg22 : memref<24x80xf32, #tpu.memory_space<vmem>>) target(%dma_start3A_838 : memref<24x80xf32, #tpu.memory_space<vmem_shared>>) target_semaphore(%run_scoped3A : memref<!tpu.dma_semaphore, #tpu.memory_space<semaphore_mem>>)
      %dma_wait3A_839 = arith.constant 0 : i32
      %dma_wait3A_840 = tpu.memref_slice %arg23[%add3A_723, %dma_wait3A_839] : memref<10000x80xf32, #tpu.memory_space<vmem_shared>> -> memref<24x80xf32, #tpu.memory_space<vmem_shared>>
      %dma_wait3A_841 = arith.constant 0 : i32
      %dma_wait3A_842 = tpu.memref_slice %arg23[%add3A_723, %dma_wait3A_841] : memref<10000x80xf32, #tpu.memory_space<vmem_shared>> -> memref<24x80xf32, #tpu.memory_space<vmem_shared>>
      tpu.wait_dma2 semaphore(%run_scoped3A : memref<!tpu.dma_semaphore, #tpu.memory_space<semaphore_mem>>) src(%arg22 : memref<24x80xf32, #tpu.memory_space<vmem>>) dst(%dma_wait3A_842 : memref<24x80xf32, #tpu.memory_space<vmem_shared>>)
      tpu.yield
    }) : () -> ()
    %add3A_724 = arith.constant 24 : i32
    %add3A_725 = arith.addi %mul3A_0, %add3A_724 : i32
    "tpu.region"() ({
      %run_scoped3A = tpu.sem_alloc : memref<!tpu.dma_semaphore, #tpu.memory_space<semaphore_mem>>
      %dma_start3A_835 = arith.constant 0 : i32
      %dma_start3A_836 = tpu.memref_slice %arg23[%add3A_725, %dma_start3A_835] : memref<10000x80xf32, #tpu.memory_space<vmem_shared>> -> memref<24x80xf32, #tpu.memory_space<vmem_shared>>
      %dma_start3A_837 = arith.constant 0 : i32
      %dma_start3A_838 = tpu.memref_slice %arg23[%add3A_725, %dma_start3A_837] : memref<10000x80xf32, #tpu.memory_space<vmem_shared>> -> memref<24x80xf32, #tpu.memory_space<vmem_shared>>
      tpu.enqueue_dma source(%arg22 : memref<24x80xf32, #tpu.memory_space<vmem>>) target(%dma_start3A_838 : memref<24x80xf32, #tpu.memory_space<vmem_shared>>) target_semaphore(%run_scoped3A : memref<!tpu.dma_semaphore, #tpu.memory_space<semaphore_mem>>)
      %dma_wait3A_839 = arith.constant 0 : i32
      %dma_wait3A_840 = tpu.memref_slice %arg23[%add3A_725, %dma_wait3A_839] : memref<10000x80xf32, #tpu.memory_space<vmem_shared>> -> memref<24x80xf32, #tpu.memory_space<vmem_shared>>
      %dma_wait3A_841 = arith.constant 0 : i32
      %dma_wait3A_842 = tpu.memref_slice %arg23[%add3A_725, %dma_wait3A_841] : memref<10000x80xf32, #tpu.memory_space<vmem_shared>> -> memref<24x80xf32, #tpu.memory_space<vmem_shared>>
      tpu.wait_dma2 semaphore(%run_scoped3A : memref<!tpu.dma_semaphore, #tpu.memory_space<semaphore_mem>>) src(%arg22 : memref<24x80xf32, #tpu.memory_space<vmem>>) dst(%dma_wait3A_842 : memref<24x80xf32, #tpu.memory_space<vmem_shared>>)
      tpu.yield
    }) : () -> ()
    %add3A_726 = arith.constant 48 : i32
    %add3A_727 = arith.addi %mul3A_0, %add3A_726 : i32
    "tpu.region"() ({
      %run_scoped3A = tpu.sem_alloc : memref<!tpu.dma_semaphore, #tpu.memory_space<semaphore_mem>>
      %dma_start3A_835 = arith.constant 0 : i32
      %dma_start3A_836 = tpu.memref_slice %arg23[%add3A_727, %dma_start3A_835] : memref<10000x80xf32, #tpu.memory_space<vmem_shared>> -> memref<24x80xf32, #tpu.memory_space<vmem_shared>>
      %dma_start3A_837 = arith.constant 0 : i32
      %dma_start3A_838 = tpu.memref_slice %arg23[%add3A_727, %dma_start3A_837] : memref<10000x80xf32, #tpu.memory_space<vmem_shared>> -> memref<24x80xf32, #tpu.memory_space<vmem_shared>>
      tpu.enqueue_dma source(%arg22 : memref<24x80xf32, #tpu.memory_space<vmem>>) target(%dma_start3A_838 : memref<24x80xf32, #tpu.memory_space<vmem_shared>>) target_semaphore(%run_scoped3A : memref<!tpu.dma_semaphore, #tpu.memory_space<semaphore_mem>>)
      %dma_wait3A_839 = arith.constant 0 : i32
      %dma_wait3A_840 = tpu.memref_slice %arg23[%add3A_727, %dma_wait3A_839] : memref<10000x80xf32, #tpu.memory_space<vmem_shared>> -> memref<24x80xf32, #tpu.memory_space<vmem_shared>>
      %dma_wait3A_841 = arith.constant 0 : i32
      %dma_wait3A_842 = tpu.memref_slice %arg23[%add3A_727, %dma_wait3A_841] : memref<10000x80xf32, #tpu.memory_space<vmem_shared>> -> memref<24x80xf32, #tpu.memory_space<vmem_shared>>
      tpu.wait_dma2 semaphore(%run_scoped3A : memref<!tpu.dma_semaphore, #tpu.memory_space<semaphore_mem>>) src(%arg22 : memref<24x80xf32, #tpu.memory_space<vmem>>) dst(%dma_wait3A_842 : memref<24x80xf32, #tpu.memory_space<vmem_shared>>)
      tpu.yield
    }) : () -> ()
    %add3A_728 = arith.constant 72 : i32
    %add3A_729 = arith.addi %mul3A_0, %add3A_728 : i32
    "tpu.region"() ({
      %run_scoped3A = tpu.sem_alloc : memref<!tpu.dma_semaphore, #tpu.memory_space<semaphore_mem>>
      %dma_start3A_835 = arith.constant 0 : i32
      %dma_start3A_836 = tpu.memref_slice %arg23[%add3A_729, %dma_start3A_835] : memref<10000x80xf32, #tpu.memory_space<vmem_shared>> -> memref<24x80xf32, #tpu.memory_space<vmem_shared>>
      %dma_start3A_837 = arith.constant 0 : i32
      %dma_start3A_838 = tpu.memref_slice %arg23[%add3A_729, %dma_start3A_837] : memref<10000x80xf32, #tpu.memory_space<vmem_shared>> -> memref<24x80xf32, #tpu.memory_space<vmem_shared>>
      tpu.enqueue_dma source(%arg22 : memref<24x80xf32, #tpu.memory_space<vmem>>) target(%dma_start3A_838 : memref<24x80xf32, #tpu.memory_space<vmem_shared>>) target_semaphore(%run_scoped3A : memref<!tpu.dma_semaphore, #tpu.memory_space<semaphore_mem>>)
      %dma_wait3A_839 = arith.constant 0 : i32
      %dma_wait3A_840 = tpu.memref_slice %arg23[%add3A_729, %dma_wait3A_839] : memref<10000x80xf32, #tpu.memory_space<vmem_shared>> -> memref<24x80xf32, #tpu.memory_space<vmem_shared>>
      %dma_wait3A_841 = arith.constant 0 : i32
      %dma_wait3A_842 = tpu.memref_slice %arg23[%add3A_729, %dma_wait3A_841] : memref<10000x80xf32, #tpu.memory_space<vmem_shared>> -> memref<24x80xf32, #tpu.memory_space<vmem_shared>>
      tpu.wait_dma2 semaphore(%run_scoped3A : memref<!tpu.dma_semaphore, #tpu.memory_space<semaphore_mem>>) src(%arg22 : memref<24x80xf32, #tpu.memory_space<vmem>>) dst(%dma_wait3A_842 : memref<24x80xf32, #tpu.memory_space<vmem_shared>>)
      tpu.yield
    }) : () -> ()
    %add3A_730 = arith.constant 96 : i32
    %add3A_731 = arith.addi %mul3A_0, %add3A_730 : i32
    "tpu.region"() ({
      %run_scoped3A = tpu.sem_alloc : memref<!tpu.dma_semaphore, #tpu.memory_space<semaphore_mem>>
      %dma_start3A_835 = arith.constant 0 : i32
      %dma_start3A_836 = tpu.memref_slice %arg23[%add3A_731, %dma_start3A_835] : memref<10000x80xf32, #tpu.memory_space<vmem_shared>> -> memref<24x80xf32, #tpu.memory_space<vmem_shared>>
      %dma_start3A_837 = arith.constant 0 : i32
      %dma_start3A_838 = tpu.memref_slice %arg23[%add3A_731, %dma_start3A_837] : memref<10000x80xf32, #tpu.memory_space<vmem_shared>> -> memref<24x80xf32, #tpu.memory_space<vmem_shared>>
      tpu.enqueue_dma source(%arg22 : memref<24x80xf32, #tpu.memory_space<vmem>>) target(%dma_start3A_838 : memref<24x80xf32, #tpu.memory_space<vmem_shared>>) target_semaphore(%run_scoped3A : memref<!tpu.dma_semaphore, #tpu.memory_space<semaphore_mem>>)
      %dma_wait3A_839 = arith.constant 0 : i32
      %dma_wait3A_840 = tpu.memref_slice %arg23[%add3A_731, %dma_wait3A_839] : memref<10000x80xf32, #tpu.memory_space<vmem_shared>> -> memref<24x80xf32, #tpu.memory_space<vmem_shared>>
      %dma_wait3A_841 = arith.constant 0 : i32
      %dma_wait3A_842 = tpu.memref_slice %arg23[%add3A_731, %dma_wait3A_841] : memref<10000x80xf32, #tpu.memory_space<vmem_shared>> -> memref<24x80xf32, #tpu.memory_space<vmem_shared>>
      tpu.wait_dma2 semaphore(%run_scoped3A : memref<!tpu.dma_semaphore, #tpu.memory_space<semaphore_mem>>) src(%arg22 : memref<24x80xf32, #tpu.memory_space<vmem>>) dst(%dma_wait3A_842 : memref<24x80xf32, #tpu.memory_space<vmem_shared>>)
      tpu.yield
    }) : () -> ()
    %add3A_732 = arith.constant 120 : i32
    %add3A_733 = arith.addi %mul3A_0, %add3A_732 : i32
    "tpu.region"() ({
      %run_scoped3A = tpu.sem_alloc : memref<!tpu.dma_semaphore, #tpu.memory_space<semaphore_mem>>
      %dma_start3A_835 = arith.constant 0 : i32
      %dma_start3A_836 = tpu.memref_slice %arg23[%add3A_733, %dma_start3A_835] : memref<10000x80xf32, #tpu.memory_space<vmem_shared>> -> memref<24x80xf32, #tpu.memory_space<vmem_shared>>
      %dma_start3A_837 = arith.constant 0 : i32
      %dma_start3A_838 = tpu.memref_slice %arg23[%add3A_733, %dma_start3A_837] : memref<10000x80xf32, #tpu.memory_space<vmem_shared>> -> memref<24x80xf32, #tpu.memory_space<vmem_shared>>
      tpu.enqueue_dma source(%arg22 : memref<24x80xf32, #tpu.memory_space<vmem>>) target(%dma_start3A_838 : memref<24x80xf32, #tpu.memory_space<vmem_shared>>) target_semaphore(%run_scoped3A : memref<!tpu.dma_semaphore, #tpu.memory_space<semaphore_mem>>)
      %dma_wait3A_839 = arith.constant 0 : i32
      %dma_wait3A_840 = tpu.memref_slice %arg23[%add3A_733, %dma_wait3A_839] : memref<10000x80xf32, #tpu.memory_space<vmem_shared>> -> memref<24x80xf32, #tpu.memory_space<vmem_shared>>
      %dma_wait3A_841 = arith.constant 0 : i32
      %dma_wait3A_842 = tpu.memref_slice %arg23[%add3A_733, %dma_wait3A_841] : memref<10000x80xf32, #tpu.memory_space<vmem_shared>> -> memref<24x80xf32, #tpu.memory_space<vmem_shared>>
      tpu.wait_dma2 semaphore(%run_scoped3A : memref<!tpu.dma_semaphore, #tpu.memory_space<semaphore_mem>>) src(%arg22 : memref<24x80xf32, #tpu.memory_space<vmem>>) dst(%dma_wait3A_842 : memref<24x80xf32, #tpu.memory_space<vmem_shared>>)
      tpu.yield
    }) : () -> ()
    %add3A_734 = arith.constant 144 : i32
    %add3A_735 = arith.addi %mul3A_0, %add3A_734 : i32
    "tpu.region"() ({
      %run_scoped3A = tpu.sem_alloc : memref<!tpu.dma_semaphore, #tpu.memory_space<semaphore_mem>>
      %dma_start3A_835 = arith.constant 0 : i32
      %dma_start3A_836 = tpu.memref_slice %arg23[%add3A_735, %dma_start3A_835] : memref<10000x80xf32, #tpu.memory_space<vmem_shared>> -> memref<24x80xf32, #tpu.memory_space<vmem_shared>>
      %dma_start3A_837 = arith.constant 0 : i32
      %dma_start3A_838 = tpu.memref_slice %arg23[%add3A_735, %dma_start3A_837] : memref<10000x80xf32, #tpu.memory_space<vmem_shared>> -> memref<24x80xf32, #tpu.memory_space<vmem_shared>>
      tpu.enqueue_dma source(%arg22 : memref<24x80xf32, #tpu.memory_space<vmem>>) target(%dma_start3A_838 : memref<24x80xf32, #tpu.memory_space<vmem_shared>>) target_semaphore(%run_scoped3A : memref<!tpu.dma_semaphore, #tpu.memory_space<semaphore_mem>>)
      %dma_wait3A_839 = arith.constant 0 : i32
      %dma_wait3A_840 = tpu.memref_slice %arg23[%add3A_735, %dma_wait3A_839] : memref<10000x80xf32, #tpu.memory_space<vmem_shared>> -> memref<24x80xf32, #tpu.memory_space<vmem_shared>>
      %dma_wait3A_841 = arith.constant 0 : i32
      %dma_wait3A_842 = tpu.memref_slice %arg23[%add3A_735, %dma_wait3A_841] : memref<10000x80xf32, #tpu.memory_space<vmem_shared>> -> memref<24x80xf32, #tpu.memory_space<vmem_shared>>
      tpu.wait_dma2 semaphore(%run_scoped3A : memref<!tpu.dma_semaphore, #tpu.memory_space<semaphore_mem>>) src(%arg22 : memref<24x80xf32, #tpu.memory_space<vmem>>) dst(%dma_wait3A_842 : memref<24x80xf32, #tpu.memory_space<vmem_shared>>)
      tpu.yield
    }) : () -> ()
    %add3A_736 = arith.constant 168 : i32
    %add3A_737 = arith.addi %mul3A_0, %add3A_736 : i32
    "tpu.region"() ({
      %run_scoped3A = tpu.sem_alloc : memref<!tpu.dma_semaphore, #tpu.memory_space<semaphore_mem>>
      %dma_start3A_835 = arith.constant 0 : i32
      %dma_start3A_836 = tpu.memref_slice %arg23[%add3A_737, %dma_start3A_835] : memref<10000x80xf32, #tpu.memory_space<vmem_shared>> -> memref<24x80xf32, #tpu.memory_space<vmem_shared>>
      %dma_start3A_837 = arith.constant 0 : i32
      %dma_start3A_838 = tpu.memref_slice %arg23[%add3A_737, %dma_start3A_837] : memref<10000x80xf32, #tpu.memory_space<vmem_shared>> -> memref<24x80xf32, #tpu.memory_space<vmem_shared>>
      tpu.enqueue_dma source(%arg22 : memref<24x80xf32, #tpu.memory_space<vmem>>) target(%dma_start3A_838 : memref<24x80xf32, #tpu.memory_space<vmem_shared>>) target_semaphore(%run_scoped3A : memref<!tpu.dma_semaphore, #tpu.memory_space<semaphore_mem>>)
      %dma_wait3A_839 = arith.constant 0 : i32
      %dma_wait3A_840 = tpu.memref_slice %arg23[%add3A_737, %dma_wait3A_839] : memref<10000x80xf32, #tpu.memory_space<vmem_shared>> -> memref<24x80xf32, #tpu.memory_space<vmem_shared>>
      %dma_wait3A_841 = arith.constant 0 : i32
      %dma_wait3A_842 = tpu.memref_slice %arg23[%add3A_737, %dma_wait3A_841] : memref<10000x80xf32, #tpu.memory_space<vmem_shared>> -> memref<24x80xf32, #tpu.memory_space<vmem_shared>>
      tpu.wait_dma2 semaphore(%run_scoped3A : memref<!tpu.dma_semaphore, #tpu.memory_space<semaphore_mem>>) src(%arg22 : memref<24x80xf32, #tpu.memory_space<vmem>>) dst(%dma_wait3A_842 : memref<24x80xf32, #tpu.memory_space<vmem_shared>>)
      tpu.yield
    }) : () -> ()
    %add3A_738 = arith.constant 192 : i32
    %add3A_739 = arith.addi %mul3A_0, %add3A_738 : i32
    "tpu.region"() ({
      %run_scoped3A = tpu.sem_alloc : memref<!tpu.dma_semaphore, #tpu.memory_space<semaphore_mem>>
      %dma_start3A_835 = arith.constant 0 : i32
      %dma_start3A_836 = tpu.memref_slice %arg23[%add3A_739, %dma_start3A_835] : memref<10000x80xf32, #tpu.memory_space<vmem_shared>> -> memref<24x80xf32, #tpu.memory_space<vmem_shared>>
      %dma_start3A_837 = arith.constant 0 : i32
      %dma_start3A_838 = tpu.memref_slice %arg23[%add3A_739, %dma_start3A_837] : memref<10000x80xf32, #tpu.memory_space<vmem_shared>> -> memref<24x80xf32, #tpu.memory_space<vmem_shared>>
      tpu.enqueue_dma source(%arg22 : memref<24x80xf32, #tpu.memory_space<vmem>>) target(%dma_start3A_838 : memref<24x80xf32, #tpu.memory_space<vmem_shared>>) target_semaphore(%run_scoped3A : memref<!tpu.dma_semaphore, #tpu.memory_space<semaphore_mem>>)
      %dma_wait3A_839 = arith.constant 0 : i32
      %dma_wait3A_840 = tpu.memref_slice %arg23[%add3A_739, %dma_wait3A_839] : memref<10000x80xf32, #tpu.memory_space<vmem_shared>> -> memref<24x80xf32, #tpu.memory_space<vmem_shared>>
      %dma_wait3A_841 = arith.constant 0 : i32
      %dma_wait3A_842 = tpu.memref_slice %arg23[%add3A_739, %dma_wait3A_841] : memref<10000x80xf32, #tpu.memory_space<vmem_shared>> -> memref<24x80xf32, #tpu.memory_space<vmem_shared>>
      tpu.wait_dma2 semaphore(%run_scoped3A : memref<!tpu.dma_semaphore, #tpu.memory_space<semaphore_mem>>) src(%arg22 : memref<24x80xf32, #tpu.memory_space<vmem>>) dst(%dma_wait3A_842 : memref<24x80xf32, #tpu.memory_space<vmem_shared>>)
      tpu.yield
    }) : () -> ()
    %add3A_740 = arith.constant 216 : i32
    %add3A_741 = arith.addi %mul3A_0, %add3A_740 : i32
    "tpu.region"() ({
      %run_scoped3A = tpu.sem_alloc : memref<!tpu.dma_semaphore, #tpu.memory_space<semaphore_mem>>
      %dma_start3A_835 = arith.constant 0 : i32
      %dma_start3A_836 = tpu.memref_slice %arg23[%add3A_741, %dma_start3A_835] : memref<10000x80xf32, #tpu.memory_space<vmem_shared>> -> memref<24x80xf32, #tpu.memory_space<vmem_shared>>
      %dma_start3A_837 = arith.constant 0 : i32
      %dma_start3A_838 = tpu.memref_slice %arg23[%add3A_741, %dma_start3A_837] : memref<10000x80xf32, #tpu.memory_space<vmem_shared>> -> memref<24x80xf32, #tpu.memory_space<vmem_shared>>
      tpu.enqueue_dma source(%arg22 : memref<24x80xf32, #tpu.memory_space<vmem>>) target(%dma_start3A_838 : memref<24x80xf32, #tpu.memory_space<vmem_shared>>) target_semaphore(%run_scoped3A : memref<!tpu.dma_semaphore, #tpu.memory_space<semaphore_mem>>)
      %dma_wait3A_839 = arith.constant 0 : i32
      %dma_wait3A_840 = tpu.memref_slice %arg23[%add3A_741, %dma_wait3A_839] : memref<10000x80xf32, #tpu.memory_space<vmem_shared>> -> memref<24x80xf32, #tpu.memory_space<vmem_shared>>
      %dma_wait3A_841 = arith.constant 0 : i32
      %dma_wait3A_842 = tpu.memref_slice %arg23[%add3A_741, %dma_wait3A_841] : memref<10000x80xf32, #tpu.memory_space<vmem_shared>> -> memref<24x80xf32, #tpu.memory_space<vmem_shared>>
      tpu.wait_dma2 semaphore(%run_scoped3A : memref<!tpu.dma_semaphore, #tpu.memory_space<semaphore_mem>>) src(%arg22 : memref<24x80xf32, #tpu.memory_space<vmem>>) dst(%dma_wait3A_842 : memref<24x80xf32, #tpu.memory_space<vmem_shared>>)
      tpu.yield
    }) : () -> ()
    %add3A_742 = arith.constant 240 : i32
    %add3A_743 = arith.addi %mul3A_0, %add3A_742 : i32
    "tpu.region"() ({
      %run_scoped3A = tpu.sem_alloc : memref<!tpu.dma_semaphore, #tpu.memory_space<semaphore_mem>>
      %dma_start3A_835 = arith.constant 0 : i32
      %dma_start3A_836 = tpu.memref_slice %arg23[%add3A_743, %dma_start3A_835] : memref<10000x80xf32, #tpu.memory_space<vmem_shared>> -> memref<24x80xf32, #tpu.memory_space<vmem_shared>>
      %dma_start3A_837 = arith.constant 0 : i32
      %dma_start3A_838 = tpu.memref_slice %arg23[%add3A_743, %dma_start3A_837] : memref<10000x80xf32, #tpu.memory_space<vmem_shared>> -> memref<24x80xf32, #tpu.memory_space<vmem_shared>>
      tpu.enqueue_dma source(%arg22 : memref<24x80xf32, #tpu.memory_space<vmem>>) target(%dma_start3A_838 : memref<24x80xf32, #tpu.memory_space<vmem_shared>>) target_semaphore(%run_scoped3A : memref<!tpu.dma_semaphore, #tpu.memory_space<semaphore_mem>>)
      %dma_wait3A_839 = arith.constant 0 : i32
      %dma_wait3A_840 = tpu.memref_slice %arg23[%add3A_743, %dma_wait3A_839] : memref<10000x80xf32, #tpu.memory_space<vmem_shared>> -> memref<24x80xf32, #tpu.memory_space<vmem_shared>>
      %dma_wait3A_841 = arith.constant 0 : i32
      %dma_wait3A_842 = tpu.memref_slice %arg23[%add3A_743, %dma_wait3A_841] : memref<10000x80xf32, #tpu.memory_space<vmem_shared>> -> memref<24x80xf32, #tpu.memory_space<vmem_shared>>
      tpu.wait_dma2 semaphore(%run_scoped3A : memref<!tpu.dma_semaphore, #tpu.memory_space<semaphore_mem>>) src(%arg22 : memref<24x80xf32, #tpu.memory_space<vmem>>) dst(%dma_wait3A_842 : memref<24x80xf32, #tpu.memory_space<vmem_shared>>)
      tpu.yield
    }) : () -> ()
    %add3A_744 = arith.constant 264 : i32
    %add3A_745 = arith.addi %mul3A_0, %add3A_744 : i32
    "tpu.region"() ({
      %run_scoped3A = tpu.sem_alloc : memref<!tpu.dma_semaphore, #tpu.memory_space<semaphore_mem>>
      %dma_start3A_835 = arith.constant 0 : i32
      %dma_start3A_836 = tpu.memref_slice %arg23[%add3A_745, %dma_start3A_835] : memref<10000x80xf32, #tpu.memory_space<vmem_shared>> -> memref<24x80xf32, #tpu.memory_space<vmem_shared>>
      %dma_start3A_837 = arith.constant 0 : i32
      %dma_start3A_838 = tpu.memref_slice %arg23[%add3A_745, %dma_start3A_837] : memref<10000x80xf32, #tpu.memory_space<vmem_shared>> -> memref<24x80xf32, #tpu.memory_space<vmem_shared>>
      tpu.enqueue_dma source(%arg22 : memref<24x80xf32, #tpu.memory_space<vmem>>) target(%dma_start3A_838 : memref<24x80xf32, #tpu.memory_space<vmem_shared>>) target_semaphore(%run_scoped3A : memref<!tpu.dma_semaphore, #tpu.memory_space<semaphore_mem>>)
      %dma_wait3A_839 = arith.constant 0 : i32
      %dma_wait3A_840 = tpu.memref_slice %arg23[%add3A_745, %dma_wait3A_839] : memref<10000x80xf32, #tpu.memory_space<vmem_shared>> -> memref<24x80xf32, #tpu.memory_space<vmem_shared>>
      %dma_wait3A_841 = arith.constant 0 : i32
      %dma_wait3A_842 = tpu.memref_slice %arg23[%add3A_745, %dma_wait3A_841] : memref<10000x80xf32, #tpu.memory_space<vmem_shared>> -> memref<24x80xf32, #tpu.memory_space<vmem_shared>>
      tpu.wait_dma2 semaphore(%run_scoped3A : memref<!tpu.dma_semaphore, #tpu.memory_space<semaphore_mem>>) src(%arg22 : memref<24x80xf32, #tpu.memory_space<vmem>>) dst(%dma_wait3A_842 : memref<24x80xf32, #tpu.memory_space<vmem_shared>>)
      tpu.yield
    }) : () -> ()
    %add3A_746 = arith.constant 288 : i32
    %add3A_747 = arith.addi %mul3A_0, %add3A_746 : i32
    "tpu.region"() ({
      %run_scoped3A = tpu.sem_alloc : memref<!tpu.dma_semaphore, #tpu.memory_space<semaphore_mem>>
      %dma_start3A_835 = arith.constant 0 : i32
      %dma_start3A_836 = tpu.memref_slice %arg23[%add3A_747, %dma_start3A_835] : memref<10000x80xf32, #tpu.memory_space<vmem_shared>> -> memref<24x80xf32, #tpu.memory_space<vmem_shared>>
      %dma_start3A_837 = arith.constant 0 : i32
      %dma_start3A_838 = tpu.memref_slice %arg23[%add3A_747, %dma_start3A_837] : memref<10000x80xf32, #tpu.memory_space<vmem_shared>> -> memref<24x80xf32, #tpu.memory_space<vmem_shared>>
      tpu.enqueue_dma source(%arg22 : memref<24x80xf32, #tpu.memory_space<vmem>>) target(%dma_start3A_838 : memref<24x80xf32, #tpu.memory_space<vmem_shared>>) target_semaphore(%run_scoped3A : memref<!tpu.dma_semaphore, #tpu.memory_space<semaphore_mem>>)
      %dma_wait3A_839 = arith.constant 0 : i32
      %dma_wait3A_840 = tpu.memref_slice %arg23[%add3A_747, %dma_wait3A_839] : memref<10000x80xf32, #tpu.memory_space<vmem_shared>> -> memref<24x80xf32, #tpu.memory_space<vmem_shared>>
      %dma_wait3A_841 = arith.constant 0 : i32
      %dma_wait3A_842 = tpu.memref_slice %arg23[%add3A_747, %dma_wait3A_841] : memref<10000x80xf32, #tpu.memory_space<vmem_shared>> -> memref<24x80xf32, #tpu.memory_space<vmem_shared>>
      tpu.wait_dma2 semaphore(%run_scoped3A : memref<!tpu.dma_semaphore, #tpu.memory_space<semaphore_mem>>) src(%arg22 : memref<24x80xf32, #tpu.memory_space<vmem>>) dst(%dma_wait3A_842 : memref<24x80xf32, #tpu.memory_space<vmem_shared>>)
      tpu.yield
    }) : () -> ()
    %add3A_748 = arith.constant 312 : i32
    %add3A_749 = arith.addi %mul3A_0, %add3A_748 : i32
    "tpu.region"() ({
      %run_scoped3A = tpu.sem_alloc : memref<!tpu.dma_semaphore, #tpu.memory_space<semaphore_mem>>
      %dma_start3A_835 = arith.constant 0 : i32
      %dma_start3A_836 = tpu.memref_slice %arg23[%add3A_749, %dma_start3A_835] : memref<10000x80xf32, #tpu.memory_space<vmem_shared>> -> memref<24x80xf32, #tpu.memory_space<vmem_shared>>
      %dma_start3A_837 = arith.constant 0 : i32
      %dma_start3A_838 = tpu.memref_slice %arg23[%add3A_749, %dma_start3A_837] : memref<10000x80xf32, #tpu.memory_space<vmem_shared>> -> memref<24x80xf32, #tpu.memory_space<vmem_shared>>
      tpu.enqueue_dma source(%arg22 : memref<24x80xf32, #tpu.memory_space<vmem>>) target(%dma_start3A_838 : memref<24x80xf32, #tpu.memory_space<vmem_shared>>) target_semaphore(%run_scoped3A : memref<!tpu.dma_semaphore, #tpu.memory_space<semaphore_mem>>)
      %dma_wait3A_839 = arith.constant 0 : i32
      %dma_wait3A_840 = tpu.memref_slice %arg23[%add3A_749, %dma_wait3A_839] : memref<10000x80xf32, #tpu.memory_space<vmem_shared>> -> memref<24x80xf32, #tpu.memory_space<vmem_shared>>
      %dma_wait3A_841 = arith.constant 0 : i32
      %dma_wait3A_842 = tpu.memref_slice %arg23[%add3A_749, %dma_wait3A_841] : memref<10000x80xf32, #tpu.memory_space<vmem_shared>> -> memref<24x80xf32, #tpu.memory_space<vmem_shared>>
      tpu.wait_dma2 semaphore(%run_scoped3A : memref<!tpu.dma_semaphore, #tpu.memory_space<semaphore_mem>>) src(%arg22 : memref<24x80xf32, #tpu.memory_space<vmem>>) dst(%dma_wait3A_842 : memref<24x80xf32, #tpu.memory_space<vmem_shared>>)
      tpu.yield
    }) : () -> ()
    %add3A_750 = arith.constant 336 : i32
    %add3A_751 = arith.addi %mul3A_0, %add3A_750 : i32
    "tpu.region"() ({
      %run_scoped3A = tpu.sem_alloc : memref<!tpu.dma_semaphore, #tpu.memory_space<semaphore_mem>>
      %dma_start3A_835 = arith.constant 0 : i32
      %dma_start3A_836 = tpu.memref_slice %arg23[%add3A_751, %dma_start3A_835] : memref<10000x80xf32, #tpu.memory_space<vmem_shared>> -> memref<24x80xf32, #tpu.memory_space<vmem_shared>>
      %dma_start3A_837 = arith.constant 0 : i32
      %dma_start3A_838 = tpu.memref_slice %arg23[%add3A_751, %dma_start3A_837] : memref<10000x80xf32, #tpu.memory_space<vmem_shared>> -> memref<24x80xf32, #tpu.memory_space<vmem_shared>>
      tpu.enqueue_dma source(%arg22 : memref<24x80xf32, #tpu.memory_space<vmem>>) target(%dma_start3A_838 : memref<24x80xf32, #tpu.memory_space<vmem_shared>>) target_semaphore(%run_scoped3A : memref<!tpu.dma_semaphore, #tpu.memory_space<semaphore_mem>>)
      %dma_wait3A_839 = arith.constant 0 : i32
      %dma_wait3A_840 = tpu.memref_slice %arg23[%add3A_751, %dma_wait3A_839] : memref<10000x80xf32, #tpu.memory_space<vmem_shared>> -> memref<24x80xf32, #tpu.memory_space<vmem_shared>>
      %dma_wait3A_841 = arith.constant 0 : i32
      %dma_wait3A_842 = tpu.memref_slice %arg23[%add3A_751, %dma_wait3A_841] : memref<10000x80xf32, #tpu.memory_space<vmem_shared>> -> memref<24x80xf32, #tpu.memory_space<vmem_shared>>
      tpu.wait_dma2 semaphore(%run_scoped3A : memref<!tpu.dma_semaphore, #tpu.memory_space<semaphore_mem>>) src(%arg22 : memref<24x80xf32, #tpu.memory_space<vmem>>) dst(%dma_wait3A_842 : memref<24x80xf32, #tpu.memory_space<vmem_shared>>)
      tpu.yield
    }) : () -> ()
    %add3A_752 = arith.constant 360 : i32
    %add3A_753 = arith.addi %mul3A_0, %add3A_752 : i32
    "tpu.region"() ({
      %run_scoped3A = tpu.sem_alloc : memref<!tpu.dma_semaphore, #tpu.memory_space<semaphore_mem>>
      %dma_start3A_835 = arith.constant 0 : i32
      %dma_start3A_836 = tpu.memref_slice %arg23[%add3A_753, %dma_start3A_835] : memref<10000x80xf32, #tpu.memory_space<vmem_shared>> -> memref<24x80xf32, #tpu.memory_space<vmem_shared>>
      %dma_start3A_837 = arith.constant 0 : i32
      %dma_start3A_838 = tpu.memref_slice %arg23[%add3A_753, %dma_start3A_837] : memref<10000x80xf32, #tpu.memory_space<vmem_shared>> -> memref<24x80xf32, #tpu.memory_space<vmem_shared>>
      tpu.enqueue_dma source(%arg22 : memref<24x80xf32, #tpu.memory_space<vmem>>) target(%dma_start3A_838 : memref<24x80xf32, #tpu.memory_space<vmem_shared>>) target_semaphore(%run_scoped3A : memref<!tpu.dma_semaphore, #tpu.memory_space<semaphore_mem>>)
      %dma_wait3A_839 = arith.constant 0 : i32
      %dma_wait3A_840 = tpu.memref_slice %arg23[%add3A_753, %dma_wait3A_839] : memref<10000x80xf32, #tpu.memory_space<vmem_shared>> -> memref<24x80xf32, #tpu.memory_space<vmem_shared>>
      %dma_wait3A_841 = arith.constant 0 : i32
      %dma_wait3A_842 = tpu.memref_slice %arg23[%add3A_753, %dma_wait3A_841] : memref<10000x80xf32, #tpu.memory_space<vmem_shared>> -> memref<24x80xf32, #tpu.memory_space<vmem_shared>>
      tpu.wait_dma2 semaphore(%run_scoped3A : memref<!tpu.dma_semaphore, #tpu.memory_space<semaphore_mem>>) src(%arg22 : memref<24x80xf32, #tpu.memory_space<vmem>>) dst(%dma_wait3A_842 : memref<24x80xf32, #tpu.memory_space<vmem_shared>>)
      tpu.yield
    }) : () -> ()
    %add3A_754 = arith.constant 384 : i32
    %add3A_755 = arith.addi %mul3A_0, %add3A_754 : i32
    "tpu.region"() ({
      %run_scoped3A = tpu.sem_alloc : memref<!tpu.dma_semaphore, #tpu.memory_space<semaphore_mem>>
      %dma_start3A_835 = arith.constant 0 : i32
      %dma_start3A_836 = tpu.memref_slice %arg23[%add3A_755, %dma_start3A_835] : memref<10000x80xf32, #tpu.memory_space<vmem_shared>> -> memref<24x80xf32, #tpu.memory_space<vmem_shared>>
      %dma_start3A_837 = arith.constant 0 : i32
      %dma_start3A_838 = tpu.memref_slice %arg23[%add3A_755, %dma_start3A_837] : memref<10000x80xf32, #tpu.memory_space<vmem_shared>> -> memref<24x80xf32, #tpu.memory_space<vmem_shared>>
      tpu.enqueue_dma source(%arg22 : memref<24x80xf32, #tpu.memory_space<vmem>>) target(%dma_start3A_838 : memref<24x80xf32, #tpu.memory_space<vmem_shared>>) target_semaphore(%run_scoped3A : memref<!tpu.dma_semaphore, #tpu.memory_space<semaphore_mem>>)
      %dma_wait3A_839 = arith.constant 0 : i32
      %dma_wait3A_840 = tpu.memref_slice %arg23[%add3A_755, %dma_wait3A_839] : memref<10000x80xf32, #tpu.memory_space<vmem_shared>> -> memref<24x80xf32, #tpu.memory_space<vmem_shared>>
      %dma_wait3A_841 = arith.constant 0 : i32
      %dma_wait3A_842 = tpu.memref_slice %arg23[%add3A_755, %dma_wait3A_841] : memref<10000x80xf32, #tpu.memory_space<vmem_shared>> -> memref<24x80xf32, #tpu.memory_space<vmem_shared>>
      tpu.wait_dma2 semaphore(%run_scoped3A : memref<!tpu.dma_semaphore, #tpu.memory_space<semaphore_mem>>) src(%arg22 : memref<24x80xf32, #tpu.memory_space<vmem>>) dst(%dma_wait3A_842 : memref<24x80xf32, #tpu.memory_space<vmem_shared>>)
      tpu.yield
    }) : () -> ()
    %add3A_756 = arith.constant 408 : i32
    %add3A_757 = arith.addi %mul3A_0, %add3A_756 : i32
    "tpu.region"() ({
      %run_scoped3A = tpu.sem_alloc : memref<!tpu.dma_semaphore, #tpu.memory_space<semaphore_mem>>
      %dma_start3A_835 = arith.constant 0 : i32
      %dma_start3A_836 = tpu.memref_slice %arg23[%add3A_757, %dma_start3A_835] : memref<10000x80xf32, #tpu.memory_space<vmem_shared>> -> memref<24x80xf32, #tpu.memory_space<vmem_shared>>
      %dma_start3A_837 = arith.constant 0 : i32
      %dma_start3A_838 = tpu.memref_slice %arg23[%add3A_757, %dma_start3A_837] : memref<10000x80xf32, #tpu.memory_space<vmem_shared>> -> memref<24x80xf32, #tpu.memory_space<vmem_shared>>
      tpu.enqueue_dma source(%arg22 : memref<24x80xf32, #tpu.memory_space<vmem>>) target(%dma_start3A_838 : memref<24x80xf32, #tpu.memory_space<vmem_shared>>) target_semaphore(%run_scoped3A : memref<!tpu.dma_semaphore, #tpu.memory_space<semaphore_mem>>)
      %dma_wait3A_839 = arith.constant 0 : i32
      %dma_wait3A_840 = tpu.memref_slice %arg23[%add3A_757, %dma_wait3A_839] : memref<10000x80xf32, #tpu.memory_space<vmem_shared>> -> memref<24x80xf32, #tpu.memory_space<vmem_shared>>
      %dma_wait3A_841 = arith.constant 0 : i32
      %dma_wait3A_842 = tpu.memref_slice %arg23[%add3A_757, %dma_wait3A_841] : memref<10000x80xf32, #tpu.memory_space<vmem_shared>> -> memref<24x80xf32, #tpu.memory_space<vmem_shared>>
      tpu.wait_dma2 semaphore(%run_scoped3A : memref<!tpu.dma_semaphore, #tpu.memory_space<semaphore_mem>>) src(%arg22 : memref<24x80xf32, #tpu.memory_space<vmem>>) dst(%dma_wait3A_842 : memref<24x80xf32, #tpu.memory_space<vmem_shared>>)
      tpu.yield
    }) : () -> ()
    %add3A_758 = arith.constant 432 : i32
    %add3A_759 = arith.addi %mul3A_0, %add3A_758 : i32
    "tpu.region"() ({
      %run_scoped3A = tpu.sem_alloc : memref<!tpu.dma_semaphore, #tpu.memory_space<semaphore_mem>>
      %dma_start3A_835 = arith.constant 0 : i32
      %dma_start3A_836 = tpu.memref_slice %arg23[%add3A_759, %dma_start3A_835] : memref<10000x80xf32, #tpu.memory_space<vmem_shared>> -> memref<24x80xf32, #tpu.memory_space<vmem_shared>>
      %dma_start3A_837 = arith.constant 0 : i32
      %dma_start3A_838 = tpu.memref_slice %arg23[%add3A_759, %dma_start3A_837] : memref<10000x80xf32, #tpu.memory_space<vmem_shared>> -> memref<24x80xf32, #tpu.memory_space<vmem_shared>>
      tpu.enqueue_dma source(%arg22 : memref<24x80xf32, #tpu.memory_space<vmem>>) target(%dma_start3A_838 : memref<24x80xf32, #tpu.memory_space<vmem_shared>>) target_semaphore(%run_scoped3A : memref<!tpu.dma_semaphore, #tpu.memory_space<semaphore_mem>>)
      %dma_wait3A_839 = arith.constant 0 : i32
      %dma_wait3A_840 = tpu.memref_slice %arg23[%add3A_759, %dma_wait3A_839] : memref<10000x80xf32, #tpu.memory_space<vmem_shared>> -> memref<24x80xf32, #tpu.memory_space<vmem_shared>>
      %dma_wait3A_841 = arith.constant 0 : i32
      %dma_wait3A_842 = tpu.memref_slice %arg23[%add3A_759, %dma_wait3A_841] : memref<10000x80xf32, #tpu.memory_space<vmem_shared>> -> memref<24x80xf32, #tpu.memory_space<vmem_shared>>
      tpu.wait_dma2 semaphore(%run_scoped3A : memref<!tpu.dma_semaphore, #tpu.memory_space<semaphore_mem>>) src(%arg22 : memref<24x80xf32, #tpu.memory_space<vmem>>) dst(%dma_wait3A_842 : memref<24x80xf32, #tpu.memory_space<vmem_shared>>)
      tpu.yield
    }) : () -> ()
    %add3A_760 = arith.constant 456 : i32
    %add3A_761 = arith.addi %mul3A_0, %add3A_760 : i32
    "tpu.region"() ({
      %run_scoped3A = tpu.sem_alloc : memref<!tpu.dma_semaphore, #tpu.memory_space<semaphore_mem>>
      %dma_start3A_835 = arith.constant 0 : i32
      %dma_start3A_836 = tpu.memref_slice %arg23[%add3A_761, %dma_start3A_835] : memref<10000x80xf32, #tpu.memory_space<vmem_shared>> -> memref<24x80xf32, #tpu.memory_space<vmem_shared>>
      %dma_start3A_837 = arith.constant 0 : i32
      %dma_start3A_838 = tpu.memref_slice %arg23[%add3A_761, %dma_start3A_837] : memref<10000x80xf32, #tpu.memory_space<vmem_shared>> -> memref<24x80xf32, #tpu.memory_space<vmem_shared>>
      tpu.enqueue_dma source(%arg22 : memref<24x80xf32, #tpu.memory_space<vmem>>) target(%dma_start3A_838 : memref<24x80xf32, #tpu.memory_space<vmem_shared>>) target_semaphore(%run_scoped3A : memref<!tpu.dma_semaphore, #tpu.memory_space<semaphore_mem>>)
      %dma_wait3A_839 = arith.constant 0 : i32
      %dma_wait3A_840 = tpu.memref_slice %arg23[%add3A_761, %dma_wait3A_839] : memref<10000x80xf32, #tpu.memory_space<vmem_shared>> -> memref<24x80xf32, #tpu.memory_space<vmem_shared>>
      %dma_wait3A_841 = arith.constant 0 : i32
      %dma_wait3A_842 = tpu.memref_slice %arg23[%add3A_761, %dma_wait3A_841] : memref<10000x80xf32, #tpu.memory_space<vmem_shared>> -> memref<24x80xf32, #tpu.memory_space<vmem_shared>>
      tpu.wait_dma2 semaphore(%run_scoped3A : memref<!tpu.dma_semaphore, #tpu.memory_space<semaphore_mem>>) src(%arg22 : memref<24x80xf32, #tpu.memory_space<vmem>>) dst(%dma_wait3A_842 : memref<24x80xf32, #tpu.memory_space<vmem_shared>>)
      tpu.yield
    }) : () -> ()
    %add3A_762 = arith.constant 480 : i32
    %add3A_763 = arith.addi %mul3A_0, %add3A_762 : i32
    "tpu.region"() ({
      %run_scoped3A = tpu.sem_alloc : memref<!tpu.dma_semaphore, #tpu.memory_space<semaphore_mem>>
      %dma_start3A_835 = arith.constant 0 : i32
      %dma_start3A_836 = tpu.memref_slice %arg23[%add3A_763, %dma_start3A_835] : memref<10000x80xf32, #tpu.memory_space<vmem_shared>> -> memref<24x80xf32, #tpu.memory_space<vmem_shared>>
      %dma_start3A_837 = arith.constant 0 : i32
      %dma_start3A_838 = tpu.memref_slice %arg23[%add3A_763, %dma_start3A_837] : memref<10000x80xf32, #tpu.memory_space<vmem_shared>> -> memref<24x80xf32, #tpu.memory_space<vmem_shared>>
      tpu.enqueue_dma source(%arg22 : memref<24x80xf32, #tpu.memory_space<vmem>>) target(%dma_start3A_838 : memref<24x80xf32, #tpu.memory_space<vmem_shared>>) target_semaphore(%run_scoped3A : memref<!tpu.dma_semaphore, #tpu.memory_space<semaphore_mem>>)
      %dma_wait3A_839 = arith.constant 0 : i32
      %dma_wait3A_840 = tpu.memref_slice %arg23[%add3A_763, %dma_wait3A_839] : memref<10000x80xf32, #tpu.memory_space<vmem_shared>> -> memref<24x80xf32, #tpu.memory_space<vmem_shared>>
      %dma_wait3A_841 = arith.constant 0 : i32
      %dma_wait3A_842 = tpu.memref_slice %arg23[%add3A_763, %dma_wait3A_841] : memref<10000x80xf32, #tpu.memory_space<vmem_shared>> -> memref<24x80xf32, #tpu.memory_space<vmem_shared>>
      tpu.wait_dma2 semaphore(%run_scoped3A : memref<!tpu.dma_semaphore, #tpu.memory_space<semaphore_mem>>) src(%arg22 : memref<24x80xf32, #tpu.memory_space<vmem>>) dst(%dma_wait3A_842 : memref<24x80xf32, #tpu.memory_space<vmem_shared>>)
      tpu.yield
    }) : () -> ()
    %add3A_764 = arith.constant 504 : i32
    %add3A_765 = arith.addi %mul3A_0, %add3A_764 : i32
    "tpu.region"() ({
      %run_scoped3A = tpu.sem_alloc : memref<!tpu.dma_semaphore, #tpu.memory_space<semaphore_mem>>
      %dma_start3A_835 = arith.constant 0 : i32
      %dma_start3A_836 = tpu.memref_slice %arg23[%add3A_765, %dma_start3A_835] : memref<10000x80xf32, #tpu.memory_space<vmem_shared>> -> memref<24x80xf32, #tpu.memory_space<vmem_shared>>
      %dma_start3A_837 = arith.constant 0 : i32
      %dma_start3A_838 = tpu.memref_slice %arg23[%add3A_765, %dma_start3A_837] : memref<10000x80xf32, #tpu.memory_space<vmem_shared>> -> memref<24x80xf32, #tpu.memory_space<vmem_shared>>
      tpu.enqueue_dma source(%arg22 : memref<24x80xf32, #tpu.memory_space<vmem>>) target(%dma_start3A_838 : memref<24x80xf32, #tpu.memory_space<vmem_shared>>) target_semaphore(%run_scoped3A : memref<!tpu.dma_semaphore, #tpu.memory_space<semaphore_mem>>)
      %dma_wait3A_839 = arith.constant 0 : i32
      %dma_wait3A_840 = tpu.memref_slice %arg23[%add3A_765, %dma_wait3A_839] : memref<10000x80xf32, #tpu.memory_space<vmem_shared>> -> memref<24x80xf32, #tpu.memory_space<vmem_shared>>
      %dma_wait3A_841 = arith.constant 0 : i32
      %dma_wait3A_842 = tpu.memref_slice %arg23[%add3A_765, %dma_wait3A_841] : memref<10000x80xf32, #tpu.memory_space<vmem_shared>> -> memref<24x80xf32, #tpu.memory_space<vmem_shared>>
      tpu.wait_dma2 semaphore(%run_scoped3A : memref<!tpu.dma_semaphore, #tpu.memory_space<semaphore_mem>>) src(%arg22 : memref<24x80xf32, #tpu.memory_space<vmem>>) dst(%dma_wait3A_842 : memref<24x80xf32, #tpu.memory_space<vmem_shared>>)
      tpu.yield
    }) : () -> ()
    %add3A_766 = arith.constant 528 : i32
    %add3A_767 = arith.addi %mul3A_0, %add3A_766 : i32
    "tpu.region"() ({
      %run_scoped3A = tpu.sem_alloc : memref<!tpu.dma_semaphore, #tpu.memory_space<semaphore_mem>>
      %dma_start3A_835 = arith.constant 0 : i32
      %dma_start3A_836 = tpu.memref_slice %arg23[%add3A_767, %dma_start3A_835] : memref<10000x80xf32, #tpu.memory_space<vmem_shared>> -> memref<24x80xf32, #tpu.memory_space<vmem_shared>>
      %dma_start3A_837 = arith.constant 0 : i32
      %dma_start3A_838 = tpu.memref_slice %arg23[%add3A_767, %dma_start3A_837] : memref<10000x80xf32, #tpu.memory_space<vmem_shared>> -> memref<24x80xf32, #tpu.memory_space<vmem_shared>>
      tpu.enqueue_dma source(%arg22 : memref<24x80xf32, #tpu.memory_space<vmem>>) target(%dma_start3A_838 : memref<24x80xf32, #tpu.memory_space<vmem_shared>>) target_semaphore(%run_scoped3A : memref<!tpu.dma_semaphore, #tpu.memory_space<semaphore_mem>>)
      %dma_wait3A_839 = arith.constant 0 : i32
      %dma_wait3A_840 = tpu.memref_slice %arg23[%add3A_767, %dma_wait3A_839] : memref<10000x80xf32, #tpu.memory_space<vmem_shared>> -> memref<24x80xf32, #tpu.memory_space<vmem_shared>>
      %dma_wait3A_841 = arith.constant 0 : i32
      %dma_wait3A_842 = tpu.memref_slice %arg23[%add3A_767, %dma_wait3A_841] : memref<10000x80xf32, #tpu.memory_space<vmem_shared>> -> memref<24x80xf32, #tpu.memory_space<vmem_shared>>
      tpu.wait_dma2 semaphore(%run_scoped3A : memref<!tpu.dma_semaphore, #tpu.memory_space<semaphore_mem>>) src(%arg22 : memref<24x80xf32, #tpu.memory_space<vmem>>) dst(%dma_wait3A_842 : memref<24x80xf32, #tpu.memory_space<vmem_shared>>)
      tpu.yield
    }) : () -> ()
    %add3A_768 = arith.constant 552 : i32
    %add3A_769 = arith.addi %mul3A_0, %add3A_768 : i32
    "tpu.region"() ({
      %run_scoped3A = tpu.sem_alloc : memref<!tpu.dma_semaphore, #tpu.memory_space<semaphore_mem>>
      %dma_start3A_835 = arith.constant 0 : i32
      %dma_start3A_836 = tpu.memref_slice %arg23[%add3A_769, %dma_start3A_835] : memref<10000x80xf32, #tpu.memory_space<vmem_shared>> -> memref<24x80xf32, #tpu.memory_space<vmem_shared>>
      %dma_start3A_837 = arith.constant 0 : i32
      %dma_start3A_838 = tpu.memref_slice %arg23[%add3A_769, %dma_start3A_837] : memref<10000x80xf32, #tpu.memory_space<vmem_shared>> -> memref<24x80xf32, #tpu.memory_space<vmem_shared>>
      tpu.enqueue_dma source(%arg22 : memref<24x80xf32, #tpu.memory_space<vmem>>) target(%dma_start3A_838 : memref<24x80xf32, #tpu.memory_space<vmem_shared>>) target_semaphore(%run_scoped3A : memref<!tpu.dma_semaphore, #tpu.memory_space<semaphore_mem>>)
      %dma_wait3A_839 = arith.constant 0 : i32
      %dma_wait3A_840 = tpu.memref_slice %arg23[%add3A_769, %dma_wait3A_839] : memref<10000x80xf32, #tpu.memory_space<vmem_shared>> -> memref<24x80xf32, #tpu.memory_space<vmem_shared>>
      %dma_wait3A_841 = arith.constant 0 : i32
      %dma_wait3A_842 = tpu.memref_slice %arg23[%add3A_769, %dma_wait3A_841] : memref<10000x80xf32, #tpu.memory_space<vmem_shared>> -> memref<24x80xf32, #tpu.memory_space<vmem_shared>>
      tpu.wait_dma2 semaphore(%run_scoped3A : memref<!tpu.dma_semaphore, #tpu.memory_space<semaphore_mem>>) src(%arg22 : memref<24x80xf32, #tpu.memory_space<vmem>>) dst(%dma_wait3A_842 : memref<24x80xf32, #tpu.memory_space<vmem_shared>>)
      tpu.yield
    }) : () -> ()
    %add3A_770 = arith.constant 576 : i32
    %add3A_771 = arith.addi %mul3A_0, %add3A_770 : i32
    "tpu.region"() ({
      %run_scoped3A = tpu.sem_alloc : memref<!tpu.dma_semaphore, #tpu.memory_space<semaphore_mem>>
      %dma_start3A_835 = arith.constant 0 : i32
      %dma_start3A_836 = tpu.memref_slice %arg23[%add3A_771, %dma_start3A_835] : memref<10000x80xf32, #tpu.memory_space<vmem_shared>> -> memref<24x80xf32, #tpu.memory_space<vmem_shared>>
      %dma_start3A_837 = arith.constant 0 : i32
      %dma_start3A_838 = tpu.memref_slice %arg23[%add3A_771, %dma_start3A_837] : memref<10000x80xf32, #tpu.memory_space<vmem_shared>> -> memref<24x80xf32, #tpu.memory_space<vmem_shared>>
      tpu.enqueue_dma source(%arg22 : memref<24x80xf32, #tpu.memory_space<vmem>>) target(%dma_start3A_838 : memref<24x80xf32, #tpu.memory_space<vmem_shared>>) target_semaphore(%run_scoped3A : memref<!tpu.dma_semaphore, #tpu.memory_space<semaphore_mem>>)
      %dma_wait3A_839 = arith.constant 0 : i32
      %dma_wait3A_840 = tpu.memref_slice %arg23[%add3A_771, %dma_wait3A_839] : memref<10000x80xf32, #tpu.memory_space<vmem_shared>> -> memref<24x80xf32, #tpu.memory_space<vmem_shared>>
      %dma_wait3A_841 = arith.constant 0 : i32
      %dma_wait3A_842 = tpu.memref_slice %arg23[%add3A_771, %dma_wait3A_841] : memref<10000x80xf32, #tpu.memory_space<vmem_shared>> -> memref<24x80xf32, #tpu.memory_space<vmem_shared>>
      tpu.wait_dma2 semaphore(%run_scoped3A : memref<!tpu.dma_semaphore, #tpu.memory_space<semaphore_mem>>) src(%arg22 : memref<24x80xf32, #tpu.memory_space<vmem>>) dst(%dma_wait3A_842 : memref<24x80xf32, #tpu.memory_space<vmem_shared>>)
      tpu.yield
    }) : () -> ()
    %add3A_772 = arith.constant 600 : i32
    %add3A_773 = arith.addi %mul3A_0, %add3A_772 : i32
    "tpu.region"() ({
      %run_scoped3A = tpu.sem_alloc : memref<!tpu.dma_semaphore, #tpu.memory_space<semaphore_mem>>
      %dma_start3A_835 = arith.constant 0 : i32
      %dma_start3A_836 = tpu.memref_slice %arg23[%add3A_773, %dma_start3A_835] : memref<10000x80xf32, #tpu.memory_space<vmem_shared>> -> memref<24x80xf32, #tpu.memory_space<vmem_shared>>
      %dma_start3A_837 = arith.constant 0 : i32
      %dma_start3A_838 = tpu.memref_slice %arg23[%add3A_773, %dma_start3A_837] : memref<10000x80xf32, #tpu.memory_space<vmem_shared>> -> memref<24x80xf32, #tpu.memory_space<vmem_shared>>
      tpu.enqueue_dma source(%arg22 : memref<24x80xf32, #tpu.memory_space<vmem>>) target(%dma_start3A_838 : memref<24x80xf32, #tpu.memory_space<vmem_shared>>) target_semaphore(%run_scoped3A : memref<!tpu.dma_semaphore, #tpu.memory_space<semaphore_mem>>)
      %dma_wait3A_839 = arith.constant 0 : i32
      %dma_wait3A_840 = tpu.memref_slice %arg23[%add3A_773, %dma_wait3A_839] : memref<10000x80xf32, #tpu.memory_space<vmem_shared>> -> memref<24x80xf32, #tpu.memory_space<vmem_shared>>
      %dma_wait3A_841 = arith.constant 0 : i32
      %dma_wait3A_842 = tpu.memref_slice %arg23[%add3A_773, %dma_wait3A_841] : memref<10000x80xf32, #tpu.memory_space<vmem_shared>> -> memref<24x80xf32, #tpu.memory_space<vmem_shared>>
      tpu.wait_dma2 semaphore(%run_scoped3A : memref<!tpu.dma_semaphore, #tpu.memory_space<semaphore_mem>>) src(%arg22 : memref<24x80xf32, #tpu.memory_space<vmem>>) dst(%dma_wait3A_842 : memref<24x80xf32, #tpu.memory_space<vmem_shared>>)
      tpu.yield
    }) : () -> ()
    %eq3A = arith.constant 0 : i32
    %eq3A_774 = arith.cmpi eq, %arg1, %eq3A : i32
    %convert_element_type3A_775 = arith.extui %eq3A_774 : i1 to i32
    %cond3A = arith.constant 0 : i32
    %cond3A_776 = arith.cmpi ne, %convert_element_type3A_775, %cond3A : i32
    scf.if %cond3A_776 {
      "tpu.region"() ({
        %run_scoped3A = tpu.sem_alloc : memref<!tpu.dma_semaphore, #tpu.memory_space<semaphore_mem>>
        %dma_start3A_835 = arith.constant 0 : i32
        %dma_start3A_836 = arith.constant 0 : i32
        %dma_start3A_837 = tpu.memref_slice %arg22[%dma_start3A_835, %dma_start3A_836] : memref<24x80xf32, #tpu.memory_space<vmem>> -> memref<16x80xf32, #tpu.memory_space<vmem>>
        %dma_start3A_838 = arith.constant 9984 : i32
        %dma_start3A_839 = arith.constant 0 : i32
        %dma_start3A_840 = tpu.memref_slice %arg23[%dma_start3A_838, %dma_start3A_839] : memref<10000x80xf32, #tpu.memory_space<vmem_shared>> -> memref<16x80xf32, #tpu.memory_space<vmem_shared>>
        %dma_start3A_841 = arith.constant 9984 : i32
        %dma_start3A_842 = arith.constant 0 : i32
        %dma_start3A_843 = tpu.memref_slice %arg23[%dma_start3A_841, %dma_start3A_842] : memref<10000x80xf32, #tpu.memory_space<vmem_shared>> -> memref<16x80xf32, #tpu.memory_space<vmem_shared>>
        %dma_start3A_844 = arith.constant 0 : i32
        %dma_start3A_845 = arith.constant 0 : i32
        %dma_start3A_846 = tpu.memref_slice %arg22[%dma_start3A_844, %dma_start3A_845] : memref<24x80xf32, #tpu.memory_space<vmem>> -> memref<16x80xf32, #tpu.memory_space<vmem>>
        tpu.enqueue_dma source(%dma_start3A_846 : memref<16x80xf32, #tpu.memory_space<vmem>>) target(%dma_start3A_843 : memref<16x80xf32, #tpu.memory_space<vmem_shared>>) target_semaphore(%run_scoped3A : memref<!tpu.dma_semaphore, #tpu.memory_space<semaphore_mem>>)
        %dma_wait3A_847 = arith.constant 0 : i32
        %dma_wait3A_848 = arith.constant 0 : i32
        %dma_wait3A_849 = tpu.memref_slice %arg22[%dma_wait3A_847, %dma_wait3A_848] : memref<24x80xf32, #tpu.memory_space<vmem>> -> memref<16x80xf32, #tpu.memory_space<vmem>>
        %dma_wait3A_850 = arith.constant 9984 : i32
        %dma_wait3A_851 = arith.constant 0 : i32
        %dma_wait3A_852 = tpu.memref_slice %arg23[%dma_wait3A_850, %dma_wait3A_851] : memref<10000x80xf32, #tpu.memory_space<vmem_shared>> -> memref<16x80xf32, #tpu.memory_space<vmem_shared>>
        %dma_wait3A_853 = arith.constant 9984 : i32
        %dma_wait3A_854 = arith.constant 0 : i32
        %dma_wait3A_855 = tpu.memref_slice %arg23[%dma_wait3A_853, %dma_wait3A_854] : memref<10000x80xf32, #tpu.memory_space<vmem_shared>> -> memref<16x80xf32, #tpu.memory_space<vmem_shared>>
        %dma_wait3A_856 = arith.constant 0 : i32
        %dma_wait3A_857 = arith.constant 0 : i32
        %dma_wait3A_858 = tpu.memref_slice %arg22[%dma_wait3A_856, %dma_wait3A_857] : memref<24x80xf32, #tpu.memory_space<vmem>> -> memref<16x80xf32, #tpu.memory_space<vmem>>
        tpu.wait_dma2 semaphore(%run_scoped3A : memref<!tpu.dma_semaphore, #tpu.memory_space<semaphore_mem>>) src(%dma_wait3A_858 : memref<16x80xf32, #tpu.memory_space<vmem>>) dst(%dma_wait3A_855 : memref<16x80xf32, #tpu.memory_space<vmem_shared>>)
        tpu.yield
      }) : () -> ()
    } else {
    }
    %barrier3A = arith.constant 0 : index
    tpu.barrier barrier_id(%barrier3A)
    %lt3A = arith.constant 2 : i32
    %lt3A_777 = vector.broadcast %lt3A : i32 to vector<16xi32>
    %lt3A_778 = arith.cmpi slt, %iota3A, %lt3A_777 : vector<16xi32>
    %add3A_779 = arith.constant 4 : i32
    %add3A_780 = vector.broadcast %add3A_779 : i32 to vector<16xi32>
    %add3A_781 = arith.addi %iota3A, %add3A_780 : vector<16xi32>
    %jit3A = arith.constant 8 : i32
    %broadcast_in_dim3A = vector.broadcast %jit3A : i32 to vector<16xi32>
    %select_n3A = arith.select %lt3A_778, %add3A_781, %broadcast_in_dim3A : vector<16xi1>, vector<16xi32>
    %mul3A_782 = arith.constant 0 : i32
    %mul3A_783 = vector.broadcast %mul3A_782 : i32 to vector<16xi32>
    %mul3A_784 = arith.muli %iota3A, %mul3A_783 : vector<16xi32>
    %add3A_785 = arith.constant 0 : i32
    %add3A_786 = vector.broadcast %add3A_785 : i32 to vector<16xi32>
    %add3A_787 = arith.addi %mul3A_784, %add3A_786 : vector<16xi32>
    %mul3A_788 = arith.constant 0 : i32
    %mul3A_789 = vector.broadcast %mul3A_788 : i32 to vector<16xi32>
    %mul3A_790 = arith.muli %iota3A, %mul3A_789 : vector<16xi32>
    %add3A_791 = arith.constant 1 : i32
    %add3A_792 = vector.broadcast %add3A_791 : i32 to vector<16xi32>
    %add3A_793 = arith.addi %mul3A_790, %add3A_792 : vector<16xi32>
    %mul3A_794 = arith.constant 10752 : i32
    %mul3A_795 = arith.muli %arg1, %mul3A_794 : i32
    %add3A_796 = arith.constant 0 : i32
    %add3A_797 = arith.addi %mul3A_795, %add3A_796 : i32
    "tpu.region"() ({
      %run_scoped3A = tpu.sem_alloc : memref<!tpu.dma_semaphore, #tpu.memory_space<semaphore_mem>>
      %dma_start3A_835 = tpu.memref_slice %arg4[%arg0, %add3A_797] : memref<2x172032xi32, #tpu.memory_space<hbm>> -> memref<1x128xi32, #tpu.memory_space<hbm>>
      %dma_start3A_836 = tpu.memref_squeeze %dma_start3A_835 : memref<1x128xi32, #tpu.memory_space<hbm>> -> memref<128xi32, #tpu.memory_space<hbm>>
      %dma_start3A_837 = tpu.memref_slice %arg4[%arg0, %add3A_797] : memref<2x172032xi32, #tpu.memory_space<hbm>> -> memref<1x128xi32, #tpu.memory_space<hbm>>
      %dma_start3A_838 = tpu.memref_squeeze %dma_start3A_837 : memref<1x128xi32, #tpu.memory_space<hbm>> -> memref<128xi32, #tpu.memory_space<hbm>>
      tpu.enqueue_dma source(%dma_start3A_838 : memref<128xi32, #tpu.memory_space<hbm>>) target(%arg8 : memref<128xi32, #tpu.memory_space<vmem>>) target_semaphore(%run_scoped3A : memref<!tpu.dma_semaphore, #tpu.memory_space<semaphore_mem>>)
      %dma_wait3A_839 = tpu.memref_slice %arg4[%arg0, %add3A_797] : memref<2x172032xi32, #tpu.memory_space<hbm>> -> memref<1x128xi32, #tpu.memory_space<hbm>>
      %dma_wait3A_840 = tpu.memref_squeeze %dma_wait3A_839 : memref<1x128xi32, #tpu.memory_space<hbm>> -> memref<128xi32, #tpu.memory_space<hbm>>
      %dma_wait3A_841 = tpu.memref_slice %arg4[%arg0, %add3A_797] : memref<2x172032xi32, #tpu.memory_space<hbm>> -> memref<1x128xi32, #tpu.memory_space<hbm>>
      %dma_wait3A_842 = tpu.memref_squeeze %dma_wait3A_841 : memref<1x128xi32, #tpu.memory_space<hbm>> -> memref<128xi32, #tpu.memory_space<hbm>>
      tpu.wait_dma2 semaphore(%run_scoped3A : memref<!tpu.dma_semaphore, #tpu.memory_space<semaphore_mem>>) src(%dma_wait3A_842 : memref<128xi32, #tpu.memory_space<hbm>>) dst(%arg8 : memref<128xi32, #tpu.memory_space<vmem>>)
      tpu.yield
    }) : () -> ()
    "tpu.region"() ({
      %run_scoped3A = tpu.sem_alloc : memref<!tpu.dma_semaphore, #tpu.memory_space<semaphore_mem>>
      %dma_start3A_835 = tpu.memref_slice %arg5[%arg0, %add3A_797] : memref<2x172032xi32, #tpu.memory_space<hbm>> -> memref<1x128xi32, #tpu.memory_space<hbm>>
      %dma_start3A_836 = tpu.memref_squeeze %dma_start3A_835 : memref<1x128xi32, #tpu.memory_space<hbm>> -> memref<128xi32, #tpu.memory_space<hbm>>
      %dma_start3A_837 = tpu.memref_slice %arg5[%arg0, %add3A_797] : memref<2x172032xi32, #tpu.memory_space<hbm>> -> memref<1x128xi32, #tpu.memory_space<hbm>>
      %dma_start3A_838 = tpu.memref_squeeze %dma_start3A_837 : memref<1x128xi32, #tpu.memory_space<hbm>> -> memref<128xi32, #tpu.memory_space<hbm>>
      tpu.enqueue_dma source(%dma_start3A_838 : memref<128xi32, #tpu.memory_space<hbm>>) target(%arg10 : memref<128xi32, #tpu.memory_space<vmem>>) target_semaphore(%run_scoped3A : memref<!tpu.dma_semaphore, #tpu.memory_space<semaphore_mem>>)
      %dma_wait3A_839 = tpu.memref_slice %arg5[%arg0, %add3A_797] : memref<2x172032xi32, #tpu.memory_space<hbm>> -> memref<1x128xi32, #tpu.memory_space<hbm>>
      %dma_wait3A_840 = tpu.memref_squeeze %dma_wait3A_839 : memref<1x128xi32, #tpu.memory_space<hbm>> -> memref<128xi32, #tpu.memory_space<hbm>>
      %dma_wait3A_841 = tpu.memref_slice %arg5[%arg0, %add3A_797] : memref<2x172032xi32, #tpu.memory_space<hbm>> -> memref<1x128xi32, #tpu.memory_space<hbm>>
      %dma_wait3A_842 = tpu.memref_squeeze %dma_wait3A_841 : memref<1x128xi32, #tpu.memory_space<hbm>> -> memref<128xi32, #tpu.memory_space<hbm>>
      tpu.wait_dma2 semaphore(%run_scoped3A : memref<!tpu.dma_semaphore, #tpu.memory_space<semaphore_mem>>) src(%dma_wait3A_842 : memref<128xi32, #tpu.memory_space<hbm>>) dst(%arg10 : memref<128xi32, #tpu.memory_space<vmem>>)
      tpu.yield
    }) : () -> ()
    %dma_start3A = arith.constant 0 : i32
    %dma_start3A_798 = arith.constant 0 : i32
    %dma_start3A_799 = tpu.memref_slice %arg2[%dma_start3A, %dma_start3A_798] : memref<20000x64xf32, #tpu.memory_space<hbm>> -> memref<20000x64xf32, #tpu.memory_space<hbm>>
    tpu.enqueue_indirect_dma source(%dma_start3A_799 : memref<20000x64xf32, #tpu.memory_space<hbm>>) target(%arg14 : memref<128x64xf32, #tpu.memory_space<vmem>>) offsets(%arg8 : memref<128xi32, #tpu.memory_space<vmem>>) semaphore(%arg24 : memref<!tpu.dma_semaphore, #tpu.memory_space<semaphore_mem>>)
    %dma_start3A_800 = arith.constant 0 : i32
    %dma_start3A_801 = arith.constant 0 : i32
    %dma_start3A_802 = tpu.memref_slice %arg3[%dma_start3A_800, %dma_start3A_801] : memref<20000x16xf32, #tpu.memory_space<hbm>> -> memref<20000x16xf32, #tpu.memory_space<hbm>>
    tpu.enqueue_indirect_dma source(%dma_start3A_802 : memref<20000x16xf32, #tpu.memory_space<hbm>>) target(%arg16 : memref<128x16xf32, #tpu.memory_space<vmem>>) offsets(%arg8 : memref<128xi32, #tpu.memory_space<vmem>>) semaphore(%arg26 : memref<!tpu.dma_semaphore, #tpu.memory_space<semaphore_mem>>)
    %dma_start3A_803 = arith.constant 0 : i32
    %dma_start3A_804 = arith.constant 0 : i32
    %dma_start3A_805 = tpu.memref_slice %arg3[%dma_start3A_803, %dma_start3A_804] : memref<20000x16xf32, #tpu.memory_space<hbm>> -> memref<20000x16xf32, #tpu.memory_space<hbm>>
    tpu.enqueue_indirect_dma source(%dma_start3A_805 : memref<20000x16xf32, #tpu.memory_space<hbm>>) target(%arg18 : memref<128x16xf32, #tpu.memory_space<vmem>>) offsets(%arg10 : memref<128xi32, #tpu.memory_space<vmem>>) semaphore(%arg28 : memref<!tpu.dma_semaphore, #tpu.memory_space<semaphore_mem>>)
    %scan3A = arith.constant 0 : i32
    %scan3A_806 = arith.constant 0 : i32
    %scan3A_807 = arith.constant 42 : i32
    %scan3A_808 = arith.addi %scan3A_806, %scan3A_807 : i32
    %scan3A_809 = arith.constant 1 : i32
    %scan3A_810 = scf.for %scan3A_835 = %scan3A_806 to %scan3A_808 step %scan3A_809 iter_args(%scan3A_836 = %scan3A) -> (i32)  : i32 {
      %mul3A_837 = arith.constant 2 : i32
      %mul3A_838 = arith.muli %mul3A_837, %scan3A_835 : i32
      %add3A_839 = arith.constant 1 : i32
      %add3A_840 = arith.addi %mul3A_838, %add3A_839 : i32
      %mul3A_841 = arith.constant 10752 : i32
      %mul3A_842 = arith.muli %arg1, %mul3A_841 : i32
      %mul3A_843 = arith.constant 128 : i32
      %mul3A_844 = arith.muli %add3A_840, %mul3A_843 : i32
      %add3A_845 = arith.addi %mul3A_842, %mul3A_844 : i32
      "tpu.region"() ({
        %run_scoped3A = tpu.sem_alloc : memref<!tpu.dma_semaphore, #tpu.memory_space<semaphore_mem>>
        %dma_start3A_932 = tpu.memref_slice %arg4[%arg0, %add3A_845] : memref<2x172032xi32, #tpu.memory_space<hbm>> -> memref<1x128xi32, #tpu.memory_space<hbm>>
        %dma_start3A_933 = tpu.memref_squeeze %dma_start3A_932 : memref<1x128xi32, #tpu.memory_space<hbm>> -> memref<128xi32, #tpu.memory_space<hbm>>
        %dma_start3A_934 = tpu.memref_slice %arg4[%arg0, %add3A_845] : memref<2x172032xi32, #tpu.memory_space<hbm>> -> memref<1x128xi32, #tpu.memory_space<hbm>>
        %dma_start3A_935 = tpu.memref_squeeze %dma_start3A_934 : memref<1x128xi32, #tpu.memory_space<hbm>> -> memref<128xi32, #tpu.memory_space<hbm>>
        tpu.enqueue_dma source(%dma_start3A_935 : memref<128xi32, #tpu.memory_space<hbm>>) target(%arg9 : memref<128xi32, #tpu.memory_space<vmem>>) target_semaphore(%run_scoped3A : memref<!tpu.dma_semaphore, #tpu.memory_space<semaphore_mem>>)
        %dma_wait3A_936 = tpu.memref_slice %arg4[%arg0, %add3A_845] : memref<2x172032xi32, #tpu.memory_space<hbm>> -> memref<1x128xi32, #tpu.memory_space<hbm>>
        %dma_wait3A_937 = tpu.memref_squeeze %dma_wait3A_936 : memref<1x128xi32, #tpu.memory_space<hbm>> -> memref<128xi32, #tpu.memory_space<hbm>>
        %dma_wait3A_938 = tpu.memref_slice %arg4[%arg0, %add3A_845] : memref<2x172032xi32, #tpu.memory_space<hbm>> -> memref<1x128xi32, #tpu.memory_space<hbm>>
        %dma_wait3A_939 = tpu.memref_squeeze %dma_wait3A_938 : memref<1x128xi32, #tpu.memory_space<hbm>> -> memref<128xi32, #tpu.memory_space<hbm>>
        tpu.wait_dma2 semaphore(%run_scoped3A : memref<!tpu.dma_semaphore, #tpu.memory_space<semaphore_mem>>) src(%dma_wait3A_939 : memref<128xi32, #tpu.memory_space<hbm>>) dst(%arg9 : memref<128xi32, #tpu.memory_space<vmem>>)
        tpu.yield
      }) : () -> ()
      "tpu.region"() ({
        %run_scoped3A = tpu.sem_alloc : memref<!tpu.dma_semaphore, #tpu.memory_space<semaphore_mem>>
        %dma_start3A_932 = tpu.memref_slice %arg5[%arg0, %add3A_845] : memref<2x172032xi32, #tpu.memory_space<hbm>> -> memref<1x128xi32, #tpu.memory_space<hbm>>
        %dma_start3A_933 = tpu.memref_squeeze %dma_start3A_932 : memref<1x128xi32, #tpu.memory_space<hbm>> -> memref<128xi32, #tpu.memory_space<hbm>>
        %dma_start3A_934 = tpu.memref_slice %arg5[%arg0, %add3A_845] : memref<2x172032xi32, #tpu.memory_space<hbm>> -> memref<1x128xi32, #tpu.memory_space<hbm>>
        %dma_start3A_935 = tpu.memref_squeeze %dma_start3A_934 : memref<1x128xi32, #tpu.memory_space<hbm>> -> memref<128xi32, #tpu.memory_space<hbm>>
        tpu.enqueue_dma source(%dma_start3A_935 : memref<128xi32, #tpu.memory_space<hbm>>) target(%arg11 : memref<128xi32, #tpu.memory_space<vmem>>) target_semaphore(%run_scoped3A : memref<!tpu.dma_semaphore, #tpu.memory_space<semaphore_mem>>)
        %dma_wait3A_936 = tpu.memref_slice %arg5[%arg0, %add3A_845] : memref<2x172032xi32, #tpu.memory_space<hbm>> -> memref<1x128xi32, #tpu.memory_space<hbm>>
        %dma_wait3A_937 = tpu.memref_squeeze %dma_wait3A_936 : memref<1x128xi32, #tpu.memory_space<hbm>> -> memref<128xi32, #tpu.memory_space<hbm>>
        %dma_wait3A_938 = tpu.memref_slice %arg5[%arg0, %add3A_845] : memref<2x172032xi32, #tpu.memory_space<hbm>> -> memref<1x128xi32, #tpu.memory_space<hbm>>
        %dma_wait3A_939 = tpu.memref_squeeze %dma_wait3A_938 : memref<1x128xi32, #tpu.memory_space<hbm>> -> memref<128xi32, #tpu.memory_space<hbm>>
        tpu.wait_dma2 semaphore(%run_scoped3A : memref<!tpu.dma_semaphore, #tpu.memory_space<semaphore_mem>>) src(%dma_wait3A_939 : memref<128xi32, #tpu.memory_space<hbm>>) dst(%arg11 : memref<128xi32, #tpu.memory_space<vmem>>)
        tpu.yield
      }) : () -> ()
      %dma_start3A_846 = arith.constant 0 : i32
      %dma_start3A_847 = arith.constant 0 : i32
      %dma_start3A_848 = tpu.memref_slice %arg2[%dma_start3A_846, %dma_start3A_847] : memref<20000x64xf32, #tpu.memory_space<hbm>> -> memref<20000x64xf32, #tpu.memory_space<hbm>>
      tpu.enqueue_indirect_dma source(%dma_start3A_848 : memref<20000x64xf32, #tpu.memory_space<hbm>>) target(%arg15 : memref<128x64xf32, #tpu.memory_space<vmem>>) offsets(%arg9 : memref<128xi32, #tpu.memory_space<vmem>>) semaphore(%arg25 : memref<!tpu.dma_semaphore, #tpu.memory_space<semaphore_mem>>)
      %dma_start3A_849 = arith.constant 0 : i32
      %dma_start3A_850 = arith.constant 0 : i32
      %dma_start3A_851 = tpu.memref_slice %arg3[%dma_start3A_849, %dma_start3A_850] : memref<20000x16xf32, #tpu.memory_space<hbm>> -> memref<20000x16xf32, #tpu.memory_space<hbm>>
      tpu.enqueue_indirect_dma source(%dma_start3A_851 : memref<20000x16xf32, #tpu.memory_space<hbm>>) target(%arg17 : memref<128x16xf32, #tpu.memory_space<vmem>>) offsets(%arg9 : memref<128xi32, #tpu.memory_space<vmem>>) semaphore(%arg27 : memref<!tpu.dma_semaphore, #tpu.memory_space<semaphore_mem>>)
      %dma_start3A_852 = arith.constant 0 : i32
      %dma_start3A_853 = arith.constant 0 : i32
      %dma_start3A_854 = tpu.memref_slice %arg3[%dma_start3A_852, %dma_start3A_853] : memref<20000x16xf32, #tpu.memory_space<hbm>> -> memref<20000x16xf32, #tpu.memory_space<hbm>>
      tpu.enqueue_indirect_dma source(%dma_start3A_854 : memref<20000x16xf32, #tpu.memory_space<hbm>>) target(%arg19 : memref<128x16xf32, #tpu.memory_space<vmem>>) offsets(%arg11 : memref<128xi32, #tpu.memory_space<vmem>>) semaphore(%arg29 : memref<!tpu.dma_semaphore, #tpu.memory_space<semaphore_mem>>)
      %dma_wait3A_855 = arith.constant 0 : i32
      %dma_wait3A_856 = arith.constant 0 : i32
      %dma_wait3A_857 = tpu.memref_slice %arg2[%dma_wait3A_855, %dma_wait3A_856] : memref<20000x64xf32, #tpu.memory_space<hbm>> -> memref<20000x64xf32, #tpu.memory_space<hbm>>
      tpu.wait_indirect_dma semaphore(%arg24 : memref<!tpu.dma_semaphore, #tpu.memory_space<semaphore_mem>>) src(%dma_wait3A_857 : memref<20000x64xf32, #tpu.memory_space<hbm>>) dst(%arg14 : memref<128x64xf32, #tpu.memory_space<vmem>>)
      %dma_wait3A_858 = arith.constant 0 : i32
      %dma_wait3A_859 = arith.constant 0 : i32
      %dma_wait3A_860 = tpu.memref_slice %arg3[%dma_wait3A_858, %dma_wait3A_859] : memref<20000x16xf32, #tpu.memory_space<hbm>> -> memref<20000x16xf32, #tpu.memory_space<hbm>>
      tpu.wait_indirect_dma semaphore(%arg26 : memref<!tpu.dma_semaphore, #tpu.memory_space<semaphore_mem>>) src(%dma_wait3A_860 : memref<20000x16xf32, #tpu.memory_space<hbm>>) dst(%arg16 : memref<128x16xf32, #tpu.memory_space<vmem>>)
      %dma_wait3A_861 = arith.constant 0 : i32
      %dma_wait3A_862 = arith.constant 0 : i32
      %dma_wait3A_863 = tpu.memref_slice %arg3[%dma_wait3A_861, %dma_wait3A_862] : memref<20000x16xf32, #tpu.memory_space<hbm>> -> memref<20000x16xf32, #tpu.memory_space<hbm>>
      tpu.wait_indirect_dma semaphore(%arg28 : memref<!tpu.dma_semaphore, #tpu.memory_space<semaphore_mem>>) src(%dma_wait3A_863 : memref<20000x16xf32, #tpu.memory_space<hbm>>) dst(%arg18 : memref<128x16xf32, #tpu.memory_space<vmem>>)
      %gt3A = arith.constant 0 : i32
      %gt3A_864 = arith.cmpi sgt, %scan3A_835, %gt3A : i32
      %convert_element_type3A_865 = arith.extui %gt3A_864 : i1 to i32
      %cond3A_866 = arith.constant 0 : i32
      %cond3A_867 = arith.cmpi ne, %convert_element_type3A_865, %cond3A_866 : i32
      scf.if %cond3A_867 {
        %dma_wait3A_932 = arith.constant 0 : i32
        %dma_wait3A_933 = arith.constant 0 : i32
        %dma_wait3A_934 = tpu.memref_slice %arg23[%dma_wait3A_932, %dma_wait3A_933] : memref<10000x80xf32, #tpu.memory_space<vmem_shared>> -> memref<10000x80xf32, #tpu.memory_space<vmem_shared>>
        tpu.wait_indirect_dma semaphore(%arg30 : memref<!tpu.dma_semaphore, #tpu.memory_space<semaphore_mem>>) src(%arg20 : memref<128x80xf32, #tpu.memory_space<vmem>>) dst(%dma_wait3A_934 : memref<10000x80xf32, #tpu.memory_space<vmem_shared>>)
      } else {
      }
      %mul3A_868 = arith.constant 10752 : i32
      %mul3A_869 = arith.muli %arg1, %mul3A_868 : i32
      %mul3A_870 = arith.constant 128 : i32
      %mul3A_871 = arith.muli %mul3A_838, %mul3A_870 : i32
      %add3A_872 = arith.addi %mul3A_869, %mul3A_871 : i32
      "tpu.region"() ({
        %run_scoped3A = tpu.sem_alloc : memref<!tpu.dma_semaphore, #tpu.memory_space<semaphore_mem>>
        %dma_start3A_932 = tpu.memref_slice %arg6[%add3A_872] : memref<172048xi32, #tpu.memory_space<hbm>> -> memref<128xi32, #tpu.memory_space<hbm>>
        %dma_start3A_933 = tpu.memref_slice %arg6[%add3A_872] : memref<172048xi32, #tpu.memory_space<hbm>> -> memref<128xi32, #tpu.memory_space<hbm>>
        tpu.enqueue_dma source(%dma_start3A_933 : memref<128xi32, #tpu.memory_space<hbm>>) target(%arg12 : memref<128xi32, #tpu.memory_space<vmem>>) target_semaphore(%run_scoped3A : memref<!tpu.dma_semaphore, #tpu.memory_space<semaphore_mem>>)
        %dma_wait3A_934 = tpu.memref_slice %arg6[%add3A_872] : memref<172048xi32, #tpu.memory_space<hbm>> -> memref<128xi32, #tpu.memory_space<hbm>>
        %dma_wait3A_935 = tpu.memref_slice %arg6[%add3A_872] : memref<172048xi32, #tpu.memory_space<hbm>> -> memref<128xi32, #tpu.memory_space<hbm>>
        tpu.wait_dma2 semaphore(%run_scoped3A : memref<!tpu.dma_semaphore, #tpu.memory_space<semaphore_mem>>) src(%dma_wait3A_935 : memref<128xi32, #tpu.memory_space<hbm>>) dst(%arg12 : memref<128xi32, #tpu.memory_space<vmem>>)
        tpu.yield
      }) : () -> ()
      %scan3A_873 = arith.constant 0 : i32
      %scan3A_874 = arith.constant 0 : i32
      %scan3A_875 = arith.constant 128 : i32
      %scan3A_876 = arith.addi %scan3A_874, %scan3A_875 : i32
      %scan3A_877 = arith.constant 8 : i32
      %scan3A_878 = scf.for %scan3A_932 = %scan3A_874 to %scan3A_876 step %scan3A_877 iter_args(%scan3A_933 = %scan3A_873) -> (i32)  : i32 {
        %get3A = arith.index_cast %scan3A_932 : i32 to index
        %get3A_934 = arith.constant 0 : index
        %get3A_935 = tpu.vector_load %arg16[%get3A, %get3A_934] {strides = array<i32>} : memref<128x16xf32, #tpu.memory_space<vmem>>, vector<1x16xf32>,
        %get3A_936 = vector.shape_cast %get3A_935 : vector<1x16xf32> to vector<16xf32>
        %get3A_937 = arith.index_cast %scan3A_932 : i32 to index
        %get3A_938 = arith.constant 0 : index
        %get3A_939 = tpu.vector_load %arg18[%get3A_937, %get3A_938] {strides = array<i32>} : memref<128x16xf32, #tpu.memory_space<vmem>>, vector<1x16xf32>,
        %get3A_940 = vector.shape_cast %get3A_939 : vector<1x16xf32> to vector<16xf32>
        %broadcast_in_dim3A_941 = vector.shape_cast %select_n3A : vector<16xi32> to vector<16x1xi32>
        %gather3A = vector.shape_cast %broadcast_in_dim3A_941 : vector<16x1xi32> to vector<16xi32>
        %gather3A_942 = tpu.dynamic_gather %get3A_940[%gather3A] in [0] : vector<16xf32>, vector<16xi32> -> vector<16xf32>
        %add3A_943 = arith.addf %get3A_936, %gather3A_942 : vector<16xf32>
        %max3A = arith.constant 0.000000e+00 : f32
        %max3A_944 = vector.broadcast %max3A : f32 to vector<16xf32>
        %max3A_945 = arith.maximumf %add3A_943, %max3A_944 : vector<16xf32>
        %min3A = arith.constant 0.000000e+00 : f32
        %min3A_946 = vector.broadcast %min3A : f32 to vector<16xf32>
        %min3A_947 = arith.minimumf %add3A_943, %min3A_946 : vector<16xf32>
        %mul3A_948 = arith.constant 2.000000e-01 : f32
        %mul3A_949 = vector.broadcast %mul3A_948 : f32 to vector<16xf32>
        %mul3A_950 = arith.mulf %mul3A_949, %min3A_947 : vector<16xf32>
        %add3A_951 = arith.addf %max3A_945, %mul3A_950 : vector<16xf32>
        %add3A_952 = arith.addi %add3A_872, %scan3A_932 : i32
        %convert_element_type3A_953 = arith.sitofp %add3A_952 : i32 to f32
        %add3A_954 = vector.broadcast %convert_element_type3A_953 : f32 to vector<16xf32>
        %add3A_955 = arith.addf %convert_element_type3A, %add3A_954 : vector<16xf32>
        %sub3A = arith.constant 1.700000e+05 : f32
        %sub3A_956 = vector.broadcast %sub3A : f32 to vector<16xf32>
        %sub3A_957 = arith.subf %sub3A_956, %add3A_955 : vector<16xf32>
        %max3A_958 = arith.constant 0.000000e+00 : f32
        %max3A_959 = vector.broadcast %max3A_958 : f32 to vector<16xf32>
        %max3A_960 = arith.maximumf %sub3A_957, %max3A_959 : vector<16xf32>
        %min3A_961 = arith.constant 1.000000e+00 : f32
        %min3A_962 = vector.broadcast %min3A_961 : f32 to vector<16xf32>
        %min3A_963 = arith.minimumf %max3A_960, %min3A_962 : vector<16xf32>
        %exp3A = math.exp %add3A_951 : vector<16xf32>
        %mul3A_964 = arith.mulf %exp3A, %min3A_963 : vector<16xf32>
        %swap3A_965 = arith.index_cast %scan3A_932 : i32 to index
        %swap3A_966 = arith.constant 64 : index
        %swap3A_967 = tpu.vector_load %arg20[%swap3A_965, %swap3A_966] {strides = array<i32>} : memref<128x80xf32, #tpu.memory_space<vmem>>, vector<1x16xf32>,
        %swap3A_968 = vector.shape_cast %swap3A_967 : vector<1x16xf32> to vector<16xf32>
        %swap3A_969 = vector.shape_cast %mul3A_964 : vector<16xf32> to vector<1x16xf32>
        tpu.vector_store %arg20[%swap3A_965, %swap3A_966], %swap3A_969 {strides = array<i32>} : memref<128x80xf32, #tpu.memory_space<vmem>>, vector<1x16xf32>,
        %broadcast_in_dim3A_970 = vector.shape_cast %add3A_787 : vector<16xi32> to vector<16x1xi32>
        %gather3A_971 = vector.shape_cast %broadcast_in_dim3A_970 : vector<16x1xi32> to vector<16xi32>
        %gather3A_972 = tpu.dynamic_gather %mul3A_964[%gather3A_971] in [0] : vector<16xf32>, vector<16xi32> -> vector<16xf32>
        %broadcast_in_dim3A_973 = vector.shape_cast %add3A_793 : vector<16xi32> to vector<16x1xi32>
        %gather3A_974 = vector.shape_cast %broadcast_in_dim3A_973 : vector<16x1xi32> to vector<16xi32>
        %gather3A_975 = tpu.dynamic_gather %mul3A_964[%gather3A_974] in [0] : vector<16xf32>, vector<16xi32> -> vector<16xf32>
        %get3A_976 = arith.index_cast %scan3A_932 : i32 to index
        %get3A_977 = arith.constant 0 : index
        %get3A_978 = tpu.vector_load %arg14[%get3A_976, %get3A_977] {strides = array<i32>} : memref<128x64xf32, #tpu.memory_space<vmem>>, vector<1x16xf32>,
        %get3A_979 = vector.shape_cast %get3A_978 : vector<1x16xf32> to vector<16xf32>
        %mul3A_980 = arith.mulf %get3A_979, %gather3A_972 : vector<16xf32>
        %swap3A_981 = arith.index_cast %scan3A_932 : i32 to index
        %swap3A_982 = arith.constant 0 : index
        %swap3A_983 = tpu.vector_load %arg20[%swap3A_981, %swap3A_982] {strides = array<i32>} : memref<128x80xf32, #tpu.memory_space<vmem>>, vector<1x16xf32>,
        %swap3A_984 = vector.shape_cast %swap3A_983 : vector<1x16xf32> to vector<16xf32>
        %swap3A_985 = vector.shape_cast %mul3A_980 : vector<16xf32> to vector<1x16xf32>
        tpu.vector_store %arg20[%swap3A_981, %swap3A_982], %swap3A_985 {strides = array<i32>} : memref<128x80xf32, #tpu.memory_space<vmem>>, vector<1x16xf32>,
        %get3A_986 = arith.index_cast %scan3A_932 : i32 to index
        %get3A_987 = arith.constant 16 : index
        %get3A_988 = tpu.vector_load %arg14[%get3A_986, %get3A_987] {strides = array<i32>} : memref<128x64xf32, #tpu.memory_space<vmem>>, vector<1x16xf32>,
        %get3A_989 = vector.shape_cast %get3A_988 : vector<1x16xf32> to vector<16xf32>
        %mul3A_990 = arith.mulf %get3A_989, %gather3A_972 : vector<16xf32>
        %swap3A_991 = arith.index_cast %scan3A_932 : i32 to index
        %swap3A_992 = arith.constant 16 : index
        %swap3A_993 = tpu.vector_load %arg20[%swap3A_991, %swap3A_992] {strides = array<i32>} : memref<128x80xf32, #tpu.memory_space<vmem>>, vector<1x16xf32>,
        %swap3A_994 = vector.shape_cast %swap3A_993 : vector<1x16xf32> to vector<16xf32>
        %swap3A_995 = vector.shape_cast %mul3A_990 : vector<16xf32> to vector<1x16xf32>
        tpu.vector_store %arg20[%swap3A_991, %swap3A_992], %swap3A_995 {strides = array<i32>} : memref<128x80xf32, #tpu.memory_space<vmem>>, vector<1x16xf32>,
        %get3A_996 = arith.index_cast %scan3A_932 : i32 to index
        %get3A_997 = arith.constant 32 : index
        %get3A_998 = tpu.vector_load %arg14[%get3A_996, %get3A_997] {strides = array<i32>} : memref<128x64xf32, #tpu.memory_space<vmem>>, vector<1x16xf32>,
        %get3A_999 = vector.shape_cast %get3A_998 : vector<1x16xf32> to vector<16xf32>
        %mul3A_1000 = arith.mulf %get3A_999, %gather3A_975 : vector<16xf32>
        %swap3A_1001 = arith.index_cast %scan3A_932 : i32 to index
        %swap3A_1002 = arith.constant 32 : index
        %swap3A_1003 = tpu.vector_load %arg20[%swap3A_1001, %swap3A_1002] {strides = array<i32>} : memref<128x80xf32, #tpu.memory_space<vmem>>, vector<1x16xf32>,
        %swap3A_1004 = vector.shape_cast %swap3A_1003 : vector<1x16xf32> to vector<16xf32>
        %swap3A_1005 = vector.shape_cast %mul3A_1000 : vector<16xf32> to vector<1x16xf32>
        tpu.vector_store %arg20[%swap3A_1001, %swap3A_1002], %swap3A_1005 {strides = array<i32>} : memref<128x80xf32, #tpu.memory_space<vmem>>, vector<1x16xf32>,
        %get3A_1006 = arith.index_cast %scan3A_932 : i32 to index
        %get3A_1007 = arith.constant 48 : index
        %get3A_1008 = tpu.vector_load %arg14[%get3A_1006, %get3A_1007] {strides = array<i32>} : memref<128x64xf32, #tpu.memory_space<vmem>>, vector<1x16xf32>,
        %get3A_1009 = vector.shape_cast %get3A_1008 : vector<1x16xf32> to vector<16xf32>
        %mul3A_1010 = arith.mulf %get3A_1009, %gather3A_975 : vector<16xf32>
        %swap3A_1011 = arith.index_cast %scan3A_932 : i32 to index
        %swap3A_1012 = arith.constant 48 : index
        %swap3A_1013 = tpu.vector_load %arg20[%swap3A_1011, %swap3A_1012] {strides = array<i32>} : memref<128x80xf32, #tpu.memory_space<vmem>>, vector<1x16xf32>,
        %swap3A_1014 = vector.shape_cast %swap3A_1013 : vector<1x16xf32> to vector<16xf32>
        %swap3A_1015 = vector.shape_cast %mul3A_1010 : vector<16xf32> to vector<1x16xf32>
        tpu.vector_store %arg20[%swap3A_1011, %swap3A_1012], %swap3A_1015 {strides = array<i32>} : memref<128x80xf32, #tpu.memory_space<vmem>>, vector<1x16xf32>,
        %scan3A_1016 = arith.constant 0 : i32
        %scan3A_1017 = arith.constant 1 : i32
        %scan3A_1018 = arith.addi %scan3A_932, %scan3A_1017 : i32
        %get3A_1019 = arith.index_cast %scan3A_1018 : i32 to index
        %get3A_1020 = arith.constant 0 : index
        %get3A_1021 = tpu.vector_load %arg16[%get3A_1019, %get3A_1020] {strides = array<i32>} : memref<128x16xf32, #tpu.memory_space<vmem>>, vector<1x16xf32>,
        %get3A_1022 = vector.shape_cast %get3A_1021 : vector<1x16xf32> to vector<16xf32>
        %get3A_1023 = arith.index_cast %scan3A_1018 : i32 to index
        %get3A_1024 = arith.constant 0 : index
        %get3A_1025 = tpu.vector_load %arg18[%get3A_1023, %get3A_1024] {strides = array<i32>} : memref<128x16xf32, #tpu.memory_space<vmem>>, vector<1x16xf32>,
        %get3A_1026 = vector.shape_cast %get3A_1025 : vector<1x16xf32> to vector<16xf32>
        %broadcast_in_dim3A_1027 = vector.shape_cast %select_n3A : vector<16xi32> to vector<16x1xi32>
        %gather3A_1028 = vector.shape_cast %broadcast_in_dim3A_1027 : vector<16x1xi32> to vector<16xi32>
        %gather3A_1029 = tpu.dynamic_gather %get3A_1026[%gather3A_1028] in [0] : vector<16xf32>, vector<16xi32> -> vector<16xf32>
        %add3A_1030 = arith.addf %get3A_1022, %gather3A_1029 : vector<16xf32>
        %max3A_1031 = arith.constant 0.000000e+00 : f32
        %max3A_1032 = vector.broadcast %max3A_1031 : f32 to vector<16xf32>
        %max3A_1033 = arith.maximumf %add3A_1030, %max3A_1032 : vector<16xf32>
        %min3A_1034 = arith.constant 0.000000e+00 : f32
        %min3A_1035 = vector.broadcast %min3A_1034 : f32 to vector<16xf32>
        %min3A_1036 = arith.minimumf %add3A_1030, %min3A_1035 : vector<16xf32>
        %mul3A_1037 = arith.constant 2.000000e-01 : f32
        %mul3A_1038 = vector.broadcast %mul3A_1037 : f32 to vector<16xf32>
        %mul3A_1039 = arith.mulf %mul3A_1038, %min3A_1036 : vector<16xf32>
        %add3A_1040 = arith.addf %max3A_1033, %mul3A_1039 : vector<16xf32>
        %add3A_1041 = arith.addi %add3A_872, %scan3A_1018 : i32
        %convert_element_type3A_1042 = arith.sitofp %add3A_1041 : i32 to f32
        %add3A_1043 = vector.broadcast %convert_element_type3A_1042 : f32 to vector<16xf32>
        %add3A_1044 = arith.addf %convert_element_type3A, %add3A_1043 : vector<16xf32>
        %sub3A_1045 = arith.constant 1.700000e+05 : f32
        %sub3A_1046 = vector.broadcast %sub3A_1045 : f32 to vector<16xf32>
        %sub3A_1047 = arith.subf %sub3A_1046, %add3A_1044 : vector<16xf32>
        %max3A_1048 = arith.constant 0.000000e+00 : f32
        %max3A_1049 = vector.broadcast %max3A_1048 : f32 to vector<16xf32>
        %max3A_1050 = arith.maximumf %sub3A_1047, %max3A_1049 : vector<16xf32>
        %min3A_1051 = arith.constant 1.000000e+00 : f32
        %min3A_1052 = vector.broadcast %min3A_1051 : f32 to vector<16xf32>
        %min3A_1053 = arith.minimumf %max3A_1050, %min3A_1052 : vector<16xf32>
        %exp3A_1054 = math.exp %add3A_1040 : vector<16xf32>
        %mul3A_1055 = arith.mulf %exp3A_1054, %min3A_1053 : vector<16xf32>
        %swap3A_1056 = arith.index_cast %scan3A_1018 : i32 to index
        %swap3A_1057 = arith.constant 64 : index
        %swap3A_1058 = tpu.vector_load %arg20[%swap3A_1056, %swap3A_1057] {strides = array<i32>} : memref<128x80xf32, #tpu.memory_space<vmem>>, vector<1x16xf32>,
        %swap3A_1059 = vector.shape_cast %swap3A_1058 : vector<1x16xf32> to vector<16xf32>
        %swap3A_1060 = vector.shape_cast %mul3A_1055 : vector<16xf32> to vector<1x16xf32>
        tpu.vector_store %arg20[%swap3A_1056, %swap3A_1057], %swap3A_1060 {strides = array<i32>} : memref<128x80xf32, #tpu.memory_space<vmem>>, vector<1x16xf32>,
        %broadcast_in_dim3A_1061 = vector.shape_cast %add3A_787 : vector<16xi32> to vector<16x1xi32>
        %gather3A_1062 = vector.shape_cast %broadcast_in_dim3A_1061 : vector<16x1xi32> to vector<16xi32>
        %gather3A_1063 = tpu.dynamic_gather %mul3A_1055[%gather3A_1062] in [0] : vector<16xf32>, vector<16xi32> -> vector<16xf32>
        %broadcast_in_dim3A_1064 = vector.shape_cast %add3A_793 : vector<16xi32> to vector<16x1xi32>
        %gather3A_1065 = vector.shape_cast %broadcast_in_dim3A_1064 : vector<16x1xi32> to vector<16xi32>
        %gather3A_1066 = tpu.dynamic_gather %mul3A_1055[%gather3A_1065] in [0] : vector<16xf32>, vector<16xi32> -> vector<16xf32>
        %get3A_1067 = arith.index_cast %scan3A_1018 : i32 to index
        %get3A_1068 = arith.constant 0 : index
        %get3A_1069 = tpu.vector_load %arg14[%get3A_1067, %get3A_1068] {strides = array<i32>} : memref<128x64xf32, #tpu.memory_space<vmem>>, vector<1x16xf32>,
        %get3A_1070 = vector.shape_cast %get3A_1069 : vector<1x16xf32> to vector<16xf32>
        %mul3A_1071 = arith.mulf %get3A_1070, %gather3A_1063 : vector<16xf32>
        %swap3A_1072 = arith.index_cast %scan3A_1018 : i32 to index
        %swap3A_1073 = arith.constant 0 : index
        %swap3A_1074 = tpu.vector_load %arg20[%swap3A_1072, %swap3A_1073] {strides = array<i32>} : memref<128x80xf32, #tpu.memory_space<vmem>>, vector<1x16xf32>,
        %swap3A_1075 = vector.shape_cast %swap3A_1074 : vector<1x16xf32> to vector<16xf32>
        %swap3A_1076 = vector.shape_cast %mul3A_1071 : vector<16xf32> to vector<1x16xf32>
        tpu.vector_store %arg20[%swap3A_1072, %swap3A_1073], %swap3A_1076 {strides = array<i32>} : memref<128x80xf32, #tpu.memory_space<vmem>>, vector<1x16xf32>,
        %get3A_1077 = arith.index_cast %scan3A_1018 : i32 to index
        %get3A_1078 = arith.constant 16 : index
        %get3A_1079 = tpu.vector_load %arg14[%get3A_1077, %get3A_1078] {strides = array<i32>} : memref<128x64xf32, #tpu.memory_space<vmem>>, vector<1x16xf32>,
        %get3A_1080 = vector.shape_cast %get3A_1079 : vector<1x16xf32> to vector<16xf32>
        %mul3A_1081 = arith.mulf %get3A_1080, %gather3A_1063 : vector<16xf32>
        %swap3A_1082 = arith.index_cast %scan3A_1018 : i32 to index
        %swap3A_1083 = arith.constant 16 : index
        %swap3A_1084 = tpu.vector_load %arg20[%swap3A_1082, %swap3A_1083] {strides = array<i32>} : memref<128x80xf32, #tpu.memory_space<vmem>>, vector<1x16xf32>,
        %swap3A_1085 = vector.shape_cast %swap3A_1084 : vector<1x16xf32> to vector<16xf32>
        %swap3A_1086 = vector.shape_cast %mul3A_1081 : vector<16xf32> to vector<1x16xf32>
        tpu.vector_store %arg20[%swap3A_1082, %swap3A_1083], %swap3A_1086 {strides = array<i32>} : memref<128x80xf32, #tpu.memory_space<vmem>>, vector<1x16xf32>,
        %get3A_1087 = arith.index_cast %scan3A_1018 : i32 to index
        %get3A_1088 = arith.constant 32 : index
        %get3A_1089 = tpu.vector_load %arg14[%get3A_1087, %get3A_1088] {strides = array<i32>} : memref<128x64xf32, #tpu.memory_space<vmem>>, vector<1x16xf32>,
        %get3A_1090 = vector.shape_cast %get3A_1089 : vector<1x16xf32> to vector<16xf32>
        %mul3A_1091 = arith.mulf %get3A_1090, %gather3A_1066 : vector<16xf32>
        %swap3A_1092 = arith.index_cast %scan3A_1018 : i32 to index
        %swap3A_1093 = arith.constant 32 : index
        %swap3A_1094 = tpu.vector_load %arg20[%swap3A_1092, %swap3A_1093] {strides = array<i32>} : memref<128x80xf32, #tpu.memory_space<vmem>>, vector<1x16xf32>,
        %swap3A_1095 = vector.shape_cast %swap3A_1094 : vector<1x16xf32> to vector<16xf32>
        %swap3A_1096 = vector.shape_cast %mul3A_1091 : vector<16xf32> to vector<1x16xf32>
        tpu.vector_store %arg20[%swap3A_1092, %swap3A_1093], %swap3A_1096 {strides = array<i32>} : memref<128x80xf32, #tpu.memory_space<vmem>>, vector<1x16xf32>,
        %get3A_1097 = arith.index_cast %scan3A_1018 : i32 to index
        %get3A_1098 = arith.constant 48 : index
        %get3A_1099 = tpu.vector_load %arg14[%get3A_1097, %get3A_1098] {strides = array<i32>} : memref<128x64xf32, #tpu.memory_space<vmem>>, vector<1x16xf32>,
        %get3A_1100 = vector.shape_cast %get3A_1099 : vector<1x16xf32> to vector<16xf32>
        %mul3A_1101 = arith.mulf %get3A_1100, %gather3A_1066 : vector<16xf32>
        %swap3A_1102 = arith.index_cast %scan3A_1018 : i32 to index
        %swap3A_1103 = arith.constant 48 : index
        %swap3A_1104 = tpu.vector_load %arg20[%swap3A_1102, %swap3A_1103] {strides = array<i32>} : memref<128x80xf32, #tpu.memory_space<vmem>>, vector<1x16xf32>,
        %swap3A_1105 = vector.shape_cast %swap3A_1104 : vector<1x16xf32> to vector<16xf32>
        %swap3A_1106 = vector.shape_cast %mul3A_1101 : vector<16xf32> to vector<1x16xf32>
        tpu.vector_store %arg20[%swap3A_1102, %swap3A_1103], %swap3A_1106 {strides = array<i32>} : memref<128x80xf32, #tpu.memory_space<vmem>>, vector<1x16xf32>,
        %scan3A_1107 = arith.constant 0 : i32
        %scan3A_1108 = arith.constant 2 : i32
        %scan3A_1109 = arith.addi %scan3A_932, %scan3A_1108 : i32
        %get3A_1110 = arith.index_cast %scan3A_1109 : i32 to index
        %get3A_1111 = arith.constant 0 : index
        %get3A_1112 = tpu.vector_load %arg16[%get3A_1110, %get3A_1111] {strides = array<i32>} : memref<128x16xf32, #tpu.memory_space<vmem>>, vector<1x16xf32>,
        %get3A_1113 = vector.shape_cast %get3A_1112 : vector<1x16xf32> to vector<16xf32>
        %get3A_1114 = arith.index_cast %scan3A_1109 : i32 to index
        %get3A_1115 = arith.constant 0 : index
        %get3A_1116 = tpu.vector_load %arg18[%get3A_1114, %get3A_1115] {strides = array<i32>} : memref<128x16xf32, #tpu.memory_space<vmem>>, vector<1x16xf32>,
        %get3A_1117 = vector.shape_cast %get3A_1116 : vector<1x16xf32> to vector<16xf32>
        %broadcast_in_dim3A_1118 = vector.shape_cast %select_n3A : vector<16xi32> to vector<16x1xi32>
        %gather3A_1119 = vector.shape_cast %broadcast_in_dim3A_1118 : vector<16x1xi32> to vector<16xi32>
        %gather3A_1120 = tpu.dynamic_gather %get3A_1117[%gather3A_1119] in [0] : vector<16xf32>, vector<16xi32> -> vector<16xf32>
        %add3A_1121 = arith.addf %get3A_1113, %gather3A_1120 : vector<16xf32>
        %max3A_1122 = arith.constant 0.000000e+00 : f32
        %max3A_1123 = vector.broadcast %max3A_1122 : f32 to vector<16xf32>
        %max3A_1124 = arith.maximumf %add3A_1121, %max3A_1123 : vector<16xf32>
        %min3A_1125 = arith.constant 0.000000e+00 : f32
        %min3A_1126 = vector.broadcast %min3A_1125 : f32 to vector<16xf32>
        %min3A_1127 = arith.minimumf %add3A_1121, %min3A_1126 : vector<16xf32>
        %mul3A_1128 = arith.constant 2.000000e-01 : f32
        %mul3A_1129 = vector.broadcast %mul3A_1128 : f32 to vector<16xf32>
        %mul3A_1130 = arith.mulf %mul3A_1129, %min3A_1127 : vector<16xf32>
        %add3A_1131 = arith.addf %max3A_1124, %mul3A_1130 : vector<16xf32>
        %add3A_1132 = arith.addi %add3A_872, %scan3A_1109 : i32
        %convert_element_type3A_1133 = arith.sitofp %add3A_1132 : i32 to f32
        %add3A_1134 = vector.broadcast %convert_element_type3A_1133 : f32 to vector<16xf32>
        %add3A_1135 = arith.addf %convert_element_type3A, %add3A_1134 : vector<16xf32>
        %sub3A_1136 = arith.constant 1.700000e+05 : f32
        %sub3A_1137 = vector.broadcast %sub3A_1136 : f32 to vector<16xf32>
        %sub3A_1138 = arith.subf %sub3A_1137, %add3A_1135 : vector<16xf32>
        %max3A_1139 = arith.constant 0.000000e+00 : f32
        %max3A_1140 = vector.broadcast %max3A_1139 : f32 to vector<16xf32>
        %max3A_1141 = arith.maximumf %sub3A_1138, %max3A_1140 : vector<16xf32>
        %min3A_1142 = arith.constant 1.000000e+00 : f32
        %min3A_1143 = vector.broadcast %min3A_1142 : f32 to vector<16xf32>
        %min3A_1144 = arith.minimumf %max3A_1141, %min3A_1143 : vector<16xf32>
        %exp3A_1145 = math.exp %add3A_1131 : vector<16xf32>
        %mul3A_1146 = arith.mulf %exp3A_1145, %min3A_1144 : vector<16xf32>
        %swap3A_1147 = arith.index_cast %scan3A_1109 : i32 to index
        %swap3A_1148 = arith.constant 64 : index
        %swap3A_1149 = tpu.vector_load %arg20[%swap3A_1147, %swap3A_1148] {strides = array<i32>} : memref<128x80xf32, #tpu.memory_space<vmem>>, vector<1x16xf32>,
        %swap3A_1150 = vector.shape_cast %swap3A_1149 : vector<1x16xf32> to vector<16xf32>
        %swap3A_1151 = vector.shape_cast %mul3A_1146 : vector<16xf32> to vector<1x16xf32>
        tpu.vector_store %arg20[%swap3A_1147, %swap3A_1148], %swap3A_1151 {strides = array<i32>} : memref<128x80xf32, #tpu.memory_space<vmem>>, vector<1x16xf32>,
        %broadcast_in_dim3A_1152 = vector.shape_cast %add3A_787 : vector<16xi32> to vector<16x1xi32>
        %gather3A_1153 = vector.shape_cast %broadcast_in_dim3A_1152 : vector<16x1xi32> to vector<16xi32>
        %gather3A_1154 = tpu.dynamic_gather %mul3A_1146[%gather3A_1153] in [0] : vector<16xf32>, vector<16xi32> -> vector<16xf32>
        %broadcast_in_dim3A_1155 = vector.shape_cast %add3A_793 : vector<16xi32> to vector<16x1xi32>
        %gather3A_1156 = vector.shape_cast %broadcast_in_dim3A_1155 : vector<16x1xi32> to vector<16xi32>
        %gather3A_1157 = tpu.dynamic_gather %mul3A_1146[%gather3A_1156] in [0] : vector<16xf32>, vector<16xi32> -> vector<16xf32>
        %get3A_1158 = arith.index_cast %scan3A_1109 : i32 to index
        %get3A_1159 = arith.constant 0 : index
        %get3A_1160 = tpu.vector_load %arg14[%get3A_1158, %get3A_1159] {strides = array<i32>} : memref<128x64xf32, #tpu.memory_space<vmem>>, vector<1x16xf32>,
        %get3A_1161 = vector.shape_cast %get3A_1160 : vector<1x16xf32> to vector<16xf32>
        %mul3A_1162 = arith.mulf %get3A_1161, %gather3A_1154 : vector<16xf32>
        %swap3A_1163 = arith.index_cast %scan3A_1109 : i32 to index
        %swap3A_1164 = arith.constant 0 : index
        %swap3A_1165 = tpu.vector_load %arg20[%swap3A_1163, %swap3A_1164] {strides = array<i32>} : memref<128x80xf32, #tpu.memory_space<vmem>>, vector<1x16xf32>,
        %swap3A_1166 = vector.shape_cast %swap3A_1165 : vector<1x16xf32> to vector<16xf32>
        %swap3A_1167 = vector.shape_cast %mul3A_1162 : vector<16xf32> to vector<1x16xf32>
        tpu.vector_store %arg20[%swap3A_1163, %swap3A_1164], %swap3A_1167 {strides = array<i32>} : memref<128x80xf32, #tpu.memory_space<vmem>>, vector<1x16xf32>,
        %get3A_1168 = arith.index_cast %scan3A_1109 : i32 to index
        %get3A_1169 = arith.constant 16 : index
        %get3A_1170 = tpu.vector_load %arg14[%get3A_1168, %get3A_1169] {strides = array<i32>} : memref<128x64xf32, #tpu.memory_space<vmem>>, vector<1x16xf32>,
        %get3A_1171 = vector.shape_cast %get3A_1170 : vector<1x16xf32> to vector<16xf32>
        %mul3A_1172 = arith.mulf %get3A_1171, %gather3A_1154 : vector<16xf32>
        %swap3A_1173 = arith.index_cast %scan3A_1109 : i32 to index
        %swap3A_1174 = arith.constant 16 : index
        %swap3A_1175 = tpu.vector_load %arg20[%swap3A_1173, %swap3A_1174] {strides = array<i32>} : memref<128x80xf32, #tpu.memory_space<vmem>>, vector<1x16xf32>,
        %swap3A_1176 = vector.shape_cast %swap3A_1175 : vector<1x16xf32> to vector<16xf32>
        %swap3A_1177 = vector.shape_cast %mul3A_1172 : vector<16xf32> to vector<1x16xf32>
        tpu.vector_store %arg20[%swap3A_1173, %swap3A_1174], %swap3A_1177 {strides = array<i32>} : memref<128x80xf32, #tpu.memory_space<vmem>>, vector<1x16xf32>,
        %get3A_1178 = arith.index_cast %scan3A_1109 : i32 to index
        %get3A_1179 = arith.constant 32 : index
        %get3A_1180 = tpu.vector_load %arg14[%get3A_1178, %get3A_1179] {strides = array<i32>} : memref<128x64xf32, #tpu.memory_space<vmem>>, vector<1x16xf32>,
        %get3A_1181 = vector.shape_cast %get3A_1180 : vector<1x16xf32> to vector<16xf32>
        %mul3A_1182 = arith.mulf %get3A_1181, %gather3A_1157 : vector<16xf32>
        %swap3A_1183 = arith.index_cast %scan3A_1109 : i32 to index
        %swap3A_1184 = arith.constant 32 : index
        %swap3A_1185 = tpu.vector_load %arg20[%swap3A_1183, %swap3A_1184] {strides = array<i32>} : memref<128x80xf32, #tpu.memory_space<vmem>>, vector<1x16xf32>,
        %swap3A_1186 = vector.shape_cast %swap3A_1185 : vector<1x16xf32> to vector<16xf32>
        %swap3A_1187 = vector.shape_cast %mul3A_1182 : vector<16xf32> to vector<1x16xf32>
        tpu.vector_store %arg20[%swap3A_1183, %swap3A_1184], %swap3A_1187 {strides = array<i32>} : memref<128x80xf32, #tpu.memory_space<vmem>>, vector<1x16xf32>,
        %get3A_1188 = arith.index_cast %scan3A_1109 : i32 to index
        %get3A_1189 = arith.constant 48 : index
        %get3A_1190 = tpu.vector_load %arg14[%get3A_1188, %get3A_1189] {strides = array<i32>} : memref<128x64xf32, #tpu.memory_space<vmem>>, vector<1x16xf32>,
        %get3A_1191 = vector.shape_cast %get3A_1190 : vector<1x16xf32> to vector<16xf32>
        %mul3A_1192 = arith.mulf %get3A_1191, %gather3A_1157 : vector<16xf32>
        %swap3A_1193 = arith.index_cast %scan3A_1109 : i32 to index
        %swap3A_1194 = arith.constant 48 : index
        %swap3A_1195 = tpu.vector_load %arg20[%swap3A_1193, %swap3A_1194] {strides = array<i32>} : memref<128x80xf32, #tpu.memory_space<vmem>>, vector<1x16xf32>,
        %swap3A_1196 = vector.shape_cast %swap3A_1195 : vector<1x16xf32> to vector<16xf32>
        %swap3A_1197 = vector.shape_cast %mul3A_1192 : vector<16xf32> to vector<1x16xf32>
        tpu.vector_store %arg20[%swap3A_1193, %swap3A_1194], %swap3A_1197 {strides = array<i32>} : memref<128x80xf32, #tpu.memory_space<vmem>>, vector<1x16xf32>,
        %scan3A_1198 = arith.constant 0 : i32
        %scan3A_1199 = arith.constant 3 : i32
        %scan3A_1200 = arith.addi %scan3A_932, %scan3A_1199 : i32
        %get3A_1201 = arith.index_cast %scan3A_1200 : i32 to index
        %get3A_1202 = arith.constant 0 : index
        %get3A_1203 = tpu.vector_load %arg16[%get3A_1201, %get3A_1202] {strides = array<i32>} : memref<128x16xf32, #tpu.memory_space<vmem>>, vector<1x16xf32>,
        %get3A_1204 = vector.shape_cast %get3A_1203 : vector<1x16xf32> to vector<16xf32>
        %get3A_1205 = arith.index_cast %scan3A_1200 : i32 to index
        %get3A_1206 = arith.constant 0 : index
        %get3A_1207 = tpu.vector_load %arg18[%get3A_1205, %get3A_1206] {strides = array<i32>} : memref<128x16xf32, #tpu.memory_space<vmem>>, vector<1x16xf32>,
        %get3A_1208 = vector.shape_cast %get3A_1207 : vector<1x16xf32> to vector<16xf32>
        %broadcast_in_dim3A_1209 = vector.shape_cast %select_n3A : vector<16xi32> to vector<16x1xi32>
        %gather3A_1210 = vector.shape_cast %broadcast_in_dim3A_1209 : vector<16x1xi32> to vector<16xi32>
        %gather3A_1211 = tpu.dynamic_gather %get3A_1208[%gather3A_1210] in [0] : vector<16xf32>, vector<16xi32> -> vector<16xf32>
        %add3A_1212 = arith.addf %get3A_1204, %gather3A_1211 : vector<16xf32>
        %max3A_1213 = arith.constant 0.000000e+00 : f32
        %max3A_1214 = vector.broadcast %max3A_1213 : f32 to vector<16xf32>
        %max3A_1215 = arith.maximumf %add3A_1212, %max3A_1214 : vector<16xf32>
        %min3A_1216 = arith.constant 0.000000e+00 : f32
        %min3A_1217 = vector.broadcast %min3A_1216 : f32 to vector<16xf32>
        %min3A_1218 = arith.minimumf %add3A_1212, %min3A_1217 : vector<16xf32>
        %mul3A_1219 = arith.constant 2.000000e-01 : f32
        %mul3A_1220 = vector.broadcast %mul3A_1219 : f32 to vector<16xf32>
        %mul3A_1221 = arith.mulf %mul3A_1220, %min3A_1218 : vector<16xf32>
        %add3A_1222 = arith.addf %max3A_1215, %mul3A_1221 : vector<16xf32>
        %add3A_1223 = arith.addi %add3A_872, %scan3A_1200 : i32
        %convert_element_type3A_1224 = arith.sitofp %add3A_1223 : i32 to f32
        %add3A_1225 = vector.broadcast %convert_element_type3A_1224 : f32 to vector<16xf32>
        %add3A_1226 = arith.addf %convert_element_type3A, %add3A_1225 : vector<16xf32>
        %sub3A_1227 = arith.constant 1.700000e+05 : f32
        %sub3A_1228 = vector.broadcast %sub3A_1227 : f32 to vector<16xf32>
        %sub3A_1229 = arith.subf %sub3A_1228, %add3A_1226 : vector<16xf32>
        %max3A_1230 = arith.constant 0.000000e+00 : f32
        %max3A_1231 = vector.broadcast %max3A_1230 : f32 to vector<16xf32>
        %max3A_1232 = arith.maximumf %sub3A_1229, %max3A_1231 : vector<16xf32>
        %min3A_1233 = arith.constant 1.000000e+00 : f32
        %min3A_1234 = vector.broadcast %min3A_1233 : f32 to vector<16xf32>
        %min3A_1235 = arith.minimumf %max3A_1232, %min3A_1234 : vector<16xf32>
        %exp3A_1236 = math.exp %add3A_1222 : vector<16xf32>
        %mul3A_1237 = arith.mulf %exp3A_1236, %min3A_1235 : vector<16xf32>
        %swap3A_1238 = arith.index_cast %scan3A_1200 : i32 to index
        %swap3A_1239 = arith.constant 64 : index
        %swap3A_1240 = tpu.vector_load %arg20[%swap3A_1238, %swap3A_1239] {strides = array<i32>} : memref<128x80xf32, #tpu.memory_space<vmem>>, vector<1x16xf32>,
        %swap3A_1241 = vector.shape_cast %swap3A_1240 : vector<1x16xf32> to vector<16xf32>
        %swap3A_1242 = vector.shape_cast %mul3A_1237 : vector<16xf32> to vector<1x16xf32>
        tpu.vector_store %arg20[%swap3A_1238, %swap3A_1239], %swap3A_1242 {strides = array<i32>} : memref<128x80xf32, #tpu.memory_space<vmem>>, vector<1x16xf32>,
        %broadcast_in_dim3A_1243 = vector.shape_cast %add3A_787 : vector<16xi32> to vector<16x1xi32>
        %gather3A_1244 = vector.shape_cast %broadcast_in_dim3A_1243 : vector<16x1xi32> to vector<16xi32>
        %gather3A_1245 = tpu.dynamic_gather %mul3A_1237[%gather3A_1244] in [0] : vector<16xf32>, vector<16xi32> -> vector<16xf32>
        %broadcast_in_dim3A_1246 = vector.shape_cast %add3A_793 : vector<16xi32> to vector<16x1xi32>
        %gather3A_1247 = vector.shape_cast %broadcast_in_dim3A_1246 : vector<16x1xi32> to vector<16xi32>
        %gather3A_1248 = tpu.dynamic_gather %mul3A_1237[%gather3A_1247] in [0] : vector<16xf32>, vector<16xi32> -> vector<16xf32>
        %get3A_1249 = arith.index_cast %scan3A_1200 : i32 to index
        %get3A_1250 = arith.constant 0 : index
        %get3A_1251 = tpu.vector_load %arg14[%get3A_1249, %get3A_1250] {strides = array<i32>} : memref<128x64xf32, #tpu.memory_space<vmem>>, vector<1x16xf32>,
        %get3A_1252 = vector.shape_cast %get3A_1251 : vector<1x16xf32> to vector<16xf32>
        %mul3A_1253 = arith.mulf %get3A_1252, %gather3A_1245 : vector<16xf32>
        %swap3A_1254 = arith.index_cast %scan3A_1200 : i32 to index
        %swap3A_1255 = arith.constant 0 : index
        %swap3A_1256 = tpu.vector_load %arg20[%swap3A_1254, %swap3A_1255] {strides = array<i32>} : memref<128x80xf32, #tpu.memory_space<vmem>>, vector<1x16xf32>,
        %swap3A_1257 = vector.shape_cast %swap3A_1256 : vector<1x16xf32> to vector<16xf32>
        %swap3A_1258 = vector.shape_cast %mul3A_1253 : vector<16xf32> to vector<1x16xf32>
        tpu.vector_store %arg20[%swap3A_1254, %swap3A_1255], %swap3A_1258 {strides = array<i32>} : memref<128x80xf32, #tpu.memory_space<vmem>>, vector<1x16xf32>,
        %get3A_1259 = arith.index_cast %scan3A_1200 : i32 to index
        %get3A_1260 = arith.constant 16 : index
        %get3A_1261 = tpu.vector_load %arg14[%get3A_1259, %get3A_1260] {strides = array<i32>} : memref<128x64xf32, #tpu.memory_space<vmem>>, vector<1x16xf32>,
        %get3A_1262 = vector.shape_cast %get3A_1261 : vector<1x16xf32> to vector<16xf32>
        %mul3A_1263 = arith.mulf %get3A_1262, %gather3A_1245 : vector<16xf32>
        %swap3A_1264 = arith.index_cast %scan3A_1200 : i32 to index
        %swap3A_1265 = arith.constant 16 : index
        %swap3A_1266 = tpu.vector_load %arg20[%swap3A_1264, %swap3A_1265] {strides = array<i32>} : memref<128x80xf32, #tpu.memory_space<vmem>>, vector<1x16xf32>,
        %swap3A_1267 = vector.shape_cast %swap3A_1266 : vector<1x16xf32> to vector<16xf32>
        %swap3A_1268 = vector.shape_cast %mul3A_1263 : vector<16xf32> to vector<1x16xf32>
        tpu.vector_store %arg20[%swap3A_1264, %swap3A_1265], %swap3A_1268 {strides = array<i32>} : memref<128x80xf32, #tpu.memory_space<vmem>>, vector<1x16xf32>,
        %get3A_1269 = arith.index_cast %scan3A_1200 : i32 to index
        %get3A_1270 = arith.constant 32 : index
        %get3A_1271 = tpu.vector_load %arg14[%get3A_1269, %get3A_1270] {strides = array<i32>} : memref<128x64xf32, #tpu.memory_space<vmem>>, vector<1x16xf32>,
        %get3A_1272 = vector.shape_cast %get3A_1271 : vector<1x16xf32> to vector<16xf32>
        %mul3A_1273 = arith.mulf %get3A_1272, %gather3A_1248 : vector<16xf32>
        %swap3A_1274 = arith.index_cast %scan3A_1200 : i32 to index
        %swap3A_1275 = arith.constant 32 : index
        %swap3A_1276 = tpu.vector_load %arg20[%swap3A_1274, %swap3A_1275] {strides = array<i32>} : memref<128x80xf32, #tpu.memory_space<vmem>>, vector<1x16xf32>,
        %swap3A_1277 = vector.shape_cast %swap3A_1276 : vector<1x16xf32> to vector<16xf32>
        %swap3A_1278 = vector.shape_cast %mul3A_1273 : vector<16xf32> to vector<1x16xf32>
        tpu.vector_store %arg20[%swap3A_1274, %swap3A_1275], %swap3A_1278 {strides = array<i32>} : memref<128x80xf32, #tpu.memory_space<vmem>>, vector<1x16xf32>,
        %get3A_1279 = arith.index_cast %scan3A_1200 : i32 to index
        %get3A_1280 = arith.constant 48 : index
        %get3A_1281 = tpu.vector_load %arg14[%get3A_1279, %get3A_1280] {strides = array<i32>} : memref<128x64xf32, #tpu.memory_space<vmem>>, vector<1x16xf32>,
        %get3A_1282 = vector.shape_cast %get3A_1281 : vector<1x16xf32> to vector<16xf32>
        %mul3A_1283 = arith.mulf %get3A_1282, %gather3A_1248 : vector<16xf32>
        %swap3A_1284 = arith.index_cast %scan3A_1200 : i32 to index
        %swap3A_1285 = arith.constant 48 : index
        %swap3A_1286 = tpu.vector_load %arg20[%swap3A_1284, %swap3A_1285] {strides = array<i32>} : memref<128x80xf32, #tpu.memory_space<vmem>>, vector<1x16xf32>,
        %swap3A_1287 = vector.shape_cast %swap3A_1286 : vector<1x16xf32> to vector<16xf32>
        %swap3A_1288 = vector.shape_cast %mul3A_1283 : vector<16xf32> to vector<1x16xf32>
        tpu.vector_store %arg20[%swap3A_1284, %swap3A_1285], %swap3A_1288 {strides = array<i32>} : memref<128x80xf32, #tpu.memory_space<vmem>>, vector<1x16xf32>,
        %scan3A_1289 = arith.constant 0 : i32
        %scan3A_1290 = arith.constant 4 : i32
        %scan3A_1291 = arith.addi %scan3A_932, %scan3A_1290 : i32
        %get3A_1292 = arith.index_cast %scan3A_1291 : i32 to index
        %get3A_1293 = arith.constant 0 : index
        %get3A_1294 = tpu.vector_load %arg16[%get3A_1292, %get3A_1293] {strides = array<i32>} : memref<128x16xf32, #tpu.memory_space<vmem>>, vector<1x16xf32>,
        %get3A_1295 = vector.shape_cast %get3A_1294 : vector<1x16xf32> to vector<16xf32>
        %get3A_1296 = arith.index_cast %scan3A_1291 : i32 to index
        %get3A_1297 = arith.constant 0 : index
        %get3A_1298 = tpu.vector_load %arg18[%get3A_1296, %get3A_1297] {strides = array<i32>} : memref<128x16xf32, #tpu.memory_space<vmem>>, vector<1x16xf32>,
        %get3A_1299 = vector.shape_cast %get3A_1298 : vector<1x16xf32> to vector<16xf32>
        %broadcast_in_dim3A_1300 = vector.shape_cast %select_n3A : vector<16xi32> to vector<16x1xi32>
        %gather3A_1301 = vector.shape_cast %broadcast_in_dim3A_1300 : vector<16x1xi32> to vector<16xi32>
        %gather3A_1302 = tpu.dynamic_gather %get3A_1299[%gather3A_1301] in [0] : vector<16xf32>, vector<16xi32> -> vector<16xf32>
        %add3A_1303 = arith.addf %get3A_1295, %gather3A_1302 : vector<16xf32>
        %max3A_1304 = arith.constant 0.000000e+00 : f32
        %max3A_1305 = vector.broadcast %max3A_1304 : f32 to vector<16xf32>
        %max3A_1306 = arith.maximumf %add3A_1303, %max3A_1305 : vector<16xf32>
        %min3A_1307 = arith.constant 0.000000e+00 : f32
        %min3A_1308 = vector.broadcast %min3A_1307 : f32 to vector<16xf32>
        %min3A_1309 = arith.minimumf %add3A_1303, %min3A_1308 : vector<16xf32>
        %mul3A_1310 = arith.constant 2.000000e-01 : f32
        %mul3A_1311 = vector.broadcast %mul3A_1310 : f32 to vector<16xf32>
        %mul3A_1312 = arith.mulf %mul3A_1311, %min3A_1309 : vector<16xf32>
        %add3A_1313 = arith.addf %max3A_1306, %mul3A_1312 : vector<16xf32>
        %add3A_1314 = arith.addi %add3A_872, %scan3A_1291 : i32
        %convert_element_type3A_1315 = arith.sitofp %add3A_1314 : i32 to f32
        %add3A_1316 = vector.broadcast %convert_element_type3A_1315 : f32 to vector<16xf32>
        %add3A_1317 = arith.addf %convert_element_type3A, %add3A_1316 : vector<16xf32>
        %sub3A_1318 = arith.constant 1.700000e+05 : f32
        %sub3A_1319 = vector.broadcast %sub3A_1318 : f32 to vector<16xf32>
        %sub3A_1320 = arith.subf %sub3A_1319, %add3A_1317 : vector<16xf32>
        %max3A_1321 = arith.constant 0.000000e+00 : f32
        %max3A_1322 = vector.broadcast %max3A_1321 : f32 to vector<16xf32>
        %max3A_1323 = arith.maximumf %sub3A_1320, %max3A_1322 : vector<16xf32>
        %min3A_1324 = arith.constant 1.000000e+00 : f32
        %min3A_1325 = vector.broadcast %min3A_1324 : f32 to vector<16xf32>
        %min3A_1326 = arith.minimumf %max3A_1323, %min3A_1325 : vector<16xf32>
        %exp3A_1327 = math.exp %add3A_1313 : vector<16xf32>
        %mul3A_1328 = arith.mulf %exp3A_1327, %min3A_1326 : vector<16xf32>
        %swap3A_1329 = arith.index_cast %scan3A_1291 : i32 to index
        %swap3A_1330 = arith.constant 64 : index
        %swap3A_1331 = tpu.vector_load %arg20[%swap3A_1329, %swap3A_1330] {strides = array<i32>} : memref<128x80xf32, #tpu.memory_space<vmem>>, vector<1x16xf32>,
        %swap3A_1332 = vector.shape_cast %swap3A_1331 : vector<1x16xf32> to vector<16xf32>
        %swap3A_1333 = vector.shape_cast %mul3A_1328 : vector<16xf32> to vector<1x16xf32>
        tpu.vector_store %arg20[%swap3A_1329, %swap3A_1330], %swap3A_1333 {strides = array<i32>} : memref<128x80xf32, #tpu.memory_space<vmem>>, vector<1x16xf32>,
        %broadcast_in_dim3A_1334 = vector.shape_cast %add3A_787 : vector<16xi32> to vector<16x1xi32>
        %gather3A_1335 = vector.shape_cast %broadcast_in_dim3A_1334 : vector<16x1xi32> to vector<16xi32>
        %gather3A_1336 = tpu.dynamic_gather %mul3A_1328[%gather3A_1335] in [0] : vector<16xf32>, vector<16xi32> -> vector<16xf32>
        %broadcast_in_dim3A_1337 = vector.shape_cast %add3A_793 : vector<16xi32> to vector<16x1xi32>
        %gather3A_1338 = vector.shape_cast %broadcast_in_dim3A_1337 : vector<16x1xi32> to vector<16xi32>
        %gather3A_1339 = tpu.dynamic_gather %mul3A_1328[%gather3A_1338] in [0] : vector<16xf32>, vector<16xi32> -> vector<16xf32>
        %get3A_1340 = arith.index_cast %scan3A_1291 : i32 to index
        %get3A_1341 = arith.constant 0 : index
        %get3A_1342 = tpu.vector_load %arg14[%get3A_1340, %get3A_1341] {strides = array<i32>} : memref<128x64xf32, #tpu.memory_space<vmem>>, vector<1x16xf32>,
        %get3A_1343 = vector.shape_cast %get3A_1342 : vector<1x16xf32> to vector<16xf32>
        %mul3A_1344 = arith.mulf %get3A_1343, %gather3A_1336 : vector<16xf32>
        %swap3A_1345 = arith.index_cast %scan3A_1291 : i32 to index
        %swap3A_1346 = arith.constant 0 : index
        %swap3A_1347 = tpu.vector_load %arg20[%swap3A_1345, %swap3A_1346] {strides = array<i32>} : memref<128x80xf32, #tpu.memory_space<vmem>>, vector<1x16xf32>,
        %swap3A_1348 = vector.shape_cast %swap3A_1347 : vector<1x16xf32> to vector<16xf32>
        %swap3A_1349 = vector.shape_cast %mul3A_1344 : vector<16xf32> to vector<1x16xf32>
        tpu.vector_store %arg20[%swap3A_1345, %swap3A_1346], %swap3A_1349 {strides = array<i32>} : memref<128x80xf32, #tpu.memory_space<vmem>>, vector<1x16xf32>,
        %get3A_1350 = arith.index_cast %scan3A_1291 : i32 to index
        %get3A_1351 = arith.constant 16 : index
        %get3A_1352 = tpu.vector_load %arg14[%get3A_1350, %get3A_1351] {strides = array<i32>} : memref<128x64xf32, #tpu.memory_space<vmem>>, vector<1x16xf32>,
        %get3A_1353 = vector.shape_cast %get3A_1352 : vector<1x16xf32> to vector<16xf32>
        %mul3A_1354 = arith.mulf %get3A_1353, %gather3A_1336 : vector<16xf32>
        %swap3A_1355 = arith.index_cast %scan3A_1291 : i32 to index
        %swap3A_1356 = arith.constant 16 : index
        %swap3A_1357 = tpu.vector_load %arg20[%swap3A_1355, %swap3A_1356] {strides = array<i32>} : memref<128x80xf32, #tpu.memory_space<vmem>>, vector<1x16xf32>,
        %swap3A_1358 = vector.shape_cast %swap3A_1357 : vector<1x16xf32> to vector<16xf32>
        %swap3A_1359 = vector.shape_cast %mul3A_1354 : vector<16xf32> to vector<1x16xf32>
        tpu.vector_store %arg20[%swap3A_1355, %swap3A_1356], %swap3A_1359 {strides = array<i32>} : memref<128x80xf32, #tpu.memory_space<vmem>>, vector<1x16xf32>,
        %get3A_1360 = arith.index_cast %scan3A_1291 : i32 to index
        %get3A_1361 = arith.constant 32 : index
        %get3A_1362 = tpu.vector_load %arg14[%get3A_1360, %get3A_1361] {strides = array<i32>} : memref<128x64xf32, #tpu.memory_space<vmem>>, vector<1x16xf32>,
        %get3A_1363 = vector.shape_cast %get3A_1362 : vector<1x16xf32> to vector<16xf32>
        %mul3A_1364 = arith.mulf %get3A_1363, %gather3A_1339 : vector<16xf32>
        %swap3A_1365 = arith.index_cast %scan3A_1291 : i32 to index
        %swap3A_1366 = arith.constant 32 : index
        %swap3A_1367 = tpu.vector_load %arg20[%swap3A_1365, %swap3A_1366] {strides = array<i32>} : memref<128x80xf32, #tpu.memory_space<vmem>>, vector<1x16xf32>,
        %swap3A_1368 = vector.shape_cast %swap3A_1367 : vector<1x16xf32> to vector<16xf32>
        %swap3A_1369 = vector.shape_cast %mul3A_1364 : vector<16xf32> to vector<1x16xf32>
        tpu.vector_store %arg20[%swap3A_1365, %swap3A_1366], %swap3A_1369 {strides = array<i32>} : memref<128x80xf32, #tpu.memory_space<vmem>>, vector<1x16xf32>,
        %get3A_1370 = arith.index_cast %scan3A_1291 : i32 to index
        %get3A_1371 = arith.constant 48 : index
        %get3A_1372 = tpu.vector_load %arg14[%get3A_1370, %get3A_1371] {strides = array<i32>} : memref<128x64xf32, #tpu.memory_space<vmem>>, vector<1x16xf32>,
        %get3A_1373 = vector.shape_cast %get3A_1372 : vector<1x16xf32> to vector<16xf32>
        %mul3A_1374 = arith.mulf %get3A_1373, %gather3A_1339 : vector<16xf32>
        %swap3A_1375 = arith.index_cast %scan3A_1291 : i32 to index
        %swap3A_1376 = arith.constant 48 : index
        %swap3A_1377 = tpu.vector_load %arg20[%swap3A_1375, %swap3A_1376] {strides = array<i32>} : memref<128x80xf32, #tpu.memory_space<vmem>>, vector<1x16xf32>,
        %swap3A_1378 = vector.shape_cast %swap3A_1377 : vector<1x16xf32> to vector<16xf32>
        %swap3A_1379 = vector.shape_cast %mul3A_1374 : vector<16xf32> to vector<1x16xf32>
        tpu.vector_store %arg20[%swap3A_1375, %swap3A_1376], %swap3A_1379 {strides = array<i32>} : memref<128x80xf32, #tpu.memory_space<vmem>>, vector<1x16xf32>,
        %scan3A_1380 = arith.constant 0 : i32
        %scan3A_1381 = arith.constant 5 : i32
        %scan3A_1382 = arith.addi %scan3A_932, %scan3A_1381 : i32
        %get3A_1383 = arith.index_cast %scan3A_1382 : i32 to index
        %get3A_1384 = arith.constant 0 : index
        %get3A_1385 = tpu.vector_load %arg16[%get3A_1383, %get3A_1384] {strides = array<i32>} : memref<128x16xf32, #tpu.memory_space<vmem>>, vector<1x16xf32>,
        %get3A_1386 = vector.shape_cast %get3A_1385 : vector<1x16xf32> to vector<16xf32>
        %get3A_1387 = arith.index_cast %scan3A_1382 : i32 to index
        %get3A_1388 = arith.constant 0 : index
        %get3A_1389 = tpu.vector_load %arg18[%get3A_1387, %get3A_1388] {strides = array<i32>} : memref<128x16xf32, #tpu.memory_space<vmem>>, vector<1x16xf32>,
        %get3A_1390 = vector.shape_cast %get3A_1389 : vector<1x16xf32> to vector<16xf32>
        %broadcast_in_dim3A_1391 = vector.shape_cast %select_n3A : vector<16xi32> to vector<16x1xi32>
        %gather3A_1392 = vector.shape_cast %broadcast_in_dim3A_1391 : vector<16x1xi32> to vector<16xi32>
        %gather3A_1393 = tpu.dynamic_gather %get3A_1390[%gather3A_1392] in [0] : vector<16xf32>, vector<16xi32> -> vector<16xf32>
        %add3A_1394 = arith.addf %get3A_1386, %gather3A_1393 : vector<16xf32>
        %max3A_1395 = arith.constant 0.000000e+00 : f32
        %max3A_1396 = vector.broadcast %max3A_1395 : f32 to vector<16xf32>
        %max3A_1397 = arith.maximumf %add3A_1394, %max3A_1396 : vector<16xf32>
        %min3A_1398 = arith.constant 0.000000e+00 : f32
        %min3A_1399 = vector.broadcast %min3A_1398 : f32 to vector<16xf32>
        %min3A_1400 = arith.minimumf %add3A_1394, %min3A_1399 : vector<16xf32>
        %mul3A_1401 = arith.constant 2.000000e-01 : f32
        %mul3A_1402 = vector.broadcast %mul3A_1401 : f32 to vector<16xf32>
        %mul3A_1403 = arith.mulf %mul3A_1402, %min3A_1400 : vector<16xf32>
        %add3A_1404 = arith.addf %max3A_1397, %mul3A_1403 : vector<16xf32>
        %add3A_1405 = arith.addi %add3A_872, %scan3A_1382 : i32
        %convert_element_type3A_1406 = arith.sitofp %add3A_1405 : i32 to f32
        %add3A_1407 = vector.broadcast %convert_element_type3A_1406 : f32 to vector<16xf32>
        %add3A_1408 = arith.addf %convert_element_type3A, %add3A_1407 : vector<16xf32>
        %sub3A_1409 = arith.constant 1.700000e+05 : f32
        %sub3A_1410 = vector.broadcast %sub3A_1409 : f32 to vector<16xf32>
        %sub3A_1411 = arith.subf %sub3A_1410, %add3A_1408 : vector<16xf32>
        %max3A_1412 = arith.constant 0.000000e+00 : f32
        %max3A_1413 = vector.broadcast %max3A_1412 : f32 to vector<16xf32>
        %max3A_1414 = arith.maximumf %sub3A_1411, %max3A_1413 : vector<16xf32>
        %min3A_1415 = arith.constant 1.000000e+00 : f32
        %min3A_1416 = vector.broadcast %min3A_1415 : f32 to vector<16xf32>
        %min3A_1417 = arith.minimumf %max3A_1414, %min3A_1416 : vector<16xf32>
        %exp3A_1418 = math.exp %add3A_1404 : vector<16xf32>
        %mul3A_1419 = arith.mulf %exp3A_1418, %min3A_1417 : vector<16xf32>
        %swap3A_1420 = arith.index_cast %scan3A_1382 : i32 to index
        %swap3A_1421 = arith.constant 64 : index
        %swap3A_1422 = tpu.vector_load %arg20[%swap3A_1420, %swap3A_1421] {strides = array<i32>} : memref<128x80xf32, #tpu.memory_space<vmem>>, vector<1x16xf32>,
        %swap3A_1423 = vector.shape_cast %swap3A_1422 : vector<1x16xf32> to vector<16xf32>
        %swap3A_1424 = vector.shape_cast %mul3A_1419 : vector<16xf32> to vector<1x16xf32>
        tpu.vector_store %arg20[%swap3A_1420, %swap3A_1421], %swap3A_1424 {strides = array<i32>} : memref<128x80xf32, #tpu.memory_space<vmem>>, vector<1x16xf32>,
        %broadcast_in_dim3A_1425 = vector.shape_cast %add3A_787 : vector<16xi32> to vector<16x1xi32>
        %gather3A_1426 = vector.shape_cast %broadcast_in_dim3A_1425 : vector<16x1xi32> to vector<16xi32>
        %gather3A_1427 = tpu.dynamic_gather %mul3A_1419[%gather3A_1426] in [0] : vector<16xf32>, vector<16xi32> -> vector<16xf32>
        %broadcast_in_dim3A_1428 = vector.shape_cast %add3A_793 : vector<16xi32> to vector<16x1xi32>
        %gather3A_1429 = vector.shape_cast %broadcast_in_dim3A_1428 : vector<16x1xi32> to vector<16xi32>
        %gather3A_1430 = tpu.dynamic_gather %mul3A_1419[%gather3A_1429] in [0] : vector<16xf32>, vector<16xi32> -> vector<16xf32>
        %get3A_1431 = arith.index_cast %scan3A_1382 : i32 to index
        %get3A_1432 = arith.constant 0 : index
        %get3A_1433 = tpu.vector_load %arg14[%get3A_1431, %get3A_1432] {strides = array<i32>} : memref<128x64xf32, #tpu.memory_space<vmem>>, vector<1x16xf32>,
        %get3A_1434 = vector.shape_cast %get3A_1433 : vector<1x16xf32> to vector<16xf32>
        %mul3A_1435 = arith.mulf %get3A_1434, %gather3A_1427 : vector<16xf32>
        %swap3A_1436 = arith.index_cast %scan3A_1382 : i32 to index
        %swap3A_1437 = arith.constant 0 : index
        %swap3A_1438 = tpu.vector_load %arg20[%swap3A_1436, %swap3A_1437] {strides = array<i32>} : memref<128x80xf32, #tpu.memory_space<vmem>>, vector<1x16xf32>,
        %swap3A_1439 = vector.shape_cast %swap3A_1438 : vector<1x16xf32> to vector<16xf32>
        %swap3A_1440 = vector.shape_cast %mul3A_1435 : vector<16xf32> to vector<1x16xf32>
        tpu.vector_store %arg20[%swap3A_1436, %swap3A_1437], %swap3A_1440 {strides = array<i32>} : memref<128x80xf32, #tpu.memory_space<vmem>>, vector<1x16xf32>,
        %get3A_1441 = arith.index_cast %scan3A_1382 : i32 to index
        %get3A_1442 = arith.constant 16 : index
        %get3A_1443 = tpu.vector_load %arg14[%get3A_1441, %get3A_1442] {strides = array<i32>} : memref<128x64xf32, #tpu.memory_space<vmem>>, vector<1x16xf32>,
        %get3A_1444 = vector.shape_cast %get3A_1443 : vector<1x16xf32> to vector<16xf32>
        %mul3A_1445 = arith.mulf %get3A_1444, %gather3A_1427 : vector<16xf32>
        %swap3A_1446 = arith.index_cast %scan3A_1382 : i32 to index
        %swap3A_1447 = arith.constant 16 : index
        %swap3A_1448 = tpu.vector_load %arg20[%swap3A_1446, %swap3A_1447] {strides = array<i32>} : memref<128x80xf32, #tpu.memory_space<vmem>>, vector<1x16xf32>,
        %swap3A_1449 = vector.shape_cast %swap3A_1448 : vector<1x16xf32> to vector<16xf32>
        %swap3A_1450 = vector.shape_cast %mul3A_1445 : vector<16xf32> to vector<1x16xf32>
        tpu.vector_store %arg20[%swap3A_1446, %swap3A_1447], %swap3A_1450 {strides = array<i32>} : memref<128x80xf32, #tpu.memory_space<vmem>>, vector<1x16xf32>,
        %get3A_1451 = arith.index_cast %scan3A_1382 : i32 to index
        %get3A_1452 = arith.constant 32 : index
        %get3A_1453 = tpu.vector_load %arg14[%get3A_1451, %get3A_1452] {strides = array<i32>} : memref<128x64xf32, #tpu.memory_space<vmem>>, vector<1x16xf32>,
        %get3A_1454 = vector.shape_cast %get3A_1453 : vector<1x16xf32> to vector<16xf32>
        %mul3A_1455 = arith.mulf %get3A_1454, %gather3A_1430 : vector<16xf32>
        %swap3A_1456 = arith.index_cast %scan3A_1382 : i32 to index
        %swap3A_1457 = arith.constant 32 : index
        %swap3A_1458 = tpu.vector_load %arg20[%swap3A_1456, %swap3A_1457] {strides = array<i32>} : memref<128x80xf32, #tpu.memory_space<vmem>>, vector<1x16xf32>,
        %swap3A_1459 = vector.shape_cast %swap3A_1458 : vector<1x16xf32> to vector<16xf32>
        %swap3A_1460 = vector.shape_cast %mul3A_1455 : vector<16xf32> to vector<1x16xf32>
        tpu.vector_store %arg20[%swap3A_1456, %swap3A_1457], %swap3A_1460 {strides = array<i32>} : memref<128x80xf32, #tpu.memory_space<vmem>>, vector<1x16xf32>,
        %get3A_1461 = arith.index_cast %scan3A_1382 : i32 to index
        %get3A_1462 = arith.constant 48 : index
        %get3A_1463 = tpu.vector_load %arg14[%get3A_1461, %get3A_1462] {strides = array<i32>} : memref<128x64xf32, #tpu.memory_space<vmem>>, vector<1x16xf32>,
        %get3A_1464 = vector.shape_cast %get3A_1463 : vector<1x16xf32> to vector<16xf32>
        %mul3A_1465 = arith.mulf %get3A_1464, %gather3A_1430 : vector<16xf32>
        %swap3A_1466 = arith.index_cast %scan3A_1382 : i32 to index
        %swap3A_1467 = arith.constant 48 : index
        %swap3A_1468 = tpu.vector_load %arg20[%swap3A_1466, %swap3A_1467] {strides = array<i32>} : memref<128x80xf32, #tpu.memory_space<vmem>>, vector<1x16xf32>,
        %swap3A_1469 = vector.shape_cast %swap3A_1468 : vector<1x16xf32> to vector<16xf32>
        %swap3A_1470 = vector.shape_cast %mul3A_1465 : vector<16xf32> to vector<1x16xf32>
        tpu.vector_store %arg20[%swap3A_1466, %swap3A_1467], %swap3A_1470 {strides = array<i32>} : memref<128x80xf32, #tpu.memory_space<vmem>>, vector<1x16xf32>,
        %scan3A_1471 = arith.constant 0 : i32
        %scan3A_1472 = arith.constant 6 : i32
        %scan3A_1473 = arith.addi %scan3A_932, %scan3A_1472 : i32
        %get3A_1474 = arith.index_cast %scan3A_1473 : i32 to index
        %get3A_1475 = arith.constant 0 : index
        %get3A_1476 = tpu.vector_load %arg16[%get3A_1474, %get3A_1475] {strides = array<i32>} : memref<128x16xf32, #tpu.memory_space<vmem>>, vector<1x16xf32>,
        %get3A_1477 = vector.shape_cast %get3A_1476 : vector<1x16xf32> to vector<16xf32>
        %get3A_1478 = arith.index_cast %scan3A_1473 : i32 to index
        %get3A_1479 = arith.constant 0 : index
        %get3A_1480 = tpu.vector_load %arg18[%get3A_1478, %get3A_1479] {strides = array<i32>} : memref<128x16xf32, #tpu.memory_space<vmem>>, vector<1x16xf32>,
        %get3A_1481 = vector.shape_cast %get3A_1480 : vector<1x16xf32> to vector<16xf32>
        %broadcast_in_dim3A_1482 = vector.shape_cast %select_n3A : vector<16xi32> to vector<16x1xi32>
        %gather3A_1483 = vector.shape_cast %broadcast_in_dim3A_1482 : vector<16x1xi32> to vector<16xi32>
        %gather3A_1484 = tpu.dynamic_gather %get3A_1481[%gather3A_1483] in [0] : vector<16xf32>, vector<16xi32> -> vector<16xf32>
        %add3A_1485 = arith.addf %get3A_1477, %gather3A_1484 : vector<16xf32>
        %max3A_1486 = arith.constant 0.000000e+00 : f32
        %max3A_1487 = vector.broadcast %max3A_1486 : f32 to vector<16xf32>
        %max3A_1488 = arith.maximumf %add3A_1485, %max3A_1487 : vector<16xf32>
        %min3A_1489 = arith.constant 0.000000e+00 : f32
        %min3A_1490 = vector.broadcast %min3A_1489 : f32 to vector<16xf32>
        %min3A_1491 = arith.minimumf %add3A_1485, %min3A_1490 : vector<16xf32>
        %mul3A_1492 = arith.constant 2.000000e-01 : f32
        %mul3A_1493 = vector.broadcast %mul3A_1492 : f32 to vector<16xf32>
        %mul3A_1494 = arith.mulf %mul3A_1493, %min3A_1491 : vector<16xf32>
        %add3A_1495 = arith.addf %max3A_1488, %mul3A_1494 : vector<16xf32>
        %add3A_1496 = arith.addi %add3A_872, %scan3A_1473 : i32
        %convert_element_type3A_1497 = arith.sitofp %add3A_1496 : i32 to f32
        %add3A_1498 = vector.broadcast %convert_element_type3A_1497 : f32 to vector<16xf32>
        %add3A_1499 = arith.addf %convert_element_type3A, %add3A_1498 : vector<16xf32>
        %sub3A_1500 = arith.constant 1.700000e+05 : f32
        %sub3A_1501 = vector.broadcast %sub3A_1500 : f32 to vector<16xf32>
        %sub3A_1502 = arith.subf %sub3A_1501, %add3A_1499 : vector<16xf32>
        %max3A_1503 = arith.constant 0.000000e+00 : f32
        %max3A_1504 = vector.broadcast %max3A_1503 : f32 to vector<16xf32>
        %max3A_1505 = arith.maximumf %sub3A_1502, %max3A_1504 : vector<16xf32>
        %min3A_1506 = arith.constant 1.000000e+00 : f32
        %min3A_1507 = vector.broadcast %min3A_1506 : f32 to vector<16xf32>
        %min3A_1508 = arith.minimumf %max3A_1505, %min3A_1507 : vector<16xf32>
        %exp3A_1509 = math.exp %add3A_1495 : vector<16xf32>
        %mul3A_1510 = arith.mulf %exp3A_1509, %min3A_1508 : vector<16xf32>
        %swap3A_1511 = arith.index_cast %scan3A_1473 : i32 to index
        %swap3A_1512 = arith.constant 64 : index
        %swap3A_1513 = tpu.vector_load %arg20[%swap3A_1511, %swap3A_1512] {strides = array<i32>} : memref<128x80xf32, #tpu.memory_space<vmem>>, vector<1x16xf32>,
        %swap3A_1514 = vector.shape_cast %swap3A_1513 : vector<1x16xf32> to vector<16xf32>
        %swap3A_1515 = vector.shape_cast %mul3A_1510 : vector<16xf32> to vector<1x16xf32>
        tpu.vector_store %arg20[%swap3A_1511, %swap3A_1512], %swap3A_1515 {strides = array<i32>} : memref<128x80xf32, #tpu.memory_space<vmem>>, vector<1x16xf32>,
        %broadcast_in_dim3A_1516 = vector.shape_cast %add3A_787 : vector<16xi32> to vector<16x1xi32>
        %gather3A_1517 = vector.shape_cast %broadcast_in_dim3A_1516 : vector<16x1xi32> to vector<16xi32>
        %gather3A_1518 = tpu.dynamic_gather %mul3A_1510[%gather3A_1517] in [0] : vector<16xf32>, vector<16xi32> -> vector<16xf32>
        %broadcast_in_dim3A_1519 = vector.shape_cast %add3A_793 : vector<16xi32> to vector<16x1xi32>
        %gather3A_1520 = vector.shape_cast %broadcast_in_dim3A_1519 : vector<16x1xi32> to vector<16xi32>
        %gather3A_1521 = tpu.dynamic_gather %mul3A_1510[%gather3A_1520] in [0] : vector<16xf32>, vector<16xi32> -> vector<16xf32>
        %get3A_1522 = arith.index_cast %scan3A_1473 : i32 to index
        %get3A_1523 = arith.constant 0 : index
        %get3A_1524 = tpu.vector_load %arg14[%get3A_1522, %get3A_1523] {strides = array<i32>} : memref<128x64xf32, #tpu.memory_space<vmem>>, vector<1x16xf32>,
        %get3A_1525 = vector.shape_cast %get3A_1524 : vector<1x16xf32> to vector<16xf32>
        %mul3A_1526 = arith.mulf %get3A_1525, %gather3A_1518 : vector<16xf32>
        %swap3A_1527 = arith.index_cast %scan3A_1473 : i32 to index
        %swap3A_1528 = arith.constant 0 : index
        %swap3A_1529 = tpu.vector_load %arg20[%swap3A_1527, %swap3A_1528] {strides = array<i32>} : memref<128x80xf32, #tpu.memory_space<vmem>>, vector<1x16xf32>,
        %swap3A_1530 = vector.shape_cast %swap3A_1529 : vector<1x16xf32> to vector<16xf32>
        %swap3A_1531 = vector.shape_cast %mul3A_1526 : vector<16xf32> to vector<1x16xf32>
        tpu.vector_store %arg20[%swap3A_1527, %swap3A_1528], %swap3A_1531 {strides = array<i32>} : memref<128x80xf32, #tpu.memory_space<vmem>>, vector<1x16xf32>,
        %get3A_1532 = arith.index_cast %scan3A_1473 : i32 to index
        %get3A_1533 = arith.constant 16 : index
        %get3A_1534 = tpu.vector_load %arg14[%get3A_1532, %get3A_1533] {strides = array<i32>} : memref<128x64xf32, #tpu.memory_space<vmem>>, vector<1x16xf32>,
        %get3A_1535 = vector.shape_cast %get3A_1534 : vector<1x16xf32> to vector<16xf32>
        %mul3A_1536 = arith.mulf %get3A_1535, %gather3A_1518 : vector<16xf32>
        %swap3A_1537 = arith.index_cast %scan3A_1473 : i32 to index
        %swap3A_1538 = arith.constant 16 : index
        %swap3A_1539 = tpu.vector_load %arg20[%swap3A_1537, %swap3A_1538] {strides = array<i32>} : memref<128x80xf32, #tpu.memory_space<vmem>>, vector<1x16xf32>,
        %swap3A_1540 = vector.shape_cast %swap3A_1539 : vector<1x16xf32> to vector<16xf32>
        %swap3A_1541 = vector.shape_cast %mul3A_1536 : vector<16xf32> to vector<1x16xf32>
        tpu.vector_store %arg20[%swap3A_1537, %swap3A_1538], %swap3A_1541 {strides = array<i32>} : memref<128x80xf32, #tpu.memory_space<vmem>>, vector<1x16xf32>,
        %get3A_1542 = arith.index_cast %scan3A_1473 : i32 to index
        %get3A_1543 = arith.constant 32 : index
        %get3A_1544 = tpu.vector_load %arg14[%get3A_1542, %get3A_1543] {strides = array<i32>} : memref<128x64xf32, #tpu.memory_space<vmem>>, vector<1x16xf32>,
        %get3A_1545 = vector.shape_cast %get3A_1544 : vector<1x16xf32> to vector<16xf32>
        %mul3A_1546 = arith.mulf %get3A_1545, %gather3A_1521 : vector<16xf32>
        %swap3A_1547 = arith.index_cast %scan3A_1473 : i32 to index
        %swap3A_1548 = arith.constant 32 : index
        %swap3A_1549 = tpu.vector_load %arg20[%swap3A_1547, %swap3A_1548] {strides = array<i32>} : memref<128x80xf32, #tpu.memory_space<vmem>>, vector<1x16xf32>,
        %swap3A_1550 = vector.shape_cast %swap3A_1549 : vector<1x16xf32> to vector<16xf32>
        %swap3A_1551 = vector.shape_cast %mul3A_1546 : vector<16xf32> to vector<1x16xf32>
        tpu.vector_store %arg20[%swap3A_1547, %swap3A_1548], %swap3A_1551 {strides = array<i32>} : memref<128x80xf32, #tpu.memory_space<vmem>>, vector<1x16xf32>,
        %get3A_1552 = arith.index_cast %scan3A_1473 : i32 to index
        %get3A_1553 = arith.constant 48 : index
        %get3A_1554 = tpu.vector_load %arg14[%get3A_1552, %get3A_1553] {strides = array<i32>} : memref<128x64xf32, #tpu.memory_space<vmem>>, vector<1x16xf32>,
        %get3A_1555 = vector.shape_cast %get3A_1554 : vector<1x16xf32> to vector<16xf32>
        %mul3A_1556 = arith.mulf %get3A_1555, %gather3A_1521 : vector<16xf32>
        %swap3A_1557 = arith.index_cast %scan3A_1473 : i32 to index
        %swap3A_1558 = arith.constant 48 : index
        %swap3A_1559 = tpu.vector_load %arg20[%swap3A_1557, %swap3A_1558] {strides = array<i32>} : memref<128x80xf32, #tpu.memory_space<vmem>>, vector<1x16xf32>,
        %swap3A_1560 = vector.shape_cast %swap3A_1559 : vector<1x16xf32> to vector<16xf32>
        %swap3A_1561 = vector.shape_cast %mul3A_1556 : vector<16xf32> to vector<1x16xf32>
        tpu.vector_store %arg20[%swap3A_1557, %swap3A_1558], %swap3A_1561 {strides = array<i32>} : memref<128x80xf32, #tpu.memory_space<vmem>>, vector<1x16xf32>,
        %scan3A_1562 = arith.constant 0 : i32
        %scan3A_1563 = arith.constant 7 : i32
        %scan3A_1564 = arith.addi %scan3A_932, %scan3A_1563 : i32
        %get3A_1565 = arith.index_cast %scan3A_1564 : i32 to index
        %get3A_1566 = arith.constant 0 : index
        %get3A_1567 = tpu.vector_load %arg16[%get3A_1565, %get3A_1566] {strides = array<i32>} : memref<128x16xf32, #tpu.memory_space<vmem>>, vector<1x16xf32>,
        %get3A_1568 = vector.shape_cast %get3A_1567 : vector<1x16xf32> to vector<16xf32>
        %get3A_1569 = arith.index_cast %scan3A_1564 : i32 to index
        %get3A_1570 = arith.constant 0 : index
        %get3A_1571 = tpu.vector_load %arg18[%get3A_1569, %get3A_1570] {strides = array<i32>} : memref<128x16xf32, #tpu.memory_space<vmem>>, vector<1x16xf32>,
        %get3A_1572 = vector.shape_cast %get3A_1571 : vector<1x16xf32> to vector<16xf32>
        %broadcast_in_dim3A_1573 = vector.shape_cast %select_n3A : vector<16xi32> to vector<16x1xi32>
        %gather3A_1574 = vector.shape_cast %broadcast_in_dim3A_1573 : vector<16x1xi32> to vector<16xi32>
        %gather3A_1575 = tpu.dynamic_gather %get3A_1572[%gather3A_1574] in [0] : vector<16xf32>, vector<16xi32> -> vector<16xf32>
        %add3A_1576 = arith.addf %get3A_1568, %gather3A_1575 : vector<16xf32>
        %max3A_1577 = arith.constant 0.000000e+00 : f32
        %max3A_1578 = vector.broadcast %max3A_1577 : f32 to vector<16xf32>
        %max3A_1579 = arith.maximumf %add3A_1576, %max3A_1578 : vector<16xf32>
        %min3A_1580 = arith.constant 0.000000e+00 : f32
        %min3A_1581 = vector.broadcast %min3A_1580 : f32 to vector<16xf32>
        %min3A_1582 = arith.minimumf %add3A_1576, %min3A_1581 : vector<16xf32>
        %mul3A_1583 = arith.constant 2.000000e-01 : f32
        %mul3A_1584 = vector.broadcast %mul3A_1583 : f32 to vector<16xf32>
        %mul3A_1585 = arith.mulf %mul3A_1584, %min3A_1582 : vector<16xf32>
        %add3A_1586 = arith.addf %max3A_1579, %mul3A_1585 : vector<16xf32>
        %add3A_1587 = arith.addi %add3A_872, %scan3A_1564 : i32
        %convert_element_type3A_1588 = arith.sitofp %add3A_1587 : i32 to f32
        %add3A_1589 = vector.broadcast %convert_element_type3A_1588 : f32 to vector<16xf32>
        %add3A_1590 = arith.addf %convert_element_type3A, %add3A_1589 : vector<16xf32>
        %sub3A_1591 = arith.constant 1.700000e+05 : f32
        %sub3A_1592 = vector.broadcast %sub3A_1591 : f32 to vector<16xf32>
        %sub3A_1593 = arith.subf %sub3A_1592, %add3A_1590 : vector<16xf32>
        %max3A_1594 = arith.constant 0.000000e+00 : f32
        %max3A_1595 = vector.broadcast %max3A_1594 : f32 to vector<16xf32>
        %max3A_1596 = arith.maximumf %sub3A_1593, %max3A_1595 : vector<16xf32>
        %min3A_1597 = arith.constant 1.000000e+00 : f32
        %min3A_1598 = vector.broadcast %min3A_1597 : f32 to vector<16xf32>
        %min3A_1599 = arith.minimumf %max3A_1596, %min3A_1598 : vector<16xf32>
        %exp3A_1600 = math.exp %add3A_1586 : vector<16xf32>
        %mul3A_1601 = arith.mulf %exp3A_1600, %min3A_1599 : vector<16xf32>
        %swap3A_1602 = arith.index_cast %scan3A_1564 : i32 to index
        %swap3A_1603 = arith.constant 64 : index
        %swap3A_1604 = tpu.vector_load %arg20[%swap3A_1602, %swap3A_1603] {strides = array<i32>} : memref<128x80xf32, #tpu.memory_space<vmem>>, vector<1x16xf32>,
        %swap3A_1605 = vector.shape_cast %swap3A_1604 : vector<1x16xf32> to vector<16xf32>
        %swap3A_1606 = vector.shape_cast %mul3A_1601 : vector<16xf32> to vector<1x16xf32>
        tpu.vector_store %arg20[%swap3A_1602, %swap3A_1603], %swap3A_1606 {strides = array<i32>} : memref<128x80xf32, #tpu.memory_space<vmem>>, vector<1x16xf32>,
        %broadcast_in_dim3A_1607 = vector.shape_cast %add3A_787 : vector<16xi32> to vector<16x1xi32>
        %gather3A_1608 = vector.shape_cast %broadcast_in_dim3A_1607 : vector<16x1xi32> to vector<16xi32>
        %gather3A_1609 = tpu.dynamic_gather %mul3A_1601[%gather3A_1608] in [0] : vector<16xf32>, vector<16xi32> -> vector<16xf32>
        %broadcast_in_dim3A_1610 = vector.shape_cast %add3A_793 : vector<16xi32> to vector<16x1xi32>
        %gather3A_1611 = vector.shape_cast %broadcast_in_dim3A_1610 : vector<16x1xi32> to vector<16xi32>
        %gather3A_1612 = tpu.dynamic_gather %mul3A_1601[%gather3A_1611] in [0] : vector<16xf32>, vector<16xi32> -> vector<16xf32>
        %get3A_1613 = arith.index_cast %scan3A_1564 : i32 to index
        %get3A_1614 = arith.constant 0 : index
        %get3A_1615 = tpu.vector_load %arg14[%get3A_1613, %get3A_1614] {strides = array<i32>} : memref<128x64xf32, #tpu.memory_space<vmem>>, vector<1x16xf32>,
        %get3A_1616 = vector.shape_cast %get3A_1615 : vector<1x16xf32> to vector<16xf32>
        %mul3A_1617 = arith.mulf %get3A_1616, %gather3A_1609 : vector<16xf32>
        %swap3A_1618 = arith.index_cast %scan3A_1564 : i32 to index
        %swap3A_1619 = arith.constant 0 : index
        %swap3A_1620 = tpu.vector_load %arg20[%swap3A_1618, %swap3A_1619] {strides = array<i32>} : memref<128x80xf32, #tpu.memory_space<vmem>>, vector<1x16xf32>,
        %swap3A_1621 = vector.shape_cast %swap3A_1620 : vector<1x16xf32> to vector<16xf32>
        %swap3A_1622 = vector.shape_cast %mul3A_1617 : vector<16xf32> to vector<1x16xf32>
        tpu.vector_store %arg20[%swap3A_1618, %swap3A_1619], %swap3A_1622 {strides = array<i32>} : memref<128x80xf32, #tpu.memory_space<vmem>>, vector<1x16xf32>,
        %get3A_1623 = arith.index_cast %scan3A_1564 : i32 to index
        %get3A_1624 = arith.constant 16 : index
        %get3A_1625 = tpu.vector_load %arg14[%get3A_1623, %get3A_1624] {strides = array<i32>} : memref<128x64xf32, #tpu.memory_space<vmem>>, vector<1x16xf32>,
        %get3A_1626 = vector.shape_cast %get3A_1625 : vector<1x16xf32> to vector<16xf32>
        %mul3A_1627 = arith.mulf %get3A_1626, %gather3A_1609 : vector<16xf32>
        %swap3A_1628 = arith.index_cast %scan3A_1564 : i32 to index
        %swap3A_1629 = arith.constant 16 : index
        %swap3A_1630 = tpu.vector_load %arg20[%swap3A_1628, %swap3A_1629] {strides = array<i32>} : memref<128x80xf32, #tpu.memory_space<vmem>>, vector<1x16xf32>,
        %swap3A_1631 = vector.shape_cast %swap3A_1630 : vector<1x16xf32> to vector<16xf32>
        %swap3A_1632 = vector.shape_cast %mul3A_1627 : vector<16xf32> to vector<1x16xf32>
        tpu.vector_store %arg20[%swap3A_1628, %swap3A_1629], %swap3A_1632 {strides = array<i32>} : memref<128x80xf32, #tpu.memory_space<vmem>>, vector<1x16xf32>,
        %get3A_1633 = arith.index_cast %scan3A_1564 : i32 to index
        %get3A_1634 = arith.constant 32 : index
        %get3A_1635 = tpu.vector_load %arg14[%get3A_1633, %get3A_1634] {strides = array<i32>} : memref<128x64xf32, #tpu.memory_space<vmem>>, vector<1x16xf32>,
        %get3A_1636 = vector.shape_cast %get3A_1635 : vector<1x16xf32> to vector<16xf32>
        %mul3A_1637 = arith.mulf %get3A_1636, %gather3A_1612 : vector<16xf32>
        %swap3A_1638 = arith.index_cast %scan3A_1564 : i32 to index
        %swap3A_1639 = arith.constant 32 : index
        %swap3A_1640 = tpu.vector_load %arg20[%swap3A_1638, %swap3A_1639] {strides = array<i32>} : memref<128x80xf32, #tpu.memory_space<vmem>>, vector<1x16xf32>,
        %swap3A_1641 = vector.shape_cast %swap3A_1640 : vector<1x16xf32> to vector<16xf32>
        %swap3A_1642 = vector.shape_cast %mul3A_1637 : vector<16xf32> to vector<1x16xf32>
        tpu.vector_store %arg20[%swap3A_1638, %swap3A_1639], %swap3A_1642 {strides = array<i32>} : memref<128x80xf32, #tpu.memory_space<vmem>>, vector<1x16xf32>,
        %get3A_1643 = arith.index_cast %scan3A_1564 : i32 to index
        %get3A_1644 = arith.constant 48 : index
        %get3A_1645 = tpu.vector_load %arg14[%get3A_1643, %get3A_1644] {strides = array<i32>} : memref<128x64xf32, #tpu.memory_space<vmem>>, vector<1x16xf32>,
        %get3A_1646 = vector.shape_cast %get3A_1645 : vector<1x16xf32> to vector<16xf32>
        %mul3A_1647 = arith.mulf %get3A_1646, %gather3A_1612 : vector<16xf32>
        %swap3A_1648 = arith.index_cast %scan3A_1564 : i32 to index
        %swap3A_1649 = arith.constant 48 : index
        %swap3A_1650 = tpu.vector_load %arg20[%swap3A_1648, %swap3A_1649] {strides = array<i32>} : memref<128x80xf32, #tpu.memory_space<vmem>>, vector<1x16xf32>,
        %swap3A_1651 = vector.shape_cast %swap3A_1650 : vector<1x16xf32> to vector<16xf32>
        %swap3A_1652 = vector.shape_cast %mul3A_1647 : vector<16xf32> to vector<1x16xf32>
        tpu.vector_store %arg20[%swap3A_1648, %swap3A_1649], %swap3A_1652 {strides = array<i32>} : memref<128x80xf32, #tpu.memory_space<vmem>>, vector<1x16xf32>,
        %scan3A_1653 = arith.constant 0 : i32
        scf.yield %scan3A_1653 : i32
      }
      %scan3A_879 = arith.constant 128 : i32
      %dma_start3A_880 = arith.constant 0 : i32
      %dma_start3A_881 = arith.constant 0 : i32
      %dma_start3A_882 = tpu.memref_slice %arg23[%dma_start3A_880, %dma_start3A_881] : memref<10000x80xf32, #tpu.memory_space<vmem_shared>> -> memref<10000x80xf32, #tpu.memory_space<vmem_shared>>
      tpu.enqueue_indirect_dma source(%arg20 : memref<128x80xf32, #tpu.memory_space<vmem>>) target(%dma_start3A_882 : memref<10000x80xf32, #tpu.memory_space<vmem_shared>>) offsets(%arg12 : memref<128xi32, #tpu.memory_space<vmem>>) semaphore(%arg30 : memref<!tpu.dma_semaphore, #tpu.memory_space<semaphore_mem>>) {add = true}
      %add3A_883 = arith.constant 2 : i32
      %add3A_884 = arith.addi %mul3A_838, %add3A_883 : i32
      %rem3A = arith.constant 84 : i32
      %rem3A_885 = arith.remsi %add3A_884, %rem3A : i32
      %mul3A_886 = arith.constant 10752 : i32
      %mul3A_887 = arith.muli %arg1, %mul3A_886 : i32
      %mul3A_888 = arith.constant 128 : i32
      %mul3A_889 = arith.muli %rem3A_885, %mul3A_888 : i32
      %add3A_890 = arith.addi %mul3A_887, %mul3A_889 : i32
      "tpu.region"() ({
        %run_scoped3A = tpu.sem_alloc : memref<!tpu.dma_semaphore, #tpu.memory_space<semaphore_mem>>
        %dma_start3A_932 = tpu.memref_slice %arg4[%arg0, %add3A_890] : memref<2x172032xi32, #tpu.memory_space<hbm>> -> memref<1x128xi32, #tpu.memory_space<hbm>>
        %dma_start3A_933 = tpu.memref_squeeze %dma_start3A_932 : memref<1x128xi32, #tpu.memory_space<hbm>> -> memref<128xi32, #tpu.memory_space<hbm>>
        %dma_start3A_934 = tpu.memref_slice %arg4[%arg0, %add3A_890] : memref<2x172032xi32, #tpu.memory_space<hbm>> -> memref<1x128xi32, #tpu.memory_space<hbm>>
        %dma_start3A_935 = tpu.memref_squeeze %dma_start3A_934 : memref<1x128xi32, #tpu.memory_space<hbm>> -> memref<128xi32, #tpu.memory_space<hbm>>
        tpu.enqueue_dma source(%dma_start3A_935 : memref<128xi32, #tpu.memory_space<hbm>>) target(%arg8 : memref<128xi32, #tpu.memory_space<vmem>>) target_semaphore(%run_scoped3A : memref<!tpu.dma_semaphore, #tpu.memory_space<semaphore_mem>>)
        %dma_wait3A_936 = tpu.memref_slice %arg4[%arg0, %add3A_890] : memref<2x172032xi32, #tpu.memory_space<hbm>> -> memref<1x128xi32, #tpu.memory_space<hbm>>
        %dma_wait3A_937 = tpu.memref_squeeze %dma_wait3A_936 : memref<1x128xi32, #tpu.memory_space<hbm>> -> memref<128xi32, #tpu.memory_space<hbm>>
        %dma_wait3A_938 = tpu.memref_slice %arg4[%arg0, %add3A_890] : memref<2x172032xi32, #tpu.memory_space<hbm>> -> memref<1x128xi32, #tpu.memory_space<hbm>>
        %dma_wait3A_939 = tpu.memref_squeeze %dma_wait3A_938 : memref<1x128xi32, #tpu.memory_space<hbm>> -> memref<128xi32, #tpu.memory_space<hbm>>
        tpu.wait_dma2 semaphore(%run_scoped3A : memref<!tpu.dma_semaphore, #tpu.memory_space<semaphore_mem>>) src(%dma_wait3A_939 : memref<128xi32, #tpu.memory_space<hbm>>) dst(%arg8 : memref<128xi32, #tpu.memory_space<vmem>>)
        tpu.yield
      }) : () -> ()
      "tpu.region"() ({
        %run_scoped3A = tpu.sem_alloc : memref<!tpu.dma_semaphore, #tpu.memory_space<semaphore_mem>>
        %dma_start3A_932 = tpu.memref_slice %arg5[%arg0, %add3A_890] : memref<2x172032xi32, #tpu.memory_space<hbm>> -> memref<1x128xi32, #tpu.memory_space<hbm>>
        %dma_start3A_933 = tpu.memref_squeeze %dma_start3A_932 : memref<1x128xi32, #tpu.memory_space<hbm>> -> memref<128xi32, #tpu.memory_space<hbm>>
        %dma_start3A_934 = tpu.memref_slice %arg5[%arg0, %add3A_890] : memref<2x172032xi32, #tpu.memory_space<hbm>> -> memref<1x128xi32, #tpu.memory_space<hbm>>
        %dma_start3A_935 = tpu.memref_squeeze %dma_start3A_934 : memref<1x128xi32, #tpu.memory_space<hbm>> -> memref<128xi32, #tpu.memory_space<hbm>>
        tpu.enqueue_dma source(%dma_start3A_935 : memref<128xi32, #tpu.memory_space<hbm>>) target(%arg10 : memref<128xi32, #tpu.memory_space<vmem>>) target_semaphore(%run_scoped3A : memref<!tpu.dma_semaphore, #tpu.memory_space<semaphore_mem>>)
        %dma_wait3A_936 = tpu.memref_slice %arg5[%arg0, %add3A_890] : memref<2x172032xi32, #tpu.memory_space<hbm>> -> memref<1x128xi32, #tpu.memory_space<hbm>>
        %dma_wait3A_937 = tpu.memref_squeeze %dma_wait3A_936 : memref<1x128xi32, #tpu.memory_space<hbm>> -> memref<128xi32, #tpu.memory_space<hbm>>
        %dma_wait3A_938 = tpu.memref_slice %arg5[%arg0, %add3A_890] : memref<2x172032xi32, #tpu.memory_space<hbm>> -> memref<1x128xi32, #tpu.memory_space<hbm>>
        %dma_wait3A_939 = tpu.memref_squeeze %dma_wait3A_938 : memref<1x128xi32, #tpu.memory_space<hbm>> -> memref<128xi32, #tpu.memory_space<hbm>>
        tpu.wait_dma2 semaphore(%run_scoped3A : memref<!tpu.dma_semaphore, #tpu.memory_space<semaphore_mem>>) src(%dma_wait3A_939 : memref<128xi32, #tpu.memory_space<hbm>>) dst(%arg10 : memref<128xi32, #tpu.memory_space<vmem>>)
        tpu.yield
      }) : () -> ()
      %dma_start3A_891 = arith.constant 0 : i32
      %dma_start3A_892 = arith.constant 0 : i32
      %dma_start3A_893 = tpu.memref_slice %arg2[%dma_start3A_891, %dma_start3A_892] : memref<20000x64xf32, #tpu.memory_space<hbm>> -> memref<20000x64xf32, #tpu.memory_space<hbm>>
      tpu.enqueue_indirect_dma source(%dma_start3A_893 : memref<20000x64xf32, #tpu.memory_space<hbm>>) target(%arg14 : memref<128x64xf32, #tpu.memory_space<vmem>>) offsets(%arg8 : memref<128xi32, #tpu.memory_space<vmem>>) semaphore(%arg24 : memref<!tpu.dma_semaphore, #tpu.memory_space<semaphore_mem>>)
      %dma_start3A_894 = arith.constant 0 : i32
      %dma_start3A_895 = arith.constant 0 : i32
      %dma_start3A_896 = tpu.memref_slice %arg3[%dma_start3A_894, %dma_start3A_895] : memref<20000x16xf32, #tpu.memory_space<hbm>> -> memref<20000x16xf32, #tpu.memory_space<hbm>>
      tpu.enqueue_indirect_dma source(%dma_start3A_896 : memref<20000x16xf32, #tpu.memory_space<hbm>>) target(%arg16 : memref<128x16xf32, #tpu.memory_space<vmem>>) offsets(%arg8 : memref<128xi32, #tpu.memory_space<vmem>>) semaphore(%arg26 : memref<!tpu.dma_semaphore, #tpu.memory_space<semaphore_mem>>)
      %dma_start3A_897 = arith.constant 0 : i32
      %dma_start3A_898 = arith.constant 0 : i32
      %dma_start3A_899 = tpu.memref_slice %arg3[%dma_start3A_897, %dma_start3A_898] : memref<20000x16xf32, #tpu.memory_space<hbm>> -> memref<20000x16xf32, #tpu.memory_space<hbm>>
      tpu.enqueue_indirect_dma source(%dma_start3A_899 : memref<20000x16xf32, #tpu.memory_space<hbm>>) target(%arg18 : memref<128x16xf32, #tpu.memory_space<vmem>>) offsets(%arg10 : memref<128xi32, #tpu.memory_space<vmem>>) semaphore(%arg28 : memref<!tpu.dma_semaphore, #tpu.memory_space<semaphore_mem>>)
      %dma_wait3A_900 = arith.constant 0 : i32
      %dma_wait3A_901 = arith.constant 0 : i32
      %dma_wait3A_902 = tpu.memref_slice %arg2[%dma_wait3A_900, %dma_wait3A_901] : memref<20000x64xf32, #tpu.memory_space<hbm>> -> memref<20000x64xf32, #tpu.memory_space<hbm>>
      tpu.wait_indirect_dma semaphore(%arg25 : memref<!tpu.dma_semaphore, #tpu.memory_space<semaphore_mem>>) src(%dma_wait3A_902 : memref<20000x64xf32, #tpu.memory_space<hbm>>) dst(%arg15 : memref<128x64xf32, #tpu.memory_space<vmem>>)
      %dma_wait3A_903 = arith.constant 0 : i32
      %dma_wait3A_904 = arith.constant 0 : i32
      %dma_wait3A_905 = tpu.memref_slice %arg3[%dma_wait3A_903, %dma_wait3A_904] : memref<20000x16xf32, #tpu.memory_space<hbm>> -> memref<20000x16xf32, #tpu.memory_space<hbm>>
      tpu.wait_indirect_dma semaphore(%arg27 : memref<!tpu.dma_semaphore, #tpu.memory_space<semaphore_mem>>) src(%dma_wait3A_905 : memref<20000x16xf32, #tpu.memory_space<hbm>>) dst(%arg17 : memref<128x16xf32, #tpu.memory_space<vmem>>)
      %dma_wait3A_906 = arith.constant 0 : i32
      %dma_wait3A_907 = arith.constant 0 : i32
      %dma_wait3A_908 = tpu.memref_slice %arg3[%dma_wait3A_906, %dma_wait3A_907] : memref<20000x16xf32, #tpu.memory_space<hbm>> -> memref<20000x16xf32, #tpu.memory_space<hbm>>
      tpu.wait_indirect_dma semaphore(%arg29 : memref<!tpu.dma_semaphore, #tpu.memory_space<semaphore_mem>>) src(%dma_wait3A_908 : memref<20000x16xf32, #tpu.memory_space<hbm>>) dst(%arg19 : memref<128x16xf32, #tpu.memory_space<vmem>>)
      %gt3A_909 = arith.constant 0 : i32
      %gt3A_910 = arith.cmpi sgt, %scan3A_835, %gt3A_909 : i32
      %convert_element_type3A_911 = arith.extui %gt3A_910 : i1 to i32
      %cond3A_912 = arith.constant 0 : i32
      %cond3A_913 = arith.cmpi ne, %convert_element_type3A_911, %cond3A_912 : i32
      scf.if %cond3A_913 {
        %dma_wait3A_932 = arith.constant 0 : i32
        %dma_wait3A_933 = arith.constant 0 : i32
        %dma_wait3A_934 = tpu.memref_slice %arg23[%dma_wait3A_932, %dma_wait3A_933] : memref<10000x80xf32, #tpu.memory_space<vmem_shared>> -> memref<10000x80xf32, #tpu.memory_space<vmem_shared>>
        tpu.wait_indirect_dma semaphore(%arg31 : memref<!tpu.dma_semaphore, #tpu.memory_space<semaphore_mem>>) src(%arg21 : memref<128x80xf32, #tpu.memory_space<vmem>>) dst(%dma_wait3A_934 : memref<10000x80xf32, #tpu.memory_space<vmem_shared>>)
      } else {
      }
      %add3A_914 = arith.constant 1 : i32
      %add3A_915 = arith.addi %mul3A_838, %add3A_914 : i32
      %mul3A_916 = arith.constant 10752 : i32
      %mul3A_917 = arith.muli %arg1, %mul3A_916 : i32
      %mul3A_918 = arith.constant 128 : i32
      %mul3A_919 = arith.muli %add3A_915, %mul3A_918 : i32
      %add3A_920 = arith.addi %mul3A_917, %mul3A_919 : i32
      "tpu.region"() ({
        %run_scoped3A = tpu.sem_alloc : memref<!tpu.dma_semaphore, #tpu.memory_space<semaphore_mem>>
        %dma_start3A_932 = tpu.memref_slice %arg6[%add3A_920] : memref<172048xi32, #tpu.memory_space<hbm>> -> memref<128xi32, #tpu.memory_space<hbm>>
        %dma_start3A_933 = tpu.memref_slice %arg6[%add3A_920] : memref<172048xi32, #tpu.memory_space<hbm>> -> memref<128xi32, #tpu.memory_space<hbm>>
        tpu.enqueue_dma source(%dma_start3A_933 : memref<128xi32, #tpu.memory_space<hbm>>) target(%arg13 : memref<128xi32, #tpu.memory_space<vmem>>) target_semaphore(%run_scoped3A : memref<!tpu.dma_semaphore, #tpu.memory_space<semaphore_mem>>)
        %dma_wait3A_934 = tpu.memref_slice %arg6[%add3A_920] : memref<172048xi32, #tpu.memory_space<hbm>> -> memref<128xi32, #tpu.memory_space<hbm>>
        %dma_wait3A_935 = tpu.memref_slice %arg6[%add3A_920] : memref<172048xi32, #tpu.memory_space<hbm>> -> memref<128xi32, #tpu.memory_space<hbm>>
        tpu.wait_dma2 semaphore(%run_scoped3A : memref<!tpu.dma_semaphore, #tpu.memory_space<semaphore_mem>>) src(%dma_wait3A_935 : memref<128xi32, #tpu.memory_space<hbm>>) dst(%arg13 : memref<128xi32, #tpu.memory_space<vmem>>)
        tpu.yield
      }) : () -> ()
      %scan3A_921 = arith.constant 0 : i32
      %scan3A_922 = arith.constant 0 : i32
      %scan3A_923 = arith.constant 128 : i32
      %scan3A_924 = arith.addi %scan3A_922, %scan3A_923 : i32
      %scan3A_925 = arith.constant 8 : i32
      %scan3A_926 = scf.for %scan3A_932 = %scan3A_922 to %scan3A_924 step %scan3A_925 iter_args(%scan3A_933 = %scan3A_921) -> (i32)  : i32 {
        %get3A = arith.index_cast %scan3A_932 : i32 to index
        %get3A_934 = arith.constant 0 : index
        %get3A_935 = tpu.vector_load %arg17[%get3A, %get3A_934] {strides = array<i32>} : memref<128x16xf32, #tpu.memory_space<vmem>>, vector<1x16xf32>,
        %get3A_936 = vector.shape_cast %get3A_935 : vector<1x16xf32> to vector<16xf32>
        %get3A_937 = arith.index_cast %scan3A_932 : i32 to index
        %get3A_938 = arith.constant 0 : index
        %get3A_939 = tpu.vector_load %arg19[%get3A_937, %get3A_938] {strides = array<i32>} : memref<128x16xf32, #tpu.memory_space<vmem>>, vector<1x16xf32>,
        %get3A_940 = vector.shape_cast %get3A_939 : vector<1x16xf32> to vector<16xf32>
        %broadcast_in_dim3A_941 = vector.shape_cast %select_n3A : vector<16xi32> to vector<16x1xi32>
        %gather3A = vector.shape_cast %broadcast_in_dim3A_941 : vector<16x1xi32> to vector<16xi32>
        %gather3A_942 = tpu.dynamic_gather %get3A_940[%gather3A] in [0] : vector<16xf32>, vector<16xi32> -> vector<16xf32>
        %add3A_943 = arith.addf %get3A_936, %gather3A_942 : vector<16xf32>
        %max3A = arith.constant 0.000000e+00 : f32
        %max3A_944 = vector.broadcast %max3A : f32 to vector<16xf32>
        %max3A_945 = arith.maximumf %add3A_943, %max3A_944 : vector<16xf32>
        %min3A = arith.constant 0.000000e+00 : f32
        %min3A_946 = vector.broadcast %min3A : f32 to vector<16xf32>
        %min3A_947 = arith.minimumf %add3A_943, %min3A_946 : vector<16xf32>
        %mul3A_948 = arith.constant 2.000000e-01 : f32
        %mul3A_949 = vector.broadcast %mul3A_948 : f32 to vector<16xf32>
        %mul3A_950 = arith.mulf %mul3A_949, %min3A_947 : vector<16xf32>
        %add3A_951 = arith.addf %max3A_945, %mul3A_950 : vector<16xf32>
        %add3A_952 = arith.addi %add3A_920, %scan3A_932 : i32
        %convert_element_type3A_953 = arith.sitofp %add3A_952 : i32 to f32
        %add3A_954 = vector.broadcast %convert_element_type3A_953 : f32 to vector<16xf32>
        %add3A_955 = arith.addf %convert_element_type3A, %add3A_954 : vector<16xf32>
        %sub3A = arith.constant 1.700000e+05 : f32
        %sub3A_956 = vector.broadcast %sub3A : f32 to vector<16xf32>
        %sub3A_957 = arith.subf %sub3A_956, %add3A_955 : vector<16xf32>
        %max3A_958 = arith.constant 0.000000e+00 : f32
        %max3A_959 = vector.broadcast %max3A_958 : f32 to vector<16xf32>
        %max3A_960 = arith.maximumf %sub3A_957, %max3A_959 : vector<16xf32>
        %min3A_961 = arith.constant 1.000000e+00 : f32
        %min3A_962 = vector.broadcast %min3A_961 : f32 to vector<16xf32>
        %min3A_963 = arith.minimumf %max3A_960, %min3A_962 : vector<16xf32>
        %exp3A = math.exp %add3A_951 : vector<16xf32>
        %mul3A_964 = arith.mulf %exp3A, %min3A_963 : vector<16xf32>
        %swap3A_965 = arith.index_cast %scan3A_932 : i32 to index
        %swap3A_966 = arith.constant 64 : index
        %swap3A_967 = tpu.vector_load %arg21[%swap3A_965, %swap3A_966] {strides = array<i32>} : memref<128x80xf32, #tpu.memory_space<vmem>>, vector<1x16xf32>,
        %swap3A_968 = vector.shape_cast %swap3A_967 : vector<1x16xf32> to vector<16xf32>
        %swap3A_969 = vector.shape_cast %mul3A_964 : vector<16xf32> to vector<1x16xf32>
        tpu.vector_store %arg21[%swap3A_965, %swap3A_966], %swap3A_969 {strides = array<i32>} : memref<128x80xf32, #tpu.memory_space<vmem>>, vector<1x16xf32>,
        %broadcast_in_dim3A_970 = vector.shape_cast %add3A_787 : vector<16xi32> to vector<16x1xi32>
        %gather3A_971 = vector.shape_cast %broadcast_in_dim3A_970 : vector<16x1xi32> to vector<16xi32>
        %gather3A_972 = tpu.dynamic_gather %mul3A_964[%gather3A_971] in [0] : vector<16xf32>, vector<16xi32> -> vector<16xf32>
        %broadcast_in_dim3A_973 = vector.shape_cast %add3A_793 : vector<16xi32> to vector<16x1xi32>
        %gather3A_974 = vector.shape_cast %broadcast_in_dim3A_973 : vector<16x1xi32> to vector<16xi32>
        %gather3A_975 = tpu.dynamic_gather %mul3A_964[%gather3A_974] in [0] : vector<16xf32>, vector<16xi32> -> vector<16xf32>
        %get3A_976 = arith.index_cast %scan3A_932 : i32 to index
        %get3A_977 = arith.constant 0 : index
        %get3A_978 = tpu.vector_load %arg15[%get3A_976, %get3A_977] {strides = array<i32>} : memref<128x64xf32, #tpu.memory_space<vmem>>, vector<1x16xf32>,
        %get3A_979 = vector.shape_cast %get3A_978 : vector<1x16xf32> to vector<16xf32>
        %mul3A_980 = arith.mulf %get3A_979, %gather3A_972 : vector<16xf32>
        %swap3A_981 = arith.index_cast %scan3A_932 : i32 to index
        %swap3A_982 = arith.constant 0 : index
        %swap3A_983 = tpu.vector_load %arg21[%swap3A_981, %swap3A_982] {strides = array<i32>} : memref<128x80xf32, #tpu.memory_space<vmem>>, vector<1x16xf32>,
        %swap3A_984 = vector.shape_cast %swap3A_983 : vector<1x16xf32> to vector<16xf32>
        %swap3A_985 = vector.shape_cast %mul3A_980 : vector<16xf32> to vector<1x16xf32>
        tpu.vector_store %arg21[%swap3A_981, %swap3A_982], %swap3A_985 {strides = array<i32>} : memref<128x80xf32, #tpu.memory_space<vmem>>, vector<1x16xf32>,
        %get3A_986 = arith.index_cast %scan3A_932 : i32 to index
        %get3A_987 = arith.constant 16 : index
        %get3A_988 = tpu.vector_load %arg15[%get3A_986, %get3A_987] {strides = array<i32>} : memref<128x64xf32, #tpu.memory_space<vmem>>, vector<1x16xf32>,
        %get3A_989 = vector.shape_cast %get3A_988 : vector<1x16xf32> to vector<16xf32>
        %mul3A_990 = arith.mulf %get3A_989, %gather3A_972 : vector<16xf32>
        %swap3A_991 = arith.index_cast %scan3A_932 : i32 to index
        %swap3A_992 = arith.constant 16 : index
        %swap3A_993 = tpu.vector_load %arg21[%swap3A_991, %swap3A_992] {strides = array<i32>} : memref<128x80xf32, #tpu.memory_space<vmem>>, vector<1x16xf32>,
        %swap3A_994 = vector.shape_cast %swap3A_993 : vector<1x16xf32> to vector<16xf32>
        %swap3A_995 = vector.shape_cast %mul3A_990 : vector<16xf32> to vector<1x16xf32>
        tpu.vector_store %arg21[%swap3A_991, %swap3A_992], %swap3A_995 {strides = array<i32>} : memref<128x80xf32, #tpu.memory_space<vmem>>, vector<1x16xf32>,
        %get3A_996 = arith.index_cast %scan3A_932 : i32 to index
        %get3A_997 = arith.constant 32 : index
        %get3A_998 = tpu.vector_load %arg15[%get3A_996, %get3A_997] {strides = array<i32>} : memref<128x64xf32, #tpu.memory_space<vmem>>, vector<1x16xf32>,
        %get3A_999 = vector.shape_cast %get3A_998 : vector<1x16xf32> to vector<16xf32>
        %mul3A_1000 = arith.mulf %get3A_999, %gather3A_975 : vector<16xf32>
        %swap3A_1001 = arith.index_cast %scan3A_932 : i32 to index
        %swap3A_1002 = arith.constant 32 : index
        %swap3A_1003 = tpu.vector_load %arg21[%swap3A_1001, %swap3A_1002] {strides = array<i32>} : memref<128x80xf32, #tpu.memory_space<vmem>>, vector<1x16xf32>,
        %swap3A_1004 = vector.shape_cast %swap3A_1003 : vector<1x16xf32> to vector<16xf32>
        %swap3A_1005 = vector.shape_cast %mul3A_1000 : vector<16xf32> to vector<1x16xf32>
        tpu.vector_store %arg21[%swap3A_1001, %swap3A_1002], %swap3A_1005 {strides = array<i32>} : memref<128x80xf32, #tpu.memory_space<vmem>>, vector<1x16xf32>,
        %get3A_1006 = arith.index_cast %scan3A_932 : i32 to index
        %get3A_1007 = arith.constant 48 : index
        %get3A_1008 = tpu.vector_load %arg15[%get3A_1006, %get3A_1007] {strides = array<i32>} : memref<128x64xf32, #tpu.memory_space<vmem>>, vector<1x16xf32>,
        %get3A_1009 = vector.shape_cast %get3A_1008 : vector<1x16xf32> to vector<16xf32>
        %mul3A_1010 = arith.mulf %get3A_1009, %gather3A_975 : vector<16xf32>
        %swap3A_1011 = arith.index_cast %scan3A_932 : i32 to index
        %swap3A_1012 = arith.constant 48 : index
        %swap3A_1013 = tpu.vector_load %arg21[%swap3A_1011, %swap3A_1012] {strides = array<i32>} : memref<128x80xf32, #tpu.memory_space<vmem>>, vector<1x16xf32>,
        %swap3A_1014 = vector.shape_cast %swap3A_1013 : vector<1x16xf32> to vector<16xf32>
        %swap3A_1015 = vector.shape_cast %mul3A_1010 : vector<16xf32> to vector<1x16xf32>
        tpu.vector_store %arg21[%swap3A_1011, %swap3A_1012], %swap3A_1015 {strides = array<i32>} : memref<128x80xf32, #tpu.memory_space<vmem>>, vector<1x16xf32>,
        %scan3A_1016 = arith.constant 0 : i32
        %scan3A_1017 = arith.constant 1 : i32
        %scan3A_1018 = arith.addi %scan3A_932, %scan3A_1017 : i32
        %get3A_1019 = arith.index_cast %scan3A_1018 : i32 to index
        %get3A_1020 = arith.constant 0 : index
        %get3A_1021 = tpu.vector_load %arg17[%get3A_1019, %get3A_1020] {strides = array<i32>} : memref<128x16xf32, #tpu.memory_space<vmem>>, vector<1x16xf32>,
        %get3A_1022 = vector.shape_cast %get3A_1021 : vector<1x16xf32> to vector<16xf32>
        %get3A_1023 = arith.index_cast %scan3A_1018 : i32 to index
        %get3A_1024 = arith.constant 0 : index
        %get3A_1025 = tpu.vector_load %arg19[%get3A_1023, %get3A_1024] {strides = array<i32>} : memref<128x16xf32, #tpu.memory_space<vmem>>, vector<1x16xf32>,
        %get3A_1026 = vector.shape_cast %get3A_1025 : vector<1x16xf32> to vector<16xf32>
        %broadcast_in_dim3A_1027 = vector.shape_cast %select_n3A : vector<16xi32> to vector<16x1xi32>
        %gather3A_1028 = vector.shape_cast %broadcast_in_dim3A_1027 : vector<16x1xi32> to vector<16xi32>
        %gather3A_1029 = tpu.dynamic_gather %get3A_1026[%gather3A_1028] in [0] : vector<16xf32>, vector<16xi32> -> vector<16xf32>
        %add3A_1030 = arith.addf %get3A_1022, %gather3A_1029 : vector<16xf32>
        %max3A_1031 = arith.constant 0.000000e+00 : f32
        %max3A_1032 = vector.broadcast %max3A_1031 : f32 to vector<16xf32>
        %max3A_1033 = arith.maximumf %add3A_1030, %max3A_1032 : vector<16xf32>
        %min3A_1034 = arith.constant 0.000000e+00 : f32
        %min3A_1035 = vector.broadcast %min3A_1034 : f32 to vector<16xf32>
        %min3A_1036 = arith.minimumf %add3A_1030, %min3A_1035 : vector<16xf32>
        %mul3A_1037 = arith.constant 2.000000e-01 : f32
        %mul3A_1038 = vector.broadcast %mul3A_1037 : f32 to vector<16xf32>
        %mul3A_1039 = arith.mulf %mul3A_1038, %min3A_1036 : vector<16xf32>
        %add3A_1040 = arith.addf %max3A_1033, %mul3A_1039 : vector<16xf32>
        %add3A_1041 = arith.addi %add3A_920, %scan3A_1018 : i32
        %convert_element_type3A_1042 = arith.sitofp %add3A_1041 : i32 to f32
        %add3A_1043 = vector.broadcast %convert_element_type3A_1042 : f32 to vector<16xf32>
        %add3A_1044 = arith.addf %convert_element_type3A, %add3A_1043 : vector<16xf32>
        %sub3A_1045 = arith.constant 1.700000e+05 : f32
        %sub3A_1046 = vector.broadcast %sub3A_1045 : f32 to vector<16xf32>
        %sub3A_1047 = arith.subf %sub3A_1046, %add3A_1044 : vector<16xf32>
        %max3A_1048 = arith.constant 0.000000e+00 : f32
        %max3A_1049 = vector.broadcast %max3A_1048 : f32 to vector<16xf32>
        %max3A_1050 = arith.maximumf %sub3A_1047, %max3A_1049 : vector<16xf32>
        %min3A_1051 = arith.constant 1.000000e+00 : f32
        %min3A_1052 = vector.broadcast %min3A_1051 : f32 to vector<16xf32>
        %min3A_1053 = arith.minimumf %max3A_1050, %min3A_1052 : vector<16xf32>
        %exp3A_1054 = math.exp %add3A_1040 : vector<16xf32>
        %mul3A_1055 = arith.mulf %exp3A_1054, %min3A_1053 : vector<16xf32>
        %swap3A_1056 = arith.index_cast %scan3A_1018 : i32 to index
        %swap3A_1057 = arith.constant 64 : index
        %swap3A_1058 = tpu.vector_load %arg21[%swap3A_1056, %swap3A_1057] {strides = array<i32>} : memref<128x80xf32, #tpu.memory_space<vmem>>, vector<1x16xf32>,
        %swap3A_1059 = vector.shape_cast %swap3A_1058 : vector<1x16xf32> to vector<16xf32>
        %swap3A_1060 = vector.shape_cast %mul3A_1055 : vector<16xf32> to vector<1x16xf32>
        tpu.vector_store %arg21[%swap3A_1056, %swap3A_1057], %swap3A_1060 {strides = array<i32>} : memref<128x80xf32, #tpu.memory_space<vmem>>, vector<1x16xf32>,
        %broadcast_in_dim3A_1061 = vector.shape_cast %add3A_787 : vector<16xi32> to vector<16x1xi32>
        %gather3A_1062 = vector.shape_cast %broadcast_in_dim3A_1061 : vector<16x1xi32> to vector<16xi32>
        %gather3A_1063 = tpu.dynamic_gather %mul3A_1055[%gather3A_1062] in [0] : vector<16xf32>, vector<16xi32> -> vector<16xf32>
        %broadcast_in_dim3A_1064 = vector.shape_cast %add3A_793 : vector<16xi32> to vector<16x1xi32>
        %gather3A_1065 = vector.shape_cast %broadcast_in_dim3A_1064 : vector<16x1xi32> to vector<16xi32>
        %gather3A_1066 = tpu.dynamic_gather %mul3A_1055[%gather3A_1065] in [0] : vector<16xf32>, vector<16xi32> -> vector<16xf32>
        %get3A_1067 = arith.index_cast %scan3A_1018 : i32 to index
        %get3A_1068 = arith.constant 0 : index
        %get3A_1069 = tpu.vector_load %arg15[%get3A_1067, %get3A_1068] {strides = array<i32>} : memref<128x64xf32, #tpu.memory_space<vmem>>, vector<1x16xf32>,
        %get3A_1070 = vector.shape_cast %get3A_1069 : vector<1x16xf32> to vector<16xf32>
        %mul3A_1071 = arith.mulf %get3A_1070, %gather3A_1063 : vector<16xf32>
        %swap3A_1072 = arith.index_cast %scan3A_1018 : i32 to index
        %swap3A_1073 = arith.constant 0 : index
        %swap3A_1074 = tpu.vector_load %arg21[%swap3A_1072, %swap3A_1073] {strides = array<i32>} : memref<128x80xf32, #tpu.memory_space<vmem>>, vector<1x16xf32>,
        %swap3A_1075 = vector.shape_cast %swap3A_1074 : vector<1x16xf32> to vector<16xf32>
        %swap3A_1076 = vector.shape_cast %mul3A_1071 : vector<16xf32> to vector<1x16xf32>
        tpu.vector_store %arg21[%swap3A_1072, %swap3A_1073], %swap3A_1076 {strides = array<i32>} : memref<128x80xf32, #tpu.memory_space<vmem>>, vector<1x16xf32>,
        %get3A_1077 = arith.index_cast %scan3A_1018 : i32 to index
        %get3A_1078 = arith.constant 16 : index
        %get3A_1079 = tpu.vector_load %arg15[%get3A_1077, %get3A_1078] {strides = array<i32>} : memref<128x64xf32, #tpu.memory_space<vmem>>, vector<1x16xf32>,
        %get3A_1080 = vector.shape_cast %get3A_1079 : vector<1x16xf32> to vector<16xf32>
        %mul3A_1081 = arith.mulf %get3A_1080, %gather3A_1063 : vector<16xf32>
        %swap3A_1082 = arith.index_cast %scan3A_1018 : i32 to index
        %swap3A_1083 = arith.constant 16 : index
        %swap3A_1084 = tpu.vector_load %arg21[%swap3A_1082, %swap3A_1083] {strides = array<i32>} : memref<128x80xf32, #tpu.memory_space<vmem>>, vector<1x16xf32>,
        %swap3A_1085 = vector.shape_cast %swap3A_1084 : vector<1x16xf32> to vector<16xf32>
        %swap3A_1086 = vector.shape_cast %mul3A_1081 : vector<16xf32> to vector<1x16xf32>
        tpu.vector_store %arg21[%swap3A_1082, %swap3A_1083], %swap3A_1086 {strides = array<i32>} : memref<128x80xf32, #tpu.memory_space<vmem>>, vector<1x16xf32>,
        %get3A_1087 = arith.index_cast %scan3A_1018 : i32 to index
        %get3A_1088 = arith.constant 32 : index
        %get3A_1089 = tpu.vector_load %arg15[%get3A_1087, %get3A_1088] {strides = array<i32>} : memref<128x64xf32, #tpu.memory_space<vmem>>, vector<1x16xf32>,
        %get3A_1090 = vector.shape_cast %get3A_1089 : vector<1x16xf32> to vector<16xf32>
        %mul3A_1091 = arith.mulf %get3A_1090, %gather3A_1066 : vector<16xf32>
        %swap3A_1092 = arith.index_cast %scan3A_1018 : i32 to index
        %swap3A_1093 = arith.constant 32 : index
        %swap3A_1094 = tpu.vector_load %arg21[%swap3A_1092, %swap3A_1093] {strides = array<i32>} : memref<128x80xf32, #tpu.memory_space<vmem>>, vector<1x16xf32>,
        %swap3A_1095 = vector.shape_cast %swap3A_1094 : vector<1x16xf32> to vector<16xf32>
        %swap3A_1096 = vector.shape_cast %mul3A_1091 : vector<16xf32> to vector<1x16xf32>
        tpu.vector_store %arg21[%swap3A_1092, %swap3A_1093], %swap3A_1096 {strides = array<i32>} : memref<128x80xf32, #tpu.memory_space<vmem>>, vector<1x16xf32>,
        %get3A_1097 = arith.index_cast %scan3A_1018 : i32 to index
        %get3A_1098 = arith.constant 48 : index
        %get3A_1099 = tpu.vector_load %arg15[%get3A_1097, %get3A_1098] {strides = array<i32>} : memref<128x64xf32, #tpu.memory_space<vmem>>, vector<1x16xf32>,
        %get3A_1100 = vector.shape_cast %get3A_1099 : vector<1x16xf32> to vector<16xf32>
        %mul3A_1101 = arith.mulf %get3A_1100, %gather3A_1066 : vector<16xf32>
        %swap3A_1102 = arith.index_cast %scan3A_1018 : i32 to index
        %swap3A_1103 = arith.constant 48 : index
        %swap3A_1104 = tpu.vector_load %arg21[%swap3A_1102, %swap3A_1103] {strides = array<i32>} : memref<128x80xf32, #tpu.memory_space<vmem>>, vector<1x16xf32>,
        %swap3A_1105 = vector.shape_cast %swap3A_1104 : vector<1x16xf32> to vector<16xf32>
        %swap3A_1106 = vector.shape_cast %mul3A_1101 : vector<16xf32> to vector<1x16xf32>
        tpu.vector_store %arg21[%swap3A_1102, %swap3A_1103], %swap3A_1106 {strides = array<i32>} : memref<128x80xf32, #tpu.memory_space<vmem>>, vector<1x16xf32>,
        %scan3A_1107 = arith.constant 0 : i32
        %scan3A_1108 = arith.constant 2 : i32
        %scan3A_1109 = arith.addi %scan3A_932, %scan3A_1108 : i32
        %get3A_1110 = arith.index_cast %scan3A_1109 : i32 to index
        %get3A_1111 = arith.constant 0 : index
        %get3A_1112 = tpu.vector_load %arg17[%get3A_1110, %get3A_1111] {strides = array<i32>} : memref<128x16xf32, #tpu.memory_space<vmem>>, vector<1x16xf32>,
        %get3A_1113 = vector.shape_cast %get3A_1112 : vector<1x16xf32> to vector<16xf32>
        %get3A_1114 = arith.index_cast %scan3A_1109 : i32 to index
        %get3A_1115 = arith.constant 0 : index
        %get3A_1116 = tpu.vector_load %arg19[%get3A_1114, %get3A_1115] {strides = array<i32>} : memref<128x16xf32, #tpu.memory_space<vmem>>, vector<1x16xf32>,
        %get3A_1117 = vector.shape_cast %get3A_1116 : vector<1x16xf32> to vector<16xf32>
        %broadcast_in_dim3A_1118 = vector.shape_cast %select_n3A : vector<16xi32> to vector<16x1xi32>
        %gather3A_1119 = vector.shape_cast %broadcast_in_dim3A_1118 : vector<16x1xi32> to vector<16xi32>
        %gather3A_1120 = tpu.dynamic_gather %get3A_1117[%gather3A_1119] in [0] : vector<16xf32>, vector<16xi32> -> vector<16xf32>
        %add3A_1121 = arith.addf %get3A_1113, %gather3A_1120 : vector<16xf32>
        %max3A_1122 = arith.constant 0.000000e+00 : f32
        %max3A_1123 = vector.broadcast %max3A_1122 : f32 to vector<16xf32>
        %max3A_1124 = arith.maximumf %add3A_1121, %max3A_1123 : vector<16xf32>
        %min3A_1125 = arith.constant 0.000000e+00 : f32
        %min3A_1126 = vector.broadcast %min3A_1125 : f32 to vector<16xf32>
        %min3A_1127 = arith.minimumf %add3A_1121, %min3A_1126 : vector<16xf32>
        %mul3A_1128 = arith.constant 2.000000e-01 : f32
        %mul3A_1129 = vector.broadcast %mul3A_1128 : f32 to vector<16xf32>
        %mul3A_1130 = arith.mulf %mul3A_1129, %min3A_1127 : vector<16xf32>
        %add3A_1131 = arith.addf %max3A_1124, %mul3A_1130 : vector<16xf32>
        %add3A_1132 = arith.addi %add3A_920, %scan3A_1109 : i32
        %convert_element_type3A_1133 = arith.sitofp %add3A_1132 : i32 to f32
        %add3A_1134 = vector.broadcast %convert_element_type3A_1133 : f32 to vector<16xf32>
        %add3A_1135 = arith.addf %convert_element_type3A, %add3A_1134 : vector<16xf32>
        %sub3A_1136 = arith.constant 1.700000e+05 : f32
        %sub3A_1137 = vector.broadcast %sub3A_1136 : f32 to vector<16xf32>
        %sub3A_1138 = arith.subf %sub3A_1137, %add3A_1135 : vector<16xf32>
        %max3A_1139 = arith.constant 0.000000e+00 : f32
        %max3A_1140 = vector.broadcast %max3A_1139 : f32 to vector<16xf32>
        %max3A_1141 = arith.maximumf %sub3A_1138, %max3A_1140 : vector<16xf32>
        %min3A_1142 = arith.constant 1.000000e+00 : f32
        %min3A_1143 = vector.broadcast %min3A_1142 : f32 to vector<16xf32>
        %min3A_1144 = arith.minimumf %max3A_1141, %min3A_1143 : vector<16xf32>
        %exp3A_1145 = math.exp %add3A_1131 : vector<16xf32>
        %mul3A_1146 = arith.mulf %exp3A_1145, %min3A_1144 : vector<16xf32>
        %swap3A_1147 = arith.index_cast %scan3A_1109 : i32 to index
        %swap3A_1148 = arith.constant 64 : index
        %swap3A_1149 = tpu.vector_load %arg21[%swap3A_1147, %swap3A_1148] {strides = array<i32>} : memref<128x80xf32, #tpu.memory_space<vmem>>, vector<1x16xf32>,
        %swap3A_1150 = vector.shape_cast %swap3A_1149 : vector<1x16xf32> to vector<16xf32>
        %swap3A_1151 = vector.shape_cast %mul3A_1146 : vector<16xf32> to vector<1x16xf32>
        tpu.vector_store %arg21[%swap3A_1147, %swap3A_1148], %swap3A_1151 {strides = array<i32>} : memref<128x80xf32, #tpu.memory_space<vmem>>, vector<1x16xf32>,
        %broadcast_in_dim3A_1152 = vector.shape_cast %add3A_787 : vector<16xi32> to vector<16x1xi32>
        %gather3A_1153 = vector.shape_cast %broadcast_in_dim3A_1152 : vector<16x1xi32> to vector<16xi32>
        %gather3A_1154 = tpu.dynamic_gather %mul3A_1146[%gather3A_1153] in [0] : vector<16xf32>, vector<16xi32> -> vector<16xf32>
        %broadcast_in_dim3A_1155 = vector.shape_cast %add3A_793 : vector<16xi32> to vector<16x1xi32>
        %gather3A_1156 = vector.shape_cast %broadcast_in_dim3A_1155 : vector<16x1xi32> to vector<16xi32>
        %gather3A_1157 = tpu.dynamic_gather %mul3A_1146[%gather3A_1156] in [0] : vector<16xf32>, vector<16xi32> -> vector<16xf32>
        %get3A_1158 = arith.index_cast %scan3A_1109 : i32 to index
        %get3A_1159 = arith.constant 0 : index
        %get3A_1160 = tpu.vector_load %arg15[%get3A_1158, %get3A_1159] {strides = array<i32>} : memref<128x64xf32, #tpu.memory_space<vmem>>, vector<1x16xf32>,
        %get3A_1161 = vector.shape_cast %get3A_1160 : vector<1x16xf32> to vector<16xf32>
        %mul3A_1162 = arith.mulf %get3A_1161, %gather3A_1154 : vector<16xf32>
        %swap3A_1163 = arith.index_cast %scan3A_1109 : i32 to index
        %swap3A_1164 = arith.constant 0 : index
        %swap3A_1165 = tpu.vector_load %arg21[%swap3A_1163, %swap3A_1164] {strides = array<i32>} : memref<128x80xf32, #tpu.memory_space<vmem>>, vector<1x16xf32>,
        %swap3A_1166 = vector.shape_cast %swap3A_1165 : vector<1x16xf32> to vector<16xf32>
        %swap3A_1167 = vector.shape_cast %mul3A_1162 : vector<16xf32> to vector<1x16xf32>
        tpu.vector_store %arg21[%swap3A_1163, %swap3A_1164], %swap3A_1167 {strides = array<i32>} : memref<128x80xf32, #tpu.memory_space<vmem>>, vector<1x16xf32>,
        %get3A_1168 = arith.index_cast %scan3A_1109 : i32 to index
        %get3A_1169 = arith.constant 16 : index
        %get3A_1170 = tpu.vector_load %arg15[%get3A_1168, %get3A_1169] {strides = array<i32>} : memref<128x64xf32, #tpu.memory_space<vmem>>, vector<1x16xf32>,
        %get3A_1171 = vector.shape_cast %get3A_1170 : vector<1x16xf32> to vector<16xf32>
        %mul3A_1172 = arith.mulf %get3A_1171, %gather3A_1154 : vector<16xf32>
        %swap3A_1173 = arith.index_cast %scan3A_1109 : i32 to index
        %swap3A_1174 = arith.constant 16 : index
        %swap3A_1175 = tpu.vector_load %arg21[%swap3A_1173, %swap3A_1174] {strides = array<i32>} : memref<128x80xf32, #tpu.memory_space<vmem>>, vector<1x16xf32>,
        %swap3A_1176 = vector.shape_cast %swap3A_1175 : vector<1x16xf32> to vector<16xf32>
        %swap3A_1177 = vector.shape_cast %mul3A_1172 : vector<16xf32> to vector<1x16xf32>
        tpu.vector_store %arg21[%swap3A_1173, %swap3A_1174], %swap3A_1177 {strides = array<i32>} : memref<128x80xf32, #tpu.memory_space<vmem>>, vector<1x16xf32>,
        %get3A_1178 = arith.index_cast %scan3A_1109 : i32 to index
        %get3A_1179 = arith.constant 32 : index
        %get3A_1180 = tpu.vector_load %arg15[%get3A_1178, %get3A_1179] {strides = array<i32>} : memref<128x64xf32, #tpu.memory_space<vmem>>, vector<1x16xf32>,
        %get3A_1181 = vector.shape_cast %get3A_1180 : vector<1x16xf32> to vector<16xf32>
        %mul3A_1182 = arith.mulf %get3A_1181, %gather3A_1157 : vector<16xf32>
        %swap3A_1183 = arith.index_cast %scan3A_1109 : i32 to index
        %swap3A_1184 = arith.constant 32 : index
        %swap3A_1185 = tpu.vector_load %arg21[%swap3A_1183, %swap3A_1184] {strides = array<i32>} : memref<128x80xf32, #tpu.memory_space<vmem>>, vector<1x16xf32>,
        %swap3A_1186 = vector.shape_cast %swap3A_1185 : vector<1x16xf32> to vector<16xf32>
        %swap3A_1187 = vector.shape_cast %mul3A_1182 : vector<16xf32> to vector<1x16xf32>
        tpu.vector_store %arg21[%swap3A_1183, %swap3A_1184], %swap3A_1187 {strides = array<i32>} : memref<128x80xf32, #tpu.memory_space<vmem>>, vector<1x16xf32>,
        %get3A_1188 = arith.index_cast %scan3A_1109 : i32 to index
        %get3A_1189 = arith.constant 48 : index
        %get3A_1190 = tpu.vector_load %arg15[%get3A_1188, %get3A_1189] {strides = array<i32>} : memref<128x64xf32, #tpu.memory_space<vmem>>, vector<1x16xf32>,
        %get3A_1191 = vector.shape_cast %get3A_1190 : vector<1x16xf32> to vector<16xf32>
        %mul3A_1192 = arith.mulf %get3A_1191, %gather3A_1157 : vector<16xf32>
        %swap3A_1193 = arith.index_cast %scan3A_1109 : i32 to index
        %swap3A_1194 = arith.constant 48 : index
        %swap3A_1195 = tpu.vector_load %arg21[%swap3A_1193, %swap3A_1194] {strides = array<i32>} : memref<128x80xf32, #tpu.memory_space<vmem>>, vector<1x16xf32>,
        %swap3A_1196 = vector.shape_cast %swap3A_1195 : vector<1x16xf32> to vector<16xf32>
        %swap3A_1197 = vector.shape_cast %mul3A_1192 : vector<16xf32> to vector<1x16xf32>
        tpu.vector_store %arg21[%swap3A_1193, %swap3A_1194], %swap3A_1197 {strides = array<i32>} : memref<128x80xf32, #tpu.memory_space<vmem>>, vector<1x16xf32>,
        %scan3A_1198 = arith.constant 0 : i32
        %scan3A_1199 = arith.constant 3 : i32
        %scan3A_1200 = arith.addi %scan3A_932, %scan3A_1199 : i32
        %get3A_1201 = arith.index_cast %scan3A_1200 : i32 to index
        %get3A_1202 = arith.constant 0 : index
        %get3A_1203 = tpu.vector_load %arg17[%get3A_1201, %get3A_1202] {strides = array<i32>} : memref<128x16xf32, #tpu.memory_space<vmem>>, vector<1x16xf32>,
        %get3A_1204 = vector.shape_cast %get3A_1203 : vector<1x16xf32> to vector<16xf32>
        %get3A_1205 = arith.index_cast %scan3A_1200 : i32 to index
        %get3A_1206 = arith.constant 0 : index
        %get3A_1207 = tpu.vector_load %arg19[%get3A_1205, %get3A_1206] {strides = array<i32>} : memref<128x16xf32, #tpu.memory_space<vmem>>, vector<1x16xf32>,
        %get3A_1208 = vector.shape_cast %get3A_1207 : vector<1x16xf32> to vector<16xf32>
        %broadcast_in_dim3A_1209 = vector.shape_cast %select_n3A : vector<16xi32> to vector<16x1xi32>
        %gather3A_1210 = vector.shape_cast %broadcast_in_dim3A_1209 : vector<16x1xi32> to vector<16xi32>
        %gather3A_1211 = tpu.dynamic_gather %get3A_1208[%gather3A_1210] in [0] : vector<16xf32>, vector<16xi32> -> vector<16xf32>
        %add3A_1212 = arith.addf %get3A_1204, %gather3A_1211 : vector<16xf32>
        %max3A_1213 = arith.constant 0.000000e+00 : f32
        %max3A_1214 = vector.broadcast %max3A_1213 : f32 to vector<16xf32>
        %max3A_1215 = arith.maximumf %add3A_1212, %max3A_1214 : vector<16xf32>
        %min3A_1216 = arith.constant 0.000000e+00 : f32
        %min3A_1217 = vector.broadcast %min3A_1216 : f32 to vector<16xf32>
        %min3A_1218 = arith.minimumf %add3A_1212, %min3A_1217 : vector<16xf32>
        %mul3A_1219 = arith.constant 2.000000e-01 : f32
        %mul3A_1220 = vector.broadcast %mul3A_1219 : f32 to vector<16xf32>
        %mul3A_1221 = arith.mulf %mul3A_1220, %min3A_1218 : vector<16xf32>
        %add3A_1222 = arith.addf %max3A_1215, %mul3A_1221 : vector<16xf32>
        %add3A_1223 = arith.addi %add3A_920, %scan3A_1200 : i32
        %convert_element_type3A_1224 = arith.sitofp %add3A_1223 : i32 to f32
        %add3A_1225 = vector.broadcast %convert_element_type3A_1224 : f32 to vector<16xf32>
        %add3A_1226 = arith.addf %convert_element_type3A, %add3A_1225 : vector<16xf32>
        %sub3A_1227 = arith.constant 1.700000e+05 : f32
        %sub3A_1228 = vector.broadcast %sub3A_1227 : f32 to vector<16xf32>
        %sub3A_1229 = arith.subf %sub3A_1228, %add3A_1226 : vector<16xf32>
        %max3A_1230 = arith.constant 0.000000e+00 : f32
        %max3A_1231 = vector.broadcast %max3A_1230 : f32 to vector<16xf32>
        %max3A_1232 = arith.maximumf %sub3A_1229, %max3A_1231 : vector<16xf32>
        %min3A_1233 = arith.constant 1.000000e+00 : f32
        %min3A_1234 = vector.broadcast %min3A_1233 : f32 to vector<16xf32>
        %min3A_1235 = arith.minimumf %max3A_1232, %min3A_1234 : vector<16xf32>
        %exp3A_1236 = math.exp %add3A_1222 : vector<16xf32>
        %mul3A_1237 = arith.mulf %exp3A_1236, %min3A_1235 : vector<16xf32>
        %swap3A_1238 = arith.index_cast %scan3A_1200 : i32 to index
        %swap3A_1239 = arith.constant 64 : index
        %swap3A_1240 = tpu.vector_load %arg21[%swap3A_1238, %swap3A_1239] {strides = array<i32>} : memref<128x80xf32, #tpu.memory_space<vmem>>, vector<1x16xf32>,
        %swap3A_1241 = vector.shape_cast %swap3A_1240 : vector<1x16xf32> to vector<16xf32>
        %swap3A_1242 = vector.shape_cast %mul3A_1237 : vector<16xf32> to vector<1x16xf32>
        tpu.vector_store %arg21[%swap3A_1238, %swap3A_1239], %swap3A_1242 {strides = array<i32>} : memref<128x80xf32, #tpu.memory_space<vmem>>, vector<1x16xf32>,
        %broadcast_in_dim3A_1243 = vector.shape_cast %add3A_787 : vector<16xi32> to vector<16x1xi32>
        %gather3A_1244 = vector.shape_cast %broadcast_in_dim3A_1243 : vector<16x1xi32> to vector<16xi32>
        %gather3A_1245 = tpu.dynamic_gather %mul3A_1237[%gather3A_1244] in [0] : vector<16xf32>, vector<16xi32> -> vector<16xf32>
        %broadcast_in_dim3A_1246 = vector.shape_cast %add3A_793 : vector<16xi32> to vector<16x1xi32>
        %gather3A_1247 = vector.shape_cast %broadcast_in_dim3A_1246 : vector<16x1xi32> to vector<16xi32>
        %gather3A_1248 = tpu.dynamic_gather %mul3A_1237[%gather3A_1247] in [0] : vector<16xf32>, vector<16xi32> -> vector<16xf32>
        %get3A_1249 = arith.index_cast %scan3A_1200 : i32 to index
        %get3A_1250 = arith.constant 0 : index
        %get3A_1251 = tpu.vector_load %arg15[%get3A_1249, %get3A_1250] {strides = array<i32>} : memref<128x64xf32, #tpu.memory_space<vmem>>, vector<1x16xf32>,
        %get3A_1252 = vector.shape_cast %get3A_1251 : vector<1x16xf32> to vector<16xf32>
        %mul3A_1253 = arith.mulf %get3A_1252, %gather3A_1245 : vector<16xf32>
        %swap3A_1254 = arith.index_cast %scan3A_1200 : i32 to index
        %swap3A_1255 = arith.constant 0 : index
        %swap3A_1256 = tpu.vector_load %arg21[%swap3A_1254, %swap3A_1255] {strides = array<i32>} : memref<128x80xf32, #tpu.memory_space<vmem>>, vector<1x16xf32>,
        %swap3A_1257 = vector.shape_cast %swap3A_1256 : vector<1x16xf32> to vector<16xf32>
        %swap3A_1258 = vector.shape_cast %mul3A_1253 : vector<16xf32> to vector<1x16xf32>
        tpu.vector_store %arg21[%swap3A_1254, %swap3A_1255], %swap3A_1258 {strides = array<i32>} : memref<128x80xf32, #tpu.memory_space<vmem>>, vector<1x16xf32>,
        %get3A_1259 = arith.index_cast %scan3A_1200 : i32 to index
        %get3A_1260 = arith.constant 16 : index
        %get3A_1261 = tpu.vector_load %arg15[%get3A_1259, %get3A_1260] {strides = array<i32>} : memref<128x64xf32, #tpu.memory_space<vmem>>, vector<1x16xf32>,
        %get3A_1262 = vector.shape_cast %get3A_1261 : vector<1x16xf32> to vector<16xf32>
        %mul3A_1263 = arith.mulf %get3A_1262, %gather3A_1245 : vector<16xf32>
        %swap3A_1264 = arith.index_cast %scan3A_1200 : i32 to index
        %swap3A_1265 = arith.constant 16 : index
        %swap3A_1266 = tpu.vector_load %arg21[%swap3A_1264, %swap3A_1265] {strides = array<i32>} : memref<128x80xf32, #tpu.memory_space<vmem>>, vector<1x16xf32>,
        %swap3A_1267 = vector.shape_cast %swap3A_1266 : vector<1x16xf32> to vector<16xf32>
        %swap3A_1268 = vector.shape_cast %mul3A_1263 : vector<16xf32> to vector<1x16xf32>
        tpu.vector_store %arg21[%swap3A_1264, %swap3A_1265], %swap3A_1268 {strides = array<i32>} : memref<128x80xf32, #tpu.memory_space<vmem>>, vector<1x16xf32>,
        %get3A_1269 = arith.index_cast %scan3A_1200 : i32 to index
        %get3A_1270 = arith.constant 32 : index
        %get3A_1271 = tpu.vector_load %arg15[%get3A_1269, %get3A_1270] {strides = array<i32>} : memref<128x64xf32, #tpu.memory_space<vmem>>, vector<1x16xf32>,
        %get3A_1272 = vector.shape_cast %get3A_1271 : vector<1x16xf32> to vector<16xf32>
        %mul3A_1273 = arith.mulf %get3A_1272, %gather3A_1248 : vector<16xf32>
        %swap3A_1274 = arith.index_cast %scan3A_1200 : i32 to index
        %swap3A_1275 = arith.constant 32 : index
        %swap3A_1276 = tpu.vector_load %arg21[%swap3A_1274, %swap3A_1275] {strides = array<i32>} : memref<128x80xf32, #tpu.memory_space<vmem>>, vector<1x16xf32>,
        %swap3A_1277 = vector.shape_cast %swap3A_1276 : vector<1x16xf32> to vector<16xf32>
        %swap3A_1278 = vector.shape_cast %mul3A_1273 : vector<16xf32> to vector<1x16xf32>
        tpu.vector_store %arg21[%swap3A_1274, %swap3A_1275], %swap3A_1278 {strides = array<i32>} : memref<128x80xf32, #tpu.memory_space<vmem>>, vector<1x16xf32>,
        %get3A_1279 = arith.index_cast %scan3A_1200 : i32 to index
        %get3A_1280 = arith.constant 48 : index
        %get3A_1281 = tpu.vector_load %arg15[%get3A_1279, %get3A_1280] {strides = array<i32>} : memref<128x64xf32, #tpu.memory_space<vmem>>, vector<1x16xf32>,
        %get3A_1282 = vector.shape_cast %get3A_1281 : vector<1x16xf32> to vector<16xf32>
        %mul3A_1283 = arith.mulf %get3A_1282, %gather3A_1248 : vector<16xf32>
        %swap3A_1284 = arith.index_cast %scan3A_1200 : i32 to index
        %swap3A_1285 = arith.constant 48 : index
        %swap3A_1286 = tpu.vector_load %arg21[%swap3A_1284, %swap3A_1285] {strides = array<i32>} : memref<128x80xf32, #tpu.memory_space<vmem>>, vector<1x16xf32>,
        %swap3A_1287 = vector.shape_cast %swap3A_1286 : vector<1x16xf32> to vector<16xf32>
        %swap3A_1288 = vector.shape_cast %mul3A_1283 : vector<16xf32> to vector<1x16xf32>
        tpu.vector_store %arg21[%swap3A_1284, %swap3A_1285], %swap3A_1288 {strides = array<i32>} : memref<128x80xf32, #tpu.memory_space<vmem>>, vector<1x16xf32>,
        %scan3A_1289 = arith.constant 0 : i32
        %scan3A_1290 = arith.constant 4 : i32
        %scan3A_1291 = arith.addi %scan3A_932, %scan3A_1290 : i32
        %get3A_1292 = arith.index_cast %scan3A_1291 : i32 to index
        %get3A_1293 = arith.constant 0 : index
        %get3A_1294 = tpu.vector_load %arg17[%get3A_1292, %get3A_1293] {strides = array<i32>} : memref<128x16xf32, #tpu.memory_space<vmem>>, vector<1x16xf32>,
        %get3A_1295 = vector.shape_cast %get3A_1294 : vector<1x16xf32> to vector<16xf32>
        %get3A_1296 = arith.index_cast %scan3A_1291 : i32 to index
        %get3A_1297 = arith.constant 0 : index
        %get3A_1298 = tpu.vector_load %arg19[%get3A_1296, %get3A_1297] {strides = array<i32>} : memref<128x16xf32, #tpu.memory_space<vmem>>, vector<1x16xf32>,
        %get3A_1299 = vector.shape_cast %get3A_1298 : vector<1x16xf32> to vector<16xf32>
        %broadcast_in_dim3A_1300 = vector.shape_cast %select_n3A : vector<16xi32> to vector<16x1xi32>
        %gather3A_1301 = vector.shape_cast %broadcast_in_dim3A_1300 : vector<16x1xi32> to vector<16xi32>
        %gather3A_1302 = tpu.dynamic_gather %get3A_1299[%gather3A_1301] in [0] : vector<16xf32>, vector<16xi32> -> vector<16xf32>
        %add3A_1303 = arith.addf %get3A_1295, %gather3A_1302 : vector<16xf32>
        %max3A_1304 = arith.constant 0.000000e+00 : f32
        %max3A_1305 = vector.broadcast %max3A_1304 : f32 to vector<16xf32>
        %max3A_1306 = arith.maximumf %add3A_1303, %max3A_1305 : vector<16xf32>
        %min3A_1307 = arith.constant 0.000000e+00 : f32
        %min3A_1308 = vector.broadcast %min3A_1307 : f32 to vector<16xf32>
        %min3A_1309 = arith.minimumf %add3A_1303, %min3A_1308 : vector<16xf32>
        %mul3A_1310 = arith.constant 2.000000e-01 : f32
        %mul3A_1311 = vector.broadcast %mul3A_1310 : f32 to vector<16xf32>
        %mul3A_1312 = arith.mulf %mul3A_1311, %min3A_1309 : vector<16xf32>
        %add3A_1313 = arith.addf %max3A_1306, %mul3A_1312 : vector<16xf32>
        %add3A_1314 = arith.addi %add3A_920, %scan3A_1291 : i32
        %convert_element_type3A_1315 = arith.sitofp %add3A_1314 : i32 to f32
        %add3A_1316 = vector.broadcast %convert_element_type3A_1315 : f32 to vector<16xf32>
        %add3A_1317 = arith.addf %convert_element_type3A, %add3A_1316 : vector<16xf32>
        %sub3A_1318 = arith.constant 1.700000e+05 : f32
        %sub3A_1319 = vector.broadcast %sub3A_1318 : f32 to vector<16xf32>
        %sub3A_1320 = arith.subf %sub3A_1319, %add3A_1317 : vector<16xf32>
        %max3A_1321 = arith.constant 0.000000e+00 : f32
        %max3A_1322 = vector.broadcast %max3A_1321 : f32 to vector<16xf32>
        %max3A_1323 = arith.maximumf %sub3A_1320, %max3A_1322 : vector<16xf32>
        %min3A_1324 = arith.constant 1.000000e+00 : f32
        %min3A_1325 = vector.broadcast %min3A_1324 : f32 to vector<16xf32>
        %min3A_1326 = arith.minimumf %max3A_1323, %min3A_1325 : vector<16xf32>
        %exp3A_1327 = math.exp %add3A_1313 : vector<16xf32>
        %mul3A_1328 = arith.mulf %exp3A_1327, %min3A_1326 : vector<16xf32>
        %swap3A_1329 = arith.index_cast %scan3A_1291 : i32 to index
        %swap3A_1330 = arith.constant 64 : index
        %swap3A_1331 = tpu.vector_load %arg21[%swap3A_1329, %swap3A_1330] {strides = array<i32>} : memref<128x80xf32, #tpu.memory_space<vmem>>, vector<1x16xf32>,
        %swap3A_1332 = vector.shape_cast %swap3A_1331 : vector<1x16xf32> to vector<16xf32>
        %swap3A_1333 = vector.shape_cast %mul3A_1328 : vector<16xf32> to vector<1x16xf32>
        tpu.vector_store %arg21[%swap3A_1329, %swap3A_1330], %swap3A_1333 {strides = array<i32>} : memref<128x80xf32, #tpu.memory_space<vmem>>, vector<1x16xf32>,
        %broadcast_in_dim3A_1334 = vector.shape_cast %add3A_787 : vector<16xi32> to vector<16x1xi32>
        %gather3A_1335 = vector.shape_cast %broadcast_in_dim3A_1334 : vector<16x1xi32> to vector<16xi32>
        %gather3A_1336 = tpu.dynamic_gather %mul3A_1328[%gather3A_1335] in [0] : vector<16xf32>, vector<16xi32> -> vector<16xf32>
        %broadcast_in_dim3A_1337 = vector.shape_cast %add3A_793 : vector<16xi32> to vector<16x1xi32>
        %gather3A_1338 = vector.shape_cast %broadcast_in_dim3A_1337 : vector<16x1xi32> to vector<16xi32>
        %gather3A_1339 = tpu.dynamic_gather %mul3A_1328[%gather3A_1338] in [0] : vector<16xf32>, vector<16xi32> -> vector<16xf32>
        %get3A_1340 = arith.index_cast %scan3A_1291 : i32 to index
        %get3A_1341 = arith.constant 0 : index
        %get3A_1342 = tpu.vector_load %arg15[%get3A_1340, %get3A_1341] {strides = array<i32>} : memref<128x64xf32, #tpu.memory_space<vmem>>, vector<1x16xf32>,
        %get3A_1343 = vector.shape_cast %get3A_1342 : vector<1x16xf32> to vector<16xf32>
        %mul3A_1344 = arith.mulf %get3A_1343, %gather3A_1336 : vector<16xf32>
        %swap3A_1345 = arith.index_cast %scan3A_1291 : i32 to index
        %swap3A_1346 = arith.constant 0 : index
        %swap3A_1347 = tpu.vector_load %arg21[%swap3A_1345, %swap3A_1346] {strides = array<i32>} : memref<128x80xf32, #tpu.memory_space<vmem>>, vector<1x16xf32>,
        %swap3A_1348 = vector.shape_cast %swap3A_1347 : vector<1x16xf32> to vector<16xf32>
        %swap3A_1349 = vector.shape_cast %mul3A_1344 : vector<16xf32> to vector<1x16xf32>
        tpu.vector_store %arg21[%swap3A_1345, %swap3A_1346], %swap3A_1349 {strides = array<i32>} : memref<128x80xf32, #tpu.memory_space<vmem>>, vector<1x16xf32>,
        %get3A_1350 = arith.index_cast %scan3A_1291 : i32 to index
        %get3A_1351 = arith.constant 16 : index
        %get3A_1352 = tpu.vector_load %arg15[%get3A_1350, %get3A_1351] {strides = array<i32>} : memref<128x64xf32, #tpu.memory_space<vmem>>, vector<1x16xf32>,
        %get3A_1353 = vector.shape_cast %get3A_1352 : vector<1x16xf32> to vector<16xf32>
        %mul3A_1354 = arith.mulf %get3A_1353, %gather3A_1336 : vector<16xf32>
        %swap3A_1355 = arith.index_cast %scan3A_1291 : i32 to index
        %swap3A_1356 = arith.constant 16 : index
        %swap3A_1357 = tpu.vector_load %arg21[%swap3A_1355, %swap3A_1356] {strides = array<i32>} : memref<128x80xf32, #tpu.memory_space<vmem>>, vector<1x16xf32>,
        %swap3A_1358 = vector.shape_cast %swap3A_1357 : vector<1x16xf32> to vector<16xf32>
        %swap3A_1359 = vector.shape_cast %mul3A_1354 : vector<16xf32> to vector<1x16xf32>
        tpu.vector_store %arg21[%swap3A_1355, %swap3A_1356], %swap3A_1359 {strides = array<i32>} : memref<128x80xf32, #tpu.memory_space<vmem>>, vector<1x16xf32>,
        %get3A_1360 = arith.index_cast %scan3A_1291 : i32 to index
        %get3A_1361 = arith.constant 32 : index
        %get3A_1362 = tpu.vector_load %arg15[%get3A_1360, %get3A_1361] {strides = array<i32>} : memref<128x64xf32, #tpu.memory_space<vmem>>, vector<1x16xf32>,
        %get3A_1363 = vector.shape_cast %get3A_1362 : vector<1x16xf32> to vector<16xf32>
        %mul3A_1364 = arith.mulf %get3A_1363, %gather3A_1339 : vector<16xf32>
        %swap3A_1365 = arith.index_cast %scan3A_1291 : i32 to index
        %swap3A_1366 = arith.constant 32 : index
        %swap3A_1367 = tpu.vector_load %arg21[%swap3A_1365, %swap3A_1366] {strides = array<i32>} : memref<128x80xf32, #tpu.memory_space<vmem>>, vector<1x16xf32>,
        %swap3A_1368 = vector.shape_cast %swap3A_1367 : vector<1x16xf32> to vector<16xf32>
        %swap3A_1369 = vector.shape_cast %mul3A_1364 : vector<16xf32> to vector<1x16xf32>
        tpu.vector_store %arg21[%swap3A_1365, %swap3A_1366], %swap3A_1369 {strides = array<i32>} : memref<128x80xf32, #tpu.memory_space<vmem>>, vector<1x16xf32>,
        %get3A_1370 = arith.index_cast %scan3A_1291 : i32 to index
        %get3A_1371 = arith.constant 48 : index
        %get3A_1372 = tpu.vector_load %arg15[%get3A_1370, %get3A_1371] {strides = array<i32>} : memref<128x64xf32, #tpu.memory_space<vmem>>, vector<1x16xf32>,
        %get3A_1373 = vector.shape_cast %get3A_1372 : vector<1x16xf32> to vector<16xf32>
        %mul3A_1374 = arith.mulf %get3A_1373, %gather3A_1339 : vector<16xf32>
        %swap3A_1375 = arith.index_cast %scan3A_1291 : i32 to index
        %swap3A_1376 = arith.constant 48 : index
        %swap3A_1377 = tpu.vector_load %arg21[%swap3A_1375, %swap3A_1376] {strides = array<i32>} : memref<128x80xf32, #tpu.memory_space<vmem>>, vector<1x16xf32>,
        %swap3A_1378 = vector.shape_cast %swap3A_1377 : vector<1x16xf32> to vector<16xf32>
        %swap3A_1379 = vector.shape_cast %mul3A_1374 : vector<16xf32> to vector<1x16xf32>
        tpu.vector_store %arg21[%swap3A_1375, %swap3A_1376], %swap3A_1379 {strides = array<i32>} : memref<128x80xf32, #tpu.memory_space<vmem>>, vector<1x16xf32>,
        %scan3A_1380 = arith.constant 0 : i32
        %scan3A_1381 = arith.constant 5 : i32
        %scan3A_1382 = arith.addi %scan3A_932, %scan3A_1381 : i32
        %get3A_1383 = arith.index_cast %scan3A_1382 : i32 to index
        %get3A_1384 = arith.constant 0 : index
        %get3A_1385 = tpu.vector_load %arg17[%get3A_1383, %get3A_1384] {strides = array<i32>} : memref<128x16xf32, #tpu.memory_space<vmem>>, vector<1x16xf32>,
        %get3A_1386 = vector.shape_cast %get3A_1385 : vector<1x16xf32> to vector<16xf32>
        %get3A_1387 = arith.index_cast %scan3A_1382 : i32 to index
        %get3A_1388 = arith.constant 0 : index
        %get3A_1389 = tpu.vector_load %arg19[%get3A_1387, %get3A_1388] {strides = array<i32>} : memref<128x16xf32, #tpu.memory_space<vmem>>, vector<1x16xf32>,
        %get3A_1390 = vector.shape_cast %get3A_1389 : vector<1x16xf32> to vector<16xf32>
        %broadcast_in_dim3A_1391 = vector.shape_cast %select_n3A : vector<16xi32> to vector<16x1xi32>
        %gather3A_1392 = vector.shape_cast %broadcast_in_dim3A_1391 : vector<16x1xi32> to vector<16xi32>
        %gather3A_1393 = tpu.dynamic_gather %get3A_1390[%gather3A_1392] in [0] : vector<16xf32>, vector<16xi32> -> vector<16xf32>
        %add3A_1394 = arith.addf %get3A_1386, %gather3A_1393 : vector<16xf32>
        %max3A_1395 = arith.constant 0.000000e+00 : f32
        %max3A_1396 = vector.broadcast %max3A_1395 : f32 to vector<16xf32>
        %max3A_1397 = arith.maximumf %add3A_1394, %max3A_1396 : vector<16xf32>
        %min3A_1398 = arith.constant 0.000000e+00 : f32
        %min3A_1399 = vector.broadcast %min3A_1398 : f32 to vector<16xf32>
        %min3A_1400 = arith.minimumf %add3A_1394, %min3A_1399 : vector<16xf32>
        %mul3A_1401 = arith.constant 2.000000e-01 : f32
        %mul3A_1402 = vector.broadcast %mul3A_1401 : f32 to vector<16xf32>
        %mul3A_1403 = arith.mulf %mul3A_1402, %min3A_1400 : vector<16xf32>
        %add3A_1404 = arith.addf %max3A_1397, %mul3A_1403 : vector<16xf32>
        %add3A_1405 = arith.addi %add3A_920, %scan3A_1382 : i32
        %convert_element_type3A_1406 = arith.sitofp %add3A_1405 : i32 to f32
        %add3A_1407 = vector.broadcast %convert_element_type3A_1406 : f32 to vector<16xf32>
        %add3A_1408 = arith.addf %convert_element_type3A, %add3A_1407 : vector<16xf32>
        %sub3A_1409 = arith.constant 1.700000e+05 : f32
        %sub3A_1410 = vector.broadcast %sub3A_1409 : f32 to vector<16xf32>
        %sub3A_1411 = arith.subf %sub3A_1410, %add3A_1408 : vector<16xf32>
        %max3A_1412 = arith.constant 0.000000e+00 : f32
        %max3A_1413 = vector.broadcast %max3A_1412 : f32 to vector<16xf32>
        %max3A_1414 = arith.maximumf %sub3A_1411, %max3A_1413 : vector<16xf32>
        %min3A_1415 = arith.constant 1.000000e+00 : f32
        %min3A_1416 = vector.broadcast %min3A_1415 : f32 to vector<16xf32>
        %min3A_1417 = arith.minimumf %max3A_1414, %min3A_1416 : vector<16xf32>
        %exp3A_1418 = math.exp %add3A_1404 : vector<16xf32>
        %mul3A_1419 = arith.mulf %exp3A_1418, %min3A_1417 : vector<16xf32>
        %swap3A_1420 = arith.index_cast %scan3A_1382 : i32 to index
        %swap3A_1421 = arith.constant 64 : index
        %swap3A_1422 = tpu.vector_load %arg21[%swap3A_1420, %swap3A_1421] {strides = array<i32>} : memref<128x80xf32, #tpu.memory_space<vmem>>, vector<1x16xf32>,
        %swap3A_1423 = vector.shape_cast %swap3A_1422 : vector<1x16xf32> to vector<16xf32>
        %swap3A_1424 = vector.shape_cast %mul3A_1419 : vector<16xf32> to vector<1x16xf32>
        tpu.vector_store %arg21[%swap3A_1420, %swap3A_1421], %swap3A_1424 {strides = array<i32>} : memref<128x80xf32, #tpu.memory_space<vmem>>, vector<1x16xf32>,
        %broadcast_in_dim3A_1425 = vector.shape_cast %add3A_787 : vector<16xi32> to vector<16x1xi32>
        %gather3A_1426 = vector.shape_cast %broadcast_in_dim3A_1425 : vector<16x1xi32> to vector<16xi32>
        %gather3A_1427 = tpu.dynamic_gather %mul3A_1419[%gather3A_1426] in [0] : vector<16xf32>, vector<16xi32> -> vector<16xf32>
        %broadcast_in_dim3A_1428 = vector.shape_cast %add3A_793 : vector<16xi32> to vector<16x1xi32>
        %gather3A_1429 = vector.shape_cast %broadcast_in_dim3A_1428 : vector<16x1xi32> to vector<16xi32>
        %gather3A_1430 = tpu.dynamic_gather %mul3A_1419[%gather3A_1429] in [0] : vector<16xf32>, vector<16xi32> -> vector<16xf32>
        %get3A_1431 = arith.index_cast %scan3A_1382 : i32 to index
        %get3A_1432 = arith.constant 0 : index
        %get3A_1433 = tpu.vector_load %arg15[%get3A_1431, %get3A_1432] {strides = array<i32>} : memref<128x64xf32, #tpu.memory_space<vmem>>, vector<1x16xf32>,
        %get3A_1434 = vector.shape_cast %get3A_1433 : vector<1x16xf32> to vector<16xf32>
        %mul3A_1435 = arith.mulf %get3A_1434, %gather3A_1427 : vector<16xf32>
        %swap3A_1436 = arith.index_cast %scan3A_1382 : i32 to index
        %swap3A_1437 = arith.constant 0 : index
        %swap3A_1438 = tpu.vector_load %arg21[%swap3A_1436, %swap3A_1437] {strides = array<i32>} : memref<128x80xf32, #tpu.memory_space<vmem>>, vector<1x16xf32>,
        %swap3A_1439 = vector.shape_cast %swap3A_1438 : vector<1x16xf32> to vector<16xf32>
        %swap3A_1440 = vector.shape_cast %mul3A_1435 : vector<16xf32> to vector<1x16xf32>
        tpu.vector_store %arg21[%swap3A_1436, %swap3A_1437], %swap3A_1440 {strides = array<i32>} : memref<128x80xf32, #tpu.memory_space<vmem>>, vector<1x16xf32>,
        %get3A_1441 = arith.index_cast %scan3A_1382 : i32 to index
        %get3A_1442 = arith.constant 16 : index
        %get3A_1443 = tpu.vector_load %arg15[%get3A_1441, %get3A_1442] {strides = array<i32>} : memref<128x64xf32, #tpu.memory_space<vmem>>, vector<1x16xf32>,
        %get3A_1444 = vector.shape_cast %get3A_1443 : vector<1x16xf32> to vector<16xf32>
        %mul3A_1445 = arith.mulf %get3A_1444, %gather3A_1427 : vector<16xf32>
        %swap3A_1446 = arith.index_cast %scan3A_1382 : i32 to index
        %swap3A_1447 = arith.constant 16 : index
        %swap3A_1448 = tpu.vector_load %arg21[%swap3A_1446, %swap3A_1447] {strides = array<i32>} : memref<128x80xf32, #tpu.memory_space<vmem>>, vector<1x16xf32>,
        %swap3A_1449 = vector.shape_cast %swap3A_1448 : vector<1x16xf32> to vector<16xf32>
        %swap3A_1450 = vector.shape_cast %mul3A_1445 : vector<16xf32> to vector<1x16xf32>
        tpu.vector_store %arg21[%swap3A_1446, %swap3A_1447], %swap3A_1450 {strides = array<i32>} : memref<128x80xf32, #tpu.memory_space<vmem>>, vector<1x16xf32>,
        %get3A_1451 = arith.index_cast %scan3A_1382 : i32 to index
        %get3A_1452 = arith.constant 32 : index
        %get3A_1453 = tpu.vector_load %arg15[%get3A_1451, %get3A_1452] {strides = array<i32>} : memref<128x64xf32, #tpu.memory_space<vmem>>, vector<1x16xf32>,
        %get3A_1454 = vector.shape_cast %get3A_1453 : vector<1x16xf32> to vector<16xf32>
        %mul3A_1455 = arith.mulf %get3A_1454, %gather3A_1430 : vector<16xf32>
        %swap3A_1456 = arith.index_cast %scan3A_1382 : i32 to index
        %swap3A_1457 = arith.constant 32 : index
        %swap3A_1458 = tpu.vector_load %arg21[%swap3A_1456, %swap3A_1457] {strides = array<i32>} : memref<128x80xf32, #tpu.memory_space<vmem>>, vector<1x16xf32>,
        %swap3A_1459 = vector.shape_cast %swap3A_1458 : vector<1x16xf32> to vector<16xf32>
        %swap3A_1460 = vector.shape_cast %mul3A_1455 : vector<16xf32> to vector<1x16xf32>
        tpu.vector_store %arg21[%swap3A_1456, %swap3A_1457], %swap3A_1460 {strides = array<i32>} : memref<128x80xf32, #tpu.memory_space<vmem>>, vector<1x16xf32>,
        %get3A_1461 = arith.index_cast %scan3A_1382 : i32 to index
        %get3A_1462 = arith.constant 48 : index
        %get3A_1463 = tpu.vector_load %arg15[%get3A_1461, %get3A_1462] {strides = array<i32>} : memref<128x64xf32, #tpu.memory_space<vmem>>, vector<1x16xf32>,
        %get3A_1464 = vector.shape_cast %get3A_1463 : vector<1x16xf32> to vector<16xf32>
        %mul3A_1465 = arith.mulf %get3A_1464, %gather3A_1430 : vector<16xf32>
        %swap3A_1466 = arith.index_cast %scan3A_1382 : i32 to index
        %swap3A_1467 = arith.constant 48 : index
        %swap3A_1468 = tpu.vector_load %arg21[%swap3A_1466, %swap3A_1467] {strides = array<i32>} : memref<128x80xf32, #tpu.memory_space<vmem>>, vector<1x16xf32>,
        %swap3A_1469 = vector.shape_cast %swap3A_1468 : vector<1x16xf32> to vector<16xf32>
        %swap3A_1470 = vector.shape_cast %mul3A_1465 : vector<16xf32> to vector<1x16xf32>
        tpu.vector_store %arg21[%swap3A_1466, %swap3A_1467], %swap3A_1470 {strides = array<i32>} : memref<128x80xf32, #tpu.memory_space<vmem>>, vector<1x16xf32>,
        %scan3A_1471 = arith.constant 0 : i32
        %scan3A_1472 = arith.constant 6 : i32
        %scan3A_1473 = arith.addi %scan3A_932, %scan3A_1472 : i32
        %get3A_1474 = arith.index_cast %scan3A_1473 : i32 to index
        %get3A_1475 = arith.constant 0 : index
        %get3A_1476 = tpu.vector_load %arg17[%get3A_1474, %get3A_1475] {strides = array<i32>} : memref<128x16xf32, #tpu.memory_space<vmem>>, vector<1x16xf32>,
        %get3A_1477 = vector.shape_cast %get3A_1476 : vector<1x16xf32> to vector<16xf32>
        %get3A_1478 = arith.index_cast %scan3A_1473 : i32 to index
        %get3A_1479 = arith.constant 0 : index
        %get3A_1480 = tpu.vector_load %arg19[%get3A_1478, %get3A_1479] {strides = array<i32>} : memref<128x16xf32, #tpu.memory_space<vmem>>, vector<1x16xf32>,
        %get3A_1481 = vector.shape_cast %get3A_1480 : vector<1x16xf32> to vector<16xf32>
        %broadcast_in_dim3A_1482 = vector.shape_cast %select_n3A : vector<16xi32> to vector<16x1xi32>
        %gather3A_1483 = vector.shape_cast %broadcast_in_dim3A_1482 : vector<16x1xi32> to vector<16xi32>
        %gather3A_1484 = tpu.dynamic_gather %get3A_1481[%gather3A_1483] in [0] : vector<16xf32>, vector<16xi32> -> vector<16xf32>
        %add3A_1485 = arith.addf %get3A_1477, %gather3A_1484 : vector<16xf32>
        %max3A_1486 = arith.constant 0.000000e+00 : f32
        %max3A_1487 = vector.broadcast %max3A_1486 : f32 to vector<16xf32>
        %max3A_1488 = arith.maximumf %add3A_1485, %max3A_1487 : vector<16xf32>
        %min3A_1489 = arith.constant 0.000000e+00 : f32
        %min3A_1490 = vector.broadcast %min3A_1489 : f32 to vector<16xf32>
        %min3A_1491 = arith.minimumf %add3A_1485, %min3A_1490 : vector<16xf32>
        %mul3A_1492 = arith.constant 2.000000e-01 : f32
        %mul3A_1493 = vector.broadcast %mul3A_1492 : f32 to vector<16xf32>
        %mul3A_1494 = arith.mulf %mul3A_1493, %min3A_1491 : vector<16xf32>
        %add3A_1495 = arith.addf %max3A_1488, %mul3A_1494 : vector<16xf32>
        %add3A_1496 = arith.addi %add3A_920, %scan3A_1473 : i32
        %convert_element_type3A_1497 = arith.sitofp %add3A_1496 : i32 to f32
        %add3A_1498 = vector.broadcast %convert_element_type3A_1497 : f32 to vector<16xf32>
        %add3A_1499 = arith.addf %convert_element_type3A, %add3A_1498 : vector<16xf32>
        %sub3A_1500 = arith.constant 1.700000e+05 : f32
        %sub3A_1501 = vector.broadcast %sub3A_1500 : f32 to vector<16xf32>
        %sub3A_1502 = arith.subf %sub3A_1501, %add3A_1499 : vector<16xf32>
        %max3A_1503 = arith.constant 0.000000e+00 : f32
        %max3A_1504 = vector.broadcast %max3A_1503 : f32 to vector<16xf32>
        %max3A_1505 = arith.maximumf %sub3A_1502, %max3A_1504 : vector<16xf32>
        %min3A_1506 = arith.constant 1.000000e+00 : f32
        %min3A_1507 = vector.broadcast %min3A_1506 : f32 to vector<16xf32>
        %min3A_1508 = arith.minimumf %max3A_1505, %min3A_1507 : vector<16xf32>
        %exp3A_1509 = math.exp %add3A_1495 : vector<16xf32>
        %mul3A_1510 = arith.mulf %exp3A_1509, %min3A_1508 : vector<16xf32>
        %swap3A_1511 = arith.index_cast %scan3A_1473 : i32 to index
        %swap3A_1512 = arith.constant 64 : index
        %swap3A_1513 = tpu.vector_load %arg21[%swap3A_1511, %swap3A_1512] {strides = array<i32>} : memref<128x80xf32, #tpu.memory_space<vmem>>, vector<1x16xf32>,
        %swap3A_1514 = vector.shape_cast %swap3A_1513 : vector<1x16xf32> to vector<16xf32>
        %swap3A_1515 = vector.shape_cast %mul3A_1510 : vector<16xf32> to vector<1x16xf32>
        tpu.vector_store %arg21[%swap3A_1511, %swap3A_1512], %swap3A_1515 {strides = array<i32>} : memref<128x80xf32, #tpu.memory_space<vmem>>, vector<1x16xf32>,
        %broadcast_in_dim3A_1516 = vector.shape_cast %add3A_787 : vector<16xi32> to vector<16x1xi32>
        %gather3A_1517 = vector.shape_cast %broadcast_in_dim3A_1516 : vector<16x1xi32> to vector<16xi32>
        %gather3A_1518 = tpu.dynamic_gather %mul3A_1510[%gather3A_1517] in [0] : vector<16xf32>, vector<16xi32> -> vector<16xf32>
        %broadcast_in_dim3A_1519 = vector.shape_cast %add3A_793 : vector<16xi32> to vector<16x1xi32>
        %gather3A_1520 = vector.shape_cast %broadcast_in_dim3A_1519 : vector<16x1xi32> to vector<16xi32>
        %gather3A_1521 = tpu.dynamic_gather %mul3A_1510[%gather3A_1520] in [0] : vector<16xf32>, vector<16xi32> -> vector<16xf32>
        %get3A_1522 = arith.index_cast %scan3A_1473 : i32 to index
        %get3A_1523 = arith.constant 0 : index
        %get3A_1524 = tpu.vector_load %arg15[%get3A_1522, %get3A_1523] {strides = array<i32>} : memref<128x64xf32, #tpu.memory_space<vmem>>, vector<1x16xf32>,
        %get3A_1525 = vector.shape_cast %get3A_1524 : vector<1x16xf32> to vector<16xf32>
        %mul3A_1526 = arith.mulf %get3A_1525, %gather3A_1518 : vector<16xf32>
        %swap3A_1527 = arith.index_cast %scan3A_1473 : i32 to index
        %swap3A_1528 = arith.constant 0 : index
        %swap3A_1529 = tpu.vector_load %arg21[%swap3A_1527, %swap3A_1528] {strides = array<i32>} : memref<128x80xf32, #tpu.memory_space<vmem>>, vector<1x16xf32>,
        %swap3A_1530 = vector.shape_cast %swap3A_1529 : vector<1x16xf32> to vector<16xf32>
        %swap3A_1531 = vector.shape_cast %mul3A_1526 : vector<16xf32> to vector<1x16xf32>
        tpu.vector_store %arg21[%swap3A_1527, %swap3A_1528], %swap3A_1531 {strides = array<i32>} : memref<128x80xf32, #tpu.memory_space<vmem>>, vector<1x16xf32>,
        %get3A_1532 = arith.index_cast %scan3A_1473 : i32 to index
        %get3A_1533 = arith.constant 16 : index
        %get3A_1534 = tpu.vector_load %arg15[%get3A_1532, %get3A_1533] {strides = array<i32>} : memref<128x64xf32, #tpu.memory_space<vmem>>, vector<1x16xf32>,
        %get3A_1535 = vector.shape_cast %get3A_1534 : vector<1x16xf32> to vector<16xf32>
        %mul3A_1536 = arith.mulf %get3A_1535, %gather3A_1518 : vector<16xf32>
        %swap3A_1537 = arith.index_cast %scan3A_1473 : i32 to index
        %swap3A_1538 = arith.constant 16 : index
        %swap3A_1539 = tpu.vector_load %arg21[%swap3A_1537, %swap3A_1538] {strides = array<i32>} : memref<128x80xf32, #tpu.memory_space<vmem>>, vector<1x16xf32>,
        %swap3A_1540 = vector.shape_cast %swap3A_1539 : vector<1x16xf32> to vector<16xf32>
        %swap3A_1541 = vector.shape_cast %mul3A_1536 : vector<16xf32> to vector<1x16xf32>
        tpu.vector_store %arg21[%swap3A_1537, %swap3A_1538], %swap3A_1541 {strides = array<i32>} : memref<128x80xf32, #tpu.memory_space<vmem>>, vector<1x16xf32>,
        %get3A_1542 = arith.index_cast %scan3A_1473 : i32 to index
        %get3A_1543 = arith.constant 32 : index
        %get3A_1544 = tpu.vector_load %arg15[%get3A_1542, %get3A_1543] {strides = array<i32>} : memref<128x64xf32, #tpu.memory_space<vmem>>, vector<1x16xf32>,
        %get3A_1545 = vector.shape_cast %get3A_1544 : vector<1x16xf32> to vector<16xf32>
        %mul3A_1546 = arith.mulf %get3A_1545, %gather3A_1521 : vector<16xf32>
        %swap3A_1547 = arith.index_cast %scan3A_1473 : i32 to index
        %swap3A_1548 = arith.constant 32 : index
        %swap3A_1549 = tpu.vector_load %arg21[%swap3A_1547, %swap3A_1548] {strides = array<i32>} : memref<128x80xf32, #tpu.memory_space<vmem>>, vector<1x16xf32>,
        %swap3A_1550 = vector.shape_cast %swap3A_1549 : vector<1x16xf32> to vector<16xf32>
        %swap3A_1551 = vector.shape_cast %mul3A_1546 : vector<16xf32> to vector<1x16xf32>
        tpu.vector_store %arg21[%swap3A_1547, %swap3A_1548], %swap3A_1551 {strides = array<i32>} : memref<128x80xf32, #tpu.memory_space<vmem>>, vector<1x16xf32>,
        %get3A_1552 = arith.index_cast %scan3A_1473 : i32 to index
        %get3A_1553 = arith.constant 48 : index
        %get3A_1554 = tpu.vector_load %arg15[%get3A_1552, %get3A_1553] {strides = array<i32>} : memref<128x64xf32, #tpu.memory_space<vmem>>, vector<1x16xf32>,
        %get3A_1555 = vector.shape_cast %get3A_1554 : vector<1x16xf32> to vector<16xf32>
        %mul3A_1556 = arith.mulf %get3A_1555, %gather3A_1521 : vector<16xf32>
        %swap3A_1557 = arith.index_cast %scan3A_1473 : i32 to index
        %swap3A_1558 = arith.constant 48 : index
        %swap3A_1559 = tpu.vector_load %arg21[%swap3A_1557, %swap3A_1558] {strides = array<i32>} : memref<128x80xf32, #tpu.memory_space<vmem>>, vector<1x16xf32>,
        %swap3A_1560 = vector.shape_cast %swap3A_1559 : vector<1x16xf32> to vector<16xf32>
        %swap3A_1561 = vector.shape_cast %mul3A_1556 : vector<16xf32> to vector<1x16xf32>
        tpu.vector_store %arg21[%swap3A_1557, %swap3A_1558], %swap3A_1561 {strides = array<i32>} : memref<128x80xf32, #tpu.memory_space<vmem>>, vector<1x16xf32>,
        %scan3A_1562 = arith.constant 0 : i32
        %scan3A_1563 = arith.constant 7 : i32
        %scan3A_1564 = arith.addi %scan3A_932, %scan3A_1563 : i32
        %get3A_1565 = arith.index_cast %scan3A_1564 : i32 to index
        %get3A_1566 = arith.constant 0 : index
        %get3A_1567 = tpu.vector_load %arg17[%get3A_1565, %get3A_1566] {strides = array<i32>} : memref<128x16xf32, #tpu.memory_space<vmem>>, vector<1x16xf32>,
        %get3A_1568 = vector.shape_cast %get3A_1567 : vector<1x16xf32> to vector<16xf32>
        %get3A_1569 = arith.index_cast %scan3A_1564 : i32 to index
        %get3A_1570 = arith.constant 0 : index
        %get3A_1571 = tpu.vector_load %arg19[%get3A_1569, %get3A_1570] {strides = array<i32>} : memref<128x16xf32, #tpu.memory_space<vmem>>, vector<1x16xf32>,
        %get3A_1572 = vector.shape_cast %get3A_1571 : vector<1x16xf32> to vector<16xf32>
        %broadcast_in_dim3A_1573 = vector.shape_cast %select_n3A : vector<16xi32> to vector<16x1xi32>
        %gather3A_1574 = vector.shape_cast %broadcast_in_dim3A_1573 : vector<16x1xi32> to vector<16xi32>
        %gather3A_1575 = tpu.dynamic_gather %get3A_1572[%gather3A_1574] in [0] : vector<16xf32>, vector<16xi32> -> vector<16xf32>
        %add3A_1576 = arith.addf %get3A_1568, %gather3A_1575 : vector<16xf32>
        %max3A_1577 = arith.constant 0.000000e+00 : f32
        %max3A_1578 = vector.broadcast %max3A_1577 : f32 to vector<16xf32>
        %max3A_1579 = arith.maximumf %add3A_1576, %max3A_1578 : vector<16xf32>
        %min3A_1580 = arith.constant 0.000000e+00 : f32
        %min3A_1581 = vector.broadcast %min3A_1580 : f32 to vector<16xf32>
        %min3A_1582 = arith.minimumf %add3A_1576, %min3A_1581 : vector<16xf32>
        %mul3A_1583 = arith.constant 2.000000e-01 : f32
        %mul3A_1584 = vector.broadcast %mul3A_1583 : f32 to vector<16xf32>
        %mul3A_1585 = arith.mulf %mul3A_1584, %min3A_1582 : vector<16xf32>
        %add3A_1586 = arith.addf %max3A_1579, %mul3A_1585 : vector<16xf32>
        %add3A_1587 = arith.addi %add3A_920, %scan3A_1564 : i32
        %convert_element_type3A_1588 = arith.sitofp %add3A_1587 : i32 to f32
        %add3A_1589 = vector.broadcast %convert_element_type3A_1588 : f32 to vector<16xf32>
        %add3A_1590 = arith.addf %convert_element_type3A, %add3A_1589 : vector<16xf32>
        %sub3A_1591 = arith.constant 1.700000e+05 : f32
        %sub3A_1592 = vector.broadcast %sub3A_1591 : f32 to vector<16xf32>
        %sub3A_1593 = arith.subf %sub3A_1592, %add3A_1590 : vector<16xf32>
        %max3A_1594 = arith.constant 0.000000e+00 : f32
        %max3A_1595 = vector.broadcast %max3A_1594 : f32 to vector<16xf32>
        %max3A_1596 = arith.maximumf %sub3A_1593, %max3A_1595 : vector<16xf32>
        %min3A_1597 = arith.constant 1.000000e+00 : f32
        %min3A_1598 = vector.broadcast %min3A_1597 : f32 to vector<16xf32>
        %min3A_1599 = arith.minimumf %max3A_1596, %min3A_1598 : vector<16xf32>
        %exp3A_1600 = math.exp %add3A_1586 : vector<16xf32>
        %mul3A_1601 = arith.mulf %exp3A_1600, %min3A_1599 : vector<16xf32>
        %swap3A_1602 = arith.index_cast %scan3A_1564 : i32 to index
        %swap3A_1603 = arith.constant 64 : index
        %swap3A_1604 = tpu.vector_load %arg21[%swap3A_1602, %swap3A_1603] {strides = array<i32>} : memref<128x80xf32, #tpu.memory_space<vmem>>, vector<1x16xf32>,
        %swap3A_1605 = vector.shape_cast %swap3A_1604 : vector<1x16xf32> to vector<16xf32>
        %swap3A_1606 = vector.shape_cast %mul3A_1601 : vector<16xf32> to vector<1x16xf32>
        tpu.vector_store %arg21[%swap3A_1602, %swap3A_1603], %swap3A_1606 {strides = array<i32>} : memref<128x80xf32, #tpu.memory_space<vmem>>, vector<1x16xf32>,
        %broadcast_in_dim3A_1607 = vector.shape_cast %add3A_787 : vector<16xi32> to vector<16x1xi32>
        %gather3A_1608 = vector.shape_cast %broadcast_in_dim3A_1607 : vector<16x1xi32> to vector<16xi32>
        %gather3A_1609 = tpu.dynamic_gather %mul3A_1601[%gather3A_1608] in [0] : vector<16xf32>, vector<16xi32> -> vector<16xf32>
        %broadcast_in_dim3A_1610 = vector.shape_cast %add3A_793 : vector<16xi32> to vector<16x1xi32>
        %gather3A_1611 = vector.shape_cast %broadcast_in_dim3A_1610 : vector<16x1xi32> to vector<16xi32>
        %gather3A_1612 = tpu.dynamic_gather %mul3A_1601[%gather3A_1611] in [0] : vector<16xf32>, vector<16xi32> -> vector<16xf32>
        %get3A_1613 = arith.index_cast %scan3A_1564 : i32 to index
        %get3A_1614 = arith.constant 0 : index
        %get3A_1615 = tpu.vector_load %arg15[%get3A_1613, %get3A_1614] {strides = array<i32>} : memref<128x64xf32, #tpu.memory_space<vmem>>, vector<1x16xf32>,
        %get3A_1616 = vector.shape_cast %get3A_1615 : vector<1x16xf32> to vector<16xf32>
        %mul3A_1617 = arith.mulf %get3A_1616, %gather3A_1609 : vector<16xf32>
        %swap3A_1618 = arith.index_cast %scan3A_1564 : i32 to index
        %swap3A_1619 = arith.constant 0 : index
        %swap3A_1620 = tpu.vector_load %arg21[%swap3A_1618, %swap3A_1619] {strides = array<i32>} : memref<128x80xf32, #tpu.memory_space<vmem>>, vector<1x16xf32>,
        %swap3A_1621 = vector.shape_cast %swap3A_1620 : vector<1x16xf32> to vector<16xf32>
        %swap3A_1622 = vector.shape_cast %mul3A_1617 : vector<16xf32> to vector<1x16xf32>
        tpu.vector_store %arg21[%swap3A_1618, %swap3A_1619], %swap3A_1622 {strides = array<i32>} : memref<128x80xf32, #tpu.memory_space<vmem>>, vector<1x16xf32>,
        %get3A_1623 = arith.index_cast %scan3A_1564 : i32 to index
        %get3A_1624 = arith.constant 16 : index
        %get3A_1625 = tpu.vector_load %arg15[%get3A_1623, %get3A_1624] {strides = array<i32>} : memref<128x64xf32, #tpu.memory_space<vmem>>, vector<1x16xf32>,
        %get3A_1626 = vector.shape_cast %get3A_1625 : vector<1x16xf32> to vector<16xf32>
        %mul3A_1627 = arith.mulf %get3A_1626, %gather3A_1609 : vector<16xf32>
        %swap3A_1628 = arith.index_cast %scan3A_1564 : i32 to index
        %swap3A_1629 = arith.constant 16 : index
        %swap3A_1630 = tpu.vector_load %arg21[%swap3A_1628, %swap3A_1629] {strides = array<i32>} : memref<128x80xf32, #tpu.memory_space<vmem>>, vector<1x16xf32>,
        %swap3A_1631 = vector.shape_cast %swap3A_1630 : vector<1x16xf32> to vector<16xf32>
        %swap3A_1632 = vector.shape_cast %mul3A_1627 : vector<16xf32> to vector<1x16xf32>
        tpu.vector_store %arg21[%swap3A_1628, %swap3A_1629], %swap3A_1632 {strides = array<i32>} : memref<128x80xf32, #tpu.memory_space<vmem>>, vector<1x16xf32>,
        %get3A_1633 = arith.index_cast %scan3A_1564 : i32 to index
        %get3A_1634 = arith.constant 32 : index
        %get3A_1635 = tpu.vector_load %arg15[%get3A_1633, %get3A_1634] {strides = array<i32>} : memref<128x64xf32, #tpu.memory_space<vmem>>, vector<1x16xf32>,
        %get3A_1636 = vector.shape_cast %get3A_1635 : vector<1x16xf32> to vector<16xf32>
        %mul3A_1637 = arith.mulf %get3A_1636, %gather3A_1612 : vector<16xf32>
        %swap3A_1638 = arith.index_cast %scan3A_1564 : i32 to index
        %swap3A_1639 = arith.constant 32 : index
        %swap3A_1640 = tpu.vector_load %arg21[%swap3A_1638, %swap3A_1639] {strides = array<i32>} : memref<128x80xf32, #tpu.memory_space<vmem>>, vector<1x16xf32>,
        %swap3A_1641 = vector.shape_cast %swap3A_1640 : vector<1x16xf32> to vector<16xf32>
        %swap3A_1642 = vector.shape_cast %mul3A_1637 : vector<16xf32> to vector<1x16xf32>
        tpu.vector_store %arg21[%swap3A_1638, %swap3A_1639], %swap3A_1642 {strides = array<i32>} : memref<128x80xf32, #tpu.memory_space<vmem>>, vector<1x16xf32>,
        %get3A_1643 = arith.index_cast %scan3A_1564 : i32 to index
        %get3A_1644 = arith.constant 48 : index
        %get3A_1645 = tpu.vector_load %arg15[%get3A_1643, %get3A_1644] {strides = array<i32>} : memref<128x64xf32, #tpu.memory_space<vmem>>, vector<1x16xf32>,
        %get3A_1646 = vector.shape_cast %get3A_1645 : vector<1x16xf32> to vector<16xf32>
        %mul3A_1647 = arith.mulf %get3A_1646, %gather3A_1612 : vector<16xf32>
        %swap3A_1648 = arith.index_cast %scan3A_1564 : i32 to index
        %swap3A_1649 = arith.constant 48 : index
        %swap3A_1650 = tpu.vector_load %arg21[%swap3A_1648, %swap3A_1649] {strides = array<i32>} : memref<128x80xf32, #tpu.memory_space<vmem>>, vector<1x16xf32>,
        %swap3A_1651 = vector.shape_cast %swap3A_1650 : vector<1x16xf32> to vector<16xf32>
        %swap3A_1652 = vector.shape_cast %mul3A_1647 : vector<16xf32> to vector<1x16xf32>
        tpu.vector_store %arg21[%swap3A_1648, %swap3A_1649], %swap3A_1652 {strides = array<i32>} : memref<128x80xf32, #tpu.memory_space<vmem>>, vector<1x16xf32>,
        %scan3A_1653 = arith.constant 0 : i32
        scf.yield %scan3A_1653 : i32
      }
      %scan3A_927 = arith.constant 128 : i32
      %dma_start3A_928 = arith.constant 0 : i32
      %dma_start3A_929 = arith.constant 0 : i32
      %dma_start3A_930 = tpu.memref_slice %arg23[%dma_start3A_928, %dma_start3A_929] : memref<10000x80xf32, #tpu.memory_space<vmem_shared>> -> memref<10000x80xf32, #tpu.memory_space<vmem_shared>>
      tpu.enqueue_indirect_dma source(%arg21 : memref<128x80xf32, #tpu.memory_space<vmem>>) target(%dma_start3A_930 : memref<10000x80xf32, #tpu.memory_space<vmem_shared>>) offsets(%arg13 : memref<128xi32, #tpu.memory_space<vmem>>) semaphore(%arg31 : memref<!tpu.dma_semaphore, #tpu.memory_space<semaphore_mem>>) {add = true}
      %scan3A_931 = arith.constant 0 : i32
      scf.yield %scan3A_931 : i32
    }
    %scan3A_811 = arith.constant 42 : i32
    %dma_wait3A = arith.constant 0 : i32
    %dma_wait3A_812 = arith.constant 0 : i32
    %dma_wait3A_813 = tpu.memref_slice %arg2[%dma_wait3A, %dma_wait3A_812] : memref<20000x64xf32, #tpu.memory_space<hbm>> -> memref<20000x64xf32, #tpu.memory_space<hbm>>
    tpu.wait_indirect_dma semaphore(%arg24 : memref<!tpu.dma_semaphore, #tpu.memory_space<semaphore_mem>>) src(%dma_wait3A_813 : memref<20000x64xf32, #tpu.memory_space<hbm>>) dst(%arg14 : memref<128x64xf32, #tpu.memory_space<vmem>>)
    %dma_wait3A_814 = arith.constant 0 : i32
    %dma_wait3A_815 = arith.constant 0 : i32
    %dma_wait3A_816 = tpu.memref_slice %arg3[%dma_wait3A_814, %dma_wait3A_815] : memref<20000x16xf32, #tpu.memory_space<hbm>> -> memref<20000x16xf32, #tpu.memory_space<hbm>>
    tpu.wait_indirect_dma semaphore(%arg26 : memref<!tpu.dma_semaphore, #tpu.memory_space<semaphore_mem>>) src(%dma_wait3A_816 : memref<20000x16xf32, #tpu.memory_space<hbm>>) dst(%arg16 : memref<128x16xf32, #tpu.memory_space<vmem>>)
    %dma_wait3A_817 = arith.constant 0 : i32
    %dma_wait3A_818 = arith.constant 0 : i32
    %dma_wait3A_819 = tpu.memref_slice %arg3[%dma_wait3A_817, %dma_wait3A_818] : memref<20000x16xf32, #tpu.memory_space<hbm>> -> memref<20000x16xf32, #tpu.memory_space<hbm>>
    tpu.wait_indirect_dma semaphore(%arg28 : memref<!tpu.dma_semaphore, #tpu.memory_space<semaphore_mem>>) src(%dma_wait3A_819 : memref<20000x16xf32, #tpu.memory_space<hbm>>) dst(%arg18 : memref<128x16xf32, #tpu.memory_space<vmem>>)
    %dma_wait3A_820 = arith.constant 0 : i32
    %dma_wait3A_821 = arith.constant 0 : i32
    %dma_wait3A_822 = tpu.memref_slice %arg23[%dma_wait3A_820, %dma_wait3A_821] : memref<10000x80xf32, #tpu.memory_space<vmem_shared>> -> memref<10000x80xf32, #tpu.memory_space<vmem_shared>>
    tpu.wait_indirect_dma semaphore(%arg30 : memref<!tpu.dma_semaphore, #tpu.memory_space<semaphore_mem>>) src(%arg20 : memref<128x80xf32, #tpu.memory_space<vmem>>) dst(%dma_wait3A_822 : memref<10000x80xf32, #tpu.memory_space<vmem_shared>>)
    %dma_wait3A_823 = arith.constant 0 : i32
    %dma_wait3A_824 = arith.constant 0 : i32
    %dma_wait3A_825 = tpu.memref_slice %arg23[%dma_wait3A_823, %dma_wait3A_824] : memref<10000x80xf32, #tpu.memory_space<vmem_shared>> -> memref<10000x80xf32, #tpu.memory_space<vmem_shared>>
    tpu.wait_indirect_dma semaphore(%arg31 : memref<!tpu.dma_semaphore, #tpu.memory_space<semaphore_mem>>) src(%arg21 : memref<128x80xf32, #tpu.memory_space<vmem>>) dst(%dma_wait3A_825 : memref<10000x80xf32, #tpu.memory_space<vmem_shared>>)
    %barrier3A_826 = arith.constant 0 : index
    tpu.barrier barrier_id(%barrier3A_826)
    %mul3A_827 = arith.constant 10000 : i32
    %mul3A_828 = arith.muli %arg0, %mul3A_827 : i32
    %add3A_829 = arith.addi %mul3A_828, %mul3A_0 : i32
    "tpu.region"() ({
      %run_scoped3A = tpu.sem_alloc : memref<!tpu.dma_semaphore, #tpu.memory_space<semaphore_mem>>
      %dma_start3A_835 = arith.constant 0 : i32
      %dma_start3A_836 = tpu.memref_slice %arg7[%add3A_829, %dma_start3A_835] : memref<20000x80xf32, #tpu.memory_space<hbm>> -> memref<624x80xf32, #tpu.memory_space<hbm>>
      %dma_start3A_837 = arith.constant 0 : i32
      %dma_start3A_838 = tpu.memref_slice %arg23[%mul3A_0, %dma_start3A_837] : memref<10000x80xf32, #tpu.memory_space<vmem_shared>> -> memref<624x80xf32, #tpu.memory_space<vmem_shared>>
      tpu.enqueue_dma source(%dma_start3A_838 : memref<624x80xf32, #tpu.memory_space<vmem_shared>>) target(%dma_start3A_836 : memref<624x80xf32, #tpu.memory_space<hbm>>) target_semaphore(%run_scoped3A : memref<!tpu.dma_semaphore, #tpu.memory_space<semaphore_mem>>)
      %dma_wait3A_839 = arith.constant 0 : i32
      %dma_wait3A_840 = tpu.memref_slice %arg7[%add3A_829, %dma_wait3A_839] : memref<20000x80xf32, #tpu.memory_space<hbm>> -> memref<624x80xf32, #tpu.memory_space<hbm>>
      %dma_wait3A_841 = arith.constant 0 : i32
      %dma_wait3A_842 = tpu.memref_slice %arg23[%mul3A_0, %dma_wait3A_841] : memref<10000x80xf32, #tpu.memory_space<vmem_shared>> -> memref<624x80xf32, #tpu.memory_space<vmem_shared>>
      tpu.wait_dma2 semaphore(%run_scoped3A : memref<!tpu.dma_semaphore, #tpu.memory_space<semaphore_mem>>) src(%dma_wait3A_842 : memref<624x80xf32, #tpu.memory_space<vmem_shared>>) dst(%dma_wait3A_840 : memref<624x80xf32, #tpu.memory_space<hbm>>)
      tpu.yield
    }) : () -> ()
    %eq3A_830 = arith.constant 0 : i32
    %eq3A_831 = arith.cmpi eq, %arg1, %eq3A_830 : i32
    %convert_element_type3A_832 = arith.extui %eq3A_831 : i1 to i32
    %cond3A_833 = arith.constant 0 : i32
    %cond3A_834 = arith.cmpi ne, %convert_element_type3A_832, %cond3A_833 : i32
    scf.if %cond3A_834 {
      %mul3A_835 = arith.constant 10000 : i32
      %mul3A_836 = arith.muli %arg0, %mul3A_835 : i32
      %add3A_837 = arith.constant 9984 : i32
      %add3A_838 = arith.addi %mul3A_836, %add3A_837 : i32
      "tpu.region"() ({
        %run_scoped3A = tpu.sem_alloc : memref<!tpu.dma_semaphore, #tpu.memory_space<semaphore_mem>>
        %dma_start3A_839 = arith.constant 0 : i32
        %dma_start3A_840 = tpu.memref_slice %arg7[%add3A_838, %dma_start3A_839] : memref<20000x80xf32, #tpu.memory_space<hbm>> -> memref<16x80xf32, #tpu.memory_space<hbm>>
        %dma_start3A_841 = arith.constant 9984 : i32
        %dma_start3A_842 = arith.constant 0 : i32
        %dma_start3A_843 = tpu.memref_slice %arg23[%dma_start3A_841, %dma_start3A_842] : memref<10000x80xf32, #tpu.memory_space<vmem_shared>> -> memref<16x80xf32, #tpu.memory_space<vmem_shared>>
        tpu.enqueue_dma source(%dma_start3A_843 : memref<16x80xf32, #tpu.memory_space<vmem_shared>>) target(%dma_start3A_840 : memref<16x80xf32, #tpu.memory_space<hbm>>) target_semaphore(%run_scoped3A : memref<!tpu.dma_semaphore, #tpu.memory_space<semaphore_mem>>)
        %dma_wait3A_844 = arith.constant 0 : i32
        %dma_wait3A_845 = tpu.memref_slice %arg7[%add3A_838, %dma_wait3A_844] : memref<20000x80xf32, #tpu.memory_space<hbm>> -> memref<16x80xf32, #tpu.memory_space<hbm>>
        %dma_wait3A_846 = arith.constant 9984 : i32
        %dma_wait3A_847 = arith.constant 0 : i32
        %dma_wait3A_848 = tpu.memref_slice %arg23[%dma_wait3A_846, %dma_wait3A_847] : memref<10000x80xf32, #tpu.memory_space<vmem_shared>> -> memref<16x80xf32, #tpu.memory_space<vmem_shared>>
        tpu.wait_dma2 semaphore(%run_scoped3A : memref<!tpu.dma_semaphore, #tpu.memory_space<semaphore_mem>>) src(%dma_wait3A_848 : memref<16x80xf32, #tpu.memory_space<vmem_shared>>) dst(%dma_wait3A_845 : memref<16x80xf32, #tpu.memory_space<hbm>>)
        tpu.yield
      }) : () -> ()
    } else {
    }
    return
  }
}

</mosaic_0001>

<sc_bundles>
// kernel: _sc_edge.3.cloned.1.call-start
scs
__scs_entry_jumppad:
0x0: {  	(pc) =	sbr.rel $0x88, $3  }
0x1: {  	(tag) =	ssettag $0x0;
	lr =	simm.s32 $0x1  }
0x2: {  	[smem:$0x3F9C] =	sst lr;
	_ =	strace $0xD0000000  }
0x3: {  	_ = 	snop  }
0x4: {  	_ = 	snop  }
0x5: {  	_ = 	snop  }
0x6: {  	_ = 	snop  }
0x7: {  	_ = 	snop  }
__scs_overlays_trampoline_lowered:
0x8: {  	[smem:$0x3FAB] =	sst s0  }
0x9: {  	[smem:$0x3FAC] =	sst s1  }
0xa: {  	[smem:$0x3FAD] =	sst s2  }
0xb: {  	[smem:$0x3FAE] =	sst s3  }
0xc: {  	[smem:$0x3FAF] =	sst s4  }
0xd: {  	[smem:$0x3FB0] =	sst s5  }
0xe: {  	[smem:$0x3FB1] =	sst s6  }
0xf: {  	[smem:$0x3FB2] =	sst s7  }
0x10: {  	[smem:$0x3FB3] =	sst s8  }
0x11: {  	[smem:$0x3FB4] =	sst s9;
	s0 =	simm.s32 @!p0 $0x0  }
0x12: {  	s1 =	sld [smem:$0x3F9A];
	s0 =	simm.s32 @p0 $0x1  }
0x13: {  	[smem:$0x3FB5] =	sst s0;
	s0 =	simm.s32 @!p1 $0x0  }
0x14: {  	s2 =	sld [smem:$0x3F99];
	s0 =	simm.s32 @p1 $0x1  }
0x15: {  	[smem:$0x3FB6] =	sst s0;
	s0 =	simm.s32 @!p2 $0x0  }
0x16: {  	s3 =	sld [smem:$0x3FDB];
	s0 =	simm.s32 @p2 $0x1  }
0x17: {  	s4 =	simm.s32 $0x1BF5;
	[smem:$0x3FB8] =	sst s0  }
0x18: {  	s0 =	sld [smem:$0x3F9B];
	_ =	swait.ge [sflag:s4], $0x0  }
0x19: {  	s7 =	sld [smem:$0x3F9C]  }
0x1a: {  	s8 =	sadd.s32 $0xFFFFE003, lr  }
0x1b: {  	s9 =	sadd.s32 $0xFFFFFEF7, lr;
	s5 =	simm.s32 $0xFFFFFFFF;
	p2 =	slt.u32 s8, $0xFFFFF086  }
0x1c: {  	p1 =	slt.u32 s9, $0xF7A;
	s5 =	simm.s32 @!p2 $0x0  }
0x1d: {  	s5 =	simm.s32 @p1 $0x1;
	p0 =	seq.s32 s7, s2  }
0x1e: {  	s7 =	smul.u32 @!p0 $0xF7A, s2;
	p2 =	seq.s32 @!p0 s5, $0x0  }
0x1f: {  	s9 =	smul.u32 $0xF7A, s1;
	s8 =	simm.s32 @!p0 $0x1BF5;
	p2 =	por !p2, p0  }
0x20: {  	[sflag:s8] =	ssyncset.s32 @!p0 $0xFFFFF086;
	s6 =	sadd.s32 @!p0 s3, s7;
	s7 =	simm.s32 @!p0 $0x108  }
0x21: {  	s3 =	sadd.s32 s3, s9;
	s6 =	sadd.s32 @!p0 $0x88, s6;
	s7 =	simm.s32 @p2 $0x1082  }
0x22: {  	[simem:s7], [sflag:s8] =	dma.local @!p0 [hbm:s6], $0xF7A  }
0x23: {  	s9 =	sor.u32 $0xD0000000, s2;
	s6 =	simm.s32 $0x108;
	_ =	swait.ge @!p0 [sflag:s8], $0x0  }
0x24: {  	s3 =	sadd.s32 $0x88, s3;
	s6 =	simm.s32 @!p1 $0x1082;
	[sflag:s4] =	ssyncset.s32 $0xFFFFF086  }
0x25: {  	[simem:s6], [sflag:s4] =	dma.local [hbm:s3], $0xF7A  }
0x26: {  	[smem:$0x3F9C] =	sst s1;
	(tag) =	ssettag s2;
	_ =	strace s9  }
0x27: {  	s1 =	sld [smem:$0x3FAC]  }
0x28: {  	s2 =	sld [smem:$0x3FAD]  }
0x29: {  	s4 =	sld [smem:$0x3FAF]  }
0x2a: {  	p0 =	seq.s32 s5, $0x0;
	s5 =	sld [smem:$0x3FB0]  }
0x2b: {  	s6 =	sld [smem:$0x3FB1]  }
0x2c: {  	s7 =	sld [smem:$0x3FB2]  }
0x2d: {  	s3 =	simm.s32 $0x108;
	s8 =	sld [smem:$0x3FB3]  }
0x2e: {  	s3 =	simm.s32 @!p0 $0x1082;
	s9 =	sld [smem:$0x3FB4]  }
0x2f: {  	lr =	sadd.s32 s0, s3;
	s0 =	sld [smem:$0x3FAB]  }
0x30: {  	s3 =	sld [smem:$0x3FAE]  }
0x31: {  	[smem:$0x3FB7] =	sst s10  }
0x32: {  	s10 =	sld [smem:$0x3FB5];
	_ =	sdelay $0x3  }
0x33: {  	p0 =	seq.s32 s10, $0x1;
	s10 =	sld [smem:$0x3FB7];
	_ =	sdelay $0x3  }
0x34: {  	[smem:$0x3FB7] =	sst s10  }
0x35: {  	s10 =	sld [smem:$0x3FB6];
	_ =	sdelay $0x3  }
0x36: {  	p1 =	seq.s32 s10, $0x1;
	s10 =	sld [smem:$0x3FB7];
	_ =	sdelay $0x3  }
0x37: {  	[smem:$0x3FB7] =	sst s10  }
0x38: {  	s10 =	sld [smem:$0x3FB8]  }
0x39: {  	_ = 	snop;
	(pc) =	sbr.ind lr, $3  }
0x3a: {  	_ = 	snop  }
0x3b: {  	_ = 	snop  }
0x3c: {  	p2 =	seq.s32 s10, $0x1;
	s10 =	sld [smem:$0x3FB7]  }
0x3d: {  	_ =	shalt  }
0x3e: {  	_ =	shalt  }
0x3f: {  	_ =	shalt  }
0x40: {  	_ =	shalt  }
0x41: {  	_ =	shalt  }
0x42: {  	_ =	shalt  }
0x43: {  	_ =	shalt  }
0x44: {  	_ =	shalt  }
0x45: {  	_ =	shalt  }
0x46: {  	_ =	shalt  }
0x47: {  	_ =	shalt  }
0x48: {  	_ =	shalt  }
0x49: {  	_ =	shalt  }
0x4a: {  	_ =	shalt  }
0x4b: {  	_ =	shalt  }
0x4c: {  	_ =	shalt  }
0x4d: {  	_ =	shalt  }
0x4e: {  	_ =	shalt  }
0x4f: {  	_ =	shalt  }
0x50: {  	_ =	shalt  }
0x51: {  	_ =	shalt  }
0x52: {  	_ =	shalt  }
0x53: {  	_ =	shalt  }
0x54: {  	_ =	shalt  }
0x55: {  	_ =	shalt  }
0x56: {  	_ =	shalt  }
0x57: {  	_ =	shalt  }
0x58: {  	_ =	shalt  }
0x59: {  	_ =	shalt  }
0x5a: {  	_ =	shalt  }
0x5b: {  	_ =	shalt  }
0x5c: {  	_ =	shalt  }
0x5d: {  	_ =	shalt  }
0x5e: {  	_ =	shalt  }
0x5f: {  	_ =	shalt  }
0x60: {  	_ =	shalt  }
0x61: {  	_ =	shalt  }
0x62: {  	_ =	shalt  }
0x63: {  	_ =	shalt  }
0x64: {  	_ =	shalt  }
0x65: {  	_ =	shalt  }
0x66: {  	_ =	shalt  }
0x67: {  	_ =	shalt  }
0x68: {  	_ =	shalt  }
0x69: {  	_ =	shalt  }
0x6a: {  	_ =	shalt  }
0x6b: {  	_ =	shalt  }
0x6c: {  	_ =	shalt  }
0x6d: {  	_ =	shalt  }
0x6e: {  	_ =	shalt  }
0x6f: {  	_ =	shalt  }
0x70: {  	_ =	shalt  }
0x71: {  	_ =	shalt  }
0x72: {  	_ =	shalt  }
0x73: {  	_ =	shalt  }
0x74: {  	_ =	shalt  }
0x75: {  	_ =	shalt  }
0x76: {  	_ =	shalt  }
0x77: {  	_ =	shalt  }
0x78: {  	_ =	shalt  }
0x79: {  	_ =	shalt  }
0x7a: {  	_ =	shalt  }
0x7b: {  	_ =	shalt  }
0x7c: {  	_ =	shalt  }
0x7d: {  	_ =	shalt  }
0x7e: {  	_ =	shalt  }
0x7f: {  	_ =	shalt  }
0x80: {  	_ =	shalt  }
0x81: {  	_ =	shalt  }
0x82: {  	_ =	shalt  }
0x83: {  	_ =	shalt  }
0x84: {  	_ =	shalt  }
0x85: {  	_ =	shalt  }
0x86: {  	_ =	shalt  }
0x87: {  	_ =	shalt  }
.Lfunc_end0:
.L_simem_size_0:
called_computation_lowered:
.L_overlay_start_0:
0x88: {  	s2 =	sld [smem:$0x3FD9]  }
0x89: {  	s3 =	sld [smem:$0x3FFE];
	_ =	sdelay $0x1  }
0x8a: {  	s1 =	srdreg.scid  }
0x8b: {  	s0 =	sand.u32 $0x1, s1  }
0x8c: {  	s17 =	sshll.u32 s0, $0xA;
	s2 =	sadd.s32 s3, s2  }
0x8d: {  	s2 =	sadd.s32 s2, s17  }
0x8e: {  	[smem:$0x3FC3] =	sst s2  }
0x8f: {  	_ = 	snop  }
0x90: {  	s2 =	sld [smem:$0x3FC5]  }
0x91: {  	s18 =	sld [smem:$0x3FD0];
	(tm) =	ssettm $0x1  }
0x92: {  	s4 =	sld [smem:$0x3FFB];
	_ =	sdelay $0x3  }
0x93: {  	_ =	strace s4  }
0x94: {  	s4 =	sld [smem:$0x3FFC];
	_ =	sdelay $0x3  }
0x95: {  	_ =	strace s4  }
0x96: {  	s4 =	sld [smem:$0x3FFD];
	_ =	sdelay $0x3  }
0x97: {  	_ =	strace s4  }
0x98: {  	_ =	strace $0x8FFFFFFF  }
0x99: {  	s19 =	sld [smem:$0x3FDB];
	_ =	sdelay $0x1  }
0x9a: {  	s5 =	simm.s32 $_scs_section_size  }
0x9b: {  	s6 =	simm.s32 $_size__tile_overlayer_lowered;
	s7 =	simm.s32 $_tile_overlayer_lowered  }
0x9c: {  	s22 =	simm.s32 $0x1BFF;
	s21 =	sshll.u32 s7, $0x1;
	s4 =	sadd.s32 s5, s19  }
0x9d: {  	s8 =	simm.s32 $0x0;
	s20 =	sshll.u32 s6, $0x1;
	s6 =	sadd.s32 s21, s4  }
0x9e: {  	[timem:s8], [sflag:s22] =	dma.local [hbm:s6], s20  }
0x9f: {  	_ =	swait.ge [sflag:s22], s20  }
0xa0: {  	s5 =	ssub.s32 $0x0, s20;
	[sflag:s22] =	ssyncset.done $0x0  }
0xa1: {  	[sflag:s22] =	ssyncadd.s32 s5;
	_ =	sdelay $0x1  }
0xa2: {  	s23 =	simm.s32 $0x1B8B  }
0xa3: {  	_ =	swait.ge [sflag:s23], $0x1  }
0xa4: {  	[sflag:s23] =	ssyncset.done $0x0  }
0xa5: {  	s25 =	simm.s32 $0x1B8E;
	s24 =	sld [smem:$0x3FFE];
	[sflag:s23] =	ssyncadd.s32 $0xFFFFFFFF  }
0xa6: {  	s26 =	simm.s32 $execute0_lowered;
	[smem:$0x3FD2] =	sst s25  }
0xa7: {  	s6 =	sshll.u32 s26, $0x1;
	_ =	strace $0x80000046;
	[dreg:$0x1] =	wrdreg $0xFFFFFFFF  }
0xa8: {  	s28 =	simm.s32 $_size_execute0_lowered;
	s4 =	sadd.s32 s4, s6;
	[dreg:$0x0] =	wrdreg $0x0  }
0xa9: {  	s6 =	sshll.u32 s28, $0x1;
	[dreg:$0x2] =	wrdreg s4  }
0xaa: {  	[dreg:$0x3] =	wrdreg s6  }
0xab: {  	[dreg:$0x4] =	wrdreg $0xC0  }
0xac: {  	_ =	task [dreg:s8], $0x5FFFF  }
0xad: {  	[dreg:$0x1] =	wrdreg $0xFFFFFFFF  }
0xae: {  	[dreg:$0x0] =	wrdreg $0x60  }
0xaf: {  	[dreg:$0x2] =	wrdreg s24  }
0xb0: {  	[dreg:$0x3] =	wrdreg s2  }
0xb1: {  	[dreg:$0x4] =	wrdreg s18  }
0xb2: {  	[dreg:$0x5] =	wrdreg $0xBA800  }
0xb3: {  	[dreg:$0x6] =	wrdreg $0x9  }
0xb4: {  	_ =	task.clear_ibuf [dreg:s8], $0x7FFFF;
	_ =	strace $0x90000046  }
0xb5: {  	s29 =	simm.s32 $0x9;
	_ =	strace $0x80000048  }
0xb6: {  	_ =	swait.ge [sflag:s29], $0x1  }
0xb7: {  	[sflag:s29] =	ssyncadd.s32 $0xFFFFFFFF  }
0xb8: {  	_ =	strace $0x90000048  }
0xb9: {  	_ =	sfence  }
0xba: {  	s30 =	sld [smem:$0x0];
	_ =	sdelay $0x2  }
0xbb: {  	s31 =	sshll.u32 s1, $0xD;
	s1 =	sshrl.u32 s1, $0x2  }
0xbc: {  	s3 =	sand.u32 $0x4000, s31;
	s1 =	sadd.s32 s1, s30  }
0xbd: {  	s0 =	sor.u32 s3, s0;
	s1 =	sshll.u32 s1, $0x11  }
0xbe: {  	s0 =	sor.u32 s1, s0  }
0xbf: {  	s0 =	sadd.s32 $0x8F2B, s0  }
0xc0: {  	[sflag:s0] =	ssyncadd.remote.s32 $0x1  }
0xc1: {  	_ =	sfence.sel $0xFFFF  }
0xc2: {  	[dreg:$0x0] =	wrdreg $0xFFFFFFFF;
	(pc) =	sbr.abs _section_cstart, $3  }
0xc3: {  	[dreg:$0x1] =	wrdreg $0xFFFFFFFF  }
0xc4: {  	_ =	task.clear_ibuf [dreg:s8], $0x2FFFF;
	_ =	strace $0x9FFFFFFF  }
0xc5: {  	(tm) =	ssettm $0x7FFFFFFF  }
tec
execute0_lowered:
.L_overlay_start_1:
0x0: {  	(tag) =	ssettag $0x1  }
0x1: {  	s0 =	rddreg [dreg:$0x0]  }
0x2: {  	s30 =	rddreg [dreg:$0x1]  }
0x3: {  	s1 =	rddreg [dreg:$0x2]  }
0x4: {  	s20 =	rddreg [dreg:$0x3];
	s3 =	simm.s32 $0x0;
	s2 =	stileid.u32  }
0x5: {  	s4 =	srdreg.scid;
	[smem:$0x7FF] =	sst s3  }
0x6: {  	s5 =	sadd.s32 $0xA00, s0;
	s9 =	smul.u32 $0x30C00, s2;
	s6 =	sadd.s32 $0x27C00, s0  }
0x7: {  	s7 =	sadd.s32 $0x3C200, s0;
	s4 =	sand.u32 $0x1, s4;
	s24 =	smul.u32 $0x2A00, s2  }
0x8: {  	s8 =	sadd.s32 $0x31A00, s0;
	s16 =	ssub.s32 $0x2, s4;
	s19 =	smul.u32 $0x2A000, s4  }
0x9: {  	_ =	strace $0x80000047;
	s9 =	sshrl.u32 s9, $0x2;
	s10 =	sshrl.u32 s16, $0x1  }
0xa: {  	s0 =	ssub.s32 s16, s10;
	[dreg:$0x9] =	wrdreg s19;
	s10 =	sadd.s32 s24, s19  }
0xb: {  	s12 =	sadd.s32 s9, s20;
	[dreg:$0xf] =	wrdreg s10  }
0xc: {  	s9 =	sadd.s32 $0x780, s12;
	[dreg:$0x5] =	wrdreg s12  }
0xd: {  	s17 =	sadd.s32 $0xF00, s12;
	[dreg:$0x6] =	wrdreg s9  }
0xe: {  	s18 =	sadd.s32 $0x1680, s12;
	[dreg:$0x7] =	wrdreg s17  }
0xf: {  	s21 =	sadd.s32 $0x1E00, s12;
	[dreg:$0x8] =	wrdreg s18  }
0x10: {  	s22 =	sadd.s32 $0x2580, s12;
	[dreg:$0xa] =	wrdreg s21  }
0x11: {  	s13 =	sadd.s32 $0x2D00, s12;
	[dreg:$0xb] =	wrdreg s22  }
0x12: {  	s25 =	sadd.s32 $0x3480, s12;
	[dreg:$0xc] =	wrdreg s13  }
0x13: {  	s26 =	sadd.s32 $0x3C00, s12;
	[dreg:$0xd] =	wrdreg s25  }
0x14: {  	s0 =	smax.u32 s0, $0x1;
	[dreg:$0xe] =	wrdreg s26  }
0x15: {  	s14 =	sadd.s32 $0x6180, s12;
	[dreg:$0x14] =	wrdreg s0  }
0x16: {  	s15 =	sadd.s32 $0x6900, s12;
	[dreg:$0x19] =	wrdreg s14  }
0x17: {  	s16 =	sadd.s32 $0x7080, s12;
	[dreg:$0x1a] =	wrdreg s15  }
0x18: {  	s10 =	sshrl.u32 s10, $0x3;
	s19 =	sadd.s32 $0x8700, s12;
	[dreg:$0x1b] =	wrdreg s16  }
0x19: {  	s11 =	smul.u32 $0x1860, s2;
	s29 =	sadd.s32 s7, s10;
	[dreg:$0x1e] =	wrdreg s19  }
0x1a: {  	s23 =	smul.u32 $0x186A0, s4;
	s31 =	sadd.s32 s8, s10;
	[dreg:$0x11] =	wrdreg s29  }
0x1b: {  	s28 =	simm.s32 $0x80;
	s10 =	sadd.s32 $0x4B00, s12;
	[dreg:$0x12] =	wrdreg s31  }
0x1c: {  	s9 =	sadd.s32 s11, s23;
	s11 =	sadd.s32 $0x5280, s12;
	[dreg:$0x16] =	wrdreg s10  }
0x1d: {  	s4 =	smul.u32 $0xC3500, s4;
	s13 =	sadd.s32 $0x5A00, s12;
	[dreg:$0x17] =	wrdreg s11  }
0x1e: {  	p0 =	sne.s32 s2, $0x0;
	s17 =	sadd.s32 $0x7800, s12;
	[dreg:$0x18] =	wrdreg s13  }
0x1f: {  	s4 =	sshrl.u32 s4, $0x3;
	s18 =	sadd.s32 $0x7F80, s12;
	[dreg:$0x1c] =	wrdreg s17  }
0x20: {  	s21 =	sadd.s32 $0x8E80, s12;
	s22 =	sadd.s32 $0x9600, s12;
	[dreg:$0x1d] =	wrdreg s18  }
0x21: {  	s23 =	sadd.s32 $0x9D80, s12;
	s25 =	sadd.s32 $0xA500, s12;
	[dreg:$0x1f] =	wrdreg s21  }
0x22: {  	s26 =	sadd.s32 $0xAC80, s12;
	s0 =	simm.s32 $0x180;
	[smem:$0x7F7] =	sst s22  }
0x23: {  	s15 =	simm.s32 $0x3;
	s16 =	simm.s32 $0x5;
	[smem:$0x7F8] =	sst s23  }
0x24: {  	s19 =	simm.s32 $0x2;
	s9 =	sadd.s32 s1, s9;
	[smem:$0x7F9] =	sst s25  }
0x25: {  	s1 =	sadd.s32 s1, s4;
	[smem:$0x7FA] =	sst s26;
	s29 =	sadd.s32 $0xB400, s12  }
0x26: {  	s31 =	sadd.s32 $0xBB80, s12;
	s25 =	simm.s32 $0x9;
	[dreg:$0x10] =	wrdreg s9  }
0x27: {  	s26 =	simm.s32 $0x100;
	s13 =	simm.s32 $0x1;
	[smem:$0x7FB] =	sst s29  }
0x28: {  	v0 =	vimm.s32 $0x8080504;
	s17 =	simm.s32 $0x200;
	s1 =	sadd.s32 $0x18600, s1;
	[smem:$0x7FC] =	sst s31  }
0x29: {  	v1 =	vunpack.c.0.s8.s32 v0;
	s21 =	simm.s32 $0x4;
	s9 =	sadd.s32 $0x4380, s12;
	[dreg:$0x13] =	wrdreg s1  }
0x2a: {  	vm0 =	vcmask $0xF00;
	v2 =	vimm.s32 $0x0;
	s22 =	simm.s32 $0x6;
	[dreg:$0x15] =	wrdreg s9;
	s9 =	sadd.s32 $0xC3000, s20  }
0x2b: {  	v3 =	vimm.s32 $0x1;
	v0 =	vimm.f32 $0.0e+00;
	v1 =	vnsel vm0, $0x8, v1;
	s23 =	simm.s32 $0x280;
	s4 =	simm.s32 $0x0;
	[smem:$0x7FD] =	sst s9  }
.LBB2_1:
0x2c: {  	[tilespmem:$0xB300] =	vst v0  }
0x2d: {  	[tilespmem:$0xB310] =	vst v0  }
0x2e: {  	[tilespmem:$0xB320] =	vst v0  }
0x2f: {  	[tilespmem:$0xB330] =	vst v0  }
0x30: {  	[tilespmem:$0xB340] =	vst v0  }
0x31: {  	[tilespmem:$0xB350] =	vst v0  }
0x32: {  	[tilespmem:$0xB360] =	vst v0  }
0x33: {  	[tilespmem:$0xB370] =	vst v0  }
0x34: {  	[tilespmem:$0xB380] =	vst v0  }
0x35: {  	[tilespmem:$0xB390] =	vst v0  }
0x36: {  	[tilespmem:$0xB3A0] =	vst v0  }
0x37: {  	[tilespmem:$0xB3B0] =	vst v0  }
0x38: {  	[tilespmem:$0xB3C0] =	vst v0  }
0x39: {  	[tilespmem:$0xB3D0] =	vst v0  }
0x3a: {  	[tilespmem:$0xB3E0] =	vst v0  }
0x3b: {  	[tilespmem:$0xB3F0] =	vst v0  }
0x3c: {  	[tilespmem:$0xB400] =	vst v0  }
0x3d: {  	[tilespmem:$0xB410] =	vst v0  }
0x3e: {  	[tilespmem:$0xB420] =	vst v0  }
0x3f: {  	[tilespmem:$0xB430] =	vst v0  }
0x40: {  	[tilespmem:$0xB440] =	vst v0  }
0x41: {  	[tilespmem:$0xB450] =	vst v0  }
0x42: {  	[tilespmem:$0xB460] =	vst v0  }
0x43: {  	[tilespmem:$0xB470] =	vst v0  }
0x44: {  	[tilespmem:$0xB480] =	vst v0  }
0x45: {  	[tilespmem:$0xB490] =	vst v0  }
0x46: {  	[tilespmem:$0xB4A0] =	vst v0  }
0x47: {  	[tilespmem:$0xB4B0] =	vst v0  }
0x48: {  	[tilespmem:$0xB4C0] =	vst v0  }
0x49: {  	[tilespmem:$0xB4D0] =	vst v0  }
0x4a: {  	[tilespmem:$0xB4E0] =	vst v0  }
0x4b: {  	[tilespmem:$0xB4F0] =	vst v0  }
0x4c: {  	[tilespmem:$0xB500] =	vst v0  }
0x4d: {  	[tilespmem:$0xB510] =	vst v0  }
0x4e: {  	[tilespmem:$0xB520] =	vst v0  }
0x4f: {  	[tilespmem:$0xB530] =	vst v0  }
0x50: {  	[tilespmem:$0xB540] =	vst v0  }
0x51: {  	[tilespmem:$0xB550] =	vst v0  }
0x52: {  	[tilespmem:$0xB560] =	vst v0  }
0x53: {  	[tilespmem:$0xB570] =	vst v0  }
0x54: {  	[tilespmem:$0xB580] =	vst v0  }
0x55: {  	[tilespmem:$0xB590] =	vst v0  }
0x56: {  	[tilespmem:$0xB5A0] =	vst v0  }
0x57: {  	[tilespmem:$0xB5B0] =	vst v0  }
0x58: {  	[tilespmem:$0xB5C0] =	vst v0  }
0x59: {  	[tilespmem:$0xB5D0] =	vst v0  }
0x5a: {  	[tilespmem:$0xB5E0] =	vst v0  }
0x5b: {  	[tilespmem:$0xB5F0] =	vst v0  }
0x5c: {  	[tilespmem:$0xB600] =	vst v0  }
0x5d: {  	[tilespmem:$0xB610] =	vst v0  }
0x5e: {  	[tilespmem:$0xB620] =	vst v0  }
0x5f: {  	[tilespmem:$0xB630] =	vst v0  }
0x60: {  	[tilespmem:$0xB640] =	vst v0  }
0x61: {  	[tilespmem:$0xB650] =	vst v0  }
0x62: {  	[tilespmem:$0xB660] =	vst v0  }
0x63: {  	[tilespmem:$0xB670] =	vst v0  }
0x64: {  	[tilespmem:$0xB680] =	vst v0  }
0x65: {  	[tilespmem:$0xB690] =	vst v0  }
0x66: {  	[tilespmem:$0xB6A0] =	vst v0  }
0x67: {  	[tilespmem:$0xB6B0] =	vst v0  }
0x68: {  	[tilespmem:$0xB6C0] =	vst v0  }
0x69: {  	[tilespmem:$0xB6D0] =	vst v0  }
0x6a: {  	[tilespmem:$0xB6E0] =	vst v0  }
0x6b: {  	[tilespmem:$0xB6F0] =	vst v0  }
0x6c: {  	[tilespmem:$0xB700] =	vst v0  }
0x6d: {  	[tilespmem:$0xB710] =	vst v0  }
0x6e: {  	[tilespmem:$0xB720] =	vst v0  }
0x6f: {  	[tilespmem:$0xB730] =	vst v0  }
0x70: {  	[tilespmem:$0xB740] =	vst v0  }
0x71: {  	[tilespmem:$0xB750] =	vst v0  }
0x72: {  	[tilespmem:$0xB760] =	vst v0  }
0x73: {  	[tilespmem:$0xB770] =	vst v0  }
0x74: {  	[tilespmem:$0xB780] =	vst v0  }
0x75: {  	[tilespmem:$0xB790] =	vst v0  }
0x76: {  	[tilespmem:$0xB7A0] =	vst v0  }
0x77: {  	[tilespmem:$0xB7B0] =	vst v0  }
0x78: {  	[tilespmem:$0xB7C0] =	vst v0  }
0x79: {  	[tilespmem:$0xB7D0] =	vst v0  }
0x7a: {  	[tilespmem:$0xB7E0] =	vst v0  }
0x7b: {  	[tilespmem:$0xB7F0] =	vst v0  }
0x7c: {  	[tilespmem:$0xB800] =	vst v0  }
0x7d: {  	[tilespmem:$0xB810] =	vst v0  }
0x7e: {  	[tilespmem:$0xB820] =	vst v0  }
0x7f: {  	[tilespmem:$0xB830] =	vst v0  }
0x80: {  	[tilespmem:$0xB840] =	vst v0  }
0x81: {  	[tilespmem:$0xB850] =	vst v0  }
0x82: {  	[tilespmem:$0xB860] =	vst v0  }
0x83: {  	[tilespmem:$0xB870] =	vst v0  }
0x84: {  	[tilespmem:$0xB880] =	vst v0  }
0x85: {  	[tilespmem:$0xB890] =	vst v0  }
0x86: {  	[tilespmem:$0xB8A0] =	vst v0  }
0x87: {  	[tilespmem:$0xB8B0] =	vst v0  }
0x88: {  	[tilespmem:$0xB8C0] =	vst v0  }
0x89: {  	[tilespmem:$0xB8D0] =	vst v0  }
0x8a: {  	[tilespmem:$0xB8E0] =	vst v0  }
0x8b: {  	[tilespmem:$0xB8F0] =	vst v0  }
0x8c: {  	[tilespmem:$0xB900] =	vst v0  }
0x8d: {  	[tilespmem:$0xB910] =	vst v0  }
0x8e: {  	[tilespmem:$0xB920] =	vst v0  }
0x8f: {  	[tilespmem:$0xB930] =	vst v0  }
0x90: {  	[tilespmem:$0xB940] =	vst v0  }
0x91: {  	[tilespmem:$0xB950] =	vst v0  }
0x92: {  	[tilespmem:$0xB960] =	vst v0  }
0x93: {  	[tilespmem:$0xB970] =	vst v0  }
0x94: {  	[tilespmem:$0xB980] =	vst v0  }
0x95: {  	[tilespmem:$0xB990] =	vst v0  }
0x96: {  	[tilespmem:$0xB9A0] =	vst v0  }
0x97: {  	[tilespmem:$0xB9B0] =	vst v0  }
0x98: {  	[tilespmem:$0xB9C0] =	vst v0  }
0x99: {  	[tilespmem:$0xB9D0] =	vst v0  }
0x9a: {  	[tilespmem:$0xB9E0] =	vst v0  }
0x9b: {  	[tilespmem:$0xB9F0] =	vst v0  }
0x9c: {  	[tilespmem:$0xBA00] =	vst v0  }
0x9d: {  	[tilespmem:$0xBA10] =	vst v0  }
0x9e: {  	[tilespmem:$0xBA20] =	vst v0  }
0x9f: {  	[tilespmem:$0xBA30] =	vst v0  }
0xa0: {  	[tilespmem:$0xBA40] =	vst v0  }
0xa1: {  	[tilespmem:$0xBA50] =	vst v0  }
0xa2: {  	[tilespmem:$0xBA60] =	vst v0  }
0xa3: {  	[smem:$0x7F6] =	sst s4;
	[tilespmem:$0xBA70] =	vst v0;
	s2 =	simm.s32 $0xB300  }
0xa4: {  	[spmem:s12] =	stream.linear.scatter [tilespmem:s2], [sflag:$0x9], $0x780, $0x38;
	[tilespmem:$0x17DD0] =	vst v63  }
0xa5: {  	_ =	swait.ge [sflag:s25], $0x780  }
0xa6: {  	[sflag:s25] =	ssyncset.done $0x0  }
0xa7: {  	s1 =	rddreg [dreg:$0x6];
	[sflag:s25] =	ssyncadd.s32 $0xFFFFF880  }
0xa8: {  	[spmem:s1] =	stream.linear.scatter [tilespmem:s2], [sflag:$0x9], $0x780, $0x38;
	[tilespmem:$0x17DD0] =	vst v63  }
0xa9: {  	_ =	swait.ge [sflag:s25], $0x780  }
0xaa: {  	[sflag:s25] =	ssyncset.done $0x0  }
0xab: {  	s12 =	rddreg [dreg:$0x7];
	[sflag:s25] =	ssyncadd.s32 $0xFFFFF880  }
0xac: {  	[spmem:s12] =	stream.linear.scatter [tilespmem:s2], [sflag:$0x9], $0x780, $0x38;
	[tilespmem:$0x17DD0] =	vst v63  }
0xad: {  	_ =	swait.ge [sflag:s25], $0x780  }
0xae: {  	[sflag:s25] =	ssyncset.done $0x0  }
0xaf: {  	s14 =	rddreg [dreg:$0x8];
	[sflag:s25] =	ssyncadd.s32 $0xFFFFF880  }
0xb0: {  	[spmem:s14] =	stream.linear.scatter [tilespmem:s2], [sflag:$0x9], $0x780, $0x38;
	[tilespmem:$0x17DD0] =	vst v63  }
0xb1: {  	_ =	swait.ge [sflag:s25], $0x780  }
0xb2: {  	[sflag:s25] =	ssyncset.done $0x0  }
0xb3: {  	s18 =	rddreg [dreg:$0xa];
	[sflag:s25] =	ssyncadd.s32 $0xFFFFF880  }
0xb4: {  	[spmem:s18] =	stream.linear.scatter [tilespmem:s2], [sflag:$0x9], $0x780, $0x38;
	[tilespmem:$0x17DD0] =	vst v63  }
0xb5: {  	_ =	swait.ge [sflag:s25], $0x780  }
0xb6: {  	[sflag:s25] =	ssyncset.done $0x0  }
0xb7: {  	s29 =	rddreg [dreg:$0xb];
	[sflag:s25] =	ssyncadd.s32 $0xFFFFF880  }
0xb8: {  	[spmem:s29] =	stream.linear.scatter [tilespmem:s2], [sflag:$0x9], $0x780, $0x38;
	[tilespmem:$0x17DD0] =	vst v63  }
0xb9: {  	_ =	swait.ge [sflag:s25], $0x780  }
0xba: {  	[sflag:s25] =	ssyncset.done $0x0  }
0xbb: {  	s31 =	rddreg [dreg:$0xc];
	[sflag:s25] =	ssyncadd.s32 $0xFFFFF880  }
0xbc: {  	[spmem:s31] =	stream.linear.scatter [tilespmem:s2], [sflag:$0x9], $0x780, $0x38;
	[tilespmem:$0x17DD0] =	vst v63  }
0xbd: {  	_ =	swait.ge [sflag:s25], $0x780  }
0xbe: {  	[sflag:s25] =	ssyncset.done $0x0  }
0xbf: {  	s4 =	rddreg [dreg:$0xd];
	[sflag:s25] =	ssyncadd.s32 $0xFFFFF880  }
0xc0: {  	[spmem:s4] =	stream.linear.scatter [tilespmem:s2], [sflag:$0x9], $0x780, $0x38;
	[tilespmem:$0x17DD0] =	vst v63  }
0xc1: {  	_ =	swait.ge [sflag:s25], $0x780  }
0xc2: {  	[sflag:s25] =	ssyncset.done $0x0  }
0xc3: {  	s10 =	rddreg [dreg:$0xe];
	[sflag:s25] =	ssyncadd.s32 $0xFFFFF880  }
0xc4: {  	[spmem:s10] =	stream.linear.scatter [tilespmem:s2], [sflag:$0x9], $0x780, $0x38;
	[tilespmem:$0x17DD0] =	vst v63  }
0xc5: {  	_ =	swait.ge [sflag:s25], $0x780  }
0xc6: {  	[sflag:s25] =	ssyncset.done $0x0  }
0xc7: {  	s11 =	rddreg [dreg:$0x15];
	[sflag:s25] =	ssyncadd.s32 $0xFFFFF880  }
0xc8: {  	[spmem:s11] =	stream.linear.scatter [tilespmem:s2], [sflag:$0x9], $0x780, $0x38;
	[tilespmem:$0x17DD0] =	vst v63  }
0xc9: {  	_ =	swait.ge [sflag:s25], $0x780  }
0xca: {  	[sflag:s25] =	ssyncset.done $0x0  }
0xcb: {  	s12 =	rddreg [dreg:$0x16];
	[sflag:s25] =	ssyncadd.s32 $0xFFFFF880  }
0xcc: {  	[spmem:s12] =	stream.linear.scatter [tilespmem:s2], [sflag:$0x9], $0x780, $0x38;
	[tilespmem:$0x17DD0] =	vst v63  }
0xcd: {  	_ =	swait.ge [sflag:s25], $0x780  }
0xce: {  	[sflag:s25] =	ssyncset.done $0x0  }
0xcf: {  	s14 =	rddreg [dreg:$0x17];
	[sflag:s25] =	ssyncadd.s32 $0xFFFFF880  }
0xd0: {  	[spmem:s14] =	stream.linear.scatter [tilespmem:s2], [sflag:$0x9], $0x780, $0x38;
	[tilespmem:$0x17DD0] =	vst v63  }
0xd1: {  	_ =	swait.ge [sflag:s25], $0x780  }
0xd2: {  	[sflag:s25] =	ssyncset.done $0x0  }
0xd3: {  	s18 =	rddreg [dreg:$0x18];
	[sflag:s25] =	ssyncadd.s32 $0xFFFFF880  }
0xd4: {  	[spmem:s18] =	stream.linear.scatter [tilespmem:s2], [sflag:$0x9], $0x780, $0x38;
	[tilespmem:$0x17DD0] =	vst v63  }
0xd5: {  	_ =	swait.ge [sflag:s25], $0x780  }
0xd6: {  	[sflag:s25] =	ssyncset.done $0x0  }
0xd7: {  	s29 =	rddreg [dreg:$0x19];
	[sflag:s25] =	ssyncadd.s32 $0xFFFFF880  }
0xd8: {  	[spmem:s29] =	stream.linear.scatter [tilespmem:s2], [sflag:$0x9], $0x780, $0x38;
	[tilespmem:$0x17DD0] =	vst v63  }
0xd9: {  	_ =	swait.ge [sflag:s25], $0x780  }
0xda: {  	[sflag:s25] =	ssyncset.done $0x0  }
0xdb: {  	s31 =	rddreg [dreg:$0x1a];
	[sflag:s25] =	ssyncadd.s32 $0xFFFFF880  }
0xdc: {  	[spmem:s31] =	stream.linear.scatter [tilespmem:s2], [sflag:$0x9], $0x780, $0x38;
	[tilespmem:$0x17DD0] =	vst v63  }
0xdd: {  	_ =	swait.ge [sflag:s25], $0x780  }
0xde: {  	[sflag:s25] =	ssyncset.done $0x0  }
0xdf: {  	s4 =	rddreg [dreg:$0x1b];
	[sflag:s25] =	ssyncadd.s32 $0xFFFFF880  }
0xe0: {  	[spmem:s4] =	stream.linear.scatter [tilespmem:s2], [sflag:$0x9], $0x780, $0x38;
	[tilespmem:$0x17DD0] =	vst v63  }
0xe1: {  	_ =	swait.ge [sflag:s25], $0x780  }
0xe2: {  	[sflag:s25] =	ssyncset.done $0x0  }
0xe3: {  	s10 =	rddreg [dreg:$0x1c];
	[sflag:s25] =	ssyncadd.s32 $0xFFFFF880  }
0xe4: {  	[spmem:s10] =	stream.linear.scatter [tilespmem:s2], [sflag:$0x9], $0x780, $0x38;
	[tilespmem:$0x17DD0] =	vst v63  }
0xe5: {  	_ =	swait.ge [sflag:s25], $0x780  }
0xe6: {  	[sflag:s25] =	ssyncset.done $0x0  }
0xe7: {  	s11 =	rddreg [dreg:$0x1d];
	[sflag:s25] =	ssyncadd.s32 $0xFFFFF880  }
0xe8: {  	[spmem:s11] =	stream.linear.scatter [tilespmem:s2], [sflag:$0x9], $0x780, $0x38;
	[tilespmem:$0x17DD0] =	vst v63  }
0xe9: {  	_ =	swait.ge [sflag:s25], $0x780  }
0xea: {  	[sflag:s25] =	ssyncset.done $0x0  }
0xeb: {  	s12 =	rddreg [dreg:$0x1e];
	[sflag:s25] =	ssyncadd.s32 $0xFFFFF880  }
0xec: {  	[spmem:s12] =	stream.linear.scatter [tilespmem:s2], [sflag:$0x9], $0x780, $0x38;
	[tilespmem:$0x17DD0] =	vst v63  }
0xed: {  	_ =	swait.ge [sflag:s25], $0x780  }
0xee: {  	[sflag:s25] =	ssyncset.done $0x0  }
0xef: {  	s14 =	rddreg [dreg:$0x1f];
	[sflag:s25] =	ssyncadd.s32 $0xFFFFF880  }
0xf0: {  	[spmem:s14] =	stream.linear.scatter [tilespmem:s2], [sflag:$0x9], $0x780, $0x38;
	[tilespmem:$0x17DD0] =	vst v63  }
0xf1: {  	_ =	swait.ge [sflag:s25], $0x780  }
0xf2: {  	s18 =	sld [smem:$0x7F7]  }
0xf3: {  	[sflag:s25] =	ssyncset.done $0x0  }
0xf4: {  	[sflag:s25] =	ssyncadd.s32 $0xFFFFF880  }
0xf5: {  	[spmem:s18] =	stream.linear.scatter [tilespmem:s2], [sflag:$0x9], $0x780, $0x38;
	[tilespmem:$0x17DD0] =	vst v63  }
0xf6: {  	_ =	swait.ge [sflag:s25], $0x780  }
0xf7: {  	s29 =	sld [smem:$0x7F8]  }
0xf8: {  	[sflag:s25] =	ssyncset.done $0x0  }
0xf9: {  	[sflag:s25] =	ssyncadd.s32 $0xFFFFF880  }
0xfa: {  	[spmem:s29] =	stream.linear.scatter [tilespmem:s2], [sflag:$0x9], $0x780, $0x38;
	[tilespmem:$0x17DD0] =	vst v63  }
0xfb: {  	_ =	swait.ge [sflag:s25], $0x780  }
0xfc: {  	s31 =	sld [smem:$0x7F9]  }
0xfd: {  	[sflag:s25] =	ssyncset.done $0x0  }
0xfe: {  	[sflag:s25] =	ssyncadd.s32 $0xFFFFF880  }
0xff: {  	[spmem:s31] =	stream.linear.scatter [tilespmem:s2], [sflag:$0x9], $0x780, $0x38;
	[tilespmem:$0x17DD0] =	vst v63  }
0x100: {  	_ =	swait.ge [sflag:s25], $0x780  }
0x101: {  	s4 =	sld [smem:$0x7FA]  }
0x102: {  	[sflag:s25] =	ssyncset.done $0x0  }
0x103: {  	[sflag:s25] =	ssyncadd.s32 $0xFFFFF880  }
0x104: {  	[spmem:s4] =	stream.linear.scatter [tilespmem:s2], [sflag:$0x9], $0x780, $0x38;
	[tilespmem:$0x17DD0] =	vst v63  }
0x105: {  	_ =	swait.ge [sflag:s25], $0x780  }
0x106: {  	s10 =	sld [smem:$0x7FB]  }
0x107: {  	[sflag:s25] =	ssyncset.done $0x0  }
0x108: {  	[sflag:s25] =	ssyncadd.s32 $0xFFFFF880  }
0x109: {  	[spmem:s10] =	stream.linear.scatter [tilespmem:s2], [sflag:$0x9], $0x780, $0x38;
	[tilespmem:$0x17DD0] =	vst v63  }
0x10a: {  	_ =	swait.ge [sflag:s25], $0x780  }
0x10b: {  	s11 =	sld [smem:$0x7FC]  }
0x10c: {  	[sflag:s25] =	ssyncset.done $0x0  }
0x10d: {  	[sflag:s25] =	ssyncadd.s32 $0xFFFFF880  }
0x10e: {  	[spmem:s11] =	stream.linear.scatter [tilespmem:s2], [sflag:$0x9], $0x780, $0x38;
	[tilespmem:$0x17DD0] =	vst v63  }
0x10f: {  	_ =	swait.ge [sflag:s25], $0x780  }
0x110: {  	[sflag:s25] =	ssyncset.done $0x0  }
0x111: {  	s1 =	simm.s32 @!p0 $0xB300;
	[sflag:s25] =	ssyncadd.s32 $0xFFFFF880  }
0x112: {  	[spmem:s9] =	stream.linear.scatter @!p0 [tilespmem:s1], [sflag:$0x9], $0x500, $0x38;
	[tilespmem:$0x17DD0] =	vst v63  }
0x113: {  	s1 =	simm.s32 @!p0 $0x9  }
0x114: {  	_ =	swait.ge @!p0 [sflag:s1], $0x500  }
0x115: {  	[sflag:s1] =	ssyncset.done @!p0 $0x0  }
0x116: {  	[sflag:s1] =	ssyncadd.s32 @!p0 $0xFFFFFB00  }
0x117: {  	[bflag:$0x0] =	sbarrier.arrive $0xFFFF  }
0x118: {  	s12 =	rddreg [dreg:$0x11]  }
0x119: {  	[tilespmem:s3], [sflag:$0x9] =	stream.linear.gather [hbm4b:s12+s3], $0x80, $0x38;
	[tilespmem:$0x17DD0] =	vst v63  }
0x11a: {  	_ =	swait.ge [sflag:s25], $0x80  }
0x11b: {  	[sflag:s25] =	ssyncset.done $0x0  }
0x11c: {  	s14 =	rddreg [dreg:$0x12];
	[sflag:s25] =	ssyncadd.s32 $0xFFFFFF80  }
0x11d: {  	[tilespmem:s26], [sflag:$0x9] =	stream.linear.gather [hbm4b:s14+s3], $0x80, $0x38;
	[tilespmem:$0x17DD0] =	vst v63  }
0x11e: {  	_ =	swait.ge [sflag:s25], $0x80  }
0x11f: {  	[sflag:s25] =	ssyncset.done $0x0  }
0x120: {  	s18 =	simm.s32 $0x300;
	[sflag:s25] =	ssyncadd.s32 $0xFFFFFF80  }
0x121: {  	[tilespmem:s18], [sflag:$0x1] =	stream.indirect.gather [hbm4b:s5+s28], $0x40, s3, s28, $0xb8;
	[tilespmem:$0x17DD0] =	vst v63  }
0x122: {  	s29 =	simm.s32 $0x4300  }
0x123: {  	[tilespmem:s29], [sflag:$0x3] =	stream.indirect.gather [hbm4b:s6+s28], $0x10, s3, s28, $0xb8;
	[tilespmem:$0x17DD0] =	vst v63  }
0x124: {  	s31 =	simm.s32 $0x5300;
	s4 =	simm.s32 $0x0;
	s11 =	smov.u32 s24  }
0x125: {  	[tilespmem:s31], [sflag:$0x5] =	stream.indirect.gather [hbm4b:s6+s28], $0x10, s26, s28, $0xb8;
	[tilespmem:$0x17DD0] =	vst v63  }
.LBB2_2:
0x126: {  	s1 =	sshll.u32 s4, $0x8  }
0x127: {  	s9 =	sadd.s32 s1, s24  }
0x128: {  	s2 =	rddreg [dreg:$0x9];
	s10 =	sadd.s32 $0x80, s9  }
0x129: {  	s9 =	sadd.s32 s2, s10  }
0x12a: {  	s9 =	sshrl.u32 s9, $0x3  }
0x12b: {  	s12 =	sadd.s32 s7, s9  }
0x12c: {  	[tilespmem:s28], [sflag:$0x9] =	stream.linear.gather [hbm4b:s12+s3], $0x80, $0x38;
	[tilespmem:$0x17DD0] =	vst v63  }
0x12d: {  	_ =	swait.ge [sflag:s25], $0x80  }
0x12e: {  	[sflag:s25] =	ssyncset.done $0x0  }
0x12f: {  	s9 =	sadd.s32 s8, s9;
	[sflag:s25] =	ssyncadd.s32 $0xFFFFFF80  }
0x130: {  	[tilespmem:s0], [sflag:$0x9] =	stream.linear.gather [hbm4b:s9+s3], $0x80, $0x38;
	[tilespmem:$0x17DD0] =	vst v63  }
0x131: {  	_ =	swait.ge [sflag:s25], $0x80  }
0x132: {  	[sflag:s25] =	ssyncset.done $0x0  }
0x133: {  	s12 =	simm.s32 $0x2300;
	[sflag:s25] =	ssyncadd.s32 $0xFFFFFF80  }
0x134: {  	[tilespmem:s12], [sflag:$0x2] =	stream.indirect.gather [hbm4b:s5+s28], $0x40, s28, s28, $0xb8;
	[tilespmem:$0x17DD0] =	vst v63  }
0x135: {  	s14 =	simm.s32 $0x4B00  }
0x136: {  	[tilespmem:s14], [sflag:$0x4] =	stream.indirect.gather [hbm4b:s6+s28], $0x10, s28, s28, $0xb8;
	[tilespmem:$0x17DD0] =	vst v63  }
0x137: {  	s18 =	simm.s32 $0x5B00  }
0x138: {  	[tilespmem:s18], [sflag:$0x6] =	stream.indirect.gather [hbm4b:s6+s28], $0x10, s0, s28, $0xb8;
	[tilespmem:$0x17DD0] =	vst v63  }
0x139: {  	_ =	swait.ge [sflag:s13], $0x2000  }
0x13a: {  	[sflag:s13] =	ssyncset.done $0x0  }
0x13b: {  	[sflag:s13] =	ssyncadd.s32 $0xFFFFE000  }
0x13c: {  	_ =	swait.ge [sflag:s15], $0x800  }
0x13d: {  	[sflag:s15] =	ssyncset.done $0x0  }
0x13e: {  	[sflag:s15] =	ssyncadd.s32 $0xFFFFF800  }
0x13f: {  	_ =	swait.ge [sflag:s16], $0x800  }
0x140: {  	p1 =	seq.s32 s4, $0x0;
	[sflag:s16] =	ssyncset.done $0x0  }
0x141: {  	s9 =	simm.s32 @!p1 $0x7;
	[sflag:s16] =	ssyncadd.s32 $0xFFFFF800  }
0x142: {  	s1 =	sadd.s32 s24, s1;
	_ =	swait.ge @!p1 [sflag:s9], $0x2800  }
0x143: {  	s1 =	sshrl.u32 s1, $0x3;
	[sflag:s9] =	ssyncset.done @!p1 $0x0  }
0x144: {  	s29 =	simm.s32 $0x400;
	s1 =	sadd.s32 s30, s1;
	[sflag:s9] =	ssyncadd.s32 @!p1 $0xFFFFD800  }
0x145: {  	[tilespmem:s17], [sflag:$0x9] =	stream.linear.gather [hbm4b:s1+s3], $0x80, $0x38;
	[tilespmem:$0x17DD0] =	vst v63  }
0x146: {  	s31 =	simm.s32 $0x5340;
	s12 =	sshll.u32 s4, $0x1;
	_ =	swait.ge [sflag:s25], $0x80  }
0x147: {  	s14 =	smov.u32 s30;
	s30 =	simm.s32 $0x4340;
	[sflag:s25] =	ssyncset.done $0x0  }
0x148: {  	s18 =	simm.s32 $0xFFFFFFF8;
	s9 =	simm.s32 $0x6440;
	[sflag:s25] =	ssyncadd.s32 $0xFFFFFF80  }
.LBB2_3:
0x149: {  	v4 =	vld [tilespmem:s31+$0xFFFFFFC0];
	_ =	sdelay $0x1  }
0x14a: {  	v5 =	vld [tilespmem:s30+$0xFFFFFFC0];
	_ =	sdelay $0x2  }
0x14b: {  	v4 =	vperm.xlane v4, v1;
	_ =	sdelay $0x1  }
0x14c: {  	v4 =	vadd.f32 v4, v5;
	_ =	sdelay $0x1  }
0x14d: {  	v5 =	vmin.f32 v4, $0.0e+00  }
0x14e: {  	v5 =	vmul.f32 $2.000000030e-01, v5  }
0x14f: {  	v4 =	vmax.f32 v4, $0.0e+00  }
0x150: {  	v4 =	vadd.f32 v5, v4;
	_ =	sdelay $0x1  }
0x151: {  	v4 =	vmul.f32 $1.442695020e+00, v4  }
0x152: {  	s1 =	sadd.s32 s18, s11  }
0x153: {  	s2 =	sadd.s32 $0x8, s1;
	(erf) = vpow2.f32 v4  }
0x154: {  	s2 =	scvt.s32.f32 s2;
	_ =	sdelay $0x1  }
0x155: {  	v4 =	vmov s2  }
0x156: {  	v4 =	vsub.f32 $1.700000000e+05, v4;
	_ =	sdelay $0x1  }
0x157: {  	v4 =	vmax.f32 v4, $0.0e+00  }
0x158: {  	v4 =	vmin.f32 v4, $1.000000000e+00  }
0x159: {  	v4 =	vbroadcast v4, $0x0  }
0x15a: {  	v5 =	vpop (erf)  }
0x15b: {  	v4 =	vmul.f32 v5, v4;
	_ =	sdelay $0x1  }
0x15c: {  	[tilespmem:s9+$0xFFFFFF00] =	vst v4  }
0x15d: {  	v5 =	vld [tilespmem:s29+$0xFFFFFF00];
	_ =	sdelay $0x2  }
0x15e: {  	v6 =	vperm.xlane v4, v2;
	_ =	sdelay $0x1  }
0x15f: {  	v5 =	vmul.f32 v5, v6;
	_ =	sdelay $0x1  }
0x160: {  	[tilespmem:s9+$0xFFFFFEC0] =	vst v5  }
0x161: {  	v5 =	vld [tilespmem:s29+$0xFFFFFF10];
	_ =	sdelay $0x4  }
0x162: {  	v5 =	vmul.f32 v5, v6;
	_ =	sdelay $0x1  }
0x163: {  	[tilespmem:s9+$0xFFFFFED0] =	vst v5  }
0x164: {  	v5 =	vld [tilespmem:s29+$0xFFFFFF20];
	_ =	sdelay $0x2  }
0x165: {  	v4 =	vperm.xlane v4, v3;
	_ =	sdelay $0x1  }
0x166: {  	v5 =	vmul.f32 v5, v4;
	_ =	sdelay $0x1  }
0x167: {  	[tilespmem:s9+$0xFFFFFEE0] =	vst v5  }
0x168: {  	v5 =	vld [tilespmem:s29+$0xFFFFFF30];
	_ =	sdelay $0x4  }
0x169: {  	v4 =	vmul.f32 v5, v4;
	_ =	sdelay $0x1  }
0x16a: {  	[tilespmem:s9+$0xFFFFFEF0] =	vst v4  }
0x16b: {  	v4 =	vld [tilespmem:s31+$0xFFFFFFD0];
	_ =	sdelay $0x1  }
0x16c: {  	v5 =	vld [tilespmem:s30+$0xFFFFFFD0];
	_ =	sdelay $0x2  }
0x16d: {  	v4 =	vperm.xlane v4, v1;
	_ =	sdelay $0x1  }
0x16e: {  	v4 =	vadd.f32 v4, v5;
	_ =	sdelay $0x1  }
0x16f: {  	v5 =	vmin.f32 v4, $0.0e+00  }
0x170: {  	v5 =	vmul.f32 $2.000000030e-01, v5  }
0x171: {  	v4 =	vmax.f32 v4, $0.0e+00  }
0x172: {  	v4 =	vadd.f32 v5, v4;
	_ =	sdelay $0x1  }
0x173: {  	v4 =	vmul.f32 $1.442695020e+00, v4;
	_ =	sdelay $0x1  }
0x174: {  	s2 =	sadd.s32 $0x9, s1;
	(erf) = vpow2.f32 v4  }
0x175: {  	s2 =	scvt.s32.f32 s2;
	_ =	sdelay $0x1  }
0x176: {  	v4 =	vmov s2  }
0x177: {  	v4 =	vsub.f32 $1.700000000e+05, v4;
	_ =	sdelay $0x1  }
0x178: {  	v4 =	vmax.f32 v4, $0.0e+00  }
0x179: {  	v4 =	vmin.f32 v4, $1.000000000e+00  }
0x17a: {  	v4 =	vbroadcast v4, $0x0  }
0x17b: {  	v5 =	vpop (erf)  }
0x17c: {  	v4 =	vmul.f32 v5, v4;
	_ =	sdelay $0x1  }
0x17d: {  	[tilespmem:s9+$0xFFFFFF50] =	vst v4  }
0x17e: {  	v5 =	vld [tilespmem:s29+$0xFFFFFF40];
	_ =	sdelay $0x2  }
0x17f: {  	v57 =	vperm.xlane v4, v2;
	_ =	sdelay $0x1  }
0x180: {  	v5 =	vmul.f32 v5, v57;
	_ =	sdelay $0x1  }
0x181: {  	[tilespmem:s9+$0xFFFFFF10] =	vst v5  }
0x182: {  	v5 =	vld [tilespmem:s29+$0xFFFFFF50];
	_ =	sdelay $0x4  }
0x183: {  	v5 =	vmul.f32 v5, v57;
	_ =	sdelay $0x1  }
0x184: {  	[tilespmem:s9+$0xFFFFFF20] =	vst v5  }
0x185: {  	v5 =	vld [tilespmem:s29+$0xFFFFFF60];
	_ =	sdelay $0x2  }
0x186: {  	v4 =	vperm.xlane v4, v3;
	_ =	sdelay $0x1  }
0x187: {  	v5 =	vmul.f32 v5, v4;
	_ =	sdelay $0x1  }
0x188: {  	[tilespmem:s9+$0xFFFFFF30] =	vst v5  }
0x189: {  	v5 =	vld [tilespmem:s29+$0xFFFFFF70];
	_ =	sdelay $0x4  }
0x18a: {  	v4 =	vmul.f32 v5, v4;
	_ =	sdelay $0x1  }
0x18b: {  	[tilespmem:s9+$0xFFFFFF40] =	vst v4  }
0x18c: {  	v4 =	vld [tilespmem:s31+$0xFFFFFFE0];
	_ =	sdelay $0x1  }
0x18d: {  	v5 =	vld [tilespmem:s30+$0xFFFFFFE0];
	_ =	sdelay $0x2  }
0x18e: {  	v4 =	vperm.xlane v4, v1;
	_ =	sdelay $0x1  }
0x18f: {  	v4 =	vadd.f32 v4, v5;
	_ =	sdelay $0x1  }
0x190: {  	v5 =	vmin.f32 v4, $0.0e+00  }
0x191: {  	v5 =	vmul.f32 $2.000000030e-01, v5  }
0x192: {  	v4 =	vmax.f32 v4, $0.0e+00  }
0x193: {  	v4 =	vadd.f32 v5, v4;
	_ =	sdelay $0x1  }
0x194: {  	v4 =	vmul.f32 $1.442695020e+00, v4;
	_ =	sdelay $0x1  }
0x195: {  	s2 =	sadd.s32 $0xA, s1;
	(erf) = vpow2.f32 v4  }
0x196: {  	s2 =	scvt.s32.f32 s2;
	_ =	sdelay $0x1  }
0x197: {  	v4 =	vmov s2  }
0x198: {  	v4 =	vsub.f32 $1.700000000e+05, v4;
	_ =	sdelay $0x1  }
0x199: {  	v4 =	vmax.f32 v4, $0.0e+00  }
0x19a: {  	v4 =	vmin.f32 v4, $1.000000000e+00  }
0x19b: {  	v4 =	vbroadcast v4, $0x0  }
0x19c: {  	v5 =	vpop (erf)  }
0x19d: {  	v4 =	vmul.f32 v5, v4;
	_ =	sdelay $0x1  }
0x19e: {  	[tilespmem:s9+$0xFFFFFFA0] =	vst v4  }
0x19f: {  	v5 =	vld [tilespmem:s29+$0xFFFFFF80];
	_ =	sdelay $0x2  }
0x1a0: {  	v58 =	vperm.xlane v4, v2;
	_ =	sdelay $0x1  }
0x1a1: {  	v5 =	vmul.f32 v5, v58;
	_ =	sdelay $0x1  }
0x1a2: {  	[tilespmem:s9+$0xFFFFFF60] =	vst v5  }
0x1a3: {  	v5 =	vld [tilespmem:s29+$0xFFFFFF90];
	_ =	sdelay $0x4  }
0x1a4: {  	v5 =	vmul.f32 v5, v58;
	_ =	sdelay $0x1  }
0x1a5: {  	[tilespmem:s9+$0xFFFFFF70] =	vst v5  }
0x1a6: {  	v5 =	vld [tilespmem:s29+$0xFFFFFFA0];
	_ =	sdelay $0x2  }
0x1a7: {  	v4 =	vperm.xlane v4, v3;
	_ =	sdelay $0x1  }
0x1a8: {  	v5 =	vmul.f32 v5, v4;
	_ =	sdelay $0x1  }
0x1a9: {  	[tilespmem:s9+$0xFFFFFF80] =	vst v5  }
0x1aa: {  	v5 =	vld [tilespmem:s29+$0xFFFFFFB0];
	_ =	sdelay $0x4  }
0x1ab: {  	v4 =	vmul.f32 v5, v4;
	_ =	sdelay $0x1  }
0x1ac: {  	[tilespmem:s9+$0xFFFFFF90] =	vst v4  }
0x1ad: {  	v4 =	vld [tilespmem:s31+$0xFFFFFFF0];
	_ =	sdelay $0x1  }
0x1ae: {  	v5 =	vld [tilespmem:s30+$0xFFFFFFF0];
	_ =	sdelay $0x2  }
0x1af: {  	v4 =	vperm.xlane v4, v1;
	_ =	sdelay $0x1  }
0x1b0: {  	v4 =	vadd.f32 v4, v5;
	_ =	sdelay $0x1  }
0x1b1: {  	v5 =	vmin.f32 v4, $0.0e+00  }
0x1b2: {  	v5 =	vmul.f32 $2.000000030e-01, v5  }
0x1b3: {  	v4 =	vmax.f32 v4, $0.0e+00  }
0x1b4: {  	v4 =	vadd.f32 v5, v4;
	_ =	sdelay $0x1  }
0x1b5: {  	v4 =	vmul.f32 $1.442695020e+00, v4;
	_ =	sdelay $0x1  }
0x1b6: {  	s2 =	sadd.s32 $0xB, s1;
	(erf) = vpow2.f32 v4  }
0x1b7: {  	s2 =	scvt.s32.f32 s2;
	_ =	sdelay $0x1  }
0x1b8: {  	v4 =	vmov s2  }
0x1b9: {  	v4 =	vsub.f32 $1.700000000e+05, v4;
	_ =	sdelay $0x1  }
0x1ba: {  	v4 =	vmax.f32 v4, $0.0e+00  }
0x1bb: {  	v4 =	vmin.f32 v4, $1.000000000e+00  }
0x1bc: {  	v4 =	vbroadcast v4, $0x0  }
0x1bd: {  	v5 =	vpop (erf)  }
0x1be: {  	v4 =	vmul.f32 v5, v4;
	_ =	sdelay $0x1  }
0x1bf: {  	[tilespmem:s9+$0xFFFFFFF0] =	vst v4  }
0x1c0: {  	v5 =	vld [tilespmem:s29+$0xFFFFFFC0];
	_ =	sdelay $0x2  }
0x1c1: {  	v59 =	vperm.xlane v4, v2;
	_ =	sdelay $0x1  }
0x1c2: {  	v5 =	vmul.f32 v5, v59;
	_ =	sdelay $0x1  }
0x1c3: {  	[tilespmem:s9+$0xFFFFFFB0] =	vst v5  }
0x1c4: {  	v5 =	vld [tilespmem:s29+$0xFFFFFFD0];
	_ =	sdelay $0x4  }
0x1c5: {  	v5 =	vmul.f32 v5, v59;
	_ =	sdelay $0x1  }
0x1c6: {  	[tilespmem:s9+$0xFFFFFFC0] =	vst v5  }
0x1c7: {  	v5 =	vld [tilespmem:s29+$0xFFFFFFE0];
	_ =	sdelay $0x2  }
0x1c8: {  	v4 =	vperm.xlane v4, v3;
	_ =	sdelay $0x1  }
0x1c9: {  	v5 =	vmul.f32 v5, v4;
	_ =	sdelay $0x1  }
0x1ca: {  	[tilespmem:s9+$0xFFFFFFD0] =	vst v5  }
0x1cb: {  	v5 =	vld [tilespmem:s29+$0xFFFFFFF0];
	_ =	sdelay $0x4  }
0x1cc: {  	v4 =	vmul.f32 v5, v4;
	_ =	sdelay $0x1  }
0x1cd: {  	[tilespmem:s9+$0xFFFFFFE0] =	vst v4  }
0x1ce: {  	v4 =	vld [tilespmem:s31+$0x0];
	_ =	sdelay $0x1  }
0x1cf: {  	v5 =	vld [tilespmem:s30+$0x0];
	_ =	sdelay $0x2  }
0x1d0: {  	v4 =	vperm.xlane v4, v1;
	_ =	sdelay $0x1  }
0x1d1: {  	v4 =	vadd.f32 v4, v5;
	_ =	sdelay $0x1  }
0x1d2: {  	v5 =	vmin.f32 v4, $0.0e+00  }
0x1d3: {  	v5 =	vmul.f32 $2.000000030e-01, v5  }
0x1d4: {  	v4 =	vmax.f32 v4, $0.0e+00  }
0x1d5: {  	v4 =	vadd.f32 v5, v4;
	_ =	sdelay $0x1  }
0x1d6: {  	v4 =	vmul.f32 $1.442695020e+00, v4;
	_ =	sdelay $0x1  }
0x1d7: {  	s2 =	sadd.s32 $0xC, s1;
	(erf) = vpow2.f32 v4  }
0x1d8: {  	s2 =	scvt.s32.f32 s2;
	_ =	sdelay $0x1  }
0x1d9: {  	v4 =	vmov s2  }
0x1da: {  	v4 =	vsub.f32 $1.700000000e+05, v4;
	_ =	sdelay $0x1  }
0x1db: {  	v4 =	vmax.f32 v4, $0.0e+00  }
0x1dc: {  	v4 =	vmin.f32 v4, $1.000000000e+00  }
0x1dd: {  	v4 =	vbroadcast v4, $0x0  }
0x1de: {  	v5 =	vpop (erf)  }
0x1df: {  	v4 =	vmul.f32 v5, v4;
	_ =	sdelay $0x1  }
0x1e0: {  	[tilespmem:s9+$0x40] =	vst v4  }
0x1e1: {  	v5 =	vld [tilespmem:s29+$0x0];
	_ =	sdelay $0x2  }
0x1e2: {  	v60 =	vperm.xlane v4, v2;
	_ =	sdelay $0x1  }
0x1e3: {  	v5 =	vmul.f32 v5, v60;
	_ =	sdelay $0x1  }
0x1e4: {  	[tilespmem:s9+$0x0] =	vst v5  }
0x1e5: {  	v5 =	vld [tilespmem:s29+$0x10];
	_ =	sdelay $0x4  }
0x1e6: {  	v5 =	vmul.f32 v5, v60;
	_ =	sdelay $0x1  }
0x1e7: {  	[tilespmem:s9+$0x10] =	vst v5  }
0x1e8: {  	v5 =	vld [tilespmem:s29+$0x20];
	_ =	sdelay $0x2  }
0x1e9: {  	v4 =	vperm.xlane v4, v3;
	_ =	sdelay $0x1  }
0x1ea: {  	v5 =	vmul.f32 v5, v4;
	_ =	sdelay $0x1  }
0x1eb: {  	[tilespmem:s9+$0x20] =	vst v5  }
0x1ec: {  	v5 =	vld [tilespmem:s29+$0x30];
	_ =	sdelay $0x4  }
0x1ed: {  	v4 =	vmul.f32 v5, v4;
	_ =	sdelay $0x1  }
0x1ee: {  	[tilespmem:s9+$0x30] =	vst v4  }
0x1ef: {  	v4 =	vld [tilespmem:s31+$0x10];
	_ =	sdelay $0x1  }
0x1f0: {  	v5 =	vld [tilespmem:s30+$0x10];
	_ =	sdelay $0x2  }
0x1f1: {  	v4 =	vperm.xlane v4, v1;
	_ =	sdelay $0x1  }
0x1f2: {  	v4 =	vadd.f32 v4, v5;
	_ =	sdelay $0x1  }
0x1f3: {  	v5 =	vmin.f32 v4, $0.0e+00  }
0x1f4: {  	v5 =	vmul.f32 $2.000000030e-01, v5  }
0x1f5: {  	v4 =	vmax.f32 v4, $0.0e+00  }
0x1f6: {  	v4 =	vadd.f32 v5, v4;
	_ =	sdelay $0x1  }
0x1f7: {  	v4 =	vmul.f32 $1.442695020e+00, v4;
	_ =	sdelay $0x1  }
0x1f8: {  	s2 =	sadd.s32 $0xD, s1;
	(erf) = vpow2.f32 v4  }
0x1f9: {  	s2 =	scvt.s32.f32 s2;
	_ =	sdelay $0x1  }
0x1fa: {  	v4 =	vmov s2  }
0x1fb: {  	v4 =	vsub.f32 $1.700000000e+05, v4;
	_ =	sdelay $0x1  }
0x1fc: {  	v4 =	vmax.f32 v4, $0.0e+00  }
0x1fd: {  	v4 =	vmin.f32 v4, $1.000000000e+00  }
0x1fe: {  	v4 =	vbroadcast v4, $0x0  }
0x1ff: {  	v5 =	vpop (erf)  }
0x200: {  	v4 =	vmul.f32 v5, v4;
	_ =	sdelay $0x1  }
0x201: {  	[tilespmem:s9+$0x90] =	vst v4  }
0x202: {  	v5 =	vld [tilespmem:s29+$0x40];
	_ =	sdelay $0x2  }
0x203: {  	v61 =	vperm.xlane v4, v2;
	_ =	sdelay $0x1  }
0x204: {  	v5 =	vmul.f32 v5, v61;
	_ =	sdelay $0x1  }
0x205: {  	[tilespmem:s9+$0x50] =	vst v5  }
0x206: {  	v5 =	vld [tilespmem:s29+$0x50];
	_ =	sdelay $0x4  }
0x207: {  	v5 =	vmul.f32 v5, v61;
	_ =	sdelay $0x1  }
0x208: {  	[tilespmem:s9+$0x60] =	vst v5  }
0x209: {  	v5 =	vld [tilespmem:s29+$0x60];
	_ =	sdelay $0x2  }
0x20a: {  	v4 =	vperm.xlane v4, v3;
	_ =	sdelay $0x1  }
0x20b: {  	v5 =	vmul.f32 v5, v4;
	_ =	sdelay $0x1  }
0x20c: {  	[tilespmem:s9+$0x70] =	vst v5  }
0x20d: {  	v5 =	vld [tilespmem:s29+$0x70];
	_ =	sdelay $0x4  }
0x20e: {  	v4 =	vmul.f32 v5, v4;
	_ =	sdelay $0x1  }
0x20f: {  	[tilespmem:s9+$0x80] =	vst v4  }
0x210: {  	v4 =	vld [tilespmem:s31+$0x20];
	_ =	sdelay $0x1  }
0x211: {  	v5 =	vld [tilespmem:s30+$0x20];
	_ =	sdelay $0x2  }
0x212: {  	v4 =	vperm.xlane v4, v1;
	_ =	sdelay $0x1  }
0x213: {  	v4 =	vadd.f32 v4, v5;
	_ =	sdelay $0x1  }
0x214: {  	v5 =	vmin.f32 v4, $0.0e+00  }
0x215: {  	v5 =	vmul.f32 $2.000000030e-01, v5  }
0x216: {  	v4 =	vmax.f32 v4, $0.0e+00  }
0x217: {  	v4 =	vadd.f32 v5, v4;
	_ =	sdelay $0x1  }
0x218: {  	v4 =	vmul.f32 $1.442695020e+00, v4;
	_ =	sdelay $0x1  }
0x219: {  	s2 =	sadd.s32 $0xE, s1;
	(erf) = vpow2.f32 v4  }
0x21a: {  	s2 =	scvt.s32.f32 s2;
	_ =	sdelay $0x1  }
0x21b: {  	v4 =	vmov s2  }
0x21c: {  	v4 =	vsub.f32 $1.700000000e+05, v4;
	_ =	sdelay $0x1  }
0x21d: {  	v4 =	vmax.f32 v4, $0.0e+00  }
0x21e: {  	v4 =	vmin.f32 v4, $1.000000000e+00  }
0x21f: {  	v4 =	vbroadcast v4, $0x0  }
0x220: {  	v5 =	vpop (erf)  }
0x221: {  	v4 =	vmul.f32 v5, v4;
	_ =	sdelay $0x1  }
0x222: {  	[tilespmem:s9+$0xE0] =	vst v4  }
0x223: {  	v5 =	vld [tilespmem:s29+$0x80];
	_ =	sdelay $0x2  }
0x224: {  	v62 =	vperm.xlane v4, v2;
	_ =	sdelay $0x1  }
0x225: {  	v5 =	vmul.f32 v5, v62;
	_ =	sdelay $0x1  }
0x226: {  	[tilespmem:s9+$0xA0] =	vst v5  }
0x227: {  	v5 =	vld [tilespmem:s29+$0x90];
	_ =	sdelay $0x4  }
0x228: {  	v5 =	vmul.f32 v5, v62;
	_ =	sdelay $0x1  }
0x229: {  	[tilespmem:s9+$0xB0] =	vst v5  }
0x22a: {  	v5 =	vld [tilespmem:s29+$0xA0];
	_ =	sdelay $0x2  }
0x22b: {  	v4 =	vperm.xlane v4, v3;
	_ =	sdelay $0x1  }
0x22c: {  	v5 =	vmul.f32 v5, v4;
	_ =	sdelay $0x1  }
0x22d: {  	[tilespmem:s9+$0xC0] =	vst v5  }
0x22e: {  	v5 =	vld [tilespmem:s29+$0xB0];
	_ =	sdelay $0x4  }
0x22f: {  	v4 =	vmul.f32 v5, v4;
	_ =	sdelay $0x1  }
0x230: {  	[tilespmem:s9+$0xD0] =	vst v4  }
0x231: {  	v4 =	vld [tilespmem:s31+$0x30];
	_ =	sdelay $0x1  }
0x232: {  	v5 =	vld [tilespmem:s30+$0x30];
	_ =	sdelay $0x2  }
0x233: {  	v4 =	vperm.xlane v4, v1;
	_ =	sdelay $0x1  }
0x234: {  	v4 =	vadd.f32 v4, v5;
	_ =	sdelay $0x1  }
0x235: {  	v5 =	vmin.f32 v4, $0.0e+00  }
0x236: {  	v5 =	vmul.f32 $2.000000030e-01, v5  }
0x237: {  	v4 =	vmax.f32 v4, $0.0e+00  }
0x238: {  	v4 =	vadd.f32 v5, v4;
	_ =	sdelay $0x1  }
0x239: {  	v4 =	vmul.f32 $1.442695020e+00, v4;
	_ =	sdelay $0x1  }
0x23a: {  	s1 =	sadd.s32 $0xF, s1;
	(erf) = vpow2.f32 v4  }
0x23b: {  	s1 =	scvt.s32.f32 s1;
	_ =	sdelay $0x1  }
0x23c: {  	v4 =	vmov s1  }
0x23d: {  	v4 =	vsub.f32 $1.700000000e+05, v4;
	_ =	sdelay $0x1  }
0x23e: {  	v4 =	vmax.f32 v4, $0.0e+00  }
0x23f: {  	v4 =	vmin.f32 v4, $1.000000000e+00  }
0x240: {  	v4 =	vbroadcast v4, $0x0  }
0x241: {  	v5 =	vpop (erf)  }
0x242: {  	v4 =	vmul.f32 v5, v4;
	_ =	sdelay $0x1  }
0x243: {  	[tilespmem:s9+$0x130] =	vst v4  }
0x244: {  	v5 =	vld [tilespmem:s29+$0xC0];
	_ =	sdelay $0x2  }
0x245: {  	v63 =	vperm.xlane v4, v2;
	_ =	sdelay $0x1  }
0x246: {  	v5 =	vmul.f32 v5, v63;
	_ =	sdelay $0x1  }
0x247: {  	[tilespmem:s9+$0xF0] =	vst v5  }
0x248: {  	v5 =	vld [tilespmem:s29+$0xD0];
	_ =	sdelay $0x4  }
0x249: {  	v5 =	vmul.f32 v5, v63;
	_ =	sdelay $0x1  }
0x24a: {  	[tilespmem:s9+$0x100] =	vst v5  }
0x24b: {  	v5 =	vld [tilespmem:s29+$0xE0];
	_ =	sdelay $0x2  }
0x24c: {  	v4 =	vperm.xlane v4, v3;
	_ =	sdelay $0x1  }
0x24d: {  	v5 =	vmul.f32 v5, v4;
	_ =	sdelay $0x1  }
0x24e: {  	[tilespmem:s9+$0x110] =	vst v5  }
0x24f: {  	v5 =	vld [tilespmem:s29+$0xF0]  }
0x250: {  	s18 =	sadd.s32 $0x8, s18  }
0x251: {  	p2 =	slt.u32 s18, $0x78  }
.Ltmp0:
0x252: {  	_ = 	snop;
	(pc) =	sbr.rel @p2 .LBB2_3-.Ltmp0, $4  }
0x253: {  	_ = 	snop  }
0x254: {  	v4 =	vmul.f32 v5, v4  }
0x255: {  	s30 =	sadd.s32 $0x80, s30  }
0x256: {  	s31 =	sadd.s32 $0x80, s31;
	s29 =	sadd.s32 $0x200, s29;
	[tilespmem:s9+$0x120] =	vst v4;
	s9 =	sadd.s32 $0x280, s9  }
0x257: {  	s1 =	simm.s32 $0x6300;
	s18 =	sadd.s32 $0x2, s12  }
0x258: {  	[spmem:s20] =	stream.indirect.scatter.add.f32 [tilespmem:s1], [sflag:$0x7], $0x50, s17, s28, $0xb8;
	[tilespmem:$0x17DD0] =	vst v63  }
0x259: {  	p2 =	seq.s32 s18, $0x54;
	s1 =	sshll.u32 s18, $0x7  }
0x25a: {  	s2 =	rddreg [dreg:$0xf];
	s1 =	simm.s32 @p2 $0x0  }
0x25b: {  	s1 =	sadd.s32 s1, s2  }
0x25c: {  	s1 =	sshrl.u32 s1, $0x3  }
0x25d: {  	s31 =	sadd.s32 s7, s1  }
0x25e: {  	[tilespmem:s3], [sflag:$0x9] =	stream.linear.gather [hbm4b:s31+s3], $0x80, $0x38;
	[tilespmem:$0x17DD0] =	vst v63  }
0x25f: {  	_ =	swait.ge [sflag:s25], $0x80  }
0x260: {  	[sflag:s25] =	ssyncset.done $0x0  }
0x261: {  	s1 =	sadd.s32 s8, s1;
	[sflag:s25] =	ssyncadd.s32 $0xFFFFFF80  }
0x262: {  	[tilespmem:s26], [sflag:$0x9] =	stream.linear.gather [hbm4b:s1+s3], $0x80, $0x38;
	[tilespmem:$0x17DD0] =	vst v63  }
0x263: {  	_ =	swait.ge [sflag:s25], $0x80  }
0x264: {  	[sflag:s25] =	ssyncset.done $0x0  }
0x265: {  	s2 =	simm.s32 $0x300;
	[sflag:s25] =	ssyncadd.s32 $0xFFFFFF80  }
0x266: {  	[tilespmem:s2], [sflag:$0x1] =	stream.indirect.gather [hbm4b:s5+s28], $0x40, s3, s28, $0xb8;
	[tilespmem:$0x17DD0] =	vst v63  }
0x267: {  	s9 =	simm.s32 $0x4300  }
0x268: {  	[tilespmem:s9], [sflag:$0x3] =	stream.indirect.gather [hbm4b:s6+s28], $0x10, s3, s28, $0xb8;
	[tilespmem:$0x17DD0] =	vst v63  }
0x269: {  	s12 =	simm.s32 $0x5300  }
0x26a: {  	[tilespmem:s12], [sflag:$0x5] =	stream.indirect.gather [hbm4b:s6+s28], $0x10, s26, s28, $0xb8;
	[tilespmem:$0x17DD0] =	vst v63  }
0x26b: {  	_ =	swait.ge [sflag:s19], $0x2000  }
0x26c: {  	[sflag:s19] =	ssyncset.done $0x0  }
0x26d: {  	[sflag:s19] =	ssyncadd.s32 $0xFFFFE000  }
0x26e: {  	_ =	swait.ge [sflag:s21], $0x800  }
0x26f: {  	[sflag:s21] =	ssyncset.done $0x0  }
0x270: {  	[sflag:s21] =	ssyncadd.s32 $0xFFFFF800  }
0x271: {  	_ =	swait.ge [sflag:s22], $0x800  }
0x272: {  	[sflag:s22] =	ssyncset.done $0x0  }
0x273: {  	s1 =	simm.s32 @!p1 $0x8;
	[sflag:s22] =	ssyncadd.s32 $0xFFFFF800  }
0x274: {  	_ =	swait.ge @!p1 [sflag:s1], $0x2800  }
0x275: {  	s18 =	sshrl.u32 s10, $0x3;
	[sflag:s1] =	ssyncset.done @!p1 $0x0  }
0x276: {  	s31 =	sadd.s32 s14, s18;
	[sflag:s1] =	ssyncadd.s32 @!p1 $0xFFFFD800  }
0x277: {  	[tilespmem:s23], [sflag:$0x9] =	stream.linear.gather [hbm4b:s31+s3], $0x80, $0x38;
	[tilespmem:$0x17DD0] =	vst v63  }
0x278: {  	s30 =	smov.u32 s14;
	s29 =	simm.s32 $0x5B40;
	_ =	swait.ge [sflag:s25], $0x80  }
0x279: {  	s10 =	simm.s32 $0xFFFFFFF8;
	s18 =	simm.s32 $0x4B40;
	[sflag:s25] =	ssyncset.done $0x0  }
0x27a: {  	s9 =	simm.s32 $0x8C40;
	s12 =	simm.s32 $0x2400;
	[sflag:s25] =	ssyncadd.s32 $0xFFFFFF80  }
.LBB2_5:
0x27b: {  	v4 =	vld [tilespmem:s29+$0xFFFFFFC0];
	_ =	sdelay $0x1  }
0x27c: {  	v5 =	vld [tilespmem:s18+$0xFFFFFFC0];
	_ =	sdelay $0x2  }
0x27d: {  	v4 =	vperm.xlane v4, v1;
	_ =	sdelay $0x1  }
0x27e: {  	v4 =	vadd.f32 v4, v5;
	_ =	sdelay $0x1  }
0x27f: {  	v5 =	vmin.f32 v4, $0.0e+00  }
0x280: {  	v5 =	vmul.f32 $2.000000030e-01, v5  }
0x281: {  	v4 =	vmax.f32 v4, $0.0e+00  }
0x282: {  	v4 =	vadd.f32 v5, v4;
	_ =	sdelay $0x1  }
0x283: {  	v4 =	vmul.f32 $1.442695020e+00, v4  }
0x284: {  	s1 =	sadd.s32 s10, s11  }
0x285: {  	s2 =	sadd.s32 $0x88, s1;
	(erf) = vpow2.f32 v4  }
0x286: {  	s2 =	scvt.s32.f32 s2;
	_ =	sdelay $0x1  }
0x287: {  	v4 =	vmov s2  }
0x288: {  	v4 =	vsub.f32 $1.700000000e+05, v4;
	_ =	sdelay $0x1  }
0x289: {  	v4 =	vmax.f32 v4, $0.0e+00  }
0x28a: {  	v4 =	vmin.f32 v4, $1.000000000e+00  }
0x28b: {  	v4 =	vbroadcast v4, $0x0  }
0x28c: {  	v5 =	vpop (erf)  }
0x28d: {  	v4 =	vmul.f32 v5, v4;
	_ =	sdelay $0x1  }
0x28e: {  	[tilespmem:s9+$0xFFFFFF00] =	vst v4  }
0x28f: {  	v5 =	vld [tilespmem:s12+$0xFFFFFF00];
	_ =	sdelay $0x2  }
0x290: {  	v6 =	vperm.xlane v4, v2;
	_ =	sdelay $0x1  }
0x291: {  	v5 =	vmul.f32 v5, v6;
	_ =	sdelay $0x1  }
0x292: {  	[tilespmem:s9+$0xFFFFFEC0] =	vst v5  }
0x293: {  	v5 =	vld [tilespmem:s12+$0xFFFFFF10];
	_ =	sdelay $0x4  }
0x294: {  	v5 =	vmul.f32 v5, v6;
	_ =	sdelay $0x1  }
0x295: {  	[tilespmem:s9+$0xFFFFFED0] =	vst v5  }
0x296: {  	v5 =	vld [tilespmem:s12+$0xFFFFFF20];
	_ =	sdelay $0x2  }
0x297: {  	v4 =	vperm.xlane v4, v3;
	_ =	sdelay $0x1  }
0x298: {  	v5 =	vmul.f32 v5, v4;
	_ =	sdelay $0x1  }
0x299: {  	[tilespmem:s9+$0xFFFFFEE0] =	vst v5  }
0x29a: {  	v5 =	vld [tilespmem:s12+$0xFFFFFF30];
	_ =	sdelay $0x4  }
0x29b: {  	v4 =	vmul.f32 v5, v4;
	_ =	sdelay $0x1  }
0x29c: {  	[tilespmem:s9+$0xFFFFFEF0] =	vst v4  }
0x29d: {  	v4 =	vld [tilespmem:s29+$0xFFFFFFD0];
	_ =	sdelay $0x1  }
0x29e: {  	v5 =	vld [tilespmem:s18+$0xFFFFFFD0];
	_ =	sdelay $0x2  }
0x29f: {  	v4 =	vperm.xlane v4, v1;
	_ =	sdelay $0x1  }
0x2a0: {  	v4 =	vadd.f32 v4, v5;
	_ =	sdelay $0x1  }
0x2a1: {  	v5 =	vmin.f32 v4, $0.0e+00  }
0x2a2: {  	v5 =	vmul.f32 $2.000000030e-01, v5  }
0x2a3: {  	v4 =	vmax.f32 v4, $0.0e+00  }
0x2a4: {  	v4 =	vadd.f32 v5, v4;
	_ =	sdelay $0x1  }
0x2a5: {  	v4 =	vmul.f32 $1.442695020e+00, v4;
	_ =	sdelay $0x1  }
0x2a6: {  	s14 =	sadd.s32 $0x89, s1;
	(erf) = vpow2.f32 v4  }
0x2a7: {  	s2 =	scvt.s32.f32 s14;
	_ =	sdelay $0x1  }
0x2a8: {  	v4 =	vmov s2  }
0x2a9: {  	v4 =	vsub.f32 $1.700000000e+05, v4;
	_ =	sdelay $0x1  }
0x2aa: {  	v4 =	vmax.f32 v4, $0.0e+00  }
0x2ab: {  	v4 =	vmin.f32 v4, $1.000000000e+00  }
0x2ac: {  	v4 =	vbroadcast v4, $0x0  }
0x2ad: {  	v5 =	vpop (erf)  }
0x2ae: {  	v4 =	vmul.f32 v5, v4;
	_ =	sdelay $0x1  }
0x2af: {  	[tilespmem:s9+$0xFFFFFF50] =	vst v4  }
0x2b0: {  	v5 =	vld [tilespmem:s12+$0xFFFFFF40];
	_ =	sdelay $0x2  }
0x2b1: {  	v57 =	vperm.xlane v4, v2;
	_ =	sdelay $0x1  }
0x2b2: {  	v5 =	vmul.f32 v5, v57;
	_ =	sdelay $0x1  }
0x2b3: {  	[tilespmem:s9+$0xFFFFFF10] =	vst v5  }
0x2b4: {  	v5 =	vld [tilespmem:s12+$0xFFFFFF50];
	_ =	sdelay $0x4  }
0x2b5: {  	v5 =	vmul.f32 v5, v57;
	_ =	sdelay $0x1  }
0x2b6: {  	[tilespmem:s9+$0xFFFFFF20] =	vst v5  }
0x2b7: {  	v5 =	vld [tilespmem:s12+$0xFFFFFF60];
	_ =	sdelay $0x2  }
0x2b8: {  	v4 =	vperm.xlane v4, v3;
	_ =	sdelay $0x1  }
0x2b9: {  	v5 =	vmul.f32 v5, v4;
	_ =	sdelay $0x1  }
0x2ba: {  	[tilespmem:s9+$0xFFFFFF30] =	vst v5  }
0x2bb: {  	v5 =	vld [tilespmem:s12+$0xFFFFFF70];
	_ =	sdelay $0x4  }
0x2bc: {  	v4 =	vmul.f32 v5, v4;
	_ =	sdelay $0x1  }
0x2bd: {  	[tilespmem:s9+$0xFFFFFF40] =	vst v4  }
0x2be: {  	v4 =	vld [tilespmem:s29+$0xFFFFFFE0];
	_ =	sdelay $0x1  }
0x2bf: {  	v5 =	vld [tilespmem:s18+$0xFFFFFFE0];
	_ =	sdelay $0x2  }
0x2c0: {  	v4 =	vperm.xlane v4, v1;
	_ =	sdelay $0x1  }
0x2c1: {  	v4 =	vadd.f32 v4, v5;
	_ =	sdelay $0x1  }
0x2c2: {  	v5 =	vmin.f32 v4, $0.0e+00  }
0x2c3: {  	v5 =	vmul.f32 $2.000000030e-01, v5  }
0x2c4: {  	v4 =	vmax.f32 v4, $0.0e+00  }
0x2c5: {  	v4 =	vadd.f32 v5, v4;
	_ =	sdelay $0x1  }
0x2c6: {  	v4 =	vmul.f32 $1.442695020e+00, v4;
	_ =	sdelay $0x1  }
0x2c7: {  	s31 =	sadd.s32 $0x8A, s1;
	(erf) = vpow2.f32 v4  }
0x2c8: {  	s2 =	scvt.s32.f32 s31;
	_ =	sdelay $0x1  }
0x2c9: {  	v4 =	vmov s2  }
0x2ca: {  	v4 =	vsub.f32 $1.700000000e+05, v4;
	_ =	sdelay $0x1  }
0x2cb: {  	v4 =	vmax.f32 v4, $0.0e+00  }
0x2cc: {  	v4 =	vmin.f32 v4, $1.000000000e+00  }
0x2cd: {  	v4 =	vbroadcast v4, $0x0  }
0x2ce: {  	v5 =	vpop (erf)  }
0x2cf: {  	v4 =	vmul.f32 v5, v4;
	_ =	sdelay $0x1  }
0x2d0: {  	[tilespmem:s9+$0xFFFFFFA0] =	vst v4  }
0x2d1: {  	v5 =	vld [tilespmem:s12+$0xFFFFFF80];
	_ =	sdelay $0x2  }
0x2d2: {  	v58 =	vperm.xlane v4, v2;
	_ =	sdelay $0x1  }
0x2d3: {  	v5 =	vmul.f32 v5, v58;
	_ =	sdelay $0x1  }
0x2d4: {  	[tilespmem:s9+$0xFFFFFF60] =	vst v5  }
0x2d5: {  	v5 =	vld [tilespmem:s12+$0xFFFFFF90];
	_ =	sdelay $0x4  }
0x2d6: {  	v5 =	vmul.f32 v5, v58;
	_ =	sdelay $0x1  }
0x2d7: {  	[tilespmem:s9+$0xFFFFFF70] =	vst v5  }
0x2d8: {  	v5 =	vld [tilespmem:s12+$0xFFFFFFA0];
	_ =	sdelay $0x2  }
0x2d9: {  	v4 =	vperm.xlane v4, v3;
	_ =	sdelay $0x1  }
0x2da: {  	v5 =	vmul.f32 v5, v4;
	_ =	sdelay $0x1  }
0x2db: {  	[tilespmem:s9+$0xFFFFFF80] =	vst v5  }
0x2dc: {  	v5 =	vld [tilespmem:s12+$0xFFFFFFB0];
	_ =	sdelay $0x4  }
0x2dd: {  	v4 =	vmul.f32 v5, v4;
	_ =	sdelay $0x1  }
0x2de: {  	[tilespmem:s9+$0xFFFFFF90] =	vst v4  }
0x2df: {  	v4 =	vld [tilespmem:s29+$0xFFFFFFF0];
	_ =	sdelay $0x1  }
0x2e0: {  	v5 =	vld [tilespmem:s18+$0xFFFFFFF0];
	_ =	sdelay $0x2  }
0x2e1: {  	v4 =	vperm.xlane v4, v1;
	_ =	sdelay $0x1  }
0x2e2: {  	v4 =	vadd.f32 v4, v5;
	_ =	sdelay $0x1  }
0x2e3: {  	v5 =	vmin.f32 v4, $0.0e+00  }
0x2e4: {  	v5 =	vmul.f32 $2.000000030e-01, v5  }
0x2e5: {  	v4 =	vmax.f32 v4, $0.0e+00  }
0x2e6: {  	v4 =	vadd.f32 v5, v4;
	_ =	sdelay $0x1  }
0x2e7: {  	v4 =	vmul.f32 $1.442695020e+00, v4;
	_ =	sdelay $0x1  }
0x2e8: {  	s14 =	sadd.s32 $0x8B, s1;
	(erf) = vpow2.f32 v4  }
0x2e9: {  	s2 =	scvt.s32.f32 s14;
	_ =	sdelay $0x1  }
0x2ea: {  	v4 =	vmov s2  }
0x2eb: {  	v4 =	vsub.f32 $1.700000000e+05, v4;
	_ =	sdelay $0x1  }
0x2ec: {  	v4 =	vmax.f32 v4, $0.0e+00  }
0x2ed: {  	v4 =	vmin.f32 v4, $1.000000000e+00  }
0x2ee: {  	v4 =	vbroadcast v4, $0x0  }
0x2ef: {  	v5 =	vpop (erf)  }
0x2f0: {  	v4 =	vmul.f32 v5, v4;
	_ =	sdelay $0x1  }
0x2f1: {  	[tilespmem:s9+$0xFFFFFFF0] =	vst v4  }
0x2f2: {  	v5 =	vld [tilespmem:s12+$0xFFFFFFC0];
	_ =	sdelay $0x2  }
0x2f3: {  	v59 =	vperm.xlane v4, v2;
	_ =	sdelay $0x1  }
0x2f4: {  	v5 =	vmul.f32 v5, v59;
	_ =	sdelay $0x1  }
0x2f5: {  	[tilespmem:s9+$0xFFFFFFB0] =	vst v5  }
0x2f6: {  	v5 =	vld [tilespmem:s12+$0xFFFFFFD0];
	_ =	sdelay $0x4  }
0x2f7: {  	v5 =	vmul.f32 v5, v59;
	_ =	sdelay $0x1  }
0x2f8: {  	[tilespmem:s9+$0xFFFFFFC0] =	vst v5  }
0x2f9: {  	v5 =	vld [tilespmem:s12+$0xFFFFFFE0];
	_ =	sdelay $0x2  }
0x2fa: {  	v4 =	vperm.xlane v4, v3;
	_ =	sdelay $0x1  }
0x2fb: {  	v5 =	vmul.f32 v5, v4;
	_ =	sdelay $0x1  }
0x2fc: {  	[tilespmem:s9+$0xFFFFFFD0] =	vst v5  }
0x2fd: {  	v5 =	vld [tilespmem:s12+$0xFFFFFFF0];
	_ =	sdelay $0x4  }
0x2fe: {  	v4 =	vmul.f32 v5, v4;
	_ =	sdelay $0x1  }
0x2ff: {  	[tilespmem:s9+$0xFFFFFFE0] =	vst v4  }
0x300: {  	v4 =	vld [tilespmem:s29+$0x0];
	_ =	sdelay $0x1  }
0x301: {  	v5 =	vld [tilespmem:s18+$0x0];
	_ =	sdelay $0x2  }
0x302: {  	v4 =	vperm.xlane v4, v1;
	_ =	sdelay $0x1  }
0x303: {  	v4 =	vadd.f32 v4, v5;
	_ =	sdelay $0x1  }
0x304: {  	v5 =	vmin.f32 v4, $0.0e+00  }
0x305: {  	v5 =	vmul.f32 $2.000000030e-01, v5  }
0x306: {  	v4 =	vmax.f32 v4, $0.0e+00  }
0x307: {  	v4 =	vadd.f32 v5, v4;
	_ =	sdelay $0x1  }
0x308: {  	v4 =	vmul.f32 $1.442695020e+00, v4;
	_ =	sdelay $0x1  }
0x309: {  	s31 =	sadd.s32 $0x8C, s1;
	(erf) = vpow2.f32 v4  }
0x30a: {  	s2 =	scvt.s32.f32 s31;
	_ =	sdelay $0x1  }
0x30b: {  	v4 =	vmov s2  }
0x30c: {  	v4 =	vsub.f32 $1.700000000e+05, v4;
	_ =	sdelay $0x1  }
0x30d: {  	v4 =	vmax.f32 v4, $0.0e+00  }
0x30e: {  	v4 =	vmin.f32 v4, $1.000000000e+00  }
0x30f: {  	v4 =	vbroadcast v4, $0x0  }
0x310: {  	v5 =	vpop (erf)  }
0x311: {  	v4 =	vmul.f32 v5, v4;
	_ =	sdelay $0x1  }
0x312: {  	[tilespmem:s9+$0x40] =	vst v4  }
0x313: {  	v5 =	vld [tilespmem:s12+$0x0];
	_ =	sdelay $0x2  }
0x314: {  	v60 =	vperm.xlane v4, v2;
	_ =	sdelay $0x1  }
0x315: {  	v5 =	vmul.f32 v5, v60;
	_ =	sdelay $0x1  }
0x316: {  	[tilespmem:s9+$0x0] =	vst v5  }
0x317: {  	v5 =	vld [tilespmem:s12+$0x10];
	_ =	sdelay $0x4  }
0x318: {  	v5 =	vmul.f32 v5, v60;
	_ =	sdelay $0x1  }
0x319: {  	[tilespmem:s9+$0x10] =	vst v5  }
0x31a: {  	v5 =	vld [tilespmem:s12+$0x20];
	_ =	sdelay $0x2  }
0x31b: {  	v4 =	vperm.xlane v4, v3;
	_ =	sdelay $0x1  }
0x31c: {  	v5 =	vmul.f32 v5, v4;
	_ =	sdelay $0x1  }
0x31d: {  	[tilespmem:s9+$0x20] =	vst v5  }
0x31e: {  	v5 =	vld [tilespmem:s12+$0x30];
	_ =	sdelay $0x4  }
0x31f: {  	v4 =	vmul.f32 v5, v4;
	_ =	sdelay $0x1  }
0x320: {  	[tilespmem:s9+$0x30] =	vst v4  }
0x321: {  	v4 =	vld [tilespmem:s29+$0x10];
	_ =	sdelay $0x1  }
0x322: {  	v5 =	vld [tilespmem:s18+$0x10];
	_ =	sdelay $0x2  }
0x323: {  	v4 =	vperm.xlane v4, v1;
	_ =	sdelay $0x1  }
0x324: {  	v4 =	vadd.f32 v4, v5;
	_ =	sdelay $0x1  }
0x325: {  	v5 =	vmin.f32 v4, $0.0e+00  }
0x326: {  	v5 =	vmul.f32 $2.000000030e-01, v5  }
0x327: {  	v4 =	vmax.f32 v4, $0.0e+00  }
0x328: {  	v4 =	vadd.f32 v5, v4;
	_ =	sdelay $0x1  }
0x329: {  	v4 =	vmul.f32 $1.442695020e+00, v4;
	_ =	sdelay $0x1  }
0x32a: {  	s14 =	sadd.s32 $0x8D, s1;
	(erf) = vpow2.f32 v4  }
0x32b: {  	s2 =	scvt.s32.f32 s14;
	_ =	sdelay $0x1  }
0x32c: {  	v4 =	vmov s2  }
0x32d: {  	v4 =	vsub.f32 $1.700000000e+05, v4;
	_ =	sdelay $0x1  }
0x32e: {  	v4 =	vmax.f32 v4, $0.0e+00  }
0x32f: {  	v4 =	vmin.f32 v4, $1.000000000e+00  }
0x330: {  	v4 =	vbroadcast v4, $0x0  }
0x331: {  	v5 =	vpop (erf)  }
0x332: {  	v4 =	vmul.f32 v5, v4;
	_ =	sdelay $0x1  }
0x333: {  	[tilespmem:s9+$0x90] =	vst v4  }
0x334: {  	v5 =	vld [tilespmem:s12+$0x40];
	_ =	sdelay $0x2  }
0x335: {  	v61 =	vperm.xlane v4, v2;
	_ =	sdelay $0x1  }
0x336: {  	v5 =	vmul.f32 v5, v61;
	_ =	sdelay $0x1  }
0x337: {  	[tilespmem:s9+$0x50] =	vst v5  }
0x338: {  	v5 =	vld [tilespmem:s12+$0x50];
	_ =	sdelay $0x4  }
0x339: {  	v5 =	vmul.f32 v5, v61;
	_ =	sdelay $0x1  }
0x33a: {  	[tilespmem:s9+$0x60] =	vst v5  }
0x33b: {  	v5 =	vld [tilespmem:s12+$0x60];
	_ =	sdelay $0x2  }
0x33c: {  	v4 =	vperm.xlane v4, v3;
	_ =	sdelay $0x1  }
0x33d: {  	v5 =	vmul.f32 v5, v4;
	_ =	sdelay $0x1  }
0x33e: {  	[tilespmem:s9+$0x70] =	vst v5  }
0x33f: {  	v5 =	vld [tilespmem:s12+$0x70];
	_ =	sdelay $0x4  }
0x340: {  	v4 =	vmul.f32 v5, v4;
	_ =	sdelay $0x1  }
0x341: {  	[tilespmem:s9+$0x80] =	vst v4  }
0x342: {  	v4 =	vld [tilespmem:s29+$0x20];
	_ =	sdelay $0x1  }
0x343: {  	v5 =	vld [tilespmem:s18+$0x20];
	_ =	sdelay $0x2  }
0x344: {  	v4 =	vperm.xlane v4, v1;
	_ =	sdelay $0x1  }
0x345: {  	v4 =	vadd.f32 v4, v5;
	_ =	sdelay $0x1  }
0x346: {  	v5 =	vmin.f32 v4, $0.0e+00  }
0x347: {  	v5 =	vmul.f32 $2.000000030e-01, v5  }
0x348: {  	v4 =	vmax.f32 v4, $0.0e+00  }
0x349: {  	v4 =	vadd.f32 v5, v4;
	_ =	sdelay $0x1  }
0x34a: {  	v4 =	vmul.f32 $1.442695020e+00, v4;
	_ =	sdelay $0x1  }
0x34b: {  	s31 =	sadd.s32 $0x8E, s1;
	(erf) = vpow2.f32 v4  }
0x34c: {  	s2 =	scvt.s32.f32 s31;
	_ =	sdelay $0x1  }
0x34d: {  	v4 =	vmov s2  }
0x34e: {  	v4 =	vsub.f32 $1.700000000e+05, v4;
	_ =	sdelay $0x1  }
0x34f: {  	v4 =	vmax.f32 v4, $0.0e+00  }
0x350: {  	v4 =	vmin.f32 v4, $1.000000000e+00  }
0x351: {  	v4 =	vbroadcast v4, $0x0  }
0x352: {  	v5 =	vpop (erf)  }
0x353: {  	v4 =	vmul.f32 v5, v4;
	_ =	sdelay $0x1  }
0x354: {  	[tilespmem:s9+$0xE0] =	vst v4  }
0x355: {  	v5 =	vld [tilespmem:s12+$0x80];
	_ =	sdelay $0x2  }
0x356: {  	v62 =	vperm.xlane v4, v2;
	_ =	sdelay $0x1  }
0x357: {  	v5 =	vmul.f32 v5, v62;
	_ =	sdelay $0x1  }
0x358: {  	[tilespmem:s9+$0xA0] =	vst v5  }
0x359: {  	v5 =	vld [tilespmem:s12+$0x90];
	_ =	sdelay $0x4  }
0x35a: {  	v5 =	vmul.f32 v5, v62;
	_ =	sdelay $0x1  }
0x35b: {  	[tilespmem:s9+$0xB0] =	vst v5  }
0x35c: {  	v5 =	vld [tilespmem:s12+$0xA0];
	_ =	sdelay $0x2  }
0x35d: {  	v4 =	vperm.xlane v4, v3;
	_ =	sdelay $0x1  }
0x35e: {  	v5 =	vmul.f32 v5, v4;
	_ =	sdelay $0x1  }
0x35f: {  	[tilespmem:s9+$0xC0] =	vst v5  }
0x360: {  	v5 =	vld [tilespmem:s12+$0xB0];
	_ =	sdelay $0x4  }
0x361: {  	v4 =	vmul.f32 v5, v4;
	_ =	sdelay $0x1  }
0x362: {  	[tilespmem:s9+$0xD0] =	vst v4  }
0x363: {  	v4 =	vld [tilespmem:s29+$0x30];
	_ =	sdelay $0x1  }
0x364: {  	v5 =	vld [tilespmem:s18+$0x30];
	_ =	sdelay $0x2  }
0x365: {  	v4 =	vperm.xlane v4, v1;
	_ =	sdelay $0x1  }
0x366: {  	v4 =	vadd.f32 v4, v5;
	_ =	sdelay $0x1  }
0x367: {  	v5 =	vmin.f32 v4, $0.0e+00  }
0x368: {  	v5 =	vmul.f32 $2.000000030e-01, v5  }
0x369: {  	v4 =	vmax.f32 v4, $0.0e+00  }
0x36a: {  	v4 =	vadd.f32 v5, v4;
	_ =	sdelay $0x1  }
0x36b: {  	v4 =	vmul.f32 $1.442695020e+00, v4;
	_ =	sdelay $0x1  }
0x36c: {  	s1 =	sadd.s32 $0x8F, s1;
	(erf) = vpow2.f32 v4  }
0x36d: {  	s1 =	scvt.s32.f32 s1;
	_ =	sdelay $0x1  }
0x36e: {  	v4 =	vmov s1  }
0x36f: {  	v4 =	vsub.f32 $1.700000000e+05, v4;
	_ =	sdelay $0x1  }
0x370: {  	v4 =	vmax.f32 v4, $0.0e+00  }
0x371: {  	v4 =	vmin.f32 v4, $1.000000000e+00  }
0x372: {  	v4 =	vbroadcast v4, $0x0  }
0x373: {  	v5 =	vpop (erf)  }
0x374: {  	v4 =	vmul.f32 v5, v4;
	_ =	sdelay $0x1  }
0x375: {  	[tilespmem:s9+$0x130] =	vst v4  }
0x376: {  	v5 =	vld [tilespmem:s12+$0xC0];
	_ =	sdelay $0x2  }
0x377: {  	v63 =	vperm.xlane v4, v2;
	_ =	sdelay $0x1  }
0x378: {  	v5 =	vmul.f32 v5, v63;
	_ =	sdelay $0x1  }
0x379: {  	[tilespmem:s9+$0xF0] =	vst v5  }
0x37a: {  	v5 =	vld [tilespmem:s12+$0xD0];
	_ =	sdelay $0x4  }
0x37b: {  	v5 =	vmul.f32 v5, v63;
	_ =	sdelay $0x1  }
0x37c: {  	[tilespmem:s9+$0x100] =	vst v5  }
0x37d: {  	v5 =	vld [tilespmem:s12+$0xE0];
	_ =	sdelay $0x2  }
0x37e: {  	v4 =	vperm.xlane v4, v3;
	_ =	sdelay $0x1  }
0x37f: {  	v5 =	vmul.f32 v5, v4;
	_ =	sdelay $0x1  }
0x380: {  	[tilespmem:s9+$0x110] =	vst v5  }
0x381: {  	v5 =	vld [tilespmem:s12+$0xF0]  }
0x382: {  	s10 =	sadd.s32 $0x8, s10  }
0x383: {  	p1 =	slt.u32 s10, $0x78  }
.Ltmp1:
0x384: {  	_ = 	snop;
	(pc) =	sbr.rel @p1 .LBB2_5-.Ltmp1, $4  }
0x385: {  	_ = 	snop  }
0x386: {  	v4 =	vmul.f32 v5, v4  }
0x387: {  	s18 =	sadd.s32 $0x80, s18  }
0x388: {  	s29 =	sadd.s32 $0x80, s29;
	s12 =	sadd.s32 $0x200, s12;
	[tilespmem:s9+$0x120] =	vst v4;
	s9 =	sadd.s32 $0x280, s9  }
0x389: {  	s4 =	sadd.s32 $0x1, s4  }
0x38a: {  	p1 =	sne.s32 s4, $0x2A  }
.Ltmp2:
0x38b: {  	_ = 	snop;
	(pc) =	sbr.rel @p1 .LBB2_2-.Ltmp2, $3  }
0x38c: {  	_ =	sdelay $0x1  }
0x38d: {  	s1 =	simm.s32 $0x8B00;
	s11 =	sadd.s32 $0x100, s11  }
0x38e: {  	[spmem:s20] =	stream.indirect.scatter.add.f32 [tilespmem:s1], [sflag:$0x8], $0x50, s23, s28, $0xb8;
	[tilespmem:$0x17DD0] =	vst v63  }
0x38f: {  	_ =	swait.ge [sflag:s13], $0x2000  }
0x390: {  	[sflag:s13] =	ssyncset.done $0x0  }
0x391: {  	[sflag:s13] =	ssyncadd.s32 $0xFFFFE000  }
0x392: {  	_ =	swait.ge [sflag:s15], $0x800  }
0x393: {  	[sflag:s15] =	ssyncset.done $0x0  }
0x394: {  	[sflag:s15] =	ssyncadd.s32 $0xFFFFF800  }
0x395: {  	_ =	swait.ge [sflag:s16], $0x800  }
0x396: {  	[sflag:s16] =	ssyncset.done $0x0  }
0x397: {  	s1 =	simm.s32 $0x7;
	[sflag:s16] =	ssyncadd.s32 $0xFFFFF800  }
0x398: {  	_ =	swait.ge [sflag:s1], $0x2800  }
0x399: {  	[sflag:s1] =	ssyncset.done $0x0  }
0x39a: {  	s14 =	simm.s32 $0x8;
	[sflag:s1] =	ssyncadd.s32 $0xFFFFD800  }
0x39b: {  	_ =	swait.ge [sflag:s14], $0x2800  }
0x39c: {  	[sflag:s14] =	ssyncset.done $0x0  }
0x39d: {  	[sflag:s14] =	ssyncadd.s32 $0xFFFFD800  }
0x39e: {  	s18 =	stileid.u32;
	[bflag:$0x0] =	sbarrier.arrive $0xFFFF  }
0x39f: {  	s1 =	sshll.u32 s18, $0x6;
	s12 =	rddreg [dreg:$0x5]  }
0x3a0: {  	s1 =	sor.u32 $0x1C09, s1;
	s4 =	rddreg [dreg:$0x10];
	s2 =	sshrl.u32 s12, $0x3  }
0x3a1: {  	[hbm:s4], [sflag:s1] =	dma.local [spmem:s2], $0x1860  }
0x3a2: {  	_ =	swait.ge [sflag:s25], $0x1860  }
0x3a3: {  	s9 =	sld [smem:$0x7FD];
	_ =	sdelay $0x1  }
0x3a4: {  	[sflag:s25] =	ssyncset.done $0x0  }
0x3a5: {  	s4 =	rddreg [dreg:$0x13];
	[sflag:s25] =	ssyncadd.s32 $0xFFFFE7A0;
	s2 =	sshrl.u32 @!p0 s9, $0x3  }
0x3a6: {  	[hbm:s4], [sflag:s1] =	dma.local @!p0 [spmem:s2], $0xA0  }
0x3a7: {  	s1 =	simm.s32 @!p0 $0x9  }
0x3a8: {  	_ =	swait.ge @!p0 [sflag:s1], $0xA0  }
0x3a9: {  	s29 =	sld [smem:$0x7F6];
	_ =	sdelay $0x2  }
0x3aa: {  	s31 =	rddreg [dreg:$0x14];
	s4 =	sadd.s32 $0x1, s29  }
0x3ab: {  	p1 =	sne.s32 s4, s31  }
.Ltmp3:
0x3ac: {  	_ = 	snop;
	(pc) =	sbr.rel @p1 .LBB2_1-.Ltmp3, $3  }
0x3ad: {  	_ =	sdelay $0x1  }
0x3ae: {  	[sflag:s1] =	ssyncset.done @!p0 $0x0  }
0x3af: {  	[sflag:s1] =	ssyncadd.s32 @!p0 $0xFFFFFF60  }
0x3b0: {  	_ =	sfence.sel $0x180000  }
0x3b1: {  	[bflag:$0x0] =	sbarrier.arrive $0xFFFF  }
0x3b2: {  	_ =	strace $0x90000047  }
0x3b3: {  	[bflag:$0x2] =	sbarrier.arrive $0xFFFF  }
0x3b4: {  	s0 =	rddreg [dreg:$0x4]  }
0x3b5: {  	s0 =	sadd.s32 @!p0 $0x100000, s0  }
0x3b6: {  	[sflag:s0] =	ssyncadd.tile.s32 @!p0 $0x1;
	_ =	shalt  }
.Lfunc_end2:
_tile_overlayer_lowered:
.L_overlay_start_2:
0x3b7: {  	(tag) =	ssettag $0x2  }
0x3b8: {  	s0 =	rddreg [dreg:$0x0];
	s2 =	stileid.u32  }
0x3b9: {  	s1 =	rddreg [dreg:$0x1];
	p0 =	sne.s32 s2, $0x0  }
0x3ba: {  	s3 =	rddreg [dreg:$0x2];
	[bflag:$0x3] =	sbarrier.arrive $0xFFFF;
	s2 =	simm.s32 @!p0 $0x1C09  }
0x3bb: {  	[timem:s3], [sflag:s2] =	dma.local @!p0 [hbm:s0], s1  }
0x3bc: {  	s0 =	simm.s32 @!p0 $0x9  }
0x3bd: {  	_ =	swait.ge @!p0 [sflag:s0], s1  }
0x3be: {  	s1 =	ssub.s32 @!p0 $0x0, s1;
	[sflag:s0] =	ssyncset.done @!p0 $0x0  }
0x3bf: {  	[sflag:s0] =	ssyncadd.s32 @!p0 s1  }
0x3c0: {  	[bflag:$0x3] =	sbarrier.arrive $0xFFFF  }
0x3c1: {  	_ =	shalt  }

</sc_bundles>
